<compile_context>
chip_gen: v7x
topology: tpu7x:2x2x1
jax: 0.10.2.dev20260603
libtpu: 0.0.44.dev20260713+nightly
codegen_flags: <defaults>
</compile_context>

<pallas_src>
import functools

import jax
import jax.numpy as jnp
from jax import lax
from jax.experimental import pallas as pl
from jax.experimental.pallas import tpu as pltpu
from jax.experimental.pallas import tpu_sc as plsc

NCU = 2
NS = 16
NW = NCU * NS

CK = 128
CPB = 20


def _combine_body(p0_ref, p1_ref, d0_ref, d1_ref, x_ref, wl_ref, wr_ref,
                  b_ref, o_ref):
    s = p0_ref[...] + p1_ref[...]
    deg = d0_ref[...] + d1_ref[...]
    inv = 1.0 / jnp.maximum(deg, 1.0)
    blk, dd = s.shape
    s3 = s.reshape(blk // 128, 128, dd)
    mean = (s3 * inv[:, :, None]).reshape(blk, dd)
    mm_l = lax.dot_general(mean, wl_ref[...], (((1,), (1,)), ((), ())),
                           preferred_element_type=jnp.float32)
    mm_r = lax.dot_general(x_ref[...], wr_ref[...], (((1,), (1,)), ((), ())),
                           preferred_element_type=jnp.float32)
    o_ref[...] = mm_l + mm_r + b_ref[...]


def _make_sc_scatter(n_nodes, n_edges, d):
    epw = n_edges // NW
    nb = epw // (CPB * CK)
    n_pad = -(-n_nodes // (NS * 8)) * (NS * 8)
    rpt = n_pad // NS
    dr = -(-n_pad // (128 * 16)) * 16
    assert epw % (CPB * CK) == 0 and CK % 16 == 0

    mesh = plsc.VectorSubcoreMesh(core_axis_name="c", subcore_axis_name="s",
                                  num_cores=NCU)

    @functools.partial(
        pl.kernel,
        out_type=(jax.ShapeDtypeStruct((n_pad, d), jnp.float32),
                  jax.ShapeDtypeStruct((n_pad, d), jnp.float32),
                  jax.ShapeDtypeStruct((dr, 128), jnp.float32),
                  jax.ShapeDtypeStruct((dr, 128), jnp.float32)),
        mesh=mesh,
        scratch_types=[
            pltpu.VMEM((CPB, CK), jnp.int32),
            pltpu.VMEM((CPB, CK), jnp.int32),
            pltpu.VMEM((2, CK, d), jnp.float32),
            pltpu.VMEM((dr, 128), jnp.float32),
            pltpu.VMEM((dr,), jnp.int32),
            pltpu.VMEM_SHARED((n_pad, d), jnp.float32),
            pltpu.VMEM_SHARED((dr, 128), jnp.float32),
            pltpu.SemaphoreType.DMA,
            pltpu.SemaphoreType.DMA,
            pltpu.SemaphoreType.DMA,
            pltpu.SemaphoreType.DMA,
            pltpu.SemaphoreType.DMA,
            pltpu.SemaphoreType.DMA,
        ],
        compiler_params=pltpu.CompilerParams(needs_layout_passes=False),
    )
    def sc_scatter(y_hbm, edge_hbm, zero_hbm,
                   out0_hbm, out1_hbm, deg0_hbm, deg1_hbm,
                   src_v, dst_v, rows_v, deg_v, rowidx, acc, dacc,
                   sem_g0, sem_g1, sem_g2, sem_s0, sem_s1, sem_s2):
        sem_g = (sem_g0, sem_g1, sem_g2)
        sem_s = (sem_s0, sem_s1, sem_s2)
        cid = lax.axis_index("c")
        sid = lax.axis_index("s")
        wid = sid * NCU + cid

        z16 = jnp.zeros((16,), jnp.float32)

        def zdeg(i, carry):
            for j in range(128 // 16):
                deg_v[i, pl.ds(j * 16, 16)] = z16
            return carry

        lax.fori_loop(0, dr, zdeg, 0)
        for m in range(dr // 16):
            rowidx[pl.ds(m * 16, 16)] = lax.iota(jnp.int32, 16) + m * 16

        pltpu.sync_copy(zero_hbm.at[pl.ds(0, rpt)], acc.at[pl.ds(sid * rpt, rpt)])

        @pl.when(sid < dr // 8)
        def _():
            pltpu.sync_copy(zero_hbm.at[pl.ds(0, 8)], dacc.at[pl.ds(sid * 8, 8)])

        plsc.subcore_barrier()

        def block(bi, carry):
            pltpu.sync_copy(edge_hbm.at[0, wid * nb + bi], src_v)
            pltpu.sync_copy(edge_hbm.at[1, wid * nb + bi], dst_v)

            gathers = [None, None]
            scatters = [None, None]
            gathers[0] = pltpu.async_copy(y_hbm.at[src_v.at[0]],
                                          rows_v.at[0], sem_g[0])
            for j in range(CPB):
                p = j % 2
                q = (j + 1) % 2
                if j + 1 < CPB:
                    if scatters[q] is not None:
                        scatters[q].wait()
                        scatters[q] = None
                    gathers[q] = pltpu.async_copy(y_hbm.at[src_v.at[j + 1]],
                                                  rows_v.at[q], sem_g[q])
                gathers[p].wait()
                scatters[p] = pltpu.async_copy(rows_v.at[p],
                                               acc.at[dst_v.at[j]],
                                               sem_s[p], add=True)
                for k in range(CK // 16):
                    vec = dst_v[j, pl.ds(k * 16, 16)]
                    cnt, last = plsc.scan_count(vec)
                    plsc.addupdate_scatter(deg_v,
                                           [lax.shift_right_logical(vec, 7),
                                            lax.bitwise_and(vec, 127)],
                                           cnt.astype(jnp.float32), mask=last)
            for s in scatters:
                if s is not None:
                    s.wait()
            return carry

        lax.fori_loop(0, nb, block, 0)

        pltpu.sync_copy(deg_v, dacc.at[rowidx], add=True)
        plsc.subcore_barrier()

        @pl.when(cid == 0)
        def _():
            pltpu.sync_copy(acc.at[pl.ds(sid * rpt, rpt)],
                            out0_hbm.at[pl.ds(sid * rpt, rpt)])

            @pl.when(sid < dr // 8)
            def _():
                pltpu.sync_copy(dacc.at[pl.ds(sid * 8, 8)],
                                deg0_hbm.at[pl.ds(sid * 8, 8)])

        @pl.when(cid == 1)
        def _():
            pltpu.sync_copy(acc.at[pl.ds(sid * rpt, rpt)],
                            out1_hbm.at[pl.ds(sid * rpt, rpt)])

            @pl.when(sid < dr // 8)
            def _():
                pltpu.sync_copy(dacc.at[pl.ds(sid * 8, 8)],
                                deg1_hbm.at[pl.ds(sid * 8, 8)])

    return sc_scatter, n_pad, dr


def kernel(x, edge_index, W_l, W_r, b):
    n, d = x.shape
    e = edge_index.shape[1]
    blk = 1024

    bsz = CPB * CK
    epw = -(-(e // NW) // bsz) * bsz
    sc_scatter, n_pad, dr = _make_sc_scatter(n, NW * epw, d)
    pad = NW * epw - e
    edges = edge_index
    if pad:
        ar = jnp.arange(pad, dtype=jnp.int32)
        edges = jnp.concatenate(
            [edge_index,
             jnp.stack([(ar * 977) % n, n + ar % (n_pad - n)])], axis=1)
    edge4 = edges.reshape(2, -1, CPB, CK)
    zeros = jnp.zeros((n_pad // NS, d), jnp.float32)
    acc0, acc1, deg0, deg1 = sc_scatter(x, edge4, zeros)

    out = pl.pallas_call(
        _combine_body,
        grid=(-(-n // blk),),
        in_specs=[pl.BlockSpec((blk, d), lambda i: (i, 0)),
                  pl.BlockSpec((blk, d), lambda i: (i, 0)),
                  pl.BlockSpec((blk // 128, 128), lambda i: (i, 0)),
                  pl.BlockSpec((blk // 128, 128), lambda i: (i, 0)),
                  pl.BlockSpec((blk, d), lambda i: (i, 0)),
                  pl.BlockSpec((d, d), lambda i: (0, 0)),
                  pl.BlockSpec((d, d), lambda i: (0, 0)),
                  pl.BlockSpec((1, d), lambda i: (0, 0))],
        out_specs=pl.BlockSpec((blk, d), lambda i: (i, 0)),
        out_shape=jax.ShapeDtypeStruct((n, d), jnp.float32),
    )(acc0, acc1, deg0, deg1, x, W_l, W_r, b.reshape(1, d))

    return out

# --- scband reference (transcript-rebuilt; emitter-appended) ---
"""Pipeline reference for scband-simple-graph-sage-69088843924164 (READ-ONLY COPY).

The authoritative reference and input builder live on the scoring server;
editing this copy changes nothing except your own understanding.
"""

import jax, jax.numpy as jnp
import numpy as np

N = 10000
E = 320000
D_IN = 128
D_OUT = 128


def setup_inputs(seed: int = 0) -> dict:
    key = jax.random.key(seed)
    k1, k2, k3, k4, k5 = jax.random.split(key, 5)
    x = jax.random.normal(k1, (N, D_IN), dtype=jnp.float32)
    edge_index = jax.random.randint(k2, (2, E), 0, N, dtype=jnp.int32)
    # SAGEConv parameters: lin_l applied to aggregated neighbors (has bias),
    # lin_r applied to root/self features (no bias in PyG default).
    scale = 1.0 / np.sqrt(D_IN)
    W_l = jax.random.uniform(k3, (D_OUT, D_IN), dtype=jnp.float32, minval=-scale, maxval=scale)
    W_r = jax.random.uniform(k4, (D_OUT, D_IN), dtype=jnp.float32, minval=-scale, maxval=scale)
    b = jax.random.uniform(k5, (D_OUT,), dtype=jnp.float32, minval=-scale, maxval=scale)
    return {"x": x, "edge_index": edge_index, "W_l": W_l, "W_r": W_r, "b": b}


def reference(x, edge_index, W_l, W_r, b):
    # PyG SAGEConv with default mean aggregation:
    # out = lin_l(mean_{j in N(i)} x_j) + lin_r(x_i)
    src = edge_index[0]  # message source (x_j)
    dst = edge_index[1]  # message destination (aggregate at i)
    msgs = jnp.take(x, src, axis=0)  # gather neighbor features [E, D_IN]
    agg = jax.ops.segment_sum(msgs, dst, num_segments=N)  # scatter-add [N, D_IN]
    deg = jax.ops.segment_sum(jnp.ones((edge_index.shape[1],), dtype=jnp.float32), dst, num_segments=N)
    mean = agg / jnp.clip(deg, 1.0)[:, None]
    out = mean @ W_l.T + b + x @ W_r.T
    return out

if __name__ == "__main__":
    import jax
    _d = setup_inputs()
    print(jax.jit(kernel)(*tuple(_d.values())))

</pallas_src>

<mosaic_0001>
#map = affine_map<(d0, d1) -> (0, 0)>
#map1 = affine_map<(d0, d1) -> (0, 0, 0, 0)>
module attributes {stable_mosaic.version = 14 : i64} {
  func.func @sc_scatter(%arg0: i32, %arg1: i32, %arg2: memref<10000x128xf32, #tpu.memory_space<hbm>>, %arg3: memref<2x128x20x128xi32, #tpu.memory_space<hbm>>, %arg4: memref<632x128xf32, #tpu.memory_space<hbm>>, %arg5: memref<10112x128xf32, #tpu.memory_space<hbm>>, %arg6: memref<10112x128xf32, #tpu.memory_space<hbm>>, %arg7: memref<80x128xf32, #tpu.memory_space<hbm>>, %arg8: memref<80x128xf32, #tpu.memory_space<hbm>>, %arg9: memref<20x128xi32, #tpu.memory_space<vmem>>, %arg10: memref<20x128xi32, #tpu.memory_space<vmem>>, %arg11: memref<2x128x128xf32, #tpu.memory_space<vmem>>, %arg12: memref<80x128xf32, #tpu.memory_space<vmem>>, %arg13: memref<80xi32, #tpu.memory_space<vmem>>, %arg14: memref<10112x128xf32, #tpu.memory_space<vmem_shared>>, %arg15: memref<80x128xf32, #tpu.memory_space<vmem_shared>>, %arg16: memref<!tpu.dma_semaphore, #tpu.memory_space<semaphore_mem>>, %arg17: memref<!tpu.dma_semaphore, #tpu.memory_space<semaphore_mem>>, %arg18: memref<!tpu.dma_semaphore, #tpu.memory_space<semaphore_mem>>, %arg19: memref<!tpu.dma_semaphore, #tpu.memory_space<semaphore_mem>>, %arg20: memref<!tpu.dma_semaphore, #tpu.memory_space<semaphore_mem>>, %arg21: memref<!tpu.dma_semaphore, #tpu.memory_space<semaphore_mem>>) attributes {dimension_semantics = [#tpu.dimension_semantics<core_parallel>, #tpu.dimension_semantics<subcore_parallel>], iteration_bounds = array<i64: 2, 16>, scalar_prefetch = 0 : i64, scratch_operands = 13 : i64, tpu.core_type = #tpu.core_type<sc_vector_subcore>, window_params = [{transform_indices = #map}, {transform_indices = #map1}, {transform_indices = #map}, {transform_indices = #map}, {transform_indices = #map}, {transform_indices = #map}, {transform_indices = #map}]} {
    %mul3A = arith.constant 2 : i32
    %mul3A_0 = arith.muli %arg1, %mul3A : i32
    %add3A = arith.addi %mul3A_0, %arg0 : i32
    %broadcast_in_dim3A = arith.constant 0.000000e+00 : f32
    %broadcast_in_dim3A_1 = vector.broadcast %broadcast_in_dim3A : f32 to vector<16xf32>
    %scan3A = arith.constant 0 : i32
    %scan3A_2 = arith.constant 0 : i32
    %scan3A_3 = arith.constant 80 : i32
    %scan3A_4 = arith.addi %scan3A_2, %scan3A_3 : i32
    %scan3A_5 = arith.constant 1 : i32
    scf.for %scan3A_55 = %scan3A_2 to %scan3A_4 step %scan3A_5  : i32 {
      %swap3A_56 = arith.index_cast %scan3A_55 : i32 to index
      %swap3A_57 = arith.constant 0 : index
      %swap3A_58 = tpu.vector_load %arg12[%swap3A_56, %swap3A_57] {strides = array<i32>} : memref<80x128xf32, #tpu.memory_space<vmem>>, vector<16xf32>,
      tpu.vector_store %arg12[%swap3A_56, %swap3A_57], %broadcast_in_dim3A_1 {strides = array<i32>} : memref<80x128xf32, #tpu.memory_space<vmem>>, vector<16xf32>,
      %swap3A_59 = arith.index_cast %scan3A_55 : i32 to index
      %swap3A_60 = arith.constant 16 : index
      %swap3A_61 = tpu.vector_load %arg12[%swap3A_59, %swap3A_60] {strides = array<i32>} : memref<80x128xf32, #tpu.memory_space<vmem>>, vector<16xf32>,
      tpu.vector_store %arg12[%swap3A_59, %swap3A_60], %broadcast_in_dim3A_1 {strides = array<i32>} : memref<80x128xf32, #tpu.memory_space<vmem>>, vector<16xf32>,
      %swap3A_62 = arith.index_cast %scan3A_55 : i32 to index
      %swap3A_63 = arith.constant 32 : index
      %swap3A_64 = tpu.vector_load %arg12[%swap3A_62, %swap3A_63] {strides = array<i32>} : memref<80x128xf32, #tpu.memory_space<vmem>>, vector<16xf32>,
      tpu.vector_store %arg12[%swap3A_62, %swap3A_63], %broadcast_in_dim3A_1 {strides = array<i32>} : memref<80x128xf32, #tpu.memory_space<vmem>>, vector<16xf32>,
      %swap3A_65 = arith.index_cast %scan3A_55 : i32 to index
      %swap3A_66 = arith.constant 48 : index
      %swap3A_67 = tpu.vector_load %arg12[%swap3A_65, %swap3A_66] {strides = array<i32>} : memref<80x128xf32, #tpu.memory_space<vmem>>, vector<16xf32>,
      tpu.vector_store %arg12[%swap3A_65, %swap3A_66], %broadcast_in_dim3A_1 {strides = array<i32>} : memref<80x128xf32, #tpu.memory_space<vmem>>, vector<16xf32>,
      %swap3A_68 = arith.index_cast %scan3A_55 : i32 to index
      %swap3A_69 = arith.constant 64 : index
      %swap3A_70 = tpu.vector_load %arg12[%swap3A_68, %swap3A_69] {strides = array<i32>} : memref<80x128xf32, #tpu.memory_space<vmem>>, vector<16xf32>,
      tpu.vector_store %arg12[%swap3A_68, %swap3A_69], %broadcast_in_dim3A_1 {strides = array<i32>} : memref<80x128xf32, #tpu.memory_space<vmem>>, vector<16xf32>,
      %swap3A_71 = arith.index_cast %scan3A_55 : i32 to index
      %swap3A_72 = arith.constant 80 : index
      %swap3A_73 = tpu.vector_load %arg12[%swap3A_71, %swap3A_72] {strides = array<i32>} : memref<80x128xf32, #tpu.memory_space<vmem>>, vector<16xf32>,
      tpu.vector_store %arg12[%swap3A_71, %swap3A_72], %broadcast_in_dim3A_1 {strides = array<i32>} : memref<80x128xf32, #tpu.memory_space<vmem>>, vector<16xf32>,
      %swap3A_74 = arith.index_cast %scan3A_55 : i32 to index
      %swap3A_75 = arith.constant 96 : index
      %swap3A_76 = tpu.vector_load %arg12[%swap3A_74, %swap3A_75] {strides = array<i32>} : memref<80x128xf32, #tpu.memory_space<vmem>>, vector<16xf32>,
      tpu.vector_store %arg12[%swap3A_74, %swap3A_75], %broadcast_in_dim3A_1 {strides = array<i32>} : memref<80x128xf32, #tpu.memory_space<vmem>>, vector<16xf32>,
      %swap3A_77 = arith.index_cast %scan3A_55 : i32 to index
      %swap3A_78 = arith.constant 112 : index
      %swap3A_79 = tpu.vector_load %arg12[%swap3A_77, %swap3A_78] {strides = array<i32>} : memref<80x128xf32, #tpu.memory_space<vmem>>, vector<16xf32>,
      tpu.vector_store %arg12[%swap3A_77, %swap3A_78], %broadcast_in_dim3A_1 {strides = array<i32>} : memref<80x128xf32, #tpu.memory_space<vmem>>, vector<16xf32>,
    }
    %scan3A_6 = arith.constant 80 : i32
    %iota3A = tpu.iota {dimensions = array<i32: 0>} : vector<16xi32>
    %add3A_7 = arith.constant 0 : i32
    %add3A_8 = vector.broadcast %add3A_7 : i32 to vector<16xi32>
    %add3A_9 = arith.addi %iota3A, %add3A_8 : vector<16xi32>
    %swap3A = arith.constant 0 : index
    %swap3A_10 = tpu.vector_load %arg13[%swap3A] {strides = array<i32>} : memref<80xi32, #tpu.memory_space<vmem>>, vector<16xi32>,
    tpu.vector_store %arg13[%swap3A], %add3A_9 {strides = array<i32>} : memref<80xi32, #tpu.memory_space<vmem>>, vector<16xi32>,
    %iota3A_11 = tpu.iota {dimensions = array<i32: 0>} : vector<16xi32>
    %add3A_12 = arith.constant 16 : i32
    %add3A_13 = vector.broadcast %add3A_12 : i32 to vector<16xi32>
    %add3A_14 = arith.addi %iota3A_11, %add3A_13 : vector<16xi32>
    %swap3A_15 = arith.constant 16 : index
    %swap3A_16 = tpu.vector_load %arg13[%swap3A_15] {strides = array<i32>} : memref<80xi32, #tpu.memory_space<vmem>>, vector<16xi32>,
    tpu.vector_store %arg13[%swap3A_15], %add3A_14 {strides = array<i32>} : memref<80xi32, #tpu.memory_space<vmem>>, vector<16xi32>,
    %iota3A_17 = tpu.iota {dimensions = array<i32: 0>} : vector<16xi32>
    %add3A_18 = arith.constant 32 : i32
    %add3A_19 = vector.broadcast %add3A_18 : i32 to vector<16xi32>
    %add3A_20 = arith.addi %iota3A_17, %add3A_19 : vector<16xi32>
    %swap3A_21 = arith.constant 32 : index
    %swap3A_22 = tpu.vector_load %arg13[%swap3A_21] {strides = array<i32>} : memref<80xi32, #tpu.memory_space<vmem>>, vector<16xi32>,
    tpu.vector_store %arg13[%swap3A_21], %add3A_20 {strides = array<i32>} : memref<80xi32, #tpu.memory_space<vmem>>, vector<16xi32>,
    %iota3A_23 = tpu.iota {dimensions = array<i32: 0>} : vector<16xi32>
    %add3A_24 = arith.constant 48 : i32
    %add3A_25 = vector.broadcast %add3A_24 : i32 to vector<16xi32>
    %add3A_26 = arith.addi %iota3A_23, %add3A_25 : vector<16xi32>
    %swap3A_27 = arith.constant 48 : index
    %swap3A_28 = tpu.vector_load %arg13[%swap3A_27] {strides = array<i32>} : memref<80xi32, #tpu.memory_space<vmem>>, vector<16xi32>,
    tpu.vector_store %arg13[%swap3A_27], %add3A_26 {strides = array<i32>} : memref<80xi32, #tpu.memory_space<vmem>>, vector<16xi32>,
    %iota3A_29 = tpu.iota {dimensions = array<i32: 0>} : vector<16xi32>
    %add3A_30 = arith.constant 64 : i32
    %add3A_31 = vector.broadcast %add3A_30 : i32 to vector<16xi32>
    %add3A_32 = arith.addi %iota3A_29, %add3A_31 : vector<16xi32>
    %swap3A_33 = arith.constant 64 : index
    %swap3A_34 = tpu.vector_load %arg13[%swap3A_33] {strides = array<i32>} : memref<80xi32, #tpu.memory_space<vmem>>, vector<16xi32>,
    tpu.vector_store %arg13[%swap3A_33], %add3A_32 {strides = array<i32>} : memref<80xi32, #tpu.memory_space<vmem>>, vector<16xi32>,
    %mul3A_35 = arith.constant 632 : i32
    %mul3A_36 = arith.muli %arg1, %mul3A_35 : i32
    "tpu.region"() ({
      %run_scoped3A = tpu.sem_alloc : memref<!tpu.dma_semaphore, #tpu.memory_space<semaphore_mem>>
      %dma_start3A = arith.constant 0 : i32
      %dma_start3A_55 = tpu.memref_slice %arg14[%mul3A_36, %dma_start3A] : memref<10112x128xf32, #tpu.memory_space<vmem_shared>> -> memref<632x128xf32, #tpu.memory_space<vmem_shared>>
      %dma_start3A_56 = arith.constant 0 : i32
      %dma_start3A_57 = arith.constant 0 : i32
      %dma_start3A_58 = tpu.memref_slice %arg4[%dma_start3A_56, %dma_start3A_57] : memref<632x128xf32, #tpu.memory_space<hbm>> -> memref<632x128xf32, #tpu.memory_space<hbm>>
      tpu.enqueue_dma source(%dma_start3A_58 : memref<632x128xf32, #tpu.memory_space<hbm>>) target(%dma_start3A_55 : memref<632x128xf32, #tpu.memory_space<vmem_shared>>) target_semaphore(%run_scoped3A : memref<!tpu.dma_semaphore, #tpu.memory_space<semaphore_mem>>)
      %dma_wait3A = arith.constant 0 : i32
      %dma_wait3A_59 = tpu.memref_slice %arg14[%mul3A_36, %dma_wait3A] : memref<10112x128xf32, #tpu.memory_space<vmem_shared>> -> memref<632x128xf32, #tpu.memory_space<vmem_shared>>
      %dma_wait3A_60 = arith.constant 0 : i32
      %dma_wait3A_61 = arith.constant 0 : i32
      %dma_wait3A_62 = tpu.memref_slice %arg4[%dma_wait3A_60, %dma_wait3A_61] : memref<632x128xf32, #tpu.memory_space<hbm>> -> memref<632x128xf32, #tpu.memory_space<hbm>>
      tpu.wait_dma2 semaphore(%run_scoped3A : memref<!tpu.dma_semaphore, #tpu.memory_space<semaphore_mem>>) src(%dma_wait3A_62 : memref<632x128xf32, #tpu.memory_space<hbm>>) dst(%dma_wait3A_59 : memref<632x128xf32, #tpu.memory_space<vmem_shared>>)
      tpu.yield
    }) : () -> ()
    %lt3A = arith.constant 10 : i32
    %lt3A_37 = arith.cmpi slt, %arg1, %lt3A : i32
    %convert_element_type3A = arith.extui %lt3A_37 : i1 to i32
    %cond3A = arith.constant 0 : i32
    %cond3A_38 = arith.cmpi ne, %convert_element_type3A, %cond3A : i32
    scf.if %cond3A_38 {
      %mul3A_55 = arith.constant 8 : i32
      %mul3A_56 = arith.muli %arg1, %mul3A_55 : i32
      "tpu.region"() ({
        %run_scoped3A = tpu.sem_alloc : memref<!tpu.dma_semaphore, #tpu.memory_space<semaphore_mem>>
        %dma_start3A = arith.constant 0 : i32
        %dma_start3A_57 = tpu.memref_slice %arg15[%mul3A_56, %dma_start3A] : memref<80x128xf32, #tpu.memory_space<vmem_shared>> -> memref<8x128xf32, #tpu.memory_space<vmem_shared>>
        %dma_start3A_58 = arith.constant 0 : i32
        %dma_start3A_59 = arith.constant 0 : i32
        %dma_start3A_60 = tpu.memref_slice %arg4[%dma_start3A_58, %dma_start3A_59] : memref<632x128xf32, #tpu.memory_space<hbm>> -> memref<8x128xf32, #tpu.memory_space<hbm>>
        tpu.enqueue_dma source(%dma_start3A_60 : memref<8x128xf32, #tpu.memory_space<hbm>>) target(%dma_start3A_57 : memref<8x128xf32, #tpu.memory_space<vmem_shared>>) target_semaphore(%run_scoped3A : memref<!tpu.dma_semaphore, #tpu.memory_space<semaphore_mem>>)
        %dma_wait3A = arith.constant 0 : i32
        %dma_wait3A_61 = tpu.memref_slice %arg15[%mul3A_56, %dma_wait3A] : memref<80x128xf32, #tpu.memory_space<vmem_shared>> -> memref<8x128xf32, #tpu.memory_space<vmem_shared>>
        %dma_wait3A_62 = arith.constant 0 : i32
        %dma_wait3A_63 = arith.constant 0 : i32
        %dma_wait3A_64 = tpu.memref_slice %arg4[%dma_wait3A_62, %dma_wait3A_63] : memref<632x128xf32, #tpu.memory_space<hbm>> -> memref<8x128xf32, #tpu.memory_space<hbm>>
        tpu.wait_dma2 semaphore(%run_scoped3A : memref<!tpu.dma_semaphore, #tpu.memory_space<semaphore_mem>>) src(%dma_wait3A_64 : memref<8x128xf32, #tpu.memory_space<hbm>>) dst(%dma_wait3A_61 : memref<8x128xf32, #tpu.memory_space<vmem_shared>>)
        tpu.yield
      }) : () -> ()
    } else {
    }
    %barrier3A = arith.constant 0 : index
    tpu.barrier barrier_id(%barrier3A)
    %scan3A_39 = arith.constant 0 : i32
    %scan3A_40 = arith.constant 0 : i32
    %scan3A_41 = arith.constant 4 : i32
    %scan3A_42 = arith.addi %scan3A_40, %scan3A_41 : i32
    %scan3A_43 = arith.constant 1 : i32
    scf.for %scan3A_55 = %scan3A_40 to %scan3A_42 step %scan3A_43  : i32 {
      %mul3A_56 = arith.constant 4 : i32
      %mul3A_57 = arith.muli %add3A, %mul3A_56 : i32
      %add3A_58 = arith.addi %mul3A_57, %scan3A_55 : i32
      %run_scoped3A = arith.constant 0 : i32
      "tpu.region"() ({
        %run_scoped3A_3417 = tpu.sem_alloc : memref<!tpu.dma_semaphore, #tpu.memory_space<semaphore_mem>>
        %dma_start3A_3418 = arith.constant 0 : i32
        %dma_start3A_3419 = arith.constant 0 : i32
        %dma_start3A_3420 = tpu.memref_slice %arg3[%run_scoped3A, %add3A_58, %dma_start3A_3418, %dma_start3A_3419] : memref<2x128x20x128xi32, #tpu.memory_space<hbm>> -> memref<1x1x20x128xi32, #tpu.memory_space<hbm>>
        %dma_start3A_3421 = tpu.memref_squeeze %dma_start3A_3420 : memref<1x1x20x128xi32, #tpu.memory_space<hbm>> -> memref<20x128xi32, #tpu.memory_space<hbm>>
        %dma_start3A_3422 = arith.constant 0 : i32
        %dma_start3A_3423 = arith.constant 0 : i32
        %dma_start3A_3424 = tpu.memref_slice %arg3[%run_scoped3A, %add3A_58, %dma_start3A_3422, %dma_start3A_3423] : memref<2x128x20x128xi32, #tpu.memory_space<hbm>> -> memref<1x1x20x128xi32, #tpu.memory_space<hbm>>
        %dma_start3A_3425 = tpu.memref_squeeze %dma_start3A_3424 : memref<1x1x20x128xi32, #tpu.memory_space<hbm>> -> memref<20x128xi32, #tpu.memory_space<hbm>>
        tpu.enqueue_dma source(%dma_start3A_3425 : memref<20x128xi32, #tpu.memory_space<hbm>>) target(%arg9 : memref<20x128xi32, #tpu.memory_space<vmem>>) target_semaphore(%run_scoped3A_3417 : memref<!tpu.dma_semaphore, #tpu.memory_space<semaphore_mem>>)
        %dma_wait3A_3426 = arith.constant 0 : i32
        %dma_wait3A_3427 = arith.constant 0 : i32
        %dma_wait3A_3428 = tpu.memref_slice %arg3[%run_scoped3A, %add3A_58, %dma_wait3A_3426, %dma_wait3A_3427] : memref<2x128x20x128xi32, #tpu.memory_space<hbm>> -> memref<1x1x20x128xi32, #tpu.memory_space<hbm>>
        %dma_wait3A_3429 = tpu.memref_squeeze %dma_wait3A_3428 : memref<1x1x20x128xi32, #tpu.memory_space<hbm>> -> memref<20x128xi32, #tpu.memory_space<hbm>>
        %dma_wait3A_3430 = arith.constant 0 : i32
        %dma_wait3A_3431 = arith.constant 0 : i32
        %dma_wait3A_3432 = tpu.memref_slice %arg3[%run_scoped3A, %add3A_58, %dma_wait3A_3430, %dma_wait3A_3431] : memref<2x128x20x128xi32, #tpu.memory_space<hbm>> -> memref<1x1x20x128xi32, #tpu.memory_space<hbm>>
        %dma_wait3A_3433 = tpu.memref_squeeze %dma_wait3A_3432 : memref<1x1x20x128xi32, #tpu.memory_space<hbm>> -> memref<20x128xi32, #tpu.memory_space<hbm>>
        tpu.wait_dma2 semaphore(%run_scoped3A_3417 : memref<!tpu.dma_semaphore, #tpu.memory_space<semaphore_mem>>) src(%dma_wait3A_3433 : memref<20x128xi32, #tpu.memory_space<hbm>>) dst(%arg9 : memref<20x128xi32, #tpu.memory_space<vmem>>)
        tpu.yield
      }) : () -> ()
      %mul3A_59 = arith.constant 4 : i32
      %mul3A_60 = arith.muli %add3A, %mul3A_59 : i32
      %add3A_61 = arith.addi %mul3A_60, %scan3A_55 : i32
      %run_scoped3A_62 = arith.constant 1 : i32
      "tpu.region"() ({
        %run_scoped3A_3417 = tpu.sem_alloc : memref<!tpu.dma_semaphore, #tpu.memory_space<semaphore_mem>>
        %dma_start3A_3418 = arith.constant 0 : i32
        %dma_start3A_3419 = arith.constant 0 : i32
        %dma_start3A_3420 = tpu.memref_slice %arg3[%run_scoped3A_62, %add3A_61, %dma_start3A_3418, %dma_start3A_3419] : memref<2x128x20x128xi32, #tpu.memory_space<hbm>> -> memref<1x1x20x128xi32, #tpu.memory_space<hbm>>
        %dma_start3A_3421 = tpu.memref_squeeze %dma_start3A_3420 : memref<1x1x20x128xi32, #tpu.memory_space<hbm>> -> memref<20x128xi32, #tpu.memory_space<hbm>>
        %dma_start3A_3422 = arith.constant 0 : i32
        %dma_start3A_3423 = arith.constant 0 : i32
        %dma_start3A_3424 = tpu.memref_slice %arg3[%run_scoped3A_62, %add3A_61, %dma_start3A_3422, %dma_start3A_3423] : memref<2x128x20x128xi32, #tpu.memory_space<hbm>> -> memref<1x1x20x128xi32, #tpu.memory_space<hbm>>
        %dma_start3A_3425 = tpu.memref_squeeze %dma_start3A_3424 : memref<1x1x20x128xi32, #tpu.memory_space<hbm>> -> memref<20x128xi32, #tpu.memory_space<hbm>>
        tpu.enqueue_dma source(%dma_start3A_3425 : memref<20x128xi32, #tpu.memory_space<hbm>>) target(%arg10 : memref<20x128xi32, #tpu.memory_space<vmem>>) target_semaphore(%run_scoped3A_3417 : memref<!tpu.dma_semaphore, #tpu.memory_space<semaphore_mem>>)
        %dma_wait3A_3426 = arith.constant 0 : i32
        %dma_wait3A_3427 = arith.constant 0 : i32
        %dma_wait3A_3428 = tpu.memref_slice %arg3[%run_scoped3A_62, %add3A_61, %dma_wait3A_3426, %dma_wait3A_3427] : memref<2x128x20x128xi32, #tpu.memory_space<hbm>> -> memref<1x1x20x128xi32, #tpu.memory_space<hbm>>
        %dma_wait3A_3429 = tpu.memref_squeeze %dma_wait3A_3428 : memref<1x1x20x128xi32, #tpu.memory_space<hbm>> -> memref<20x128xi32, #tpu.memory_space<hbm>>
        %dma_wait3A_3430 = arith.constant 0 : i32
        %dma_wait3A_3431 = arith.constant 0 : i32
        %dma_wait3A_3432 = tpu.memref_slice %arg3[%run_scoped3A_62, %add3A_61, %dma_wait3A_3430, %dma_wait3A_3431] : memref<2x128x20x128xi32, #tpu.memory_space<hbm>> -> memref<1x1x20x128xi32, #tpu.memory_space<hbm>>
        %dma_wait3A_3433 = tpu.memref_squeeze %dma_wait3A_3432 : memref<1x1x20x128xi32, #tpu.memory_space<hbm>> -> memref<20x128xi32, #tpu.memory_space<hbm>>
        tpu.wait_dma2 semaphore(%run_scoped3A_3417 : memref<!tpu.dma_semaphore, #tpu.memory_space<semaphore_mem>>) src(%dma_wait3A_3433 : memref<20x128xi32, #tpu.memory_space<hbm>>) dst(%arg10 : memref<20x128xi32, #tpu.memory_space<vmem>>)
        tpu.yield
      }) : () -> ()
      %dma_start3A = arith.constant 0 : i32
      %dma_start3A_63 = arith.constant 0 : i32
      %dma_start3A_64 = arith.constant 0 : i32
      %dma_start3A_65 = arith.constant 0 : i32
      %dma_start3A_66 = tpu.memref_slice %arg11[%dma_start3A_63, %dma_start3A_64, %dma_start3A_65] : memref<2x128x128xf32, #tpu.memory_space<vmem>> -> memref<1x128x128xf32, #tpu.memory_space<vmem>>
      %dma_start3A_67 = tpu.memref_squeeze %dma_start3A_66 : memref<1x128x128xf32, #tpu.memory_space<vmem>> -> memref<128x128xf32, #tpu.memory_space<vmem>>
      %dma_start3A_68 = arith.constant 0 : i32
      %dma_start3A_69 = tpu.memref_slice %arg9[%dma_start3A, %dma_start3A_68] : memref<20x128xi32, #tpu.memory_space<vmem>> -> memref<1x128xi32, #tpu.memory_space<vmem>>
      %dma_start3A_70 = tpu.memref_squeeze %dma_start3A_69 : memref<1x128xi32, #tpu.memory_space<vmem>> -> memref<128xi32, #tpu.memory_space<vmem>>
      %dma_start3A_71 = arith.constant 0 : i32
      %dma_start3A_72 = arith.constant 0 : i32
      %dma_start3A_73 = tpu.memref_slice %arg2[%dma_start3A_71, %dma_start3A_72] : memref<10000x128xf32, #tpu.memory_space<hbm>> -> memref<10000x128xf32, #tpu.memory_space<hbm>>
      tpu.enqueue_indirect_dma source(%dma_start3A_73 : memref<10000x128xf32, #tpu.memory_space<hbm>>) target(%dma_start3A_67 : memref<128x128xf32, #tpu.memory_space<vmem>>) offsets(%dma_start3A_70 : memref<128xi32, #tpu.memory_space<vmem>>) semaphore(%arg16 : memref<!tpu.dma_semaphore, #tpu.memory_space<semaphore_mem>>)
      %dma_start3A_74 = arith.constant 1 : i32
      %dma_start3A_75 = arith.constant 1 : i32
      %dma_start3A_76 = arith.constant 0 : i32
      %dma_start3A_77 = arith.constant 0 : i32
      %dma_start3A_78 = tpu.memref_slice %arg11[%dma_start3A_75, %dma_start3A_76, %dma_start3A_77] : memref<2x128x128xf32, #tpu.memory_space<vmem>> -> memref<1x128x128xf32, #tpu.memory_space<vmem>>
      %dma_start3A_79 = tpu.memref_squeeze %dma_start3A_78 : memref<1x128x128xf32, #tpu.memory_space<vmem>> -> memref<128x128xf32, #tpu.memory_space<vmem>>
      %dma_start3A_80 = arith.constant 0 : i32
      %dma_start3A_81 = tpu.memref_slice %arg9[%dma_start3A_74, %dma_start3A_80] : memref<20x128xi32, #tpu.memory_space<vmem>> -> memref<1x128xi32, #tpu.memory_space<vmem>>
      %dma_start3A_82 = tpu.memref_squeeze %dma_start3A_81 : memref<1x128xi32, #tpu.memory_space<vmem>> -> memref<128xi32, #tpu.memory_space<vmem>>
      %dma_start3A_83 = arith.constant 0 : i32
      %dma_start3A_84 = arith.constant 0 : i32
      %dma_start3A_85 = tpu.memref_slice %arg2[%dma_start3A_83, %dma_start3A_84] : memref<10000x128xf32, #tpu.memory_space<hbm>> -> memref<10000x128xf32, #tpu.memory_space<hbm>>
      tpu.enqueue_indirect_dma source(%dma_start3A_85 : memref<10000x128xf32, #tpu.memory_space<hbm>>) target(%dma_start3A_79 : memref<128x128xf32, #tpu.memory_space<vmem>>) offsets(%dma_start3A_82 : memref<128xi32, #tpu.memory_space<vmem>>) semaphore(%arg17 : memref<!tpu.dma_semaphore, #tpu.memory_space<semaphore_mem>>)
      %dma_wait3A = arith.constant 0 : i32
      %dma_wait3A_86 = arith.constant 0 : i32
      %dma_wait3A_87 = arith.constant 0 : i32
      %dma_wait3A_88 = arith.constant 0 : i32
      %dma_wait3A_89 = tpu.memref_slice %arg11[%dma_wait3A_86, %dma_wait3A_87, %dma_wait3A_88] : memref<2x128x128xf32, #tpu.memory_space<vmem>> -> memref<1x128x128xf32, #tpu.memory_space<vmem>>
      %dma_wait3A_90 = tpu.memref_squeeze %dma_wait3A_89 : memref<1x128x128xf32, #tpu.memory_space<vmem>> -> memref<128x128xf32, #tpu.memory_space<vmem>>
      %dma_wait3A_91 = arith.constant 0 : i32
      %dma_wait3A_92 = tpu.memref_slice %arg9[%dma_wait3A, %dma_wait3A_91] : memref<20x128xi32, #tpu.memory_space<vmem>> -> memref<1x128xi32, #tpu.memory_space<vmem>>
      %dma_wait3A_93 = tpu.memref_squeeze %dma_wait3A_92 : memref<1x128xi32, #tpu.memory_space<vmem>> -> memref<128xi32, #tpu.memory_space<vmem>>
      %dma_wait3A_94 = arith.constant 0 : i32
      %dma_wait3A_95 = arith.constant 0 : i32
      %dma_wait3A_96 = tpu.memref_slice %arg2[%dma_wait3A_94, %dma_wait3A_95] : memref<10000x128xf32, #tpu.memory_space<hbm>> -> memref<10000x128xf32, #tpu.memory_space<hbm>>
      tpu.wait_indirect_dma semaphore(%arg16 : memref<!tpu.dma_semaphore, #tpu.memory_space<semaphore_mem>>) src(%dma_wait3A_96 : memref<10000x128xf32, #tpu.memory_space<hbm>>) dst(%dma_wait3A_90 : memref<128x128xf32, #tpu.memory_space<vmem>>)
      %dma_start3A_97 = arith.constant 0 : i32
      %dma_start3A_98 = arith.constant 0 : i32
      %dma_start3A_99 = arith.constant 0 : i32
      %dma_start3A_100 = arith.constant 0 : i32
      %dma_start3A_101 = tpu.memref_slice %arg11[%dma_start3A_97, %dma_start3A_99, %dma_start3A_100] : memref<2x128x128xf32, #tpu.memory_space<vmem>> -> memref<1x128x128xf32, #tpu.memory_space<vmem>>
      %dma_start3A_102 = tpu.memref_squeeze %dma_start3A_101 : memref<1x128x128xf32, #tpu.memory_space<vmem>> -> memref<128x128xf32, #tpu.memory_space<vmem>>
      %dma_start3A_103 = arith.constant 0 : i32
      %dma_start3A_104 = tpu.memref_slice %arg10[%dma_start3A_98, %dma_start3A_103] : memref<20x128xi32, #tpu.memory_space<vmem>> -> memref<1x128xi32, #tpu.memory_space<vmem>>
      %dma_start3A_105 = tpu.memref_squeeze %dma_start3A_104 : memref<1x128xi32, #tpu.memory_space<vmem>> -> memref<128xi32, #tpu.memory_space<vmem>>
      %dma_start3A_106 = arith.constant 0 : i32
      %dma_start3A_107 = arith.constant 0 : i32
      %dma_start3A_108 = tpu.memref_slice %arg14[%dma_start3A_106, %dma_start3A_107] : memref<10112x128xf32, #tpu.memory_space<vmem_shared>> -> memref<10112x128xf32, #tpu.memory_space<vmem_shared>>
      tpu.enqueue_indirect_dma source(%dma_start3A_102 : memref<128x128xf32, #tpu.memory_space<vmem>>) target(%dma_start3A_108 : memref<10112x128xf32, #tpu.memory_space<vmem_shared>>) offsets(%dma_start3A_105 : memref<128xi32, #tpu.memory_space<vmem>>) semaphore(%arg19 : memref<!tpu.dma_semaphore, #tpu.memory_space<semaphore_mem>>) {add = true}
      %get3A = arith.constant 0 : i32
      %get3A_109 = arith.index_cast %get3A : i32 to index
      %get3A_110 = arith.constant 0 : index
      %get3A_111 = tpu.vector_load %arg10[%get3A_109, %get3A_110] {strides = array<i32>} : memref<20x128xi32, #tpu.memory_space<vmem>>, vector<16xi32>,
      %broadcast_in_dim3A_112 = arith.constant true
      %broadcast_in_dim3A_113 = vector.broadcast %broadcast_in_dim3A_112 : i1 to vector<16xi1>
      %unique3A, %unique3A_114 = tpu.scan_count mask(%broadcast_in_dim3A_113 : vector<16xi1>) value(%get3A_111 : vector<16xi32>) : vector<16xi1>, vector<16xi32>
      %shift_right_logical3A = arith.constant 7 : i32
      %shift_right_logical3A_115 = vector.broadcast %shift_right_logical3A : i32 to vector<16xi32>
      %shift_right_logical3A_116 = arith.shrui %get3A_111, %shift_right_logical3A_115 : vector<16xi32>
      %and3A = arith.constant 127 : i32
      %and3A_117 = vector.broadcast %and3A : i32 to vector<16xi32>
      %and3A_118 = arith.andi %get3A_111, %and3A_117 : vector<16xi32>
      %convert_element_type3A_119 = arith.sitofp %unique3A_114 : vector<16xi32> to vector<16xf32>
      tpu.vector_store_idx %arg12[%shift_right_logical3A_116, %and3A_118], %convert_element_type3A_119 masked %unique3A {add = true} : memref<80x128xf32, #tpu.memory_space<vmem>>[vector<16xi32>, vector<16xi32>], vector<16xf32>, vector<16xi1>
      %get3A_120 = arith.constant 0 : i32
      %get3A_121 = arith.index_cast %get3A_120 : i32 to index
      %get3A_122 = arith.constant 16 : index
      %get3A_123 = tpu.vector_load %arg10[%get3A_121, %get3A_122] {strides = array<i32>} : memref<20x128xi32, #tpu.memory_space<vmem>>, vector<16xi32>,
      %broadcast_in_dim3A_124 = arith.constant true
      %broadcast_in_dim3A_125 = vector.broadcast %broadcast_in_dim3A_124 : i1 to vector<16xi1>
      %unique3A_126, %unique3A_127 = tpu.scan_count mask(%broadcast_in_dim3A_125 : vector<16xi1>) value(%get3A_123 : vector<16xi32>) : vector<16xi1>, vector<16xi32>
      %shift_right_logical3A_128 = arith.constant 7 : i32
      %shift_right_logical3A_129 = vector.broadcast %shift_right_logical3A_128 : i32 to vector<16xi32>
      %shift_right_logical3A_130 = arith.shrui %get3A_123, %shift_right_logical3A_129 : vector<16xi32>
      %and3A_131 = arith.constant 127 : i32
      %and3A_132 = vector.broadcast %and3A_131 : i32 to vector<16xi32>
      %and3A_133 = arith.andi %get3A_123, %and3A_132 : vector<16xi32>
      %convert_element_type3A_134 = arith.sitofp %unique3A_127 : vector<16xi32> to vector<16xf32>
      tpu.vector_store_idx %arg12[%shift_right_logical3A_130, %and3A_133], %convert_element_type3A_134 masked %unique3A_126 {add = true} : memref<80x128xf32, #tpu.memory_space<vmem>>[vector<16xi32>, vector<16xi32>], vector<16xf32>, vector<16xi1>
      %get3A_135 = arith.constant 0 : i32
      %get3A_136 = arith.index_cast %get3A_135 : i32 to index
      %get3A_137 = arith.constant 32 : index
      %get3A_138 = tpu.vector_load %arg10[%get3A_136, %get3A_137] {strides = array<i32>} : memref<20x128xi32, #tpu.memory_space<vmem>>, vector<16xi32>,
      %broadcast_in_dim3A_139 = arith.constant true
      %broadcast_in_dim3A_140 = vector.broadcast %broadcast_in_dim3A_139 : i1 to vector<16xi1>
      %unique3A_141, %unique3A_142 = tpu.scan_count mask(%broadcast_in_dim3A_140 : vector<16xi1>) value(%get3A_138 : vector<16xi32>) : vector<16xi1>, vector<16xi32>
      %shift_right_logical3A_143 = arith.constant 7 : i32
      %shift_right_logical3A_144 = vector.broadcast %shift_right_logical3A_143 : i32 to vector<16xi32>
      %shift_right_logical3A_145 = arith.shrui %get3A_138, %shift_right_logical3A_144 : vector<16xi32>
      %and3A_146 = arith.constant 127 : i32
      %and3A_147 = vector.broadcast %and3A_146 : i32 to vector<16xi32>
      %and3A_148 = arith.andi %get3A_138, %and3A_147 : vector<16xi32>
      %convert_element_type3A_149 = arith.sitofp %unique3A_142 : vector<16xi32> to vector<16xf32>
      tpu.vector_store_idx %arg12[%shift_right_logical3A_145, %and3A_148], %convert_element_type3A_149 masked %unique3A_141 {add = true} : memref<80x128xf32, #tpu.memory_space<vmem>>[vector<16xi32>, vector<16xi32>], vector<16xf32>, vector<16xi1>
      %get3A_150 = arith.constant 0 : i32
      %get3A_151 = arith.index_cast %get3A_150 : i32 to index
      %get3A_152 = arith.constant 48 : index
      %get3A_153 = tpu.vector_load %arg10[%get3A_151, %get3A_152] {strides = array<i32>} : memref<20x128xi32, #tpu.memory_space<vmem>>, vector<16xi32>,
      %broadcast_in_dim3A_154 = arith.constant true
      %broadcast_in_dim3A_155 = vector.broadcast %broadcast_in_dim3A_154 : i1 to vector<16xi1>
      %unique3A_156, %unique3A_157 = tpu.scan_count mask(%broadcast_in_dim3A_155 : vector<16xi1>) value(%get3A_153 : vector<16xi32>) : vector<16xi1>, vector<16xi32>
      %shift_right_logical3A_158 = arith.constant 7 : i32
      %shift_right_logical3A_159 = vector.broadcast %shift_right_logical3A_158 : i32 to vector<16xi32>
      %shift_right_logical3A_160 = arith.shrui %get3A_153, %shift_right_logical3A_159 : vector<16xi32>
      %and3A_161 = arith.constant 127 : i32
      %and3A_162 = vector.broadcast %and3A_161 : i32 to vector<16xi32>
      %and3A_163 = arith.andi %get3A_153, %and3A_162 : vector<16xi32>
      %convert_element_type3A_164 = arith.sitofp %unique3A_157 : vector<16xi32> to vector<16xf32>
      tpu.vector_store_idx %arg12[%shift_right_logical3A_160, %and3A_163], %convert_element_type3A_164 masked %unique3A_156 {add = true} : memref<80x128xf32, #tpu.memory_space<vmem>>[vector<16xi32>, vector<16xi32>], vector<16xf32>, vector<16xi1>
      %get3A_165 = arith.constant 0 : i32
      %get3A_166 = arith.index_cast %get3A_165 : i32 to index
      %get3A_167 = arith.constant 64 : index
      %get3A_168 = tpu.vector_load %arg10[%get3A_166, %get3A_167] {strides = array<i32>} : memref<20x128xi32, #tpu.memory_space<vmem>>, vector<16xi32>,
      %broadcast_in_dim3A_169 = arith.constant true
      %broadcast_in_dim3A_170 = vector.broadcast %broadcast_in_dim3A_169 : i1 to vector<16xi1>
      %unique3A_171, %unique3A_172 = tpu.scan_count mask(%broadcast_in_dim3A_170 : vector<16xi1>) value(%get3A_168 : vector<16xi32>) : vector<16xi1>, vector<16xi32>
      %shift_right_logical3A_173 = arith.constant 7 : i32
      %shift_right_logical3A_174 = vector.broadcast %shift_right_logical3A_173 : i32 to vector<16xi32>
      %shift_right_logical3A_175 = arith.shrui %get3A_168, %shift_right_logical3A_174 : vector<16xi32>
      %and3A_176 = arith.constant 127 : i32
      %and3A_177 = vector.broadcast %and3A_176 : i32 to vector<16xi32>
      %and3A_178 = arith.andi %get3A_168, %and3A_177 : vector<16xi32>
      %convert_element_type3A_179 = arith.sitofp %unique3A_172 : vector<16xi32> to vector<16xf32>
      tpu.vector_store_idx %arg12[%shift_right_logical3A_175, %and3A_178], %convert_element_type3A_179 masked %unique3A_171 {add = true} : memref<80x128xf32, #tpu.memory_space<vmem>>[vector<16xi32>, vector<16xi32>], vector<16xf32>, vector<16xi1>
      %get3A_180 = arith.constant 0 : i32
      %get3A_181 = arith.index_cast %get3A_180 : i32 to index
      %get3A_182 = arith.constant 80 : index
      %get3A_183 = tpu.vector_load %arg10[%get3A_181, %get3A_182] {strides = array<i32>} : memref<20x128xi32, #tpu.memory_space<vmem>>, vector<16xi32>,
      %broadcast_in_dim3A_184 = arith.constant true
      %broadcast_in_dim3A_185 = vector.broadcast %broadcast_in_dim3A_184 : i1 to vector<16xi1>
      %unique3A_186, %unique3A_187 = tpu.scan_count mask(%broadcast_in_dim3A_185 : vector<16xi1>) value(%get3A_183 : vector<16xi32>) : vector<16xi1>, vector<16xi32>
      %shift_right_logical3A_188 = arith.constant 7 : i32
      %shift_right_logical3A_189 = vector.broadcast %shift_right_logical3A_188 : i32 to vector<16xi32>
      %shift_right_logical3A_190 = arith.shrui %get3A_183, %shift_right_logical3A_189 : vector<16xi32>
      %and3A_191 = arith.constant 127 : i32
      %and3A_192 = vector.broadcast %and3A_191 : i32 to vector<16xi32>
      %and3A_193 = arith.andi %get3A_183, %and3A_192 : vector<16xi32>
      %convert_element_type3A_194 = arith.sitofp %unique3A_187 : vector<16xi32> to vector<16xf32>
      tpu.vector_store_idx %arg12[%shift_right_logical3A_190, %and3A_193], %convert_element_type3A_194 masked %unique3A_186 {add = true} : memref<80x128xf32, #tpu.memory_space<vmem>>[vector<16xi32>, vector<16xi32>], vector<16xf32>, vector<16xi1>
      %get3A_195 = arith.constant 0 : i32
      %get3A_196 = arith.index_cast %get3A_195 : i32 to index
      %get3A_197 = arith.constant 96 : index
      %get3A_198 = tpu.vector_load %arg10[%get3A_196, %get3A_197] {strides = array<i32>} : memref<20x128xi32, #tpu.memory_space<vmem>>, vector<16xi32>,
      %broadcast_in_dim3A_199 = arith.constant true
      %broadcast_in_dim3A_200 = vector.broadcast %broadcast_in_dim3A_199 : i1 to vector<16xi1>
      %unique3A_201, %unique3A_202 = tpu.scan_count mask(%broadcast_in_dim3A_200 : vector<16xi1>) value(%get3A_198 : vector<16xi32>) : vector<16xi1>, vector<16xi32>
      %shift_right_logical3A_203 = arith.constant 7 : i32
      %shift_right_logical3A_204 = vector.broadcast %shift_right_logical3A_203 : i32 to vector<16xi32>
      %shift_right_logical3A_205 = arith.shrui %get3A_198, %shift_right_logical3A_204 : vector<16xi32>
      %and3A_206 = arith.constant 127 : i32
      %and3A_207 = vector.broadcast %and3A_206 : i32 to vector<16xi32>
      %and3A_208 = arith.andi %get3A_198, %and3A_207 : vector<16xi32>
      %convert_element_type3A_209 = arith.sitofp %unique3A_202 : vector<16xi32> to vector<16xf32>
      tpu.vector_store_idx %arg12[%shift_right_logical3A_205, %and3A_208], %convert_element_type3A_209 masked %unique3A_201 {add = true} : memref<80x128xf32, #tpu.memory_space<vmem>>[vector<16xi32>, vector<16xi32>], vector<16xf32>, vector<16xi1>
      %get3A_210 = arith.constant 0 : i32
      %get3A_211 = arith.index_cast %get3A_210 : i32 to index
      %get3A_212 = arith.constant 112 : index
      %get3A_213 = tpu.vector_load %arg10[%get3A_211, %get3A_212] {strides = array<i32>} : memref<20x128xi32, #tpu.memory_space<vmem>>, vector<16xi32>,
      %broadcast_in_dim3A_214 = arith.constant true
      %broadcast_in_dim3A_215 = vector.broadcast %broadcast_in_dim3A_214 : i1 to vector<16xi1>
      %unique3A_216, %unique3A_217 = tpu.scan_count mask(%broadcast_in_dim3A_215 : vector<16xi1>) value(%get3A_213 : vector<16xi32>) : vector<16xi1>, vector<16xi32>
      %shift_right_logical3A_218 = arith.constant 7 : i32
      %shift_right_logical3A_219 = vector.broadcast %shift_right_logical3A_218 : i32 to vector<16xi32>
      %shift_right_logical3A_220 = arith.shrui %get3A_213, %shift_right_logical3A_219 : vector<16xi32>
      %and3A_221 = arith.constant 127 : i32
      %and3A_222 = vector.broadcast %and3A_221 : i32 to vector<16xi32>
      %and3A_223 = arith.andi %get3A_213, %and3A_222 : vector<16xi32>
      %convert_element_type3A_224 = arith.sitofp %unique3A_217 : vector<16xi32> to vector<16xf32>
      tpu.vector_store_idx %arg12[%shift_right_logical3A_220, %and3A_223], %convert_element_type3A_224 masked %unique3A_216 {add = true} : memref<80x128xf32, #tpu.memory_space<vmem>>[vector<16xi32>, vector<16xi32>], vector<16xf32>, vector<16xi1>
      %dma_wait3A_225 = arith.constant 0 : i32
      %dma_wait3A_226 = arith.constant 0 : i32
      %dma_wait3A_227 = arith.constant 0 : i32
      %dma_wait3A_228 = arith.constant 0 : i32
      %dma_wait3A_229 = tpu.memref_slice %arg11[%dma_wait3A_225, %dma_wait3A_227, %dma_wait3A_228] : memref<2x128x128xf32, #tpu.memory_space<vmem>> -> memref<1x128x128xf32, #tpu.memory_space<vmem>>
      %dma_wait3A_230 = tpu.memref_squeeze %dma_wait3A_229 : memref<1x128x128xf32, #tpu.memory_space<vmem>> -> memref<128x128xf32, #tpu.memory_space<vmem>>
      %dma_wait3A_231 = arith.constant 0 : i32
      %dma_wait3A_232 = tpu.memref_slice %arg10[%dma_wait3A_226, %dma_wait3A_231] : memref<20x128xi32, #tpu.memory_space<vmem>> -> memref<1x128xi32, #tpu.memory_space<vmem>>
      %dma_wait3A_233 = tpu.memref_squeeze %dma_wait3A_232 : memref<1x128xi32, #tpu.memory_space<vmem>> -> memref<128xi32, #tpu.memory_space<vmem>>
      %dma_wait3A_234 = arith.constant 0 : i32
      %dma_wait3A_235 = arith.constant 0 : i32
      %dma_wait3A_236 = tpu.memref_slice %arg14[%dma_wait3A_234, %dma_wait3A_235] : memref<10112x128xf32, #tpu.memory_space<vmem_shared>> -> memref<10112x128xf32, #tpu.memory_space<vmem_shared>>
      tpu.wait_indirect_dma semaphore(%arg19 : memref<!tpu.dma_semaphore, #tpu.memory_space<semaphore_mem>>) src(%dma_wait3A_230 : memref<128x128xf32, #tpu.memory_space<vmem>>) dst(%dma_wait3A_236 : memref<10112x128xf32, #tpu.memory_space<vmem_shared>>)
      %dma_start3A_237 = arith.constant 2 : i32
      %dma_start3A_238 = arith.constant 0 : i32
      %dma_start3A_239 = arith.constant 0 : i32
      %dma_start3A_240 = arith.constant 0 : i32
      %dma_start3A_241 = tpu.memref_slice %arg11[%dma_start3A_238, %dma_start3A_239, %dma_start3A_240] : memref<2x128x128xf32, #tpu.memory_space<vmem>> -> memref<1x128x128xf32, #tpu.memory_space<vmem>>
      %dma_start3A_242 = tpu.memref_squeeze %dma_start3A_241 : memref<1x128x128xf32, #tpu.memory_space<vmem>> -> memref<128x128xf32, #tpu.memory_space<vmem>>
      %dma_start3A_243 = arith.constant 0 : i32
      %dma_start3A_244 = tpu.memref_slice %arg9[%dma_start3A_237, %dma_start3A_243] : memref<20x128xi32, #tpu.memory_space<vmem>> -> memref<1x128xi32, #tpu.memory_space<vmem>>
      %dma_start3A_245 = tpu.memref_squeeze %dma_start3A_244 : memref<1x128xi32, #tpu.memory_space<vmem>> -> memref<128xi32, #tpu.memory_space<vmem>>
      %dma_start3A_246 = arith.constant 0 : i32
      %dma_start3A_247 = arith.constant 0 : i32
      %dma_start3A_248 = tpu.memref_slice %arg2[%dma_start3A_246, %dma_start3A_247] : memref<10000x128xf32, #tpu.memory_space<hbm>> -> memref<10000x128xf32, #tpu.memory_space<hbm>>
      tpu.enqueue_indirect_dma source(%dma_start3A_248 : memref<10000x128xf32, #tpu.memory_space<hbm>>) target(%dma_start3A_242 : memref<128x128xf32, #tpu.memory_space<vmem>>) offsets(%dma_start3A_245 : memref<128xi32, #tpu.memory_space<vmem>>) semaphore(%arg16 : memref<!tpu.dma_semaphore, #tpu.memory_space<semaphore_mem>>)
      %dma_wait3A_249 = arith.constant 1 : i32
      %dma_wait3A_250 = arith.constant 1 : i32
      %dma_wait3A_251 = arith.constant 0 : i32
      %dma_wait3A_252 = arith.constant 0 : i32
      %dma_wait3A_253 = tpu.memref_slice %arg11[%dma_wait3A_250, %dma_wait3A_251, %dma_wait3A_252] : memref<2x128x128xf32, #tpu.memory_space<vmem>> -> memref<1x128x128xf32, #tpu.memory_space<vmem>>
      %dma_wait3A_254 = tpu.memref_squeeze %dma_wait3A_253 : memref<1x128x128xf32, #tpu.memory_space<vmem>> -> memref<128x128xf32, #tpu.memory_space<vmem>>
      %dma_wait3A_255 = arith.constant 0 : i32
      %dma_wait3A_256 = tpu.memref_slice %arg9[%dma_wait3A_249, %dma_wait3A_255] : memref<20x128xi32, #tpu.memory_space<vmem>> -> memref<1x128xi32, #tpu.memory_space<vmem>>
      %dma_wait3A_257 = tpu.memref_squeeze %dma_wait3A_256 : memref<1x128xi32, #tpu.memory_space<vmem>> -> memref<128xi32, #tpu.memory_space<vmem>>
      %dma_wait3A_258 = arith.constant 0 : i32
      %dma_wait3A_259 = arith.constant 0 : i32
      %dma_wait3A_260 = tpu.memref_slice %arg2[%dma_wait3A_258, %dma_wait3A_259] : memref<10000x128xf32, #tpu.memory_space<hbm>> -> memref<10000x128xf32, #tpu.memory_space<hbm>>
      tpu.wait_indirect_dma semaphore(%arg17 : memref<!tpu.dma_semaphore, #tpu.memory_space<semaphore_mem>>) src(%dma_wait3A_260 : memref<10000x128xf32, #tpu.memory_space<hbm>>) dst(%dma_wait3A_254 : memref<128x128xf32, #tpu.memory_space<vmem>>)
      %dma_start3A_261 = arith.constant 1 : i32
      %dma_start3A_262 = arith.constant 1 : i32
      %dma_start3A_263 = arith.constant 0 : i32
      %dma_start3A_264 = arith.constant 0 : i32
      %dma_start3A_265 = tpu.memref_slice %arg11[%dma_start3A_261, %dma_start3A_263, %dma_start3A_264] : memref<2x128x128xf32, #tpu.memory_space<vmem>> -> memref<1x128x128xf32, #tpu.memory_space<vmem>>
      %dma_start3A_266 = tpu.memref_squeeze %dma_start3A_265 : memref<1x128x128xf32, #tpu.memory_space<vmem>> -> memref<128x128xf32, #tpu.memory_space<vmem>>
      %dma_start3A_267 = arith.constant 0 : i32
      %dma_start3A_268 = tpu.memref_slice %arg10[%dma_start3A_262, %dma_start3A_267] : memref<20x128xi32, #tpu.memory_space<vmem>> -> memref<1x128xi32, #tpu.memory_space<vmem>>
      %dma_start3A_269 = tpu.memref_squeeze %dma_start3A_268 : memref<1x128xi32, #tpu.memory_space<vmem>> -> memref<128xi32, #tpu.memory_space<vmem>>
      %dma_start3A_270 = arith.constant 0 : i32
      %dma_start3A_271 = arith.constant 0 : i32
      %dma_start3A_272 = tpu.memref_slice %arg14[%dma_start3A_270, %dma_start3A_271] : memref<10112x128xf32, #tpu.memory_space<vmem_shared>> -> memref<10112x128xf32, #tpu.memory_space<vmem_shared>>
      tpu.enqueue_indirect_dma source(%dma_start3A_266 : memref<128x128xf32, #tpu.memory_space<vmem>>) target(%dma_start3A_272 : memref<10112x128xf32, #tpu.memory_space<vmem_shared>>) offsets(%dma_start3A_269 : memref<128xi32, #tpu.memory_space<vmem>>) semaphore(%arg20 : memref<!tpu.dma_semaphore, #tpu.memory_space<semaphore_mem>>) {add = true}
      %get3A_273 = arith.constant 1 : i32
      %get3A_274 = arith.index_cast %get3A_273 : i32 to index
      %get3A_275 = arith.constant 0 : index
      %get3A_276 = tpu.vector_load %arg10[%get3A_274, %get3A_275] {strides = array<i32>} : memref<20x128xi32, #tpu.memory_space<vmem>>, vector<16xi32>,
      %broadcast_in_dim3A_277 = arith.constant true
      %broadcast_in_dim3A_278 = vector.broadcast %broadcast_in_dim3A_277 : i1 to vector<16xi1>
      %unique3A_279, %unique3A_280 = tpu.scan_count mask(%broadcast_in_dim3A_278 : vector<16xi1>) value(%get3A_276 : vector<16xi32>) : vector<16xi1>, vector<16xi32>
      %shift_right_logical3A_281 = arith.constant 7 : i32
      %shift_right_logical3A_282 = vector.broadcast %shift_right_logical3A_281 : i32 to vector<16xi32>
      %shift_right_logical3A_283 = arith.shrui %get3A_276, %shift_right_logical3A_282 : vector<16xi32>
      %and3A_284 = arith.constant 127 : i32
      %and3A_285 = vector.broadcast %and3A_284 : i32 to vector<16xi32>
      %and3A_286 = arith.andi %get3A_276, %and3A_285 : vector<16xi32>
      %convert_element_type3A_287 = arith.sitofp %unique3A_280 : vector<16xi32> to vector<16xf32>
      tpu.vector_store_idx %arg12[%shift_right_logical3A_283, %and3A_286], %convert_element_type3A_287 masked %unique3A_279 {add = true} : memref<80x128xf32, #tpu.memory_space<vmem>>[vector<16xi32>, vector<16xi32>], vector<16xf32>, vector<16xi1>
      %get3A_288 = arith.constant 1 : i32
      %get3A_289 = arith.index_cast %get3A_288 : i32 to index
      %get3A_290 = arith.constant 16 : index
      %get3A_291 = tpu.vector_load %arg10[%get3A_289, %get3A_290] {strides = array<i32>} : memref<20x128xi32, #tpu.memory_space<vmem>>, vector<16xi32>,
      %broadcast_in_dim3A_292 = arith.constant true
      %broadcast_in_dim3A_293 = vector.broadcast %broadcast_in_dim3A_292 : i1 to vector<16xi1>
      %unique3A_294, %unique3A_295 = tpu.scan_count mask(%broadcast_in_dim3A_293 : vector<16xi1>) value(%get3A_291 : vector<16xi32>) : vector<16xi1>, vector<16xi32>
      %shift_right_logical3A_296 = arith.constant 7 : i32
      %shift_right_logical3A_297 = vector.broadcast %shift_right_logical3A_296 : i32 to vector<16xi32>
      %shift_right_logical3A_298 = arith.shrui %get3A_291, %shift_right_logical3A_297 : vector<16xi32>
      %and3A_299 = arith.constant 127 : i32
      %and3A_300 = vector.broadcast %and3A_299 : i32 to vector<16xi32>
      %and3A_301 = arith.andi %get3A_291, %and3A_300 : vector<16xi32>
      %convert_element_type3A_302 = arith.sitofp %unique3A_295 : vector<16xi32> to vector<16xf32>
      tpu.vector_store_idx %arg12[%shift_right_logical3A_298, %and3A_301], %convert_element_type3A_302 masked %unique3A_294 {add = true} : memref<80x128xf32, #tpu.memory_space<vmem>>[vector<16xi32>, vector<16xi32>], vector<16xf32>, vector<16xi1>
      %get3A_303 = arith.constant 1 : i32
      %get3A_304 = arith.index_cast %get3A_303 : i32 to index
      %get3A_305 = arith.constant 32 : index
      %get3A_306 = tpu.vector_load %arg10[%get3A_304, %get3A_305] {strides = array<i32>} : memref<20x128xi32, #tpu.memory_space<vmem>>, vector<16xi32>,
      %broadcast_in_dim3A_307 = arith.constant true
      %broadcast_in_dim3A_308 = vector.broadcast %broadcast_in_dim3A_307 : i1 to vector<16xi1>
      %unique3A_309, %unique3A_310 = tpu.scan_count mask(%broadcast_in_dim3A_308 : vector<16xi1>) value(%get3A_306 : vector<16xi32>) : vector<16xi1>, vector<16xi32>
      %shift_right_logical3A_311 = arith.constant 7 : i32
      %shift_right_logical3A_312 = vector.broadcast %shift_right_logical3A_311 : i32 to vector<16xi32>
      %shift_right_logical3A_313 = arith.shrui %get3A_306, %shift_right_logical3A_312 : vector<16xi32>
      %and3A_314 = arith.constant 127 : i32
      %and3A_315 = vector.broadcast %and3A_314 : i32 to vector<16xi32>
      %and3A_316 = arith.andi %get3A_306, %and3A_315 : vector<16xi32>
      %convert_element_type3A_317 = arith.sitofp %unique3A_310 : vector<16xi32> to vector<16xf32>
      tpu.vector_store_idx %arg12[%shift_right_logical3A_313, %and3A_316], %convert_element_type3A_317 masked %unique3A_309 {add = true} : memref<80x128xf32, #tpu.memory_space<vmem>>[vector<16xi32>, vector<16xi32>], vector<16xf32>, vector<16xi1>
      %get3A_318 = arith.constant 1 : i32
      %get3A_319 = arith.index_cast %get3A_318 : i32 to index
      %get3A_320 = arith.constant 48 : index
      %get3A_321 = tpu.vector_load %arg10[%get3A_319, %get3A_320] {strides = array<i32>} : memref<20x128xi32, #tpu.memory_space<vmem>>, vector<16xi32>,
      %broadcast_in_dim3A_322 = arith.constant true
      %broadcast_in_dim3A_323 = vector.broadcast %broadcast_in_dim3A_322 : i1 to vector<16xi1>
      %unique3A_324, %unique3A_325 = tpu.scan_count mask(%broadcast_in_dim3A_323 : vector<16xi1>) value(%get3A_321 : vector<16xi32>) : vector<16xi1>, vector<16xi32>
      %shift_right_logical3A_326 = arith.constant 7 : i32
      %shift_right_logical3A_327 = vector.broadcast %shift_right_logical3A_326 : i32 to vector<16xi32>
      %shift_right_logical3A_328 = arith.shrui %get3A_321, %shift_right_logical3A_327 : vector<16xi32>
      %and3A_329 = arith.constant 127 : i32
      %and3A_330 = vector.broadcast %and3A_329 : i32 to vector<16xi32>
      %and3A_331 = arith.andi %get3A_321, %and3A_330 : vector<16xi32>
      %convert_element_type3A_332 = arith.sitofp %unique3A_325 : vector<16xi32> to vector<16xf32>
      tpu.vector_store_idx %arg12[%shift_right_logical3A_328, %and3A_331], %convert_element_type3A_332 masked %unique3A_324 {add = true} : memref<80x128xf32, #tpu.memory_space<vmem>>[vector<16xi32>, vector<16xi32>], vector<16xf32>, vector<16xi1>
      %get3A_333 = arith.constant 1 : i32
      %get3A_334 = arith.index_cast %get3A_333 : i32 to index
      %get3A_335 = arith.constant 64 : index
      %get3A_336 = tpu.vector_load %arg10[%get3A_334, %get3A_335] {strides = array<i32>} : memref<20x128xi32, #tpu.memory_space<vmem>>, vector<16xi32>,
      %broadcast_in_dim3A_337 = arith.constant true
      %broadcast_in_dim3A_338 = vector.broadcast %broadcast_in_dim3A_337 : i1 to vector<16xi1>
      %unique3A_339, %unique3A_340 = tpu.scan_count mask(%broadcast_in_dim3A_338 : vector<16xi1>) value(%get3A_336 : vector<16xi32>) : vector<16xi1>, vector<16xi32>
      %shift_right_logical3A_341 = arith.constant 7 : i32
      %shift_right_logical3A_342 = vector.broadcast %shift_right_logical3A_341 : i32 to vector<16xi32>
      %shift_right_logical3A_343 = arith.shrui %get3A_336, %shift_right_logical3A_342 : vector<16xi32>
      %and3A_344 = arith.constant 127 : i32
      %and3A_345 = vector.broadcast %and3A_344 : i32 to vector<16xi32>
      %and3A_346 = arith.andi %get3A_336, %and3A_345 : vector<16xi32>
      %convert_element_type3A_347 = arith.sitofp %unique3A_340 : vector<16xi32> to vector<16xf32>
      tpu.vector_store_idx %arg12[%shift_right_logical3A_343, %and3A_346], %convert_element_type3A_347 masked %unique3A_339 {add = true} : memref<80x128xf32, #tpu.memory_space<vmem>>[vector<16xi32>, vector<16xi32>], vector<16xf32>, vector<16xi1>
      %get3A_348 = arith.constant 1 : i32
      %get3A_349 = arith.index_cast %get3A_348 : i32 to index
      %get3A_350 = arith.constant 80 : index
      %get3A_351 = tpu.vector_load %arg10[%get3A_349, %get3A_350] {strides = array<i32>} : memref<20x128xi32, #tpu.memory_space<vmem>>, vector<16xi32>,
      %broadcast_in_dim3A_352 = arith.constant true
      %broadcast_in_dim3A_353 = vector.broadcast %broadcast_in_dim3A_352 : i1 to vector<16xi1>
      %unique3A_354, %unique3A_355 = tpu.scan_count mask(%broadcast_in_dim3A_353 : vector<16xi1>) value(%get3A_351 : vector<16xi32>) : vector<16xi1>, vector<16xi32>
      %shift_right_logical3A_356 = arith.constant 7 : i32
      %shift_right_logical3A_357 = vector.broadcast %shift_right_logical3A_356 : i32 to vector<16xi32>
      %shift_right_logical3A_358 = arith.shrui %get3A_351, %shift_right_logical3A_357 : vector<16xi32>
      %and3A_359 = arith.constant 127 : i32
      %and3A_360 = vector.broadcast %and3A_359 : i32 to vector<16xi32>
      %and3A_361 = arith.andi %get3A_351, %and3A_360 : vector<16xi32>
      %convert_element_type3A_362 = arith.sitofp %unique3A_355 : vector<16xi32> to vector<16xf32>
      tpu.vector_store_idx %arg12[%shift_right_logical3A_358, %and3A_361], %convert_element_type3A_362 masked %unique3A_354 {add = true} : memref<80x128xf32, #tpu.memory_space<vmem>>[vector<16xi32>, vector<16xi32>], vector<16xf32>, vector<16xi1>
      %get3A_363 = arith.constant 1 : i32
      %get3A_364 = arith.index_cast %get3A_363 : i32 to index
      %get3A_365 = arith.constant 96 : index
      %get3A_366 = tpu.vector_load %arg10[%get3A_364, %get3A_365] {strides = array<i32>} : memref<20x128xi32, #tpu.memory_space<vmem>>, vector<16xi32>,
      %broadcast_in_dim3A_367 = arith.constant true
      %broadcast_in_dim3A_368 = vector.broadcast %broadcast_in_dim3A_367 : i1 to vector<16xi1>
      %unique3A_369, %unique3A_370 = tpu.scan_count mask(%broadcast_in_dim3A_368 : vector<16xi1>) value(%get3A_366 : vector<16xi32>) : vector<16xi1>, vector<16xi32>
      %shift_right_logical3A_371 = arith.constant 7 : i32
      %shift_right_logical3A_372 = vector.broadcast %shift_right_logical3A_371 : i32 to vector<16xi32>
      %shift_right_logical3A_373 = arith.shrui %get3A_366, %shift_right_logical3A_372 : vector<16xi32>
      %and3A_374 = arith.constant 127 : i32
      %and3A_375 = vector.broadcast %and3A_374 : i32 to vector<16xi32>
      %and3A_376 = arith.andi %get3A_366, %and3A_375 : vector<16xi32>
      %convert_element_type3A_377 = arith.sitofp %unique3A_370 : vector<16xi32> to vector<16xf32>
      tpu.vector_store_idx %arg12[%shift_right_logical3A_373, %and3A_376], %convert_element_type3A_377 masked %unique3A_369 {add = true} : memref<80x128xf32, #tpu.memory_space<vmem>>[vector<16xi32>, vector<16xi32>], vector<16xf32>, vector<16xi1>
      %get3A_378 = arith.constant 1 : i32
      %get3A_379 = arith.index_cast %get3A_378 : i32 to index
      %get3A_380 = arith.constant 112 : index
      %get3A_381 = tpu.vector_load %arg10[%get3A_379, %get3A_380] {strides = array<i32>} : memref<20x128xi32, #tpu.memory_space<vmem>>, vector<16xi32>,
      %broadcast_in_dim3A_382 = arith.constant true
      %broadcast_in_dim3A_383 = vector.broadcast %broadcast_in_dim3A_382 : i1 to vector<16xi1>
      %unique3A_384, %unique3A_385 = tpu.scan_count mask(%broadcast_in_dim3A_383 : vector<16xi1>) value(%get3A_381 : vector<16xi32>) : vector<16xi1>, vector<16xi32>
      %shift_right_logical3A_386 = arith.constant 7 : i32
      %shift_right_logical3A_387 = vector.broadcast %shift_right_logical3A_386 : i32 to vector<16xi32>
      %shift_right_logical3A_388 = arith.shrui %get3A_381, %shift_right_logical3A_387 : vector<16xi32>
      %and3A_389 = arith.constant 127 : i32
      %and3A_390 = vector.broadcast %and3A_389 : i32 to vector<16xi32>
      %and3A_391 = arith.andi %get3A_381, %and3A_390 : vector<16xi32>
      %convert_element_type3A_392 = arith.sitofp %unique3A_385 : vector<16xi32> to vector<16xf32>
      tpu.vector_store_idx %arg12[%shift_right_logical3A_388, %and3A_391], %convert_element_type3A_392 masked %unique3A_384 {add = true} : memref<80x128xf32, #tpu.memory_space<vmem>>[vector<16xi32>, vector<16xi32>], vector<16xf32>, vector<16xi1>
      %dma_wait3A_393 = arith.constant 1 : i32
      %dma_wait3A_394 = arith.constant 1 : i32
      %dma_wait3A_395 = arith.constant 0 : i32
      %dma_wait3A_396 = arith.constant 0 : i32
      %dma_wait3A_397 = tpu.memref_slice %arg11[%dma_wait3A_393, %dma_wait3A_395, %dma_wait3A_396] : memref<2x128x128xf32, #tpu.memory_space<vmem>> -> memref<1x128x128xf32, #tpu.memory_space<vmem>>
      %dma_wait3A_398 = tpu.memref_squeeze %dma_wait3A_397 : memref<1x128x128xf32, #tpu.memory_space<vmem>> -> memref<128x128xf32, #tpu.memory_space<vmem>>
      %dma_wait3A_399 = arith.constant 0 : i32
      %dma_wait3A_400 = tpu.memref_slice %arg10[%dma_wait3A_394, %dma_wait3A_399] : memref<20x128xi32, #tpu.memory_space<vmem>> -> memref<1x128xi32, #tpu.memory_space<vmem>>
      %dma_wait3A_401 = tpu.memref_squeeze %dma_wait3A_400 : memref<1x128xi32, #tpu.memory_space<vmem>> -> memref<128xi32, #tpu.memory_space<vmem>>
      %dma_wait3A_402 = arith.constant 0 : i32
      %dma_wait3A_403 = arith.constant 0 : i32
      %dma_wait3A_404 = tpu.memref_slice %arg14[%dma_wait3A_402, %dma_wait3A_403] : memref<10112x128xf32, #tpu.memory_space<vmem_shared>> -> memref<10112x128xf32, #tpu.memory_space<vmem_shared>>
      tpu.wait_indirect_dma semaphore(%arg20 : memref<!tpu.dma_semaphore, #tpu.memory_space<semaphore_mem>>) src(%dma_wait3A_398 : memref<128x128xf32, #tpu.memory_space<vmem>>) dst(%dma_wait3A_404 : memref<10112x128xf32, #tpu.memory_space<vmem_shared>>)
      %dma_start3A_405 = arith.constant 3 : i32
      %dma_start3A_406 = arith.constant 1 : i32
      %dma_start3A_407 = arith.constant 0 : i32
      %dma_start3A_408 = arith.constant 0 : i32
      %dma_start3A_409 = tpu.memref_slice %arg11[%dma_start3A_406, %dma_start3A_407, %dma_start3A_408] : memref<2x128x128xf32, #tpu.memory_space<vmem>> -> memref<1x128x128xf32, #tpu.memory_space<vmem>>
      %dma_start3A_410 = tpu.memref_squeeze %dma_start3A_409 : memref<1x128x128xf32, #tpu.memory_space<vmem>> -> memref<128x128xf32, #tpu.memory_space<vmem>>
      %dma_start3A_411 = arith.constant 0 : i32
      %dma_start3A_412 = tpu.memref_slice %arg9[%dma_start3A_405, %dma_start3A_411] : memref<20x128xi32, #tpu.memory_space<vmem>> -> memref<1x128xi32, #tpu.memory_space<vmem>>
      %dma_start3A_413 = tpu.memref_squeeze %dma_start3A_412 : memref<1x128xi32, #tpu.memory_space<vmem>> -> memref<128xi32, #tpu.memory_space<vmem>>
      %dma_start3A_414 = arith.constant 0 : i32
      %dma_start3A_415 = arith.constant 0 : i32
      %dma_start3A_416 = tpu.memref_slice %arg2[%dma_start3A_414, %dma_start3A_415] : memref<10000x128xf32, #tpu.memory_space<hbm>> -> memref<10000x128xf32, #tpu.memory_space<hbm>>
      tpu.enqueue_indirect_dma source(%dma_start3A_416 : memref<10000x128xf32, #tpu.memory_space<hbm>>) target(%dma_start3A_410 : memref<128x128xf32, #tpu.memory_space<vmem>>) offsets(%dma_start3A_413 : memref<128xi32, #tpu.memory_space<vmem>>) semaphore(%arg17 : memref<!tpu.dma_semaphore, #tpu.memory_space<semaphore_mem>>)
      %dma_wait3A_417 = arith.constant 2 : i32
      %dma_wait3A_418 = arith.constant 0 : i32
      %dma_wait3A_419 = arith.constant 0 : i32
      %dma_wait3A_420 = arith.constant 0 : i32
      %dma_wait3A_421 = tpu.memref_slice %arg11[%dma_wait3A_418, %dma_wait3A_419, %dma_wait3A_420] : memref<2x128x128xf32, #tpu.memory_space<vmem>> -> memref<1x128x128xf32, #tpu.memory_space<vmem>>
      %dma_wait3A_422 = tpu.memref_squeeze %dma_wait3A_421 : memref<1x128x128xf32, #tpu.memory_space<vmem>> -> memref<128x128xf32, #tpu.memory_space<vmem>>
      %dma_wait3A_423 = arith.constant 0 : i32
      %dma_wait3A_424 = tpu.memref_slice %arg9[%dma_wait3A_417, %dma_wait3A_423] : memref<20x128xi32, #tpu.memory_space<vmem>> -> memref<1x128xi32, #tpu.memory_space<vmem>>
      %dma_wait3A_425 = tpu.memref_squeeze %dma_wait3A_424 : memref<1x128xi32, #tpu.memory_space<vmem>> -> memref<128xi32, #tpu.memory_space<vmem>>
      %dma_wait3A_426 = arith.constant 0 : i32
      %dma_wait3A_427 = arith.constant 0 : i32
      %dma_wait3A_428 = tpu.memref_slice %arg2[%dma_wait3A_426, %dma_wait3A_427] : memref<10000x128xf32, #tpu.memory_space<hbm>> -> memref<10000x128xf32, #tpu.memory_space<hbm>>
      tpu.wait_indirect_dma semaphore(%arg16 : memref<!tpu.dma_semaphore, #tpu.memory_space<semaphore_mem>>) src(%dma_wait3A_428 : memref<10000x128xf32, #tpu.memory_space<hbm>>) dst(%dma_wait3A_422 : memref<128x128xf32, #tpu.memory_space<vmem>>)
      %dma_start3A_429 = arith.constant 0 : i32
      %dma_start3A_430 = arith.constant 2 : i32
      %dma_start3A_431 = arith.constant 0 : i32
      %dma_start3A_432 = arith.constant 0 : i32
      %dma_start3A_433 = tpu.memref_slice %arg11[%dma_start3A_429, %dma_start3A_431, %dma_start3A_432] : memref<2x128x128xf32, #tpu.memory_space<vmem>> -> memref<1x128x128xf32, #tpu.memory_space<vmem>>
      %dma_start3A_434 = tpu.memref_squeeze %dma_start3A_433 : memref<1x128x128xf32, #tpu.memory_space<vmem>> -> memref<128x128xf32, #tpu.memory_space<vmem>>
      %dma_start3A_435 = arith.constant 0 : i32
      %dma_start3A_436 = tpu.memref_slice %arg10[%dma_start3A_430, %dma_start3A_435] : memref<20x128xi32, #tpu.memory_space<vmem>> -> memref<1x128xi32, #tpu.memory_space<vmem>>
      %dma_start3A_437 = tpu.memref_squeeze %dma_start3A_436 : memref<1x128xi32, #tpu.memory_space<vmem>> -> memref<128xi32, #tpu.memory_space<vmem>>
      %dma_start3A_438 = arith.constant 0 : i32
      %dma_start3A_439 = arith.constant 0 : i32
      %dma_start3A_440 = tpu.memref_slice %arg14[%dma_start3A_438, %dma_start3A_439] : memref<10112x128xf32, #tpu.memory_space<vmem_shared>> -> memref<10112x128xf32, #tpu.memory_space<vmem_shared>>
      tpu.enqueue_indirect_dma source(%dma_start3A_434 : memref<128x128xf32, #tpu.memory_space<vmem>>) target(%dma_start3A_440 : memref<10112x128xf32, #tpu.memory_space<vmem_shared>>) offsets(%dma_start3A_437 : memref<128xi32, #tpu.memory_space<vmem>>) semaphore(%arg19 : memref<!tpu.dma_semaphore, #tpu.memory_space<semaphore_mem>>) {add = true}
      %get3A_441 = arith.constant 2 : i32
      %get3A_442 = arith.index_cast %get3A_441 : i32 to index
      %get3A_443 = arith.constant 0 : index
      %get3A_444 = tpu.vector_load %arg10[%get3A_442, %get3A_443] {strides = array<i32>} : memref<20x128xi32, #tpu.memory_space<vmem>>, vector<16xi32>,
      %broadcast_in_dim3A_445 = arith.constant true
      %broadcast_in_dim3A_446 = vector.broadcast %broadcast_in_dim3A_445 : i1 to vector<16xi1>
      %unique3A_447, %unique3A_448 = tpu.scan_count mask(%broadcast_in_dim3A_446 : vector<16xi1>) value(%get3A_444 : vector<16xi32>) : vector<16xi1>, vector<16xi32>
      %shift_right_logical3A_449 = arith.constant 7 : i32
      %shift_right_logical3A_450 = vector.broadcast %shift_right_logical3A_449 : i32 to vector<16xi32>
      %shift_right_logical3A_451 = arith.shrui %get3A_444, %shift_right_logical3A_450 : vector<16xi32>
      %and3A_452 = arith.constant 127 : i32
      %and3A_453 = vector.broadcast %and3A_452 : i32 to vector<16xi32>
      %and3A_454 = arith.andi %get3A_444, %and3A_453 : vector<16xi32>
      %convert_element_type3A_455 = arith.sitofp %unique3A_448 : vector<16xi32> to vector<16xf32>
      tpu.vector_store_idx %arg12[%shift_right_logical3A_451, %and3A_454], %convert_element_type3A_455 masked %unique3A_447 {add = true} : memref<80x128xf32, #tpu.memory_space<vmem>>[vector<16xi32>, vector<16xi32>], vector<16xf32>, vector<16xi1>
      %get3A_456 = arith.constant 2 : i32
      %get3A_457 = arith.index_cast %get3A_456 : i32 to index
      %get3A_458 = arith.constant 16 : index
      %get3A_459 = tpu.vector_load %arg10[%get3A_457, %get3A_458] {strides = array<i32>} : memref<20x128xi32, #tpu.memory_space<vmem>>, vector<16xi32>,
      %broadcast_in_dim3A_460 = arith.constant true
      %broadcast_in_dim3A_461 = vector.broadcast %broadcast_in_dim3A_460 : i1 to vector<16xi1>
      %unique3A_462, %unique3A_463 = tpu.scan_count mask(%broadcast_in_dim3A_461 : vector<16xi1>) value(%get3A_459 : vector<16xi32>) : vector<16xi1>, vector<16xi32>
      %shift_right_logical3A_464 = arith.constant 7 : i32
      %shift_right_logical3A_465 = vector.broadcast %shift_right_logical3A_464 : i32 to vector<16xi32>
      %shift_right_logical3A_466 = arith.shrui %get3A_459, %shift_right_logical3A_465 : vector<16xi32>
      %and3A_467 = arith.constant 127 : i32
      %and3A_468 = vector.broadcast %and3A_467 : i32 to vector<16xi32>
      %and3A_469 = arith.andi %get3A_459, %and3A_468 : vector<16xi32>
      %convert_element_type3A_470 = arith.sitofp %unique3A_463 : vector<16xi32> to vector<16xf32>
      tpu.vector_store_idx %arg12[%shift_right_logical3A_466, %and3A_469], %convert_element_type3A_470 masked %unique3A_462 {add = true} : memref<80x128xf32, #tpu.memory_space<vmem>>[vector<16xi32>, vector<16xi32>], vector<16xf32>, vector<16xi1>
      %get3A_471 = arith.constant 2 : i32
      %get3A_472 = arith.index_cast %get3A_471 : i32 to index
      %get3A_473 = arith.constant 32 : index
      %get3A_474 = tpu.vector_load %arg10[%get3A_472, %get3A_473] {strides = array<i32>} : memref<20x128xi32, #tpu.memory_space<vmem>>, vector<16xi32>,
      %broadcast_in_dim3A_475 = arith.constant true
      %broadcast_in_dim3A_476 = vector.broadcast %broadcast_in_dim3A_475 : i1 to vector<16xi1>
      %unique3A_477, %unique3A_478 = tpu.scan_count mask(%broadcast_in_dim3A_476 : vector<16xi1>) value(%get3A_474 : vector<16xi32>) : vector<16xi1>, vector<16xi32>
      %shift_right_logical3A_479 = arith.constant 7 : i32
      %shift_right_logical3A_480 = vector.broadcast %shift_right_logical3A_479 : i32 to vector<16xi32>
      %shift_right_logical3A_481 = arith.shrui %get3A_474, %shift_right_logical3A_480 : vector<16xi32>
      %and3A_482 = arith.constant 127 : i32
      %and3A_483 = vector.broadcast %and3A_482 : i32 to vector<16xi32>
      %and3A_484 = arith.andi %get3A_474, %and3A_483 : vector<16xi32>
      %convert_element_type3A_485 = arith.sitofp %unique3A_478 : vector<16xi32> to vector<16xf32>
      tpu.vector_store_idx %arg12[%shift_right_logical3A_481, %and3A_484], %convert_element_type3A_485 masked %unique3A_477 {add = true} : memref<80x128xf32, #tpu.memory_space<vmem>>[vector<16xi32>, vector<16xi32>], vector<16xf32>, vector<16xi1>
      %get3A_486 = arith.constant 2 : i32
      %get3A_487 = arith.index_cast %get3A_486 : i32 to index
      %get3A_488 = arith.constant 48 : index
      %get3A_489 = tpu.vector_load %arg10[%get3A_487, %get3A_488] {strides = array<i32>} : memref<20x128xi32, #tpu.memory_space<vmem>>, vector<16xi32>,
      %broadcast_in_dim3A_490 = arith.constant true
      %broadcast_in_dim3A_491 = vector.broadcast %broadcast_in_dim3A_490 : i1 to vector<16xi1>
      %unique3A_492, %unique3A_493 = tpu.scan_count mask(%broadcast_in_dim3A_491 : vector<16xi1>) value(%get3A_489 : vector<16xi32>) : vector<16xi1>, vector<16xi32>
      %shift_right_logical3A_494 = arith.constant 7 : i32
      %shift_right_logical3A_495 = vector.broadcast %shift_right_logical3A_494 : i32 to vector<16xi32>
      %shift_right_logical3A_496 = arith.shrui %get3A_489, %shift_right_logical3A_495 : vector<16xi32>
      %and3A_497 = arith.constant 127 : i32
      %and3A_498 = vector.broadcast %and3A_497 : i32 to vector<16xi32>
      %and3A_499 = arith.andi %get3A_489, %and3A_498 : vector<16xi32>
      %convert_element_type3A_500 = arith.sitofp %unique3A_493 : vector<16xi32> to vector<16xf32>
      tpu.vector_store_idx %arg12[%shift_right_logical3A_496, %and3A_499], %convert_element_type3A_500 masked %unique3A_492 {add = true} : memref<80x128xf32, #tpu.memory_space<vmem>>[vector<16xi32>, vector<16xi32>], vector<16xf32>, vector<16xi1>
      %get3A_501 = arith.constant 2 : i32
      %get3A_502 = arith.index_cast %get3A_501 : i32 to index
      %get3A_503 = arith.constant 64 : index
      %get3A_504 = tpu.vector_load %arg10[%get3A_502, %get3A_503] {strides = array<i32>} : memref<20x128xi32, #tpu.memory_space<vmem>>, vector<16xi32>,
      %broadcast_in_dim3A_505 = arith.constant true
      %broadcast_in_dim3A_506 = vector.broadcast %broadcast_in_dim3A_505 : i1 to vector<16xi1>
      %unique3A_507, %unique3A_508 = tpu.scan_count mask(%broadcast_in_dim3A_506 : vector<16xi1>) value(%get3A_504 : vector<16xi32>) : vector<16xi1>, vector<16xi32>
      %shift_right_logical3A_509 = arith.constant 7 : i32
      %shift_right_logical3A_510 = vector.broadcast %shift_right_logical3A_509 : i32 to vector<16xi32>
      %shift_right_logical3A_511 = arith.shrui %get3A_504, %shift_right_logical3A_510 : vector<16xi32>
      %and3A_512 = arith.constant 127 : i32
      %and3A_513 = vector.broadcast %and3A_512 : i32 to vector<16xi32>
      %and3A_514 = arith.andi %get3A_504, %and3A_513 : vector<16xi32>
      %convert_element_type3A_515 = arith.sitofp %unique3A_508 : vector<16xi32> to vector<16xf32>
      tpu.vector_store_idx %arg12[%shift_right_logical3A_511, %and3A_514], %convert_element_type3A_515 masked %unique3A_507 {add = true} : memref<80x128xf32, #tpu.memory_space<vmem>>[vector<16xi32>, vector<16xi32>], vector<16xf32>, vector<16xi1>
      %get3A_516 = arith.constant 2 : i32
      %get3A_517 = arith.index_cast %get3A_516 : i32 to index
      %get3A_518 = arith.constant 80 : index
      %get3A_519 = tpu.vector_load %arg10[%get3A_517, %get3A_518] {strides = array<i32>} : memref<20x128xi32, #tpu.memory_space<vmem>>, vector<16xi32>,
      %broadcast_in_dim3A_520 = arith.constant true
      %broadcast_in_dim3A_521 = vector.broadcast %broadcast_in_dim3A_520 : i1 to vector<16xi1>
      %unique3A_522, %unique3A_523 = tpu.scan_count mask(%broadcast_in_dim3A_521 : vector<16xi1>) value(%get3A_519 : vector<16xi32>) : vector<16xi1>, vector<16xi32>
      %shift_right_logical3A_524 = arith.constant 7 : i32
      %shift_right_logical3A_525 = vector.broadcast %shift_right_logical3A_524 : i32 to vector<16xi32>
      %shift_right_logical3A_526 = arith.shrui %get3A_519, %shift_right_logical3A_525 : vector<16xi32>
      %and3A_527 = arith.constant 127 : i32
      %and3A_528 = vector.broadcast %and3A_527 : i32 to vector<16xi32>
      %and3A_529 = arith.andi %get3A_519, %and3A_528 : vector<16xi32>
      %convert_element_type3A_530 = arith.sitofp %unique3A_523 : vector<16xi32> to vector<16xf32>
      tpu.vector_store_idx %arg12[%shift_right_logical3A_526, %and3A_529], %convert_element_type3A_530 masked %unique3A_522 {add = true} : memref<80x128xf32, #tpu.memory_space<vmem>>[vector<16xi32>, vector<16xi32>], vector<16xf32>, vector<16xi1>
      %get3A_531 = arith.constant 2 : i32
      %get3A_532 = arith.index_cast %get3A_531 : i32 to index
      %get3A_533 = arith.constant 96 : index
      %get3A_534 = tpu.vector_load %arg10[%get3A_532, %get3A_533] {strides = array<i32>} : memref<20x128xi32, #tpu.memory_space<vmem>>, vector<16xi32>,
      %broadcast_in_dim3A_535 = arith.constant true
      %broadcast_in_dim3A_536 = vector.broadcast %broadcast_in_dim3A_535 : i1 to vector<16xi1>
      %unique3A_537, %unique3A_538 = tpu.scan_count mask(%broadcast_in_dim3A_536 : vector<16xi1>) value(%get3A_534 : vector<16xi32>) : vector<16xi1>, vector<16xi32>
      %shift_right_logical3A_539 = arith.constant 7 : i32
      %shift_right_logical3A_540 = vector.broadcast %shift_right_logical3A_539 : i32 to vector<16xi32>
      %shift_right_logical3A_541 = arith.shrui %get3A_534, %shift_right_logical3A_540 : vector<16xi32>
      %and3A_542 = arith.constant 127 : i32
      %and3A_543 = vector.broadcast %and3A_542 : i32 to vector<16xi32>
      %and3A_544 = arith.andi %get3A_534, %and3A_543 : vector<16xi32>
      %convert_element_type3A_545 = arith.sitofp %unique3A_538 : vector<16xi32> to vector<16xf32>
      tpu.vector_store_idx %arg12[%shift_right_logical3A_541, %and3A_544], %convert_element_type3A_545 masked %unique3A_537 {add = true} : memref<80x128xf32, #tpu.memory_space<vmem>>[vector<16xi32>, vector<16xi32>], vector<16xf32>, vector<16xi1>
      %get3A_546 = arith.constant 2 : i32
      %get3A_547 = arith.index_cast %get3A_546 : i32 to index
      %get3A_548 = arith.constant 112 : index
      %get3A_549 = tpu.vector_load %arg10[%get3A_547, %get3A_548] {strides = array<i32>} : memref<20x128xi32, #tpu.memory_space<vmem>>, vector<16xi32>,
      %broadcast_in_dim3A_550 = arith.constant true
      %broadcast_in_dim3A_551 = vector.broadcast %broadcast_in_dim3A_550 : i1 to vector<16xi1>
      %unique3A_552, %unique3A_553 = tpu.scan_count mask(%broadcast_in_dim3A_551 : vector<16xi1>) value(%get3A_549 : vector<16xi32>) : vector<16xi1>, vector<16xi32>
      %shift_right_logical3A_554 = arith.constant 7 : i32
      %shift_right_logical3A_555 = vector.broadcast %shift_right_logical3A_554 : i32 to vector<16xi32>
      %shift_right_logical3A_556 = arith.shrui %get3A_549, %shift_right_logical3A_555 : vector<16xi32>
      %and3A_557 = arith.constant 127 : i32
      %and3A_558 = vector.broadcast %and3A_557 : i32 to vector<16xi32>
      %and3A_559 = arith.andi %get3A_549, %and3A_558 : vector<16xi32>
      %convert_element_type3A_560 = arith.sitofp %unique3A_553 : vector<16xi32> to vector<16xf32>
      tpu.vector_store_idx %arg12[%shift_right_logical3A_556, %and3A_559], %convert_element_type3A_560 masked %unique3A_552 {add = true} : memref<80x128xf32, #tpu.memory_space<vmem>>[vector<16xi32>, vector<16xi32>], vector<16xf32>, vector<16xi1>
      %dma_wait3A_561 = arith.constant 0 : i32
      %dma_wait3A_562 = arith.constant 2 : i32
      %dma_wait3A_563 = arith.constant 0 : i32
      %dma_wait3A_564 = arith.constant 0 : i32
      %dma_wait3A_565 = tpu.memref_slice %arg11[%dma_wait3A_561, %dma_wait3A_563, %dma_wait3A_564] : memref<2x128x128xf32, #tpu.memory_space<vmem>> -> memref<1x128x128xf32, #tpu.memory_space<vmem>>
      %dma_wait3A_566 = tpu.memref_squeeze %dma_wait3A_565 : memref<1x128x128xf32, #tpu.memory_space<vmem>> -> memref<128x128xf32, #tpu.memory_space<vmem>>
      %dma_wait3A_567 = arith.constant 0 : i32
      %dma_wait3A_568 = tpu.memref_slice %arg10[%dma_wait3A_562, %dma_wait3A_567] : memref<20x128xi32, #tpu.memory_space<vmem>> -> memref<1x128xi32, #tpu.memory_space<vmem>>
      %dma_wait3A_569 = tpu.memref_squeeze %dma_wait3A_568 : memref<1x128xi32, #tpu.memory_space<vmem>> -> memref<128xi32, #tpu.memory_space<vmem>>
      %dma_wait3A_570 = arith.constant 0 : i32
      %dma_wait3A_571 = arith.constant 0 : i32
      %dma_wait3A_572 = tpu.memref_slice %arg14[%dma_wait3A_570, %dma_wait3A_571] : memref<10112x128xf32, #tpu.memory_space<vmem_shared>> -> memref<10112x128xf32, #tpu.memory_space<vmem_shared>>
      tpu.wait_indirect_dma semaphore(%arg19 : memref<!tpu.dma_semaphore, #tpu.memory_space<semaphore_mem>>) src(%dma_wait3A_566 : memref<128x128xf32, #tpu.memory_space<vmem>>) dst(%dma_wait3A_572 : memref<10112x128xf32, #tpu.memory_space<vmem_shared>>)
      %dma_start3A_573 = arith.constant 4 : i32
      %dma_start3A_574 = arith.constant 0 : i32
      %dma_start3A_575 = arith.constant 0 : i32
      %dma_start3A_576 = arith.constant 0 : i32
      %dma_start3A_577 = tpu.memref_slice %arg11[%dma_start3A_574, %dma_start3A_575, %dma_start3A_576] : memref<2x128x128xf32, #tpu.memory_space<vmem>> -> memref<1x128x128xf32, #tpu.memory_space<vmem>>
      %dma_start3A_578 = tpu.memref_squeeze %dma_start3A_577 : memref<1x128x128xf32, #tpu.memory_space<vmem>> -> memref<128x128xf32, #tpu.memory_space<vmem>>
      %dma_start3A_579 = arith.constant 0 : i32
      %dma_start3A_580 = tpu.memref_slice %arg9[%dma_start3A_573, %dma_start3A_579] : memref<20x128xi32, #tpu.memory_space<vmem>> -> memref<1x128xi32, #tpu.memory_space<vmem>>
      %dma_start3A_581 = tpu.memref_squeeze %dma_start3A_580 : memref<1x128xi32, #tpu.memory_space<vmem>> -> memref<128xi32, #tpu.memory_space<vmem>>
      %dma_start3A_582 = arith.constant 0 : i32
      %dma_start3A_583 = arith.constant 0 : i32
      %dma_start3A_584 = tpu.memref_slice %arg2[%dma_start3A_582, %dma_start3A_583] : memref<10000x128xf32, #tpu.memory_space<hbm>> -> memref<10000x128xf32, #tpu.memory_space<hbm>>
      tpu.enqueue_indirect_dma source(%dma_start3A_584 : memref<10000x128xf32, #tpu.memory_space<hbm>>) target(%dma_start3A_578 : memref<128x128xf32, #tpu.memory_space<vmem>>) offsets(%dma_start3A_581 : memref<128xi32, #tpu.memory_space<vmem>>) semaphore(%arg16 : memref<!tpu.dma_semaphore, #tpu.memory_space<semaphore_mem>>)
      %dma_wait3A_585 = arith.constant 3 : i32
      %dma_wait3A_586 = arith.constant 1 : i32
      %dma_wait3A_587 = arith.constant 0 : i32
      %dma_wait3A_588 = arith.constant 0 : i32
      %dma_wait3A_589 = tpu.memref_slice %arg11[%dma_wait3A_586, %dma_wait3A_587, %dma_wait3A_588] : memref<2x128x128xf32, #tpu.memory_space<vmem>> -> memref<1x128x128xf32, #tpu.memory_space<vmem>>
      %dma_wait3A_590 = tpu.memref_squeeze %dma_wait3A_589 : memref<1x128x128xf32, #tpu.memory_space<vmem>> -> memref<128x128xf32, #tpu.memory_space<vmem>>
      %dma_wait3A_591 = arith.constant 0 : i32
      %dma_wait3A_592 = tpu.memref_slice %arg9[%dma_wait3A_585, %dma_wait3A_591] : memref<20x128xi32, #tpu.memory_space<vmem>> -> memref<1x128xi32, #tpu.memory_space<vmem>>
      %dma_wait3A_593 = tpu.memref_squeeze %dma_wait3A_592 : memref<1x128xi32, #tpu.memory_space<vmem>> -> memref<128xi32, #tpu.memory_space<vmem>>
      %dma_wait3A_594 = arith.constant 0 : i32
      %dma_wait3A_595 = arith.constant 0 : i32
      %dma_wait3A_596 = tpu.memref_slice %arg2[%dma_wait3A_594, %dma_wait3A_595] : memref<10000x128xf32, #tpu.memory_space<hbm>> -> memref<10000x128xf32, #tpu.memory_space<hbm>>
      tpu.wait_indirect_dma semaphore(%arg17 : memref<!tpu.dma_semaphore, #tpu.memory_space<semaphore_mem>>) src(%dma_wait3A_596 : memref<10000x128xf32, #tpu.memory_space<hbm>>) dst(%dma_wait3A_590 : memref<128x128xf32, #tpu.memory_space<vmem>>)
      %dma_start3A_597 = arith.constant 1 : i32
      %dma_start3A_598 = arith.constant 3 : i32
      %dma_start3A_599 = arith.constant 0 : i32
      %dma_start3A_600 = arith.constant 0 : i32
      %dma_start3A_601 = tpu.memref_slice %arg11[%dma_start3A_597, %dma_start3A_599, %dma_start3A_600] : memref<2x128x128xf32, #tpu.memory_space<vmem>> -> memref<1x128x128xf32, #tpu.memory_space<vmem>>
      %dma_start3A_602 = tpu.memref_squeeze %dma_start3A_601 : memref<1x128x128xf32, #tpu.memory_space<vmem>> -> memref<128x128xf32, #tpu.memory_space<vmem>>
      %dma_start3A_603 = arith.constant 0 : i32
      %dma_start3A_604 = tpu.memref_slice %arg10[%dma_start3A_598, %dma_start3A_603] : memref<20x128xi32, #tpu.memory_space<vmem>> -> memref<1x128xi32, #tpu.memory_space<vmem>>
      %dma_start3A_605 = tpu.memref_squeeze %dma_start3A_604 : memref<1x128xi32, #tpu.memory_space<vmem>> -> memref<128xi32, #tpu.memory_space<vmem>>
      %dma_start3A_606 = arith.constant 0 : i32
      %dma_start3A_607 = arith.constant 0 : i32
      %dma_start3A_608 = tpu.memref_slice %arg14[%dma_start3A_606, %dma_start3A_607] : memref<10112x128xf32, #tpu.memory_space<vmem_shared>> -> memref<10112x128xf32, #tpu.memory_space<vmem_shared>>
      tpu.enqueue_indirect_dma source(%dma_start3A_602 : memref<128x128xf32, #tpu.memory_space<vmem>>) target(%dma_start3A_608 : memref<10112x128xf32, #tpu.memory_space<vmem_shared>>) offsets(%dma_start3A_605 : memref<128xi32, #tpu.memory_space<vmem>>) semaphore(%arg20 : memref<!tpu.dma_semaphore, #tpu.memory_space<semaphore_mem>>) {add = true}
      %get3A_609 = arith.constant 3 : i32
      %get3A_610 = arith.index_cast %get3A_609 : i32 to index
      %get3A_611 = arith.constant 0 : index
      %get3A_612 = tpu.vector_load %arg10[%get3A_610, %get3A_611] {strides = array<i32>} : memref<20x128xi32, #tpu.memory_space<vmem>>, vector<16xi32>,
      %broadcast_in_dim3A_613 = arith.constant true
      %broadcast_in_dim3A_614 = vector.broadcast %broadcast_in_dim3A_613 : i1 to vector<16xi1>
      %unique3A_615, %unique3A_616 = tpu.scan_count mask(%broadcast_in_dim3A_614 : vector<16xi1>) value(%get3A_612 : vector<16xi32>) : vector<16xi1>, vector<16xi32>
      %shift_right_logical3A_617 = arith.constant 7 : i32
      %shift_right_logical3A_618 = vector.broadcast %shift_right_logical3A_617 : i32 to vector<16xi32>
      %shift_right_logical3A_619 = arith.shrui %get3A_612, %shift_right_logical3A_618 : vector<16xi32>
      %and3A_620 = arith.constant 127 : i32
      %and3A_621 = vector.broadcast %and3A_620 : i32 to vector<16xi32>
      %and3A_622 = arith.andi %get3A_612, %and3A_621 : vector<16xi32>
      %convert_element_type3A_623 = arith.sitofp %unique3A_616 : vector<16xi32> to vector<16xf32>
      tpu.vector_store_idx %arg12[%shift_right_logical3A_619, %and3A_622], %convert_element_type3A_623 masked %unique3A_615 {add = true} : memref<80x128xf32, #tpu.memory_space<vmem>>[vector<16xi32>, vector<16xi32>], vector<16xf32>, vector<16xi1>
      %get3A_624 = arith.constant 3 : i32
      %get3A_625 = arith.index_cast %get3A_624 : i32 to index
      %get3A_626 = arith.constant 16 : index
      %get3A_627 = tpu.vector_load %arg10[%get3A_625, %get3A_626] {strides = array<i32>} : memref<20x128xi32, #tpu.memory_space<vmem>>, vector<16xi32>,
      %broadcast_in_dim3A_628 = arith.constant true
      %broadcast_in_dim3A_629 = vector.broadcast %broadcast_in_dim3A_628 : i1 to vector<16xi1>
      %unique3A_630, %unique3A_631 = tpu.scan_count mask(%broadcast_in_dim3A_629 : vector<16xi1>) value(%get3A_627 : vector<16xi32>) : vector<16xi1>, vector<16xi32>
      %shift_right_logical3A_632 = arith.constant 7 : i32
      %shift_right_logical3A_633 = vector.broadcast %shift_right_logical3A_632 : i32 to vector<16xi32>
      %shift_right_logical3A_634 = arith.shrui %get3A_627, %shift_right_logical3A_633 : vector<16xi32>
      %and3A_635 = arith.constant 127 : i32
      %and3A_636 = vector.broadcast %and3A_635 : i32 to vector<16xi32>
      %and3A_637 = arith.andi %get3A_627, %and3A_636 : vector<16xi32>
      %convert_element_type3A_638 = arith.sitofp %unique3A_631 : vector<16xi32> to vector<16xf32>
      tpu.vector_store_idx %arg12[%shift_right_logical3A_634, %and3A_637], %convert_element_type3A_638 masked %unique3A_630 {add = true} : memref<80x128xf32, #tpu.memory_space<vmem>>[vector<16xi32>, vector<16xi32>], vector<16xf32>, vector<16xi1>
      %get3A_639 = arith.constant 3 : i32
      %get3A_640 = arith.index_cast %get3A_639 : i32 to index
      %get3A_641 = arith.constant 32 : index
      %get3A_642 = tpu.vector_load %arg10[%get3A_640, %get3A_641] {strides = array<i32>} : memref<20x128xi32, #tpu.memory_space<vmem>>, vector<16xi32>,
      %broadcast_in_dim3A_643 = arith.constant true
      %broadcast_in_dim3A_644 = vector.broadcast %broadcast_in_dim3A_643 : i1 to vector<16xi1>
      %unique3A_645, %unique3A_646 = tpu.scan_count mask(%broadcast_in_dim3A_644 : vector<16xi1>) value(%get3A_642 : vector<16xi32>) : vector<16xi1>, vector<16xi32>
      %shift_right_logical3A_647 = arith.constant 7 : i32
      %shift_right_logical3A_648 = vector.broadcast %shift_right_logical3A_647 : i32 to vector<16xi32>
      %shift_right_logical3A_649 = arith.shrui %get3A_642, %shift_right_logical3A_648 : vector<16xi32>
      %and3A_650 = arith.constant 127 : i32
      %and3A_651 = vector.broadcast %and3A_650 : i32 to vector<16xi32>
      %and3A_652 = arith.andi %get3A_642, %and3A_651 : vector<16xi32>
      %convert_element_type3A_653 = arith.sitofp %unique3A_646 : vector<16xi32> to vector<16xf32>
      tpu.vector_store_idx %arg12[%shift_right_logical3A_649, %and3A_652], %convert_element_type3A_653 masked %unique3A_645 {add = true} : memref<80x128xf32, #tpu.memory_space<vmem>>[vector<16xi32>, vector<16xi32>], vector<16xf32>, vector<16xi1>
      %get3A_654 = arith.constant 3 : i32
      %get3A_655 = arith.index_cast %get3A_654 : i32 to index
      %get3A_656 = arith.constant 48 : index
      %get3A_657 = tpu.vector_load %arg10[%get3A_655, %get3A_656] {strides = array<i32>} : memref<20x128xi32, #tpu.memory_space<vmem>>, vector<16xi32>,
      %broadcast_in_dim3A_658 = arith.constant true
      %broadcast_in_dim3A_659 = vector.broadcast %broadcast_in_dim3A_658 : i1 to vector<16xi1>
      %unique3A_660, %unique3A_661 = tpu.scan_count mask(%broadcast_in_dim3A_659 : vector<16xi1>) value(%get3A_657 : vector<16xi32>) : vector<16xi1>, vector<16xi32>
      %shift_right_logical3A_662 = arith.constant 7 : i32
      %shift_right_logical3A_663 = vector.broadcast %shift_right_logical3A_662 : i32 to vector<16xi32>
      %shift_right_logical3A_664 = arith.shrui %get3A_657, %shift_right_logical3A_663 : vector<16xi32>
      %and3A_665 = arith.constant 127 : i32
      %and3A_666 = vector.broadcast %and3A_665 : i32 to vector<16xi32>
      %and3A_667 = arith.andi %get3A_657, %and3A_666 : vector<16xi32>
      %convert_element_type3A_668 = arith.sitofp %unique3A_661 : vector<16xi32> to vector<16xf32>
      tpu.vector_store_idx %arg12[%shift_right_logical3A_664, %and3A_667], %convert_element_type3A_668 masked %unique3A_660 {add = true} : memref<80x128xf32, #tpu.memory_space<vmem>>[vector<16xi32>, vector<16xi32>], vector<16xf32>, vector<16xi1>
      %get3A_669 = arith.constant 3 : i32
      %get3A_670 = arith.index_cast %get3A_669 : i32 to index
      %get3A_671 = arith.constant 64 : index
      %get3A_672 = tpu.vector_load %arg10[%get3A_670, %get3A_671] {strides = array<i32>} : memref<20x128xi32, #tpu.memory_space<vmem>>, vector<16xi32>,
      %broadcast_in_dim3A_673 = arith.constant true
      %broadcast_in_dim3A_674 = vector.broadcast %broadcast_in_dim3A_673 : i1 to vector<16xi1>
      %unique3A_675, %unique3A_676 = tpu.scan_count mask(%broadcast_in_dim3A_674 : vector<16xi1>) value(%get3A_672 : vector<16xi32>) : vector<16xi1>, vector<16xi32>
      %shift_right_logical3A_677 = arith.constant 7 : i32
      %shift_right_logical3A_678 = vector.broadcast %shift_right_logical3A_677 : i32 to vector<16xi32>
      %shift_right_logical3A_679 = arith.shrui %get3A_672, %shift_right_logical3A_678 : vector<16xi32>
      %and3A_680 = arith.constant 127 : i32
      %and3A_681 = vector.broadcast %and3A_680 : i32 to vector<16xi32>
      %and3A_682 = arith.andi %get3A_672, %and3A_681 : vector<16xi32>
      %convert_element_type3A_683 = arith.sitofp %unique3A_676 : vector<16xi32> to vector<16xf32>
      tpu.vector_store_idx %arg12[%shift_right_logical3A_679, %and3A_682], %convert_element_type3A_683 masked %unique3A_675 {add = true} : memref<80x128xf32, #tpu.memory_space<vmem>>[vector<16xi32>, vector<16xi32>], vector<16xf32>, vector<16xi1>
      %get3A_684 = arith.constant 3 : i32
      %get3A_685 = arith.index_cast %get3A_684 : i32 to index
      %get3A_686 = arith.constant 80 : index
      %get3A_687 = tpu.vector_load %arg10[%get3A_685, %get3A_686] {strides = array<i32>} : memref<20x128xi32, #tpu.memory_space<vmem>>, vector<16xi32>,
      %broadcast_in_dim3A_688 = arith.constant true
      %broadcast_in_dim3A_689 = vector.broadcast %broadcast_in_dim3A_688 : i1 to vector<16xi1>
      %unique3A_690, %unique3A_691 = tpu.scan_count mask(%broadcast_in_dim3A_689 : vector<16xi1>) value(%get3A_687 : vector<16xi32>) : vector<16xi1>, vector<16xi32>
      %shift_right_logical3A_692 = arith.constant 7 : i32
      %shift_right_logical3A_693 = vector.broadcast %shift_right_logical3A_692 : i32 to vector<16xi32>
      %shift_right_logical3A_694 = arith.shrui %get3A_687, %shift_right_logical3A_693 : vector<16xi32>
      %and3A_695 = arith.constant 127 : i32
      %and3A_696 = vector.broadcast %and3A_695 : i32 to vector<16xi32>
      %and3A_697 = arith.andi %get3A_687, %and3A_696 : vector<16xi32>
      %convert_element_type3A_698 = arith.sitofp %unique3A_691 : vector<16xi32> to vector<16xf32>
      tpu.vector_store_idx %arg12[%shift_right_logical3A_694, %and3A_697], %convert_element_type3A_698 masked %unique3A_690 {add = true} : memref<80x128xf32, #tpu.memory_space<vmem>>[vector<16xi32>, vector<16xi32>], vector<16xf32>, vector<16xi1>
      %get3A_699 = arith.constant 3 : i32
      %get3A_700 = arith.index_cast %get3A_699 : i32 to index
      %get3A_701 = arith.constant 96 : index
      %get3A_702 = tpu.vector_load %arg10[%get3A_700, %get3A_701] {strides = array<i32>} : memref<20x128xi32, #tpu.memory_space<vmem>>, vector<16xi32>,
      %broadcast_in_dim3A_703 = arith.constant true
      %broadcast_in_dim3A_704 = vector.broadcast %broadcast_in_dim3A_703 : i1 to vector<16xi1>
      %unique3A_705, %unique3A_706 = tpu.scan_count mask(%broadcast_in_dim3A_704 : vector<16xi1>) value(%get3A_702 : vector<16xi32>) : vector<16xi1>, vector<16xi32>
      %shift_right_logical3A_707 = arith.constant 7 : i32
      %shift_right_logical3A_708 = vector.broadcast %shift_right_logical3A_707 : i32 to vector<16xi32>
      %shift_right_logical3A_709 = arith.shrui %get3A_702, %shift_right_logical3A_708 : vector<16xi32>
      %and3A_710 = arith.constant 127 : i32
      %and3A_711 = vector.broadcast %and3A_710 : i32 to vector<16xi32>
      %and3A_712 = arith.andi %get3A_702, %and3A_711 : vector<16xi32>
      %convert_element_type3A_713 = arith.sitofp %unique3A_706 : vector<16xi32> to vector<16xf32>
      tpu.vector_store_idx %arg12[%shift_right_logical3A_709, %and3A_712], %convert_element_type3A_713 masked %unique3A_705 {add = true} : memref<80x128xf32, #tpu.memory_space<vmem>>[vector<16xi32>, vector<16xi32>], vector<16xf32>, vector<16xi1>
      %get3A_714 = arith.constant 3 : i32
      %get3A_715 = arith.index_cast %get3A_714 : i32 to index
      %get3A_716 = arith.constant 112 : index
      %get3A_717 = tpu.vector_load %arg10[%get3A_715, %get3A_716] {strides = array<i32>} : memref<20x128xi32, #tpu.memory_space<vmem>>, vector<16xi32>,
      %broadcast_in_dim3A_718 = arith.constant true
      %broadcast_in_dim3A_719 = vector.broadcast %broadcast_in_dim3A_718 : i1 to vector<16xi1>
      %unique3A_720, %unique3A_721 = tpu.scan_count mask(%broadcast_in_dim3A_719 : vector<16xi1>) value(%get3A_717 : vector<16xi32>) : vector<16xi1>, vector<16xi32>
      %shift_right_logical3A_722 = arith.constant 7 : i32
      %shift_right_logical3A_723 = vector.broadcast %shift_right_logical3A_722 : i32 to vector<16xi32>
      %shift_right_logical3A_724 = arith.shrui %get3A_717, %shift_right_logical3A_723 : vector<16xi32>
      %and3A_725 = arith.constant 127 : i32
      %and3A_726 = vector.broadcast %and3A_725 : i32 to vector<16xi32>
      %and3A_727 = arith.andi %get3A_717, %and3A_726 : vector<16xi32>
      %convert_element_type3A_728 = arith.sitofp %unique3A_721 : vector<16xi32> to vector<16xf32>
      tpu.vector_store_idx %arg12[%shift_right_logical3A_724, %and3A_727], %convert_element_type3A_728 masked %unique3A_720 {add = true} : memref<80x128xf32, #tpu.memory_space<vmem>>[vector<16xi32>, vector<16xi32>], vector<16xf32>, vector<16xi1>
      %dma_wait3A_729 = arith.constant 1 : i32
      %dma_wait3A_730 = arith.constant 3 : i32
      %dma_wait3A_731 = arith.constant 0 : i32
      %dma_wait3A_732 = arith.constant 0 : i32
      %dma_wait3A_733 = tpu.memref_slice %arg11[%dma_wait3A_729, %dma_wait3A_731, %dma_wait3A_732] : memref<2x128x128xf32, #tpu.memory_space<vmem>> -> memref<1x128x128xf32, #tpu.memory_space<vmem>>
      %dma_wait3A_734 = tpu.memref_squeeze %dma_wait3A_733 : memref<1x128x128xf32, #tpu.memory_space<vmem>> -> memref<128x128xf32, #tpu.memory_space<vmem>>
      %dma_wait3A_735 = arith.constant 0 : i32
      %dma_wait3A_736 = tpu.memref_slice %arg10[%dma_wait3A_730, %dma_wait3A_735] : memref<20x128xi32, #tpu.memory_space<vmem>> -> memref<1x128xi32, #tpu.memory_space<vmem>>
      %dma_wait3A_737 = tpu.memref_squeeze %dma_wait3A_736 : memref<1x128xi32, #tpu.memory_space<vmem>> -> memref<128xi32, #tpu.memory_space<vmem>>
      %dma_wait3A_738 = arith.constant 0 : i32
      %dma_wait3A_739 = arith.constant 0 : i32
      %dma_wait3A_740 = tpu.memref_slice %arg14[%dma_wait3A_738, %dma_wait3A_739] : memref<10112x128xf32, #tpu.memory_space<vmem_shared>> -> memref<10112x128xf32, #tpu.memory_space<vmem_shared>>
      tpu.wait_indirect_dma semaphore(%arg20 : memref<!tpu.dma_semaphore, #tpu.memory_space<semaphore_mem>>) src(%dma_wait3A_734 : memref<128x128xf32, #tpu.memory_space<vmem>>) dst(%dma_wait3A_740 : memref<10112x128xf32, #tpu.memory_space<vmem_shared>>)
      %dma_start3A_741 = arith.constant 5 : i32
      %dma_start3A_742 = arith.constant 1 : i32
      %dma_start3A_743 = arith.constant 0 : i32
      %dma_start3A_744 = arith.constant 0 : i32
      %dma_start3A_745 = tpu.memref_slice %arg11[%dma_start3A_742, %dma_start3A_743, %dma_start3A_744] : memref<2x128x128xf32, #tpu.memory_space<vmem>> -> memref<1x128x128xf32, #tpu.memory_space<vmem>>
      %dma_start3A_746 = tpu.memref_squeeze %dma_start3A_745 : memref<1x128x128xf32, #tpu.memory_space<vmem>> -> memref<128x128xf32, #tpu.memory_space<vmem>>
      %dma_start3A_747 = arith.constant 0 : i32
      %dma_start3A_748 = tpu.memref_slice %arg9[%dma_start3A_741, %dma_start3A_747] : memref<20x128xi32, #tpu.memory_space<vmem>> -> memref<1x128xi32, #tpu.memory_space<vmem>>
      %dma_start3A_749 = tpu.memref_squeeze %dma_start3A_748 : memref<1x128xi32, #tpu.memory_space<vmem>> -> memref<128xi32, #tpu.memory_space<vmem>>
      %dma_start3A_750 = arith.constant 0 : i32
      %dma_start3A_751 = arith.constant 0 : i32
      %dma_start3A_752 = tpu.memref_slice %arg2[%dma_start3A_750, %dma_start3A_751] : memref<10000x128xf32, #tpu.memory_space<hbm>> -> memref<10000x128xf32, #tpu.memory_space<hbm>>
      tpu.enqueue_indirect_dma source(%dma_start3A_752 : memref<10000x128xf32, #tpu.memory_space<hbm>>) target(%dma_start3A_746 : memref<128x128xf32, #tpu.memory_space<vmem>>) offsets(%dma_start3A_749 : memref<128xi32, #tpu.memory_space<vmem>>) semaphore(%arg17 : memref<!tpu.dma_semaphore, #tpu.memory_space<semaphore_mem>>)
      %dma_wait3A_753 = arith.constant 4 : i32
      %dma_wait3A_754 = arith.constant 0 : i32
      %dma_wait3A_755 = arith.constant 0 : i32
      %dma_wait3A_756 = arith.constant 0 : i32
      %dma_wait3A_757 = tpu.memref_slice %arg11[%dma_wait3A_754, %dma_wait3A_755, %dma_wait3A_756] : memref<2x128x128xf32, #tpu.memory_space<vmem>> -> memref<1x128x128xf32, #tpu.memory_space<vmem>>
      %dma_wait3A_758 = tpu.memref_squeeze %dma_wait3A_757 : memref<1x128x128xf32, #tpu.memory_space<vmem>> -> memref<128x128xf32, #tpu.memory_space<vmem>>
      %dma_wait3A_759 = arith.constant 0 : i32
      %dma_wait3A_760 = tpu.memref_slice %arg9[%dma_wait3A_753, %dma_wait3A_759] : memref<20x128xi32, #tpu.memory_space<vmem>> -> memref<1x128xi32, #tpu.memory_space<vmem>>
      %dma_wait3A_761 = tpu.memref_squeeze %dma_wait3A_760 : memref<1x128xi32, #tpu.memory_space<vmem>> -> memref<128xi32, #tpu.memory_space<vmem>>
      %dma_wait3A_762 = arith.constant 0 : i32
      %dma_wait3A_763 = arith.constant 0 : i32
      %dma_wait3A_764 = tpu.memref_slice %arg2[%dma_wait3A_762, %dma_wait3A_763] : memref<10000x128xf32, #tpu.memory_space<hbm>> -> memref<10000x128xf32, #tpu.memory_space<hbm>>
      tpu.wait_indirect_dma semaphore(%arg16 : memref<!tpu.dma_semaphore, #tpu.memory_space<semaphore_mem>>) src(%dma_wait3A_764 : memref<10000x128xf32, #tpu.memory_space<hbm>>) dst(%dma_wait3A_758 : memref<128x128xf32, #tpu.memory_space<vmem>>)
      %dma_start3A_765 = arith.constant 0 : i32
      %dma_start3A_766 = arith.constant 4 : i32
      %dma_start3A_767 = arith.constant 0 : i32
      %dma_start3A_768 = arith.constant 0 : i32
      %dma_start3A_769 = tpu.memref_slice %arg11[%dma_start3A_765, %dma_start3A_767, %dma_start3A_768] : memref<2x128x128xf32, #tpu.memory_space<vmem>> -> memref<1x128x128xf32, #tpu.memory_space<vmem>>
      %dma_start3A_770 = tpu.memref_squeeze %dma_start3A_769 : memref<1x128x128xf32, #tpu.memory_space<vmem>> -> memref<128x128xf32, #tpu.memory_space<vmem>>
      %dma_start3A_771 = arith.constant 0 : i32
      %dma_start3A_772 = tpu.memref_slice %arg10[%dma_start3A_766, %dma_start3A_771] : memref<20x128xi32, #tpu.memory_space<vmem>> -> memref<1x128xi32, #tpu.memory_space<vmem>>
      %dma_start3A_773 = tpu.memref_squeeze %dma_start3A_772 : memref<1x128xi32, #tpu.memory_space<vmem>> -> memref<128xi32, #tpu.memory_space<vmem>>
      %dma_start3A_774 = arith.constant 0 : i32
      %dma_start3A_775 = arith.constant 0 : i32
      %dma_start3A_776 = tpu.memref_slice %arg14[%dma_start3A_774, %dma_start3A_775] : memref<10112x128xf32, #tpu.memory_space<vmem_shared>> -> memref<10112x128xf32, #tpu.memory_space<vmem_shared>>
      tpu.enqueue_indirect_dma source(%dma_start3A_770 : memref<128x128xf32, #tpu.memory_space<vmem>>) target(%dma_start3A_776 : memref<10112x128xf32, #tpu.memory_space<vmem_shared>>) offsets(%dma_start3A_773 : memref<128xi32, #tpu.memory_space<vmem>>) semaphore(%arg19 : memref<!tpu.dma_semaphore, #tpu.memory_space<semaphore_mem>>) {add = true}
      %get3A_777 = arith.constant 4 : i32
      %get3A_778 = arith.index_cast %get3A_777 : i32 to index
      %get3A_779 = arith.constant 0 : index
      %get3A_780 = tpu.vector_load %arg10[%get3A_778, %get3A_779] {strides = array<i32>} : memref<20x128xi32, #tpu.memory_space<vmem>>, vector<16xi32>,
      %broadcast_in_dim3A_781 = arith.constant true
      %broadcast_in_dim3A_782 = vector.broadcast %broadcast_in_dim3A_781 : i1 to vector<16xi1>
      %unique3A_783, %unique3A_784 = tpu.scan_count mask(%broadcast_in_dim3A_782 : vector<16xi1>) value(%get3A_780 : vector<16xi32>) : vector<16xi1>, vector<16xi32>
      %shift_right_logical3A_785 = arith.constant 7 : i32
      %shift_right_logical3A_786 = vector.broadcast %shift_right_logical3A_785 : i32 to vector<16xi32>
      %shift_right_logical3A_787 = arith.shrui %get3A_780, %shift_right_logical3A_786 : vector<16xi32>
      %and3A_788 = arith.constant 127 : i32
      %and3A_789 = vector.broadcast %and3A_788 : i32 to vector<16xi32>
      %and3A_790 = arith.andi %get3A_780, %and3A_789 : vector<16xi32>
      %convert_element_type3A_791 = arith.sitofp %unique3A_784 : vector<16xi32> to vector<16xf32>
      tpu.vector_store_idx %arg12[%shift_right_logical3A_787, %and3A_790], %convert_element_type3A_791 masked %unique3A_783 {add = true} : memref<80x128xf32, #tpu.memory_space<vmem>>[vector<16xi32>, vector<16xi32>], vector<16xf32>, vector<16xi1>
      %get3A_792 = arith.constant 4 : i32
      %get3A_793 = arith.index_cast %get3A_792 : i32 to index
      %get3A_794 = arith.constant 16 : index
      %get3A_795 = tpu.vector_load %arg10[%get3A_793, %get3A_794] {strides = array<i32>} : memref<20x128xi32, #tpu.memory_space<vmem>>, vector<16xi32>,
      %broadcast_in_dim3A_796 = arith.constant true
      %broadcast_in_dim3A_797 = vector.broadcast %broadcast_in_dim3A_796 : i1 to vector<16xi1>
      %unique3A_798, %unique3A_799 = tpu.scan_count mask(%broadcast_in_dim3A_797 : vector<16xi1>) value(%get3A_795 : vector<16xi32>) : vector<16xi1>, vector<16xi32>
      %shift_right_logical3A_800 = arith.constant 7 : i32
      %shift_right_logical3A_801 = vector.broadcast %shift_right_logical3A_800 : i32 to vector<16xi32>
      %shift_right_logical3A_802 = arith.shrui %get3A_795, %shift_right_logical3A_801 : vector<16xi32>
      %and3A_803 = arith.constant 127 : i32
      %and3A_804 = vector.broadcast %and3A_803 : i32 to vector<16xi32>
      %and3A_805 = arith.andi %get3A_795, %and3A_804 : vector<16xi32>
      %convert_element_type3A_806 = arith.sitofp %unique3A_799 : vector<16xi32> to vector<16xf32>
      tpu.vector_store_idx %arg12[%shift_right_logical3A_802, %and3A_805], %convert_element_type3A_806 masked %unique3A_798 {add = true} : memref<80x128xf32, #tpu.memory_space<vmem>>[vector<16xi32>, vector<16xi32>], vector<16xf32>, vector<16xi1>
      %get3A_807 = arith.constant 4 : i32
      %get3A_808 = arith.index_cast %get3A_807 : i32 to index
      %get3A_809 = arith.constant 32 : index
      %get3A_810 = tpu.vector_load %arg10[%get3A_808, %get3A_809] {strides = array<i32>} : memref<20x128xi32, #tpu.memory_space<vmem>>, vector<16xi32>,
      %broadcast_in_dim3A_811 = arith.constant true
      %broadcast_in_dim3A_812 = vector.broadcast %broadcast_in_dim3A_811 : i1 to vector<16xi1>
      %unique3A_813, %unique3A_814 = tpu.scan_count mask(%broadcast_in_dim3A_812 : vector<16xi1>) value(%get3A_810 : vector<16xi32>) : vector<16xi1>, vector<16xi32>
      %shift_right_logical3A_815 = arith.constant 7 : i32
      %shift_right_logical3A_816 = vector.broadcast %shift_right_logical3A_815 : i32 to vector<16xi32>
      %shift_right_logical3A_817 = arith.shrui %get3A_810, %shift_right_logical3A_816 : vector<16xi32>
      %and3A_818 = arith.constant 127 : i32
      %and3A_819 = vector.broadcast %and3A_818 : i32 to vector<16xi32>
      %and3A_820 = arith.andi %get3A_810, %and3A_819 : vector<16xi32>
      %convert_element_type3A_821 = arith.sitofp %unique3A_814 : vector<16xi32> to vector<16xf32>
      tpu.vector_store_idx %arg12[%shift_right_logical3A_817, %and3A_820], %convert_element_type3A_821 masked %unique3A_813 {add = true} : memref<80x128xf32, #tpu.memory_space<vmem>>[vector<16xi32>, vector<16xi32>], vector<16xf32>, vector<16xi1>
      %get3A_822 = arith.constant 4 : i32
      %get3A_823 = arith.index_cast %get3A_822 : i32 to index
      %get3A_824 = arith.constant 48 : index
      %get3A_825 = tpu.vector_load %arg10[%get3A_823, %get3A_824] {strides = array<i32>} : memref<20x128xi32, #tpu.memory_space<vmem>>, vector<16xi32>,
      %broadcast_in_dim3A_826 = arith.constant true
      %broadcast_in_dim3A_827 = vector.broadcast %broadcast_in_dim3A_826 : i1 to vector<16xi1>
      %unique3A_828, %unique3A_829 = tpu.scan_count mask(%broadcast_in_dim3A_827 : vector<16xi1>) value(%get3A_825 : vector<16xi32>) : vector<16xi1>, vector<16xi32>
      %shift_right_logical3A_830 = arith.constant 7 : i32
      %shift_right_logical3A_831 = vector.broadcast %shift_right_logical3A_830 : i32 to vector<16xi32>
      %shift_right_logical3A_832 = arith.shrui %get3A_825, %shift_right_logical3A_831 : vector<16xi32>
      %and3A_833 = arith.constant 127 : i32
      %and3A_834 = vector.broadcast %and3A_833 : i32 to vector<16xi32>
      %and3A_835 = arith.andi %get3A_825, %and3A_834 : vector<16xi32>
      %convert_element_type3A_836 = arith.sitofp %unique3A_829 : vector<16xi32> to vector<16xf32>
      tpu.vector_store_idx %arg12[%shift_right_logical3A_832, %and3A_835], %convert_element_type3A_836 masked %unique3A_828 {add = true} : memref<80x128xf32, #tpu.memory_space<vmem>>[vector<16xi32>, vector<16xi32>], vector<16xf32>, vector<16xi1>
      %get3A_837 = arith.constant 4 : i32
      %get3A_838 = arith.index_cast %get3A_837 : i32 to index
      %get3A_839 = arith.constant 64 : index
      %get3A_840 = tpu.vector_load %arg10[%get3A_838, %get3A_839] {strides = array<i32>} : memref<20x128xi32, #tpu.memory_space<vmem>>, vector<16xi32>,
      %broadcast_in_dim3A_841 = arith.constant true
      %broadcast_in_dim3A_842 = vector.broadcast %broadcast_in_dim3A_841 : i1 to vector<16xi1>
      %unique3A_843, %unique3A_844 = tpu.scan_count mask(%broadcast_in_dim3A_842 : vector<16xi1>) value(%get3A_840 : vector<16xi32>) : vector<16xi1>, vector<16xi32>
      %shift_right_logical3A_845 = arith.constant 7 : i32
      %shift_right_logical3A_846 = vector.broadcast %shift_right_logical3A_845 : i32 to vector<16xi32>
      %shift_right_logical3A_847 = arith.shrui %get3A_840, %shift_right_logical3A_846 : vector<16xi32>
      %and3A_848 = arith.constant 127 : i32
      %and3A_849 = vector.broadcast %and3A_848 : i32 to vector<16xi32>
      %and3A_850 = arith.andi %get3A_840, %and3A_849 : vector<16xi32>
      %convert_element_type3A_851 = arith.sitofp %unique3A_844 : vector<16xi32> to vector<16xf32>
      tpu.vector_store_idx %arg12[%shift_right_logical3A_847, %and3A_850], %convert_element_type3A_851 masked %unique3A_843 {add = true} : memref<80x128xf32, #tpu.memory_space<vmem>>[vector<16xi32>, vector<16xi32>], vector<16xf32>, vector<16xi1>
      %get3A_852 = arith.constant 4 : i32
      %get3A_853 = arith.index_cast %get3A_852 : i32 to index
      %get3A_854 = arith.constant 80 : index
      %get3A_855 = tpu.vector_load %arg10[%get3A_853, %get3A_854] {strides = array<i32>} : memref<20x128xi32, #tpu.memory_space<vmem>>, vector<16xi32>,
      %broadcast_in_dim3A_856 = arith.constant true
      %broadcast_in_dim3A_857 = vector.broadcast %broadcast_in_dim3A_856 : i1 to vector<16xi1>
      %unique3A_858, %unique3A_859 = tpu.scan_count mask(%broadcast_in_dim3A_857 : vector<16xi1>) value(%get3A_855 : vector<16xi32>) : vector<16xi1>, vector<16xi32>
      %shift_right_logical3A_860 = arith.constant 7 : i32
      %shift_right_logical3A_861 = vector.broadcast %shift_right_logical3A_860 : i32 to vector<16xi32>
      %shift_right_logical3A_862 = arith.shrui %get3A_855, %shift_right_logical3A_861 : vector<16xi32>
      %and3A_863 = arith.constant 127 : i32
      %and3A_864 = vector.broadcast %and3A_863 : i32 to vector<16xi32>
      %and3A_865 = arith.andi %get3A_855, %and3A_864 : vector<16xi32>
      %convert_element_type3A_866 = arith.sitofp %unique3A_859 : vector<16xi32> to vector<16xf32>
      tpu.vector_store_idx %arg12[%shift_right_logical3A_862, %and3A_865], %convert_element_type3A_866 masked %unique3A_858 {add = true} : memref<80x128xf32, #tpu.memory_space<vmem>>[vector<16xi32>, vector<16xi32>], vector<16xf32>, vector<16xi1>
      %get3A_867 = arith.constant 4 : i32
      %get3A_868 = arith.index_cast %get3A_867 : i32 to index
      %get3A_869 = arith.constant 96 : index
      %get3A_870 = tpu.vector_load %arg10[%get3A_868, %get3A_869] {strides = array<i32>} : memref<20x128xi32, #tpu.memory_space<vmem>>, vector<16xi32>,
      %broadcast_in_dim3A_871 = arith.constant true
      %broadcast_in_dim3A_872 = vector.broadcast %broadcast_in_dim3A_871 : i1 to vector<16xi1>
      %unique3A_873, %unique3A_874 = tpu.scan_count mask(%broadcast_in_dim3A_872 : vector<16xi1>) value(%get3A_870 : vector<16xi32>) : vector<16xi1>, vector<16xi32>
      %shift_right_logical3A_875 = arith.constant 7 : i32
      %shift_right_logical3A_876 = vector.broadcast %shift_right_logical3A_875 : i32 to vector<16xi32>
      %shift_right_logical3A_877 = arith.shrui %get3A_870, %shift_right_logical3A_876 : vector<16xi32>
      %and3A_878 = arith.constant 127 : i32
      %and3A_879 = vector.broadcast %and3A_878 : i32 to vector<16xi32>
      %and3A_880 = arith.andi %get3A_870, %and3A_879 : vector<16xi32>
      %convert_element_type3A_881 = arith.sitofp %unique3A_874 : vector<16xi32> to vector<16xf32>
      tpu.vector_store_idx %arg12[%shift_right_logical3A_877, %and3A_880], %convert_element_type3A_881 masked %unique3A_873 {add = true} : memref<80x128xf32, #tpu.memory_space<vmem>>[vector<16xi32>, vector<16xi32>], vector<16xf32>, vector<16xi1>
      %get3A_882 = arith.constant 4 : i32
      %get3A_883 = arith.index_cast %get3A_882 : i32 to index
      %get3A_884 = arith.constant 112 : index
      %get3A_885 = tpu.vector_load %arg10[%get3A_883, %get3A_884] {strides = array<i32>} : memref<20x128xi32, #tpu.memory_space<vmem>>, vector<16xi32>,
      %broadcast_in_dim3A_886 = arith.constant true
      %broadcast_in_dim3A_887 = vector.broadcast %broadcast_in_dim3A_886 : i1 to vector<16xi1>
      %unique3A_888, %unique3A_889 = tpu.scan_count mask(%broadcast_in_dim3A_887 : vector<16xi1>) value(%get3A_885 : vector<16xi32>) : vector<16xi1>, vector<16xi32>
      %shift_right_logical3A_890 = arith.constant 7 : i32
      %shift_right_logical3A_891 = vector.broadcast %shift_right_logical3A_890 : i32 to vector<16xi32>
      %shift_right_logical3A_892 = arith.shrui %get3A_885, %shift_right_logical3A_891 : vector<16xi32>
      %and3A_893 = arith.constant 127 : i32
      %and3A_894 = vector.broadcast %and3A_893 : i32 to vector<16xi32>
      %and3A_895 = arith.andi %get3A_885, %and3A_894 : vector<16xi32>
      %convert_element_type3A_896 = arith.sitofp %unique3A_889 : vector<16xi32> to vector<16xf32>
      tpu.vector_store_idx %arg12[%shift_right_logical3A_892, %and3A_895], %convert_element_type3A_896 masked %unique3A_888 {add = true} : memref<80x128xf32, #tpu.memory_space<vmem>>[vector<16xi32>, vector<16xi32>], vector<16xf32>, vector<16xi1>
      %dma_wait3A_897 = arith.constant 0 : i32
      %dma_wait3A_898 = arith.constant 4 : i32
      %dma_wait3A_899 = arith.constant 0 : i32
      %dma_wait3A_900 = arith.constant 0 : i32
      %dma_wait3A_901 = tpu.memref_slice %arg11[%dma_wait3A_897, %dma_wait3A_899, %dma_wait3A_900] : memref<2x128x128xf32, #tpu.memory_space<vmem>> -> memref<1x128x128xf32, #tpu.memory_space<vmem>>
      %dma_wait3A_902 = tpu.memref_squeeze %dma_wait3A_901 : memref<1x128x128xf32, #tpu.memory_space<vmem>> -> memref<128x128xf32, #tpu.memory_space<vmem>>
      %dma_wait3A_903 = arith.constant 0 : i32
      %dma_wait3A_904 = tpu.memref_slice %arg10[%dma_wait3A_898, %dma_wait3A_903] : memref<20x128xi32, #tpu.memory_space<vmem>> -> memref<1x128xi32, #tpu.memory_space<vmem>>
      %dma_wait3A_905 = tpu.memref_squeeze %dma_wait3A_904 : memref<1x128xi32, #tpu.memory_space<vmem>> -> memref<128xi32, #tpu.memory_space<vmem>>
      %dma_wait3A_906 = arith.constant 0 : i32
      %dma_wait3A_907 = arith.constant 0 : i32
      %dma_wait3A_908 = tpu.memref_slice %arg14[%dma_wait3A_906, %dma_wait3A_907] : memref<10112x128xf32, #tpu.memory_space<vmem_shared>> -> memref<10112x128xf32, #tpu.memory_space<vmem_shared>>
      tpu.wait_indirect_dma semaphore(%arg19 : memref<!tpu.dma_semaphore, #tpu.memory_space<semaphore_mem>>) src(%dma_wait3A_902 : memref<128x128xf32, #tpu.memory_space<vmem>>) dst(%dma_wait3A_908 : memref<10112x128xf32, #tpu.memory_space<vmem_shared>>)
      %dma_start3A_909 = arith.constant 6 : i32
      %dma_start3A_910 = arith.constant 0 : i32
      %dma_start3A_911 = arith.constant 0 : i32
      %dma_start3A_912 = arith.constant 0 : i32
      %dma_start3A_913 = tpu.memref_slice %arg11[%dma_start3A_910, %dma_start3A_911, %dma_start3A_912] : memref<2x128x128xf32, #tpu.memory_space<vmem>> -> memref<1x128x128xf32, #tpu.memory_space<vmem>>
      %dma_start3A_914 = tpu.memref_squeeze %dma_start3A_913 : memref<1x128x128xf32, #tpu.memory_space<vmem>> -> memref<128x128xf32, #tpu.memory_space<vmem>>
      %dma_start3A_915 = arith.constant 0 : i32
      %dma_start3A_916 = tpu.memref_slice %arg9[%dma_start3A_909, %dma_start3A_915] : memref<20x128xi32, #tpu.memory_space<vmem>> -> memref<1x128xi32, #tpu.memory_space<vmem>>
      %dma_start3A_917 = tpu.memref_squeeze %dma_start3A_916 : memref<1x128xi32, #tpu.memory_space<vmem>> -> memref<128xi32, #tpu.memory_space<vmem>>
      %dma_start3A_918 = arith.constant 0 : i32
      %dma_start3A_919 = arith.constant 0 : i32
      %dma_start3A_920 = tpu.memref_slice %arg2[%dma_start3A_918, %dma_start3A_919] : memref<10000x128xf32, #tpu.memory_space<hbm>> -> memref<10000x128xf32, #tpu.memory_space<hbm>>
      tpu.enqueue_indirect_dma source(%dma_start3A_920 : memref<10000x128xf32, #tpu.memory_space<hbm>>) target(%dma_start3A_914 : memref<128x128xf32, #tpu.memory_space<vmem>>) offsets(%dma_start3A_917 : memref<128xi32, #tpu.memory_space<vmem>>) semaphore(%arg16 : memref<!tpu.dma_semaphore, #tpu.memory_space<semaphore_mem>>)
      %dma_wait3A_921 = arith.constant 5 : i32
      %dma_wait3A_922 = arith.constant 1 : i32
      %dma_wait3A_923 = arith.constant 0 : i32
      %dma_wait3A_924 = arith.constant 0 : i32
      %dma_wait3A_925 = tpu.memref_slice %arg11[%dma_wait3A_922, %dma_wait3A_923, %dma_wait3A_924] : memref<2x128x128xf32, #tpu.memory_space<vmem>> -> memref<1x128x128xf32, #tpu.memory_space<vmem>>
      %dma_wait3A_926 = tpu.memref_squeeze %dma_wait3A_925 : memref<1x128x128xf32, #tpu.memory_space<vmem>> -> memref<128x128xf32, #tpu.memory_space<vmem>>
      %dma_wait3A_927 = arith.constant 0 : i32
      %dma_wait3A_928 = tpu.memref_slice %arg9[%dma_wait3A_921, %dma_wait3A_927] : memref<20x128xi32, #tpu.memory_space<vmem>> -> memref<1x128xi32, #tpu.memory_space<vmem>>
      %dma_wait3A_929 = tpu.memref_squeeze %dma_wait3A_928 : memref<1x128xi32, #tpu.memory_space<vmem>> -> memref<128xi32, #tpu.memory_space<vmem>>
      %dma_wait3A_930 = arith.constant 0 : i32
      %dma_wait3A_931 = arith.constant 0 : i32
      %dma_wait3A_932 = tpu.memref_slice %arg2[%dma_wait3A_930, %dma_wait3A_931] : memref<10000x128xf32, #tpu.memory_space<hbm>> -> memref<10000x128xf32, #tpu.memory_space<hbm>>
      tpu.wait_indirect_dma semaphore(%arg17 : memref<!tpu.dma_semaphore, #tpu.memory_space<semaphore_mem>>) src(%dma_wait3A_932 : memref<10000x128xf32, #tpu.memory_space<hbm>>) dst(%dma_wait3A_926 : memref<128x128xf32, #tpu.memory_space<vmem>>)
      %dma_start3A_933 = arith.constant 1 : i32
      %dma_start3A_934 = arith.constant 5 : i32
      %dma_start3A_935 = arith.constant 0 : i32
      %dma_start3A_936 = arith.constant 0 : i32
      %dma_start3A_937 = tpu.memref_slice %arg11[%dma_start3A_933, %dma_start3A_935, %dma_start3A_936] : memref<2x128x128xf32, #tpu.memory_space<vmem>> -> memref<1x128x128xf32, #tpu.memory_space<vmem>>
      %dma_start3A_938 = tpu.memref_squeeze %dma_start3A_937 : memref<1x128x128xf32, #tpu.memory_space<vmem>> -> memref<128x128xf32, #tpu.memory_space<vmem>>
      %dma_start3A_939 = arith.constant 0 : i32
      %dma_start3A_940 = tpu.memref_slice %arg10[%dma_start3A_934, %dma_start3A_939] : memref<20x128xi32, #tpu.memory_space<vmem>> -> memref<1x128xi32, #tpu.memory_space<vmem>>
      %dma_start3A_941 = tpu.memref_squeeze %dma_start3A_940 : memref<1x128xi32, #tpu.memory_space<vmem>> -> memref<128xi32, #tpu.memory_space<vmem>>
      %dma_start3A_942 = arith.constant 0 : i32
      %dma_start3A_943 = arith.constant 0 : i32
      %dma_start3A_944 = tpu.memref_slice %arg14[%dma_start3A_942, %dma_start3A_943] : memref<10112x128xf32, #tpu.memory_space<vmem_shared>> -> memref<10112x128xf32, #tpu.memory_space<vmem_shared>>
      tpu.enqueue_indirect_dma source(%dma_start3A_938 : memref<128x128xf32, #tpu.memory_space<vmem>>) target(%dma_start3A_944 : memref<10112x128xf32, #tpu.memory_space<vmem_shared>>) offsets(%dma_start3A_941 : memref<128xi32, #tpu.memory_space<vmem>>) semaphore(%arg20 : memref<!tpu.dma_semaphore, #tpu.memory_space<semaphore_mem>>) {add = true}
      %get3A_945 = arith.constant 5 : i32
      %get3A_946 = arith.index_cast %get3A_945 : i32 to index
      %get3A_947 = arith.constant 0 : index
      %get3A_948 = tpu.vector_load %arg10[%get3A_946, %get3A_947] {strides = array<i32>} : memref<20x128xi32, #tpu.memory_space<vmem>>, vector<16xi32>,
      %broadcast_in_dim3A_949 = arith.constant true
      %broadcast_in_dim3A_950 = vector.broadcast %broadcast_in_dim3A_949 : i1 to vector<16xi1>
      %unique3A_951, %unique3A_952 = tpu.scan_count mask(%broadcast_in_dim3A_950 : vector<16xi1>) value(%get3A_948 : vector<16xi32>) : vector<16xi1>, vector<16xi32>
      %shift_right_logical3A_953 = arith.constant 7 : i32
      %shift_right_logical3A_954 = vector.broadcast %shift_right_logical3A_953 : i32 to vector<16xi32>
      %shift_right_logical3A_955 = arith.shrui %get3A_948, %shift_right_logical3A_954 : vector<16xi32>
      %and3A_956 = arith.constant 127 : i32
      %and3A_957 = vector.broadcast %and3A_956 : i32 to vector<16xi32>
      %and3A_958 = arith.andi %get3A_948, %and3A_957 : vector<16xi32>
      %convert_element_type3A_959 = arith.sitofp %unique3A_952 : vector<16xi32> to vector<16xf32>
      tpu.vector_store_idx %arg12[%shift_right_logical3A_955, %and3A_958], %convert_element_type3A_959 masked %unique3A_951 {add = true} : memref<80x128xf32, #tpu.memory_space<vmem>>[vector<16xi32>, vector<16xi32>], vector<16xf32>, vector<16xi1>
      %get3A_960 = arith.constant 5 : i32
      %get3A_961 = arith.index_cast %get3A_960 : i32 to index
      %get3A_962 = arith.constant 16 : index
      %get3A_963 = tpu.vector_load %arg10[%get3A_961, %get3A_962] {strides = array<i32>} : memref<20x128xi32, #tpu.memory_space<vmem>>, vector<16xi32>,
      %broadcast_in_dim3A_964 = arith.constant true
      %broadcast_in_dim3A_965 = vector.broadcast %broadcast_in_dim3A_964 : i1 to vector<16xi1>
      %unique3A_966, %unique3A_967 = tpu.scan_count mask(%broadcast_in_dim3A_965 : vector<16xi1>) value(%get3A_963 : vector<16xi32>) : vector<16xi1>, vector<16xi32>
      %shift_right_logical3A_968 = arith.constant 7 : i32
      %shift_right_logical3A_969 = vector.broadcast %shift_right_logical3A_968 : i32 to vector<16xi32>
      %shift_right_logical3A_970 = arith.shrui %get3A_963, %shift_right_logical3A_969 : vector<16xi32>
      %and3A_971 = arith.constant 127 : i32
      %and3A_972 = vector.broadcast %and3A_971 : i32 to vector<16xi32>
      %and3A_973 = arith.andi %get3A_963, %and3A_972 : vector<16xi32>
      %convert_element_type3A_974 = arith.sitofp %unique3A_967 : vector<16xi32> to vector<16xf32>
      tpu.vector_store_idx %arg12[%shift_right_logical3A_970, %and3A_973], %convert_element_type3A_974 masked %unique3A_966 {add = true} : memref<80x128xf32, #tpu.memory_space<vmem>>[vector<16xi32>, vector<16xi32>], vector<16xf32>, vector<16xi1>
      %get3A_975 = arith.constant 5 : i32
      %get3A_976 = arith.index_cast %get3A_975 : i32 to index
      %get3A_977 = arith.constant 32 : index
      %get3A_978 = tpu.vector_load %arg10[%get3A_976, %get3A_977] {strides = array<i32>} : memref<20x128xi32, #tpu.memory_space<vmem>>, vector<16xi32>,
      %broadcast_in_dim3A_979 = arith.constant true
      %broadcast_in_dim3A_980 = vector.broadcast %broadcast_in_dim3A_979 : i1 to vector<16xi1>
      %unique3A_981, %unique3A_982 = tpu.scan_count mask(%broadcast_in_dim3A_980 : vector<16xi1>) value(%get3A_978 : vector<16xi32>) : vector<16xi1>, vector<16xi32>
      %shift_right_logical3A_983 = arith.constant 7 : i32
      %shift_right_logical3A_984 = vector.broadcast %shift_right_logical3A_983 : i32 to vector<16xi32>
      %shift_right_logical3A_985 = arith.shrui %get3A_978, %shift_right_logical3A_984 : vector<16xi32>
      %and3A_986 = arith.constant 127 : i32
      %and3A_987 = vector.broadcast %and3A_986 : i32 to vector<16xi32>
      %and3A_988 = arith.andi %get3A_978, %and3A_987 : vector<16xi32>
      %convert_element_type3A_989 = arith.sitofp %unique3A_982 : vector<16xi32> to vector<16xf32>
      tpu.vector_store_idx %arg12[%shift_right_logical3A_985, %and3A_988], %convert_element_type3A_989 masked %unique3A_981 {add = true} : memref<80x128xf32, #tpu.memory_space<vmem>>[vector<16xi32>, vector<16xi32>], vector<16xf32>, vector<16xi1>
      %get3A_990 = arith.constant 5 : i32
      %get3A_991 = arith.index_cast %get3A_990 : i32 to index
      %get3A_992 = arith.constant 48 : index
      %get3A_993 = tpu.vector_load %arg10[%get3A_991, %get3A_992] {strides = array<i32>} : memref<20x128xi32, #tpu.memory_space<vmem>>, vector<16xi32>,
      %broadcast_in_dim3A_994 = arith.constant true
      %broadcast_in_dim3A_995 = vector.broadcast %broadcast_in_dim3A_994 : i1 to vector<16xi1>
      %unique3A_996, %unique3A_997 = tpu.scan_count mask(%broadcast_in_dim3A_995 : vector<16xi1>) value(%get3A_993 : vector<16xi32>) : vector<16xi1>, vector<16xi32>
      %shift_right_logical3A_998 = arith.constant 7 : i32
      %shift_right_logical3A_999 = vector.broadcast %shift_right_logical3A_998 : i32 to vector<16xi32>
      %shift_right_logical3A_1000 = arith.shrui %get3A_993, %shift_right_logical3A_999 : vector<16xi32>
      %and3A_1001 = arith.constant 127 : i32
      %and3A_1002 = vector.broadcast %and3A_1001 : i32 to vector<16xi32>
      %and3A_1003 = arith.andi %get3A_993, %and3A_1002 : vector<16xi32>
      %convert_element_type3A_1004 = arith.sitofp %unique3A_997 : vector<16xi32> to vector<16xf32>
      tpu.vector_store_idx %arg12[%shift_right_logical3A_1000, %and3A_1003], %convert_element_type3A_1004 masked %unique3A_996 {add = true} : memref<80x128xf32, #tpu.memory_space<vmem>>[vector<16xi32>, vector<16xi32>], vector<16xf32>, vector<16xi1>
      %get3A_1005 = arith.constant 5 : i32
      %get3A_1006 = arith.index_cast %get3A_1005 : i32 to index
      %get3A_1007 = arith.constant 64 : index
      %get3A_1008 = tpu.vector_load %arg10[%get3A_1006, %get3A_1007] {strides = array<i32>} : memref<20x128xi32, #tpu.memory_space<vmem>>, vector<16xi32>,
      %broadcast_in_dim3A_1009 = arith.constant true
      %broadcast_in_dim3A_1010 = vector.broadcast %broadcast_in_dim3A_1009 : i1 to vector<16xi1>
      %unique3A_1011, %unique3A_1012 = tpu.scan_count mask(%broadcast_in_dim3A_1010 : vector<16xi1>) value(%get3A_1008 : vector<16xi32>) : vector<16xi1>, vector<16xi32>
      %shift_right_logical3A_1013 = arith.constant 7 : i32
      %shift_right_logical3A_1014 = vector.broadcast %shift_right_logical3A_1013 : i32 to vector<16xi32>
      %shift_right_logical3A_1015 = arith.shrui %get3A_1008, %shift_right_logical3A_1014 : vector<16xi32>
      %and3A_1016 = arith.constant 127 : i32
      %and3A_1017 = vector.broadcast %and3A_1016 : i32 to vector<16xi32>
      %and3A_1018 = arith.andi %get3A_1008, %and3A_1017 : vector<16xi32>
      %convert_element_type3A_1019 = arith.sitofp %unique3A_1012 : vector<16xi32> to vector<16xf32>
      tpu.vector_store_idx %arg12[%shift_right_logical3A_1015, %and3A_1018], %convert_element_type3A_1019 masked %unique3A_1011 {add = true} : memref<80x128xf32, #tpu.memory_space<vmem>>[vector<16xi32>, vector<16xi32>], vector<16xf32>, vector<16xi1>
      %get3A_1020 = arith.constant 5 : i32
      %get3A_1021 = arith.index_cast %get3A_1020 : i32 to index
      %get3A_1022 = arith.constant 80 : index
      %get3A_1023 = tpu.vector_load %arg10[%get3A_1021, %get3A_1022] {strides = array<i32>} : memref<20x128xi32, #tpu.memory_space<vmem>>, vector<16xi32>,
      %broadcast_in_dim3A_1024 = arith.constant true
      %broadcast_in_dim3A_1025 = vector.broadcast %broadcast_in_dim3A_1024 : i1 to vector<16xi1>
      %unique3A_1026, %unique3A_1027 = tpu.scan_count mask(%broadcast_in_dim3A_1025 : vector<16xi1>) value(%get3A_1023 : vector<16xi32>) : vector<16xi1>, vector<16xi32>
      %shift_right_logical3A_1028 = arith.constant 7 : i32
      %shift_right_logical3A_1029 = vector.broadcast %shift_right_logical3A_1028 : i32 to vector<16xi32>
      %shift_right_logical3A_1030 = arith.shrui %get3A_1023, %shift_right_logical3A_1029 : vector<16xi32>
      %and3A_1031 = arith.constant 127 : i32
      %and3A_1032 = vector.broadcast %and3A_1031 : i32 to vector<16xi32>
      %and3A_1033 = arith.andi %get3A_1023, %and3A_1032 : vector<16xi32>
      %convert_element_type3A_1034 = arith.sitofp %unique3A_1027 : vector<16xi32> to vector<16xf32>
      tpu.vector_store_idx %arg12[%shift_right_logical3A_1030, %and3A_1033], %convert_element_type3A_1034 masked %unique3A_1026 {add = true} : memref<80x128xf32, #tpu.memory_space<vmem>>[vector<16xi32>, vector<16xi32>], vector<16xf32>, vector<16xi1>
      %get3A_1035 = arith.constant 5 : i32
      %get3A_1036 = arith.index_cast %get3A_1035 : i32 to index
      %get3A_1037 = arith.constant 96 : index
      %get3A_1038 = tpu.vector_load %arg10[%get3A_1036, %get3A_1037] {strides = array<i32>} : memref<20x128xi32, #tpu.memory_space<vmem>>, vector<16xi32>,
      %broadcast_in_dim3A_1039 = arith.constant true
      %broadcast_in_dim3A_1040 = vector.broadcast %broadcast_in_dim3A_1039 : i1 to vector<16xi1>
      %unique3A_1041, %unique3A_1042 = tpu.scan_count mask(%broadcast_in_dim3A_1040 : vector<16xi1>) value(%get3A_1038 : vector<16xi32>) : vector<16xi1>, vector<16xi32>
      %shift_right_logical3A_1043 = arith.constant 7 : i32
      %shift_right_logical3A_1044 = vector.broadcast %shift_right_logical3A_1043 : i32 to vector<16xi32>
      %shift_right_logical3A_1045 = arith.shrui %get3A_1038, %shift_right_logical3A_1044 : vector<16xi32>
      %and3A_1046 = arith.constant 127 : i32
      %and3A_1047 = vector.broadcast %and3A_1046 : i32 to vector<16xi32>
      %and3A_1048 = arith.andi %get3A_1038, %and3A_1047 : vector<16xi32>
      %convert_element_type3A_1049 = arith.sitofp %unique3A_1042 : vector<16xi32> to vector<16xf32>
      tpu.vector_store_idx %arg12[%shift_right_logical3A_1045, %and3A_1048], %convert_element_type3A_1049 masked %unique3A_1041 {add = true} : memref<80x128xf32, #tpu.memory_space<vmem>>[vector<16xi32>, vector<16xi32>], vector<16xf32>, vector<16xi1>
      %get3A_1050 = arith.constant 5 : i32
      %get3A_1051 = arith.index_cast %get3A_1050 : i32 to index
      %get3A_1052 = arith.constant 112 : index
      %get3A_1053 = tpu.vector_load %arg10[%get3A_1051, %get3A_1052] {strides = array<i32>} : memref<20x128xi32, #tpu.memory_space<vmem>>, vector<16xi32>,
      %broadcast_in_dim3A_1054 = arith.constant true
      %broadcast_in_dim3A_1055 = vector.broadcast %broadcast_in_dim3A_1054 : i1 to vector<16xi1>
      %unique3A_1056, %unique3A_1057 = tpu.scan_count mask(%broadcast_in_dim3A_1055 : vector<16xi1>) value(%get3A_1053 : vector<16xi32>) : vector<16xi1>, vector<16xi32>
      %shift_right_logical3A_1058 = arith.constant 7 : i32
      %shift_right_logical3A_1059 = vector.broadcast %shift_right_logical3A_1058 : i32 to vector<16xi32>
      %shift_right_logical3A_1060 = arith.shrui %get3A_1053, %shift_right_logical3A_1059 : vector<16xi32>
      %and3A_1061 = arith.constant 127 : i32
      %and3A_1062 = vector.broadcast %and3A_1061 : i32 to vector<16xi32>
      %and3A_1063 = arith.andi %get3A_1053, %and3A_1062 : vector<16xi32>
      %convert_element_type3A_1064 = arith.sitofp %unique3A_1057 : vector<16xi32> to vector<16xf32>
      tpu.vector_store_idx %arg12[%shift_right_logical3A_1060, %and3A_1063], %convert_element_type3A_1064 masked %unique3A_1056 {add = true} : memref<80x128xf32, #tpu.memory_space<vmem>>[vector<16xi32>, vector<16xi32>], vector<16xf32>, vector<16xi1>
      %dma_wait3A_1065 = arith.constant 1 : i32
      %dma_wait3A_1066 = arith.constant 5 : i32
      %dma_wait3A_1067 = arith.constant 0 : i32
      %dma_wait3A_1068 = arith.constant 0 : i32
      %dma_wait3A_1069 = tpu.memref_slice %arg11[%dma_wait3A_1065, %dma_wait3A_1067, %dma_wait3A_1068] : memref<2x128x128xf32, #tpu.memory_space<vmem>> -> memref<1x128x128xf32, #tpu.memory_space<vmem>>
      %dma_wait3A_1070 = tpu.memref_squeeze %dma_wait3A_1069 : memref<1x128x128xf32, #tpu.memory_space<vmem>> -> memref<128x128xf32, #tpu.memory_space<vmem>>
      %dma_wait3A_1071 = arith.constant 0 : i32
      %dma_wait3A_1072 = tpu.memref_slice %arg10[%dma_wait3A_1066, %dma_wait3A_1071] : memref<20x128xi32, #tpu.memory_space<vmem>> -> memref<1x128xi32, #tpu.memory_space<vmem>>
      %dma_wait3A_1073 = tpu.memref_squeeze %dma_wait3A_1072 : memref<1x128xi32, #tpu.memory_space<vmem>> -> memref<128xi32, #tpu.memory_space<vmem>>
      %dma_wait3A_1074 = arith.constant 0 : i32
      %dma_wait3A_1075 = arith.constant 0 : i32
      %dma_wait3A_1076 = tpu.memref_slice %arg14[%dma_wait3A_1074, %dma_wait3A_1075] : memref<10112x128xf32, #tpu.memory_space<vmem_shared>> -> memref<10112x128xf32, #tpu.memory_space<vmem_shared>>
      tpu.wait_indirect_dma semaphore(%arg20 : memref<!tpu.dma_semaphore, #tpu.memory_space<semaphore_mem>>) src(%dma_wait3A_1070 : memref<128x128xf32, #tpu.memory_space<vmem>>) dst(%dma_wait3A_1076 : memref<10112x128xf32, #tpu.memory_space<vmem_shared>>)
      %dma_start3A_1077 = arith.constant 7 : i32
      %dma_start3A_1078 = arith.constant 1 : i32
      %dma_start3A_1079 = arith.constant 0 : i32
      %dma_start3A_1080 = arith.constant 0 : i32
      %dma_start3A_1081 = tpu.memref_slice %arg11[%dma_start3A_1078, %dma_start3A_1079, %dma_start3A_1080] : memref<2x128x128xf32, #tpu.memory_space<vmem>> -> memref<1x128x128xf32, #tpu.memory_space<vmem>>
      %dma_start3A_1082 = tpu.memref_squeeze %dma_start3A_1081 : memref<1x128x128xf32, #tpu.memory_space<vmem>> -> memref<128x128xf32, #tpu.memory_space<vmem>>
      %dma_start3A_1083 = arith.constant 0 : i32
      %dma_start3A_1084 = tpu.memref_slice %arg9[%dma_start3A_1077, %dma_start3A_1083] : memref<20x128xi32, #tpu.memory_space<vmem>> -> memref<1x128xi32, #tpu.memory_space<vmem>>
      %dma_start3A_1085 = tpu.memref_squeeze %dma_start3A_1084 : memref<1x128xi32, #tpu.memory_space<vmem>> -> memref<128xi32, #tpu.memory_space<vmem>>
      %dma_start3A_1086 = arith.constant 0 : i32
      %dma_start3A_1087 = arith.constant 0 : i32
      %dma_start3A_1088 = tpu.memref_slice %arg2[%dma_start3A_1086, %dma_start3A_1087] : memref<10000x128xf32, #tpu.memory_space<hbm>> -> memref<10000x128xf32, #tpu.memory_space<hbm>>
      tpu.enqueue_indirect_dma source(%dma_start3A_1088 : memref<10000x128xf32, #tpu.memory_space<hbm>>) target(%dma_start3A_1082 : memref<128x128xf32, #tpu.memory_space<vmem>>) offsets(%dma_start3A_1085 : memref<128xi32, #tpu.memory_space<vmem>>) semaphore(%arg17 : memref<!tpu.dma_semaphore, #tpu.memory_space<semaphore_mem>>)
      %dma_wait3A_1089 = arith.constant 6 : i32
      %dma_wait3A_1090 = arith.constant 0 : i32
      %dma_wait3A_1091 = arith.constant 0 : i32
      %dma_wait3A_1092 = arith.constant 0 : i32
      %dma_wait3A_1093 = tpu.memref_slice %arg11[%dma_wait3A_1090, %dma_wait3A_1091, %dma_wait3A_1092] : memref<2x128x128xf32, #tpu.memory_space<vmem>> -> memref<1x128x128xf32, #tpu.memory_space<vmem>>
      %dma_wait3A_1094 = tpu.memref_squeeze %dma_wait3A_1093 : memref<1x128x128xf32, #tpu.memory_space<vmem>> -> memref<128x128xf32, #tpu.memory_space<vmem>>
      %dma_wait3A_1095 = arith.constant 0 : i32
      %dma_wait3A_1096 = tpu.memref_slice %arg9[%dma_wait3A_1089, %dma_wait3A_1095] : memref<20x128xi32, #tpu.memory_space<vmem>> -> memref<1x128xi32, #tpu.memory_space<vmem>>
      %dma_wait3A_1097 = tpu.memref_squeeze %dma_wait3A_1096 : memref<1x128xi32, #tpu.memory_space<vmem>> -> memref<128xi32, #tpu.memory_space<vmem>>
      %dma_wait3A_1098 = arith.constant 0 : i32
      %dma_wait3A_1099 = arith.constant 0 : i32
      %dma_wait3A_1100 = tpu.memref_slice %arg2[%dma_wait3A_1098, %dma_wait3A_1099] : memref<10000x128xf32, #tpu.memory_space<hbm>> -> memref<10000x128xf32, #tpu.memory_space<hbm>>
      tpu.wait_indirect_dma semaphore(%arg16 : memref<!tpu.dma_semaphore, #tpu.memory_space<semaphore_mem>>) src(%dma_wait3A_1100 : memref<10000x128xf32, #tpu.memory_space<hbm>>) dst(%dma_wait3A_1094 : memref<128x128xf32, #tpu.memory_space<vmem>>)
      %dma_start3A_1101 = arith.constant 0 : i32
      %dma_start3A_1102 = arith.constant 6 : i32
      %dma_start3A_1103 = arith.constant 0 : i32
      %dma_start3A_1104 = arith.constant 0 : i32
      %dma_start3A_1105 = tpu.memref_slice %arg11[%dma_start3A_1101, %dma_start3A_1103, %dma_start3A_1104] : memref<2x128x128xf32, #tpu.memory_space<vmem>> -> memref<1x128x128xf32, #tpu.memory_space<vmem>>
      %dma_start3A_1106 = tpu.memref_squeeze %dma_start3A_1105 : memref<1x128x128xf32, #tpu.memory_space<vmem>> -> memref<128x128xf32, #tpu.memory_space<vmem>>
      %dma_start3A_1107 = arith.constant 0 : i32
      %dma_start3A_1108 = tpu.memref_slice %arg10[%dma_start3A_1102, %dma_start3A_1107] : memref<20x128xi32, #tpu.memory_space<vmem>> -> memref<1x128xi32, #tpu.memory_space<vmem>>
      %dma_start3A_1109 = tpu.memref_squeeze %dma_start3A_1108 : memref<1x128xi32, #tpu.memory_space<vmem>> -> memref<128xi32, #tpu.memory_space<vmem>>
      %dma_start3A_1110 = arith.constant 0 : i32
      %dma_start3A_1111 = arith.constant 0 : i32
      %dma_start3A_1112 = tpu.memref_slice %arg14[%dma_start3A_1110, %dma_start3A_1111] : memref<10112x128xf32, #tpu.memory_space<vmem_shared>> -> memref<10112x128xf32, #tpu.memory_space<vmem_shared>>
      tpu.enqueue_indirect_dma source(%dma_start3A_1106 : memref<128x128xf32, #tpu.memory_space<vmem>>) target(%dma_start3A_1112 : memref<10112x128xf32, #tpu.memory_space<vmem_shared>>) offsets(%dma_start3A_1109 : memref<128xi32, #tpu.memory_space<vmem>>) semaphore(%arg19 : memref<!tpu.dma_semaphore, #tpu.memory_space<semaphore_mem>>) {add = true}
      %get3A_1113 = arith.constant 6 : i32
      %get3A_1114 = arith.index_cast %get3A_1113 : i32 to index
      %get3A_1115 = arith.constant 0 : index
      %get3A_1116 = tpu.vector_load %arg10[%get3A_1114, %get3A_1115] {strides = array<i32>} : memref<20x128xi32, #tpu.memory_space<vmem>>, vector<16xi32>,
      %broadcast_in_dim3A_1117 = arith.constant true
      %broadcast_in_dim3A_1118 = vector.broadcast %broadcast_in_dim3A_1117 : i1 to vector<16xi1>
      %unique3A_1119, %unique3A_1120 = tpu.scan_count mask(%broadcast_in_dim3A_1118 : vector<16xi1>) value(%get3A_1116 : vector<16xi32>) : vector<16xi1>, vector<16xi32>
      %shift_right_logical3A_1121 = arith.constant 7 : i32
      %shift_right_logical3A_1122 = vector.broadcast %shift_right_logical3A_1121 : i32 to vector<16xi32>
      %shift_right_logical3A_1123 = arith.shrui %get3A_1116, %shift_right_logical3A_1122 : vector<16xi32>
      %and3A_1124 = arith.constant 127 : i32
      %and3A_1125 = vector.broadcast %and3A_1124 : i32 to vector<16xi32>
      %and3A_1126 = arith.andi %get3A_1116, %and3A_1125 : vector<16xi32>
      %convert_element_type3A_1127 = arith.sitofp %unique3A_1120 : vector<16xi32> to vector<16xf32>
      tpu.vector_store_idx %arg12[%shift_right_logical3A_1123, %and3A_1126], %convert_element_type3A_1127 masked %unique3A_1119 {add = true} : memref<80x128xf32, #tpu.memory_space<vmem>>[vector<16xi32>, vector<16xi32>], vector<16xf32>, vector<16xi1>
      %get3A_1128 = arith.constant 6 : i32
      %get3A_1129 = arith.index_cast %get3A_1128 : i32 to index
      %get3A_1130 = arith.constant 16 : index
      %get3A_1131 = tpu.vector_load %arg10[%get3A_1129, %get3A_1130] {strides = array<i32>} : memref<20x128xi32, #tpu.memory_space<vmem>>, vector<16xi32>,
      %broadcast_in_dim3A_1132 = arith.constant true
      %broadcast_in_dim3A_1133 = vector.broadcast %broadcast_in_dim3A_1132 : i1 to vector<16xi1>
      %unique3A_1134, %unique3A_1135 = tpu.scan_count mask(%broadcast_in_dim3A_1133 : vector<16xi1>) value(%get3A_1131 : vector<16xi32>) : vector<16xi1>, vector<16xi32>
      %shift_right_logical3A_1136 = arith.constant 7 : i32
      %shift_right_logical3A_1137 = vector.broadcast %shift_right_logical3A_1136 : i32 to vector<16xi32>
      %shift_right_logical3A_1138 = arith.shrui %get3A_1131, %shift_right_logical3A_1137 : vector<16xi32>
      %and3A_1139 = arith.constant 127 : i32
      %and3A_1140 = vector.broadcast %and3A_1139 : i32 to vector<16xi32>
      %and3A_1141 = arith.andi %get3A_1131, %and3A_1140 : vector<16xi32>
      %convert_element_type3A_1142 = arith.sitofp %unique3A_1135 : vector<16xi32> to vector<16xf32>
      tpu.vector_store_idx %arg12[%shift_right_logical3A_1138, %and3A_1141], %convert_element_type3A_1142 masked %unique3A_1134 {add = true} : memref<80x128xf32, #tpu.memory_space<vmem>>[vector<16xi32>, vector<16xi32>], vector<16xf32>, vector<16xi1>
      %get3A_1143 = arith.constant 6 : i32
      %get3A_1144 = arith.index_cast %get3A_1143 : i32 to index
      %get3A_1145 = arith.constant 32 : index
      %get3A_1146 = tpu.vector_load %arg10[%get3A_1144, %get3A_1145] {strides = array<i32>} : memref<20x128xi32, #tpu.memory_space<vmem>>, vector<16xi32>,
      %broadcast_in_dim3A_1147 = arith.constant true
      %broadcast_in_dim3A_1148 = vector.broadcast %broadcast_in_dim3A_1147 : i1 to vector<16xi1>
      %unique3A_1149, %unique3A_1150 = tpu.scan_count mask(%broadcast_in_dim3A_1148 : vector<16xi1>) value(%get3A_1146 : vector<16xi32>) : vector<16xi1>, vector<16xi32>
      %shift_right_logical3A_1151 = arith.constant 7 : i32
      %shift_right_logical3A_1152 = vector.broadcast %shift_right_logical3A_1151 : i32 to vector<16xi32>
      %shift_right_logical3A_1153 = arith.shrui %get3A_1146, %shift_right_logical3A_1152 : vector<16xi32>
      %and3A_1154 = arith.constant 127 : i32
      %and3A_1155 = vector.broadcast %and3A_1154 : i32 to vector<16xi32>
      %and3A_1156 = arith.andi %get3A_1146, %and3A_1155 : vector<16xi32>
      %convert_element_type3A_1157 = arith.sitofp %unique3A_1150 : vector<16xi32> to vector<16xf32>
      tpu.vector_store_idx %arg12[%shift_right_logical3A_1153, %and3A_1156], %convert_element_type3A_1157 masked %unique3A_1149 {add = true} : memref<80x128xf32, #tpu.memory_space<vmem>>[vector<16xi32>, vector<16xi32>], vector<16xf32>, vector<16xi1>
      %get3A_1158 = arith.constant 6 : i32
      %get3A_1159 = arith.index_cast %get3A_1158 : i32 to index
      %get3A_1160 = arith.constant 48 : index
      %get3A_1161 = tpu.vector_load %arg10[%get3A_1159, %get3A_1160] {strides = array<i32>} : memref<20x128xi32, #tpu.memory_space<vmem>>, vector<16xi32>,
      %broadcast_in_dim3A_1162 = arith.constant true
      %broadcast_in_dim3A_1163 = vector.broadcast %broadcast_in_dim3A_1162 : i1 to vector<16xi1>
      %unique3A_1164, %unique3A_1165 = tpu.scan_count mask(%broadcast_in_dim3A_1163 : vector<16xi1>) value(%get3A_1161 : vector<16xi32>) : vector<16xi1>, vector<16xi32>
      %shift_right_logical3A_1166 = arith.constant 7 : i32
      %shift_right_logical3A_1167 = vector.broadcast %shift_right_logical3A_1166 : i32 to vector<16xi32>
      %shift_right_logical3A_1168 = arith.shrui %get3A_1161, %shift_right_logical3A_1167 : vector<16xi32>
      %and3A_1169 = arith.constant 127 : i32
      %and3A_1170 = vector.broadcast %and3A_1169 : i32 to vector<16xi32>
      %and3A_1171 = arith.andi %get3A_1161, %and3A_1170 : vector<16xi32>
      %convert_element_type3A_1172 = arith.sitofp %unique3A_1165 : vector<16xi32> to vector<16xf32>
      tpu.vector_store_idx %arg12[%shift_right_logical3A_1168, %and3A_1171], %convert_element_type3A_1172 masked %unique3A_1164 {add = true} : memref<80x128xf32, #tpu.memory_space<vmem>>[vector<16xi32>, vector<16xi32>], vector<16xf32>, vector<16xi1>
      %get3A_1173 = arith.constant 6 : i32
      %get3A_1174 = arith.index_cast %get3A_1173 : i32 to index
      %get3A_1175 = arith.constant 64 : index
      %get3A_1176 = tpu.vector_load %arg10[%get3A_1174, %get3A_1175] {strides = array<i32>} : memref<20x128xi32, #tpu.memory_space<vmem>>, vector<16xi32>,
      %broadcast_in_dim3A_1177 = arith.constant true
      %broadcast_in_dim3A_1178 = vector.broadcast %broadcast_in_dim3A_1177 : i1 to vector<16xi1>
      %unique3A_1179, %unique3A_1180 = tpu.scan_count mask(%broadcast_in_dim3A_1178 : vector<16xi1>) value(%get3A_1176 : vector<16xi32>) : vector<16xi1>, vector<16xi32>
      %shift_right_logical3A_1181 = arith.constant 7 : i32
      %shift_right_logical3A_1182 = vector.broadcast %shift_right_logical3A_1181 : i32 to vector<16xi32>
      %shift_right_logical3A_1183 = arith.shrui %get3A_1176, %shift_right_logical3A_1182 : vector<16xi32>
      %and3A_1184 = arith.constant 127 : i32
      %and3A_1185 = vector.broadcast %and3A_1184 : i32 to vector<16xi32>
      %and3A_1186 = arith.andi %get3A_1176, %and3A_1185 : vector<16xi32>
      %convert_element_type3A_1187 = arith.sitofp %unique3A_1180 : vector<16xi32> to vector<16xf32>
      tpu.vector_store_idx %arg12[%shift_right_logical3A_1183, %and3A_1186], %convert_element_type3A_1187 masked %unique3A_1179 {add = true} : memref<80x128xf32, #tpu.memory_space<vmem>>[vector<16xi32>, vector<16xi32>], vector<16xf32>, vector<16xi1>
      %get3A_1188 = arith.constant 6 : i32
      %get3A_1189 = arith.index_cast %get3A_1188 : i32 to index
      %get3A_1190 = arith.constant 80 : index
      %get3A_1191 = tpu.vector_load %arg10[%get3A_1189, %get3A_1190] {strides = array<i32>} : memref<20x128xi32, #tpu.memory_space<vmem>>, vector<16xi32>,
      %broadcast_in_dim3A_1192 = arith.constant true
      %broadcast_in_dim3A_1193 = vector.broadcast %broadcast_in_dim3A_1192 : i1 to vector<16xi1>
      %unique3A_1194, %unique3A_1195 = tpu.scan_count mask(%broadcast_in_dim3A_1193 : vector<16xi1>) value(%get3A_1191 : vector<16xi32>) : vector<16xi1>, vector<16xi32>
      %shift_right_logical3A_1196 = arith.constant 7 : i32
      %shift_right_logical3A_1197 = vector.broadcast %shift_right_logical3A_1196 : i32 to vector<16xi32>
      %shift_right_logical3A_1198 = arith.shrui %get3A_1191, %shift_right_logical3A_1197 : vector<16xi32>
      %and3A_1199 = arith.constant 127 : i32
      %and3A_1200 = vector.broadcast %and3A_1199 : i32 to vector<16xi32>
      %and3A_1201 = arith.andi %get3A_1191, %and3A_1200 : vector<16xi32>
      %convert_element_type3A_1202 = arith.sitofp %unique3A_1195 : vector<16xi32> to vector<16xf32>
      tpu.vector_store_idx %arg12[%shift_right_logical3A_1198, %and3A_1201], %convert_element_type3A_1202 masked %unique3A_1194 {add = true} : memref<80x128xf32, #tpu.memory_space<vmem>>[vector<16xi32>, vector<16xi32>], vector<16xf32>, vector<16xi1>
      %get3A_1203 = arith.constant 6 : i32
      %get3A_1204 = arith.index_cast %get3A_1203 : i32 to index
      %get3A_1205 = arith.constant 96 : index
      %get3A_1206 = tpu.vector_load %arg10[%get3A_1204, %get3A_1205] {strides = array<i32>} : memref<20x128xi32, #tpu.memory_space<vmem>>, vector<16xi32>,
      %broadcast_in_dim3A_1207 = arith.constant true
      %broadcast_in_dim3A_1208 = vector.broadcast %broadcast_in_dim3A_1207 : i1 to vector<16xi1>
      %unique3A_1209, %unique3A_1210 = tpu.scan_count mask(%broadcast_in_dim3A_1208 : vector<16xi1>) value(%get3A_1206 : vector<16xi32>) : vector<16xi1>, vector<16xi32>
      %shift_right_logical3A_1211 = arith.constant 7 : i32
      %shift_right_logical3A_1212 = vector.broadcast %shift_right_logical3A_1211 : i32 to vector<16xi32>
      %shift_right_logical3A_1213 = arith.shrui %get3A_1206, %shift_right_logical3A_1212 : vector<16xi32>
      %and3A_1214 = arith.constant 127 : i32
      %and3A_1215 = vector.broadcast %and3A_1214 : i32 to vector<16xi32>
      %and3A_1216 = arith.andi %get3A_1206, %and3A_1215 : vector<16xi32>
      %convert_element_type3A_1217 = arith.sitofp %unique3A_1210 : vector<16xi32> to vector<16xf32>
      tpu.vector_store_idx %arg12[%shift_right_logical3A_1213, %and3A_1216], %convert_element_type3A_1217 masked %unique3A_1209 {add = true} : memref<80x128xf32, #tpu.memory_space<vmem>>[vector<16xi32>, vector<16xi32>], vector<16xf32>, vector<16xi1>
      %get3A_1218 = arith.constant 6 : i32
      %get3A_1219 = arith.index_cast %get3A_1218 : i32 to index
      %get3A_1220 = arith.constant 112 : index
      %get3A_1221 = tpu.vector_load %arg10[%get3A_1219, %get3A_1220] {strides = array<i32>} : memref<20x128xi32, #tpu.memory_space<vmem>>, vector<16xi32>,
      %broadcast_in_dim3A_1222 = arith.constant true
      %broadcast_in_dim3A_1223 = vector.broadcast %broadcast_in_dim3A_1222 : i1 to vector<16xi1>
      %unique3A_1224, %unique3A_1225 = tpu.scan_count mask(%broadcast_in_dim3A_1223 : vector<16xi1>) value(%get3A_1221 : vector<16xi32>) : vector<16xi1>, vector<16xi32>
      %shift_right_logical3A_1226 = arith.constant 7 : i32
      %shift_right_logical3A_1227 = vector.broadcast %shift_right_logical3A_1226 : i32 to vector<16xi32>
      %shift_right_logical3A_1228 = arith.shrui %get3A_1221, %shift_right_logical3A_1227 : vector<16xi32>
      %and3A_1229 = arith.constant 127 : i32
      %and3A_1230 = vector.broadcast %and3A_1229 : i32 to vector<16xi32>
      %and3A_1231 = arith.andi %get3A_1221, %and3A_1230 : vector<16xi32>
      %convert_element_type3A_1232 = arith.sitofp %unique3A_1225 : vector<16xi32> to vector<16xf32>
      tpu.vector_store_idx %arg12[%shift_right_logical3A_1228, %and3A_1231], %convert_element_type3A_1232 masked %unique3A_1224 {add = true} : memref<80x128xf32, #tpu.memory_space<vmem>>[vector<16xi32>, vector<16xi32>], vector<16xf32>, vector<16xi1>
      %dma_wait3A_1233 = arith.constant 0 : i32
      %dma_wait3A_1234 = arith.constant 6 : i32
      %dma_wait3A_1235 = arith.constant 0 : i32
      %dma_wait3A_1236 = arith.constant 0 : i32
      %dma_wait3A_1237 = tpu.memref_slice %arg11[%dma_wait3A_1233, %dma_wait3A_1235, %dma_wait3A_1236] : memref<2x128x128xf32, #tpu.memory_space<vmem>> -> memref<1x128x128xf32, #tpu.memory_space<vmem>>
      %dma_wait3A_1238 = tpu.memref_squeeze %dma_wait3A_1237 : memref<1x128x128xf32, #tpu.memory_space<vmem>> -> memref<128x128xf32, #tpu.memory_space<vmem>>
      %dma_wait3A_1239 = arith.constant 0 : i32
      %dma_wait3A_1240 = tpu.memref_slice %arg10[%dma_wait3A_1234, %dma_wait3A_1239] : memref<20x128xi32, #tpu.memory_space<vmem>> -> memref<1x128xi32, #tpu.memory_space<vmem>>
      %dma_wait3A_1241 = tpu.memref_squeeze %dma_wait3A_1240 : memref<1x128xi32, #tpu.memory_space<vmem>> -> memref<128xi32, #tpu.memory_space<vmem>>
      %dma_wait3A_1242 = arith.constant 0 : i32
      %dma_wait3A_1243 = arith.constant 0 : i32
      %dma_wait3A_1244 = tpu.memref_slice %arg14[%dma_wait3A_1242, %dma_wait3A_1243] : memref<10112x128xf32, #tpu.memory_space<vmem_shared>> -> memref<10112x128xf32, #tpu.memory_space<vmem_shared>>
      tpu.wait_indirect_dma semaphore(%arg19 : memref<!tpu.dma_semaphore, #tpu.memory_space<semaphore_mem>>) src(%dma_wait3A_1238 : memref<128x128xf32, #tpu.memory_space<vmem>>) dst(%dma_wait3A_1244 : memref<10112x128xf32, #tpu.memory_space<vmem_shared>>)
      %dma_start3A_1245 = arith.constant 8 : i32
      %dma_start3A_1246 = arith.constant 0 : i32
      %dma_start3A_1247 = arith.constant 0 : i32
      %dma_start3A_1248 = arith.constant 0 : i32
      %dma_start3A_1249 = tpu.memref_slice %arg11[%dma_start3A_1246, %dma_start3A_1247, %dma_start3A_1248] : memref<2x128x128xf32, #tpu.memory_space<vmem>> -> memref<1x128x128xf32, #tpu.memory_space<vmem>>
      %dma_start3A_1250 = tpu.memref_squeeze %dma_start3A_1249 : memref<1x128x128xf32, #tpu.memory_space<vmem>> -> memref<128x128xf32, #tpu.memory_space<vmem>>
      %dma_start3A_1251 = arith.constant 0 : i32
      %dma_start3A_1252 = tpu.memref_slice %arg9[%dma_start3A_1245, %dma_start3A_1251] : memref<20x128xi32, #tpu.memory_space<vmem>> -> memref<1x128xi32, #tpu.memory_space<vmem>>
      %dma_start3A_1253 = tpu.memref_squeeze %dma_start3A_1252 : memref<1x128xi32, #tpu.memory_space<vmem>> -> memref<128xi32, #tpu.memory_space<vmem>>
      %dma_start3A_1254 = arith.constant 0 : i32
      %dma_start3A_1255 = arith.constant 0 : i32
      %dma_start3A_1256 = tpu.memref_slice %arg2[%dma_start3A_1254, %dma_start3A_1255] : memref<10000x128xf32, #tpu.memory_space<hbm>> -> memref<10000x128xf32, #tpu.memory_space<hbm>>
      tpu.enqueue_indirect_dma source(%dma_start3A_1256 : memref<10000x128xf32, #tpu.memory_space<hbm>>) target(%dma_start3A_1250 : memref<128x128xf32, #tpu.memory_space<vmem>>) offsets(%dma_start3A_1253 : memref<128xi32, #tpu.memory_space<vmem>>) semaphore(%arg16 : memref<!tpu.dma_semaphore, #tpu.memory_space<semaphore_mem>>)
      %dma_wait3A_1257 = arith.constant 7 : i32
      %dma_wait3A_1258 = arith.constant 1 : i32
      %dma_wait3A_1259 = arith.constant 0 : i32
      %dma_wait3A_1260 = arith.constant 0 : i32
      %dma_wait3A_1261 = tpu.memref_slice %arg11[%dma_wait3A_1258, %dma_wait3A_1259, %dma_wait3A_1260] : memref<2x128x128xf32, #tpu.memory_space<vmem>> -> memref<1x128x128xf32, #tpu.memory_space<vmem>>
      %dma_wait3A_1262 = tpu.memref_squeeze %dma_wait3A_1261 : memref<1x128x128xf32, #tpu.memory_space<vmem>> -> memref<128x128xf32, #tpu.memory_space<vmem>>
      %dma_wait3A_1263 = arith.constant 0 : i32
      %dma_wait3A_1264 = tpu.memref_slice %arg9[%dma_wait3A_1257, %dma_wait3A_1263] : memref<20x128xi32, #tpu.memory_space<vmem>> -> memref<1x128xi32, #tpu.memory_space<vmem>>
      %dma_wait3A_1265 = tpu.memref_squeeze %dma_wait3A_1264 : memref<1x128xi32, #tpu.memory_space<vmem>> -> memref<128xi32, #tpu.memory_space<vmem>>
      %dma_wait3A_1266 = arith.constant 0 : i32
      %dma_wait3A_1267 = arith.constant 0 : i32
      %dma_wait3A_1268 = tpu.memref_slice %arg2[%dma_wait3A_1266, %dma_wait3A_1267] : memref<10000x128xf32, #tpu.memory_space<hbm>> -> memref<10000x128xf32, #tpu.memory_space<hbm>>
      tpu.wait_indirect_dma semaphore(%arg17 : memref<!tpu.dma_semaphore, #tpu.memory_space<semaphore_mem>>) src(%dma_wait3A_1268 : memref<10000x128xf32, #tpu.memory_space<hbm>>) dst(%dma_wait3A_1262 : memref<128x128xf32, #tpu.memory_space<vmem>>)
      %dma_start3A_1269 = arith.constant 1 : i32
      %dma_start3A_1270 = arith.constant 7 : i32
      %dma_start3A_1271 = arith.constant 0 : i32
      %dma_start3A_1272 = arith.constant 0 : i32
      %dma_start3A_1273 = tpu.memref_slice %arg11[%dma_start3A_1269, %dma_start3A_1271, %dma_start3A_1272] : memref<2x128x128xf32, #tpu.memory_space<vmem>> -> memref<1x128x128xf32, #tpu.memory_space<vmem>>
      %dma_start3A_1274 = tpu.memref_squeeze %dma_start3A_1273 : memref<1x128x128xf32, #tpu.memory_space<vmem>> -> memref<128x128xf32, #tpu.memory_space<vmem>>
      %dma_start3A_1275 = arith.constant 0 : i32
      %dma_start3A_1276 = tpu.memref_slice %arg10[%dma_start3A_1270, %dma_start3A_1275] : memref<20x128xi32, #tpu.memory_space<vmem>> -> memref<1x128xi32, #tpu.memory_space<vmem>>
      %dma_start3A_1277 = tpu.memref_squeeze %dma_start3A_1276 : memref<1x128xi32, #tpu.memory_space<vmem>> -> memref<128xi32, #tpu.memory_space<vmem>>
      %dma_start3A_1278 = arith.constant 0 : i32
      %dma_start3A_1279 = arith.constant 0 : i32
      %dma_start3A_1280 = tpu.memref_slice %arg14[%dma_start3A_1278, %dma_start3A_1279] : memref<10112x128xf32, #tpu.memory_space<vmem_shared>> -> memref<10112x128xf32, #tpu.memory_space<vmem_shared>>
      tpu.enqueue_indirect_dma source(%dma_start3A_1274 : memref<128x128xf32, #tpu.memory_space<vmem>>) target(%dma_start3A_1280 : memref<10112x128xf32, #tpu.memory_space<vmem_shared>>) offsets(%dma_start3A_1277 : memref<128xi32, #tpu.memory_space<vmem>>) semaphore(%arg20 : memref<!tpu.dma_semaphore, #tpu.memory_space<semaphore_mem>>) {add = true}
      %get3A_1281 = arith.constant 7 : i32
      %get3A_1282 = arith.index_cast %get3A_1281 : i32 to index
      %get3A_1283 = arith.constant 0 : index
      %get3A_1284 = tpu.vector_load %arg10[%get3A_1282, %get3A_1283] {strides = array<i32>} : memref<20x128xi32, #tpu.memory_space<vmem>>, vector<16xi32>,
      %broadcast_in_dim3A_1285 = arith.constant true
      %broadcast_in_dim3A_1286 = vector.broadcast %broadcast_in_dim3A_1285 : i1 to vector<16xi1>
      %unique3A_1287, %unique3A_1288 = tpu.scan_count mask(%broadcast_in_dim3A_1286 : vector<16xi1>) value(%get3A_1284 : vector<16xi32>) : vector<16xi1>, vector<16xi32>
      %shift_right_logical3A_1289 = arith.constant 7 : i32
      %shift_right_logical3A_1290 = vector.broadcast %shift_right_logical3A_1289 : i32 to vector<16xi32>
      %shift_right_logical3A_1291 = arith.shrui %get3A_1284, %shift_right_logical3A_1290 : vector<16xi32>
      %and3A_1292 = arith.constant 127 : i32
      %and3A_1293 = vector.broadcast %and3A_1292 : i32 to vector<16xi32>
      %and3A_1294 = arith.andi %get3A_1284, %and3A_1293 : vector<16xi32>
      %convert_element_type3A_1295 = arith.sitofp %unique3A_1288 : vector<16xi32> to vector<16xf32>
      tpu.vector_store_idx %arg12[%shift_right_logical3A_1291, %and3A_1294], %convert_element_type3A_1295 masked %unique3A_1287 {add = true} : memref<80x128xf32, #tpu.memory_space<vmem>>[vector<16xi32>, vector<16xi32>], vector<16xf32>, vector<16xi1>
      %get3A_1296 = arith.constant 7 : i32
      %get3A_1297 = arith.index_cast %get3A_1296 : i32 to index
      %get3A_1298 = arith.constant 16 : index
      %get3A_1299 = tpu.vector_load %arg10[%get3A_1297, %get3A_1298] {strides = array<i32>} : memref<20x128xi32, #tpu.memory_space<vmem>>, vector<16xi32>,
      %broadcast_in_dim3A_1300 = arith.constant true
      %broadcast_in_dim3A_1301 = vector.broadcast %broadcast_in_dim3A_1300 : i1 to vector<16xi1>
      %unique3A_1302, %unique3A_1303 = tpu.scan_count mask(%broadcast_in_dim3A_1301 : vector<16xi1>) value(%get3A_1299 : vector<16xi32>) : vector<16xi1>, vector<16xi32>
      %shift_right_logical3A_1304 = arith.constant 7 : i32
      %shift_right_logical3A_1305 = vector.broadcast %shift_right_logical3A_1304 : i32 to vector<16xi32>
      %shift_right_logical3A_1306 = arith.shrui %get3A_1299, %shift_right_logical3A_1305 : vector<16xi32>
      %and3A_1307 = arith.constant 127 : i32
      %and3A_1308 = vector.broadcast %and3A_1307 : i32 to vector<16xi32>
      %and3A_1309 = arith.andi %get3A_1299, %and3A_1308 : vector<16xi32>
      %convert_element_type3A_1310 = arith.sitofp %unique3A_1303 : vector<16xi32> to vector<16xf32>
      tpu.vector_store_idx %arg12[%shift_right_logical3A_1306, %and3A_1309], %convert_element_type3A_1310 masked %unique3A_1302 {add = true} : memref<80x128xf32, #tpu.memory_space<vmem>>[vector<16xi32>, vector<16xi32>], vector<16xf32>, vector<16xi1>
      %get3A_1311 = arith.constant 7 : i32
      %get3A_1312 = arith.index_cast %get3A_1311 : i32 to index
      %get3A_1313 = arith.constant 32 : index
      %get3A_1314 = tpu.vector_load %arg10[%get3A_1312, %get3A_1313] {strides = array<i32>} : memref<20x128xi32, #tpu.memory_space<vmem>>, vector<16xi32>,
      %broadcast_in_dim3A_1315 = arith.constant true
      %broadcast_in_dim3A_1316 = vector.broadcast %broadcast_in_dim3A_1315 : i1 to vector<16xi1>
      %unique3A_1317, %unique3A_1318 = tpu.scan_count mask(%broadcast_in_dim3A_1316 : vector<16xi1>) value(%get3A_1314 : vector<16xi32>) : vector<16xi1>, vector<16xi32>
      %shift_right_logical3A_1319 = arith.constant 7 : i32
      %shift_right_logical3A_1320 = vector.broadcast %shift_right_logical3A_1319 : i32 to vector<16xi32>
      %shift_right_logical3A_1321 = arith.shrui %get3A_1314, %shift_right_logical3A_1320 : vector<16xi32>
      %and3A_1322 = arith.constant 127 : i32
      %and3A_1323 = vector.broadcast %and3A_1322 : i32 to vector<16xi32>
      %and3A_1324 = arith.andi %get3A_1314, %and3A_1323 : vector<16xi32>
      %convert_element_type3A_1325 = arith.sitofp %unique3A_1318 : vector<16xi32> to vector<16xf32>
      tpu.vector_store_idx %arg12[%shift_right_logical3A_1321, %and3A_1324], %convert_element_type3A_1325 masked %unique3A_1317 {add = true} : memref<80x128xf32, #tpu.memory_space<vmem>>[vector<16xi32>, vector<16xi32>], vector<16xf32>, vector<16xi1>
      %get3A_1326 = arith.constant 7 : i32
      %get3A_1327 = arith.index_cast %get3A_1326 : i32 to index
      %get3A_1328 = arith.constant 48 : index
      %get3A_1329 = tpu.vector_load %arg10[%get3A_1327, %get3A_1328] {strides = array<i32>} : memref<20x128xi32, #tpu.memory_space<vmem>>, vector<16xi32>,
      %broadcast_in_dim3A_1330 = arith.constant true
      %broadcast_in_dim3A_1331 = vector.broadcast %broadcast_in_dim3A_1330 : i1 to vector<16xi1>
      %unique3A_1332, %unique3A_1333 = tpu.scan_count mask(%broadcast_in_dim3A_1331 : vector<16xi1>) value(%get3A_1329 : vector<16xi32>) : vector<16xi1>, vector<16xi32>
      %shift_right_logical3A_1334 = arith.constant 7 : i32
      %shift_right_logical3A_1335 = vector.broadcast %shift_right_logical3A_1334 : i32 to vector<16xi32>
      %shift_right_logical3A_1336 = arith.shrui %get3A_1329, %shift_right_logical3A_1335 : vector<16xi32>
      %and3A_1337 = arith.constant 127 : i32
      %and3A_1338 = vector.broadcast %and3A_1337 : i32 to vector<16xi32>
      %and3A_1339 = arith.andi %get3A_1329, %and3A_1338 : vector<16xi32>
      %convert_element_type3A_1340 = arith.sitofp %unique3A_1333 : vector<16xi32> to vector<16xf32>
      tpu.vector_store_idx %arg12[%shift_right_logical3A_1336, %and3A_1339], %convert_element_type3A_1340 masked %unique3A_1332 {add = true} : memref<80x128xf32, #tpu.memory_space<vmem>>[vector<16xi32>, vector<16xi32>], vector<16xf32>, vector<16xi1>
      %get3A_1341 = arith.constant 7 : i32
      %get3A_1342 = arith.index_cast %get3A_1341 : i32 to index
      %get3A_1343 = arith.constant 64 : index
      %get3A_1344 = tpu.vector_load %arg10[%get3A_1342, %get3A_1343] {strides = array<i32>} : memref<20x128xi32, #tpu.memory_space<vmem>>, vector<16xi32>,
      %broadcast_in_dim3A_1345 = arith.constant true
      %broadcast_in_dim3A_1346 = vector.broadcast %broadcast_in_dim3A_1345 : i1 to vector<16xi1>
      %unique3A_1347, %unique3A_1348 = tpu.scan_count mask(%broadcast_in_dim3A_1346 : vector<16xi1>) value(%get3A_1344 : vector<16xi32>) : vector<16xi1>, vector<16xi32>
      %shift_right_logical3A_1349 = arith.constant 7 : i32
      %shift_right_logical3A_1350 = vector.broadcast %shift_right_logical3A_1349 : i32 to vector<16xi32>
      %shift_right_logical3A_1351 = arith.shrui %get3A_1344, %shift_right_logical3A_1350 : vector<16xi32>
      %and3A_1352 = arith.constant 127 : i32
      %and3A_1353 = vector.broadcast %and3A_1352 : i32 to vector<16xi32>
      %and3A_1354 = arith.andi %get3A_1344, %and3A_1353 : vector<16xi32>
      %convert_element_type3A_1355 = arith.sitofp %unique3A_1348 : vector<16xi32> to vector<16xf32>
      tpu.vector_store_idx %arg12[%shift_right_logical3A_1351, %and3A_1354], %convert_element_type3A_1355 masked %unique3A_1347 {add = true} : memref<80x128xf32, #tpu.memory_space<vmem>>[vector<16xi32>, vector<16xi32>], vector<16xf32>, vector<16xi1>
      %get3A_1356 = arith.constant 7 : i32
      %get3A_1357 = arith.index_cast %get3A_1356 : i32 to index
      %get3A_1358 = arith.constant 80 : index
      %get3A_1359 = tpu.vector_load %arg10[%get3A_1357, %get3A_1358] {strides = array<i32>} : memref<20x128xi32, #tpu.memory_space<vmem>>, vector<16xi32>,
      %broadcast_in_dim3A_1360 = arith.constant true
      %broadcast_in_dim3A_1361 = vector.broadcast %broadcast_in_dim3A_1360 : i1 to vector<16xi1>
      %unique3A_1362, %unique3A_1363 = tpu.scan_count mask(%broadcast_in_dim3A_1361 : vector<16xi1>) value(%get3A_1359 : vector<16xi32>) : vector<16xi1>, vector<16xi32>
      %shift_right_logical3A_1364 = arith.constant 7 : i32
      %shift_right_logical3A_1365 = vector.broadcast %shift_right_logical3A_1364 : i32 to vector<16xi32>
      %shift_right_logical3A_1366 = arith.shrui %get3A_1359, %shift_right_logical3A_1365 : vector<16xi32>
      %and3A_1367 = arith.constant 127 : i32
      %and3A_1368 = vector.broadcast %and3A_1367 : i32 to vector<16xi32>
      %and3A_1369 = arith.andi %get3A_1359, %and3A_1368 : vector<16xi32>
      %convert_element_type3A_1370 = arith.sitofp %unique3A_1363 : vector<16xi32> to vector<16xf32>
      tpu.vector_store_idx %arg12[%shift_right_logical3A_1366, %and3A_1369], %convert_element_type3A_1370 masked %unique3A_1362 {add = true} : memref<80x128xf32, #tpu.memory_space<vmem>>[vector<16xi32>, vector<16xi32>], vector<16xf32>, vector<16xi1>
      %get3A_1371 = arith.constant 7 : i32
      %get3A_1372 = arith.index_cast %get3A_1371 : i32 to index
      %get3A_1373 = arith.constant 96 : index
      %get3A_1374 = tpu.vector_load %arg10[%get3A_1372, %get3A_1373] {strides = array<i32>} : memref<20x128xi32, #tpu.memory_space<vmem>>, vector<16xi32>,
      %broadcast_in_dim3A_1375 = arith.constant true
      %broadcast_in_dim3A_1376 = vector.broadcast %broadcast_in_dim3A_1375 : i1 to vector<16xi1>
      %unique3A_1377, %unique3A_1378 = tpu.scan_count mask(%broadcast_in_dim3A_1376 : vector<16xi1>) value(%get3A_1374 : vector<16xi32>) : vector<16xi1>, vector<16xi32>
      %shift_right_logical3A_1379 = arith.constant 7 : i32
      %shift_right_logical3A_1380 = vector.broadcast %shift_right_logical3A_1379 : i32 to vector<16xi32>
      %shift_right_logical3A_1381 = arith.shrui %get3A_1374, %shift_right_logical3A_1380 : vector<16xi32>
      %and3A_1382 = arith.constant 127 : i32
      %and3A_1383 = vector.broadcast %and3A_1382 : i32 to vector<16xi32>
      %and3A_1384 = arith.andi %get3A_1374, %and3A_1383 : vector<16xi32>
      %convert_element_type3A_1385 = arith.sitofp %unique3A_1378 : vector<16xi32> to vector<16xf32>
      tpu.vector_store_idx %arg12[%shift_right_logical3A_1381, %and3A_1384], %convert_element_type3A_1385 masked %unique3A_1377 {add = true} : memref<80x128xf32, #tpu.memory_space<vmem>>[vector<16xi32>, vector<16xi32>], vector<16xf32>, vector<16xi1>
      %get3A_1386 = arith.constant 7 : i32
      %get3A_1387 = arith.index_cast %get3A_1386 : i32 to index
      %get3A_1388 = arith.constant 112 : index
      %get3A_1389 = tpu.vector_load %arg10[%get3A_1387, %get3A_1388] {strides = array<i32>} : memref<20x128xi32, #tpu.memory_space<vmem>>, vector<16xi32>,
      %broadcast_in_dim3A_1390 = arith.constant true
      %broadcast_in_dim3A_1391 = vector.broadcast %broadcast_in_dim3A_1390 : i1 to vector<16xi1>
      %unique3A_1392, %unique3A_1393 = tpu.scan_count mask(%broadcast_in_dim3A_1391 : vector<16xi1>) value(%get3A_1389 : vector<16xi32>) : vector<16xi1>, vector<16xi32>
      %shift_right_logical3A_1394 = arith.constant 7 : i32
      %shift_right_logical3A_1395 = vector.broadcast %shift_right_logical3A_1394 : i32 to vector<16xi32>
      %shift_right_logical3A_1396 = arith.shrui %get3A_1389, %shift_right_logical3A_1395 : vector<16xi32>
      %and3A_1397 = arith.constant 127 : i32
      %and3A_1398 = vector.broadcast %and3A_1397 : i32 to vector<16xi32>
      %and3A_1399 = arith.andi %get3A_1389, %and3A_1398 : vector<16xi32>
      %convert_element_type3A_1400 = arith.sitofp %unique3A_1393 : vector<16xi32> to vector<16xf32>
      tpu.vector_store_idx %arg12[%shift_right_logical3A_1396, %and3A_1399], %convert_element_type3A_1400 masked %unique3A_1392 {add = true} : memref<80x128xf32, #tpu.memory_space<vmem>>[vector<16xi32>, vector<16xi32>], vector<16xf32>, vector<16xi1>
      %dma_wait3A_1401 = arith.constant 1 : i32
      %dma_wait3A_1402 = arith.constant 7 : i32
      %dma_wait3A_1403 = arith.constant 0 : i32
      %dma_wait3A_1404 = arith.constant 0 : i32
      %dma_wait3A_1405 = tpu.memref_slice %arg11[%dma_wait3A_1401, %dma_wait3A_1403, %dma_wait3A_1404] : memref<2x128x128xf32, #tpu.memory_space<vmem>> -> memref<1x128x128xf32, #tpu.memory_space<vmem>>
      %dma_wait3A_1406 = tpu.memref_squeeze %dma_wait3A_1405 : memref<1x128x128xf32, #tpu.memory_space<vmem>> -> memref<128x128xf32, #tpu.memory_space<vmem>>
      %dma_wait3A_1407 = arith.constant 0 : i32
      %dma_wait3A_1408 = tpu.memref_slice %arg10[%dma_wait3A_1402, %dma_wait3A_1407] : memref<20x128xi32, #tpu.memory_space<vmem>> -> memref<1x128xi32, #tpu.memory_space<vmem>>
      %dma_wait3A_1409 = tpu.memref_squeeze %dma_wait3A_1408 : memref<1x128xi32, #tpu.memory_space<vmem>> -> memref<128xi32, #tpu.memory_space<vmem>>
      %dma_wait3A_1410 = arith.constant 0 : i32
      %dma_wait3A_1411 = arith.constant 0 : i32
      %dma_wait3A_1412 = tpu.memref_slice %arg14[%dma_wait3A_1410, %dma_wait3A_1411] : memref<10112x128xf32, #tpu.memory_space<vmem_shared>> -> memref<10112x128xf32, #tpu.memory_space<vmem_shared>>
      tpu.wait_indirect_dma semaphore(%arg20 : memref<!tpu.dma_semaphore, #tpu.memory_space<semaphore_mem>>) src(%dma_wait3A_1406 : memref<128x128xf32, #tpu.memory_space<vmem>>) dst(%dma_wait3A_1412 : memref<10112x128xf32, #tpu.memory_space<vmem_shared>>)
      %dma_start3A_1413 = arith.constant 9 : i32
      %dma_start3A_1414 = arith.constant 1 : i32
      %dma_start3A_1415 = arith.constant 0 : i32
      %dma_start3A_1416 = arith.constant 0 : i32
      %dma_start3A_1417 = tpu.memref_slice %arg11[%dma_start3A_1414, %dma_start3A_1415, %dma_start3A_1416] : memref<2x128x128xf32, #tpu.memory_space<vmem>> -> memref<1x128x128xf32, #tpu.memory_space<vmem>>
      %dma_start3A_1418 = tpu.memref_squeeze %dma_start3A_1417 : memref<1x128x128xf32, #tpu.memory_space<vmem>> -> memref<128x128xf32, #tpu.memory_space<vmem>>
      %dma_start3A_1419 = arith.constant 0 : i32
      %dma_start3A_1420 = tpu.memref_slice %arg9[%dma_start3A_1413, %dma_start3A_1419] : memref<20x128xi32, #tpu.memory_space<vmem>> -> memref<1x128xi32, #tpu.memory_space<vmem>>
      %dma_start3A_1421 = tpu.memref_squeeze %dma_start3A_1420 : memref<1x128xi32, #tpu.memory_space<vmem>> -> memref<128xi32, #tpu.memory_space<vmem>>
      %dma_start3A_1422 = arith.constant 0 : i32
      %dma_start3A_1423 = arith.constant 0 : i32
      %dma_start3A_1424 = tpu.memref_slice %arg2[%dma_start3A_1422, %dma_start3A_1423] : memref<10000x128xf32, #tpu.memory_space<hbm>> -> memref<10000x128xf32, #tpu.memory_space<hbm>>
      tpu.enqueue_indirect_dma source(%dma_start3A_1424 : memref<10000x128xf32, #tpu.memory_space<hbm>>) target(%dma_start3A_1418 : memref<128x128xf32, #tpu.memory_space<vmem>>) offsets(%dma_start3A_1421 : memref<128xi32, #tpu.memory_space<vmem>>) semaphore(%arg17 : memref<!tpu.dma_semaphore, #tpu.memory_space<semaphore_mem>>)
      %dma_wait3A_1425 = arith.constant 8 : i32
      %dma_wait3A_1426 = arith.constant 0 : i32
      %dma_wait3A_1427 = arith.constant 0 : i32
      %dma_wait3A_1428 = arith.constant 0 : i32
      %dma_wait3A_1429 = tpu.memref_slice %arg11[%dma_wait3A_1426, %dma_wait3A_1427, %dma_wait3A_1428] : memref<2x128x128xf32, #tpu.memory_space<vmem>> -> memref<1x128x128xf32, #tpu.memory_space<vmem>>
      %dma_wait3A_1430 = tpu.memref_squeeze %dma_wait3A_1429 : memref<1x128x128xf32, #tpu.memory_space<vmem>> -> memref<128x128xf32, #tpu.memory_space<vmem>>
      %dma_wait3A_1431 = arith.constant 0 : i32
      %dma_wait3A_1432 = tpu.memref_slice %arg9[%dma_wait3A_1425, %dma_wait3A_1431] : memref<20x128xi32, #tpu.memory_space<vmem>> -> memref<1x128xi32, #tpu.memory_space<vmem>>
      %dma_wait3A_1433 = tpu.memref_squeeze %dma_wait3A_1432 : memref<1x128xi32, #tpu.memory_space<vmem>> -> memref<128xi32, #tpu.memory_space<vmem>>
      %dma_wait3A_1434 = arith.constant 0 : i32
      %dma_wait3A_1435 = arith.constant 0 : i32
      %dma_wait3A_1436 = tpu.memref_slice %arg2[%dma_wait3A_1434, %dma_wait3A_1435] : memref<10000x128xf32, #tpu.memory_space<hbm>> -> memref<10000x128xf32, #tpu.memory_space<hbm>>
      tpu.wait_indirect_dma semaphore(%arg16 : memref<!tpu.dma_semaphore, #tpu.memory_space<semaphore_mem>>) src(%dma_wait3A_1436 : memref<10000x128xf32, #tpu.memory_space<hbm>>) dst(%dma_wait3A_1430 : memref<128x128xf32, #tpu.memory_space<vmem>>)
      %dma_start3A_1437 = arith.constant 0 : i32
      %dma_start3A_1438 = arith.constant 8 : i32
      %dma_start3A_1439 = arith.constant 0 : i32
      %dma_start3A_1440 = arith.constant 0 : i32
      %dma_start3A_1441 = tpu.memref_slice %arg11[%dma_start3A_1437, %dma_start3A_1439, %dma_start3A_1440] : memref<2x128x128xf32, #tpu.memory_space<vmem>> -> memref<1x128x128xf32, #tpu.memory_space<vmem>>
      %dma_start3A_1442 = tpu.memref_squeeze %dma_start3A_1441 : memref<1x128x128xf32, #tpu.memory_space<vmem>> -> memref<128x128xf32, #tpu.memory_space<vmem>>
      %dma_start3A_1443 = arith.constant 0 : i32
      %dma_start3A_1444 = tpu.memref_slice %arg10[%dma_start3A_1438, %dma_start3A_1443] : memref<20x128xi32, #tpu.memory_space<vmem>> -> memref<1x128xi32, #tpu.memory_space<vmem>>
      %dma_start3A_1445 = tpu.memref_squeeze %dma_start3A_1444 : memref<1x128xi32, #tpu.memory_space<vmem>> -> memref<128xi32, #tpu.memory_space<vmem>>
      %dma_start3A_1446 = arith.constant 0 : i32
      %dma_start3A_1447 = arith.constant 0 : i32
      %dma_start3A_1448 = tpu.memref_slice %arg14[%dma_start3A_1446, %dma_start3A_1447] : memref<10112x128xf32, #tpu.memory_space<vmem_shared>> -> memref<10112x128xf32, #tpu.memory_space<vmem_shared>>
      tpu.enqueue_indirect_dma source(%dma_start3A_1442 : memref<128x128xf32, #tpu.memory_space<vmem>>) target(%dma_start3A_1448 : memref<10112x128xf32, #tpu.memory_space<vmem_shared>>) offsets(%dma_start3A_1445 : memref<128xi32, #tpu.memory_space<vmem>>) semaphore(%arg19 : memref<!tpu.dma_semaphore, #tpu.memory_space<semaphore_mem>>) {add = true}
      %get3A_1449 = arith.constant 8 : i32
      %get3A_1450 = arith.index_cast %get3A_1449 : i32 to index
      %get3A_1451 = arith.constant 0 : index
      %get3A_1452 = tpu.vector_load %arg10[%get3A_1450, %get3A_1451] {strides = array<i32>} : memref<20x128xi32, #tpu.memory_space<vmem>>, vector<16xi32>,
      %broadcast_in_dim3A_1453 = arith.constant true
      %broadcast_in_dim3A_1454 = vector.broadcast %broadcast_in_dim3A_1453 : i1 to vector<16xi1>
      %unique3A_1455, %unique3A_1456 = tpu.scan_count mask(%broadcast_in_dim3A_1454 : vector<16xi1>) value(%get3A_1452 : vector<16xi32>) : vector<16xi1>, vector<16xi32>
      %shift_right_logical3A_1457 = arith.constant 7 : i32
      %shift_right_logical3A_1458 = vector.broadcast %shift_right_logical3A_1457 : i32 to vector<16xi32>
      %shift_right_logical3A_1459 = arith.shrui %get3A_1452, %shift_right_logical3A_1458 : vector<16xi32>
      %and3A_1460 = arith.constant 127 : i32
      %and3A_1461 = vector.broadcast %and3A_1460 : i32 to vector<16xi32>
      %and3A_1462 = arith.andi %get3A_1452, %and3A_1461 : vector<16xi32>
      %convert_element_type3A_1463 = arith.sitofp %unique3A_1456 : vector<16xi32> to vector<16xf32>
      tpu.vector_store_idx %arg12[%shift_right_logical3A_1459, %and3A_1462], %convert_element_type3A_1463 masked %unique3A_1455 {add = true} : memref<80x128xf32, #tpu.memory_space<vmem>>[vector<16xi32>, vector<16xi32>], vector<16xf32>, vector<16xi1>
      %get3A_1464 = arith.constant 8 : i32
      %get3A_1465 = arith.index_cast %get3A_1464 : i32 to index
      %get3A_1466 = arith.constant 16 : index
      %get3A_1467 = tpu.vector_load %arg10[%get3A_1465, %get3A_1466] {strides = array<i32>} : memref<20x128xi32, #tpu.memory_space<vmem>>, vector<16xi32>,
      %broadcast_in_dim3A_1468 = arith.constant true
      %broadcast_in_dim3A_1469 = vector.broadcast %broadcast_in_dim3A_1468 : i1 to vector<16xi1>
      %unique3A_1470, %unique3A_1471 = tpu.scan_count mask(%broadcast_in_dim3A_1469 : vector<16xi1>) value(%get3A_1467 : vector<16xi32>) : vector<16xi1>, vector<16xi32>
      %shift_right_logical3A_1472 = arith.constant 7 : i32
      %shift_right_logical3A_1473 = vector.broadcast %shift_right_logical3A_1472 : i32 to vector<16xi32>
      %shift_right_logical3A_1474 = arith.shrui %get3A_1467, %shift_right_logical3A_1473 : vector<16xi32>
      %and3A_1475 = arith.constant 127 : i32
      %and3A_1476 = vector.broadcast %and3A_1475 : i32 to vector<16xi32>
      %and3A_1477 = arith.andi %get3A_1467, %and3A_1476 : vector<16xi32>
      %convert_element_type3A_1478 = arith.sitofp %unique3A_1471 : vector<16xi32> to vector<16xf32>
      tpu.vector_store_idx %arg12[%shift_right_logical3A_1474, %and3A_1477], %convert_element_type3A_1478 masked %unique3A_1470 {add = true} : memref<80x128xf32, #tpu.memory_space<vmem>>[vector<16xi32>, vector<16xi32>], vector<16xf32>, vector<16xi1>
      %get3A_1479 = arith.constant 8 : i32
      %get3A_1480 = arith.index_cast %get3A_1479 : i32 to index
      %get3A_1481 = arith.constant 32 : index
      %get3A_1482 = tpu.vector_load %arg10[%get3A_1480, %get3A_1481] {strides = array<i32>} : memref<20x128xi32, #tpu.memory_space<vmem>>, vector<16xi32>,
      %broadcast_in_dim3A_1483 = arith.constant true
      %broadcast_in_dim3A_1484 = vector.broadcast %broadcast_in_dim3A_1483 : i1 to vector<16xi1>
      %unique3A_1485, %unique3A_1486 = tpu.scan_count mask(%broadcast_in_dim3A_1484 : vector<16xi1>) value(%get3A_1482 : vector<16xi32>) : vector<16xi1>, vector<16xi32>
      %shift_right_logical3A_1487 = arith.constant 7 : i32
      %shift_right_logical3A_1488 = vector.broadcast %shift_right_logical3A_1487 : i32 to vector<16xi32>
      %shift_right_logical3A_1489 = arith.shrui %get3A_1482, %shift_right_logical3A_1488 : vector<16xi32>
      %and3A_1490 = arith.constant 127 : i32
      %and3A_1491 = vector.broadcast %and3A_1490 : i32 to vector<16xi32>
      %and3A_1492 = arith.andi %get3A_1482, %and3A_1491 : vector<16xi32>
      %convert_element_type3A_1493 = arith.sitofp %unique3A_1486 : vector<16xi32> to vector<16xf32>
      tpu.vector_store_idx %arg12[%shift_right_logical3A_1489, %and3A_1492], %convert_element_type3A_1493 masked %unique3A_1485 {add = true} : memref<80x128xf32, #tpu.memory_space<vmem>>[vector<16xi32>, vector<16xi32>], vector<16xf32>, vector<16xi1>
      %get3A_1494 = arith.constant 8 : i32
      %get3A_1495 = arith.index_cast %get3A_1494 : i32 to index
      %get3A_1496 = arith.constant 48 : index
      %get3A_1497 = tpu.vector_load %arg10[%get3A_1495, %get3A_1496] {strides = array<i32>} : memref<20x128xi32, #tpu.memory_space<vmem>>, vector<16xi32>,
      %broadcast_in_dim3A_1498 = arith.constant true
      %broadcast_in_dim3A_1499 = vector.broadcast %broadcast_in_dim3A_1498 : i1 to vector<16xi1>
      %unique3A_1500, %unique3A_1501 = tpu.scan_count mask(%broadcast_in_dim3A_1499 : vector<16xi1>) value(%get3A_1497 : vector<16xi32>) : vector<16xi1>, vector<16xi32>
      %shift_right_logical3A_1502 = arith.constant 7 : i32
      %shift_right_logical3A_1503 = vector.broadcast %shift_right_logical3A_1502 : i32 to vector<16xi32>
      %shift_right_logical3A_1504 = arith.shrui %get3A_1497, %shift_right_logical3A_1503 : vector<16xi32>
      %and3A_1505 = arith.constant 127 : i32
      %and3A_1506 = vector.broadcast %and3A_1505 : i32 to vector<16xi32>
      %and3A_1507 = arith.andi %get3A_1497, %and3A_1506 : vector<16xi32>
      %convert_element_type3A_1508 = arith.sitofp %unique3A_1501 : vector<16xi32> to vector<16xf32>
      tpu.vector_store_idx %arg12[%shift_right_logical3A_1504, %and3A_1507], %convert_element_type3A_1508 masked %unique3A_1500 {add = true} : memref<80x128xf32, #tpu.memory_space<vmem>>[vector<16xi32>, vector<16xi32>], vector<16xf32>, vector<16xi1>
      %get3A_1509 = arith.constant 8 : i32
      %get3A_1510 = arith.index_cast %get3A_1509 : i32 to index
      %get3A_1511 = arith.constant 64 : index
      %get3A_1512 = tpu.vector_load %arg10[%get3A_1510, %get3A_1511] {strides = array<i32>} : memref<20x128xi32, #tpu.memory_space<vmem>>, vector<16xi32>,
      %broadcast_in_dim3A_1513 = arith.constant true
      %broadcast_in_dim3A_1514 = vector.broadcast %broadcast_in_dim3A_1513 : i1 to vector<16xi1>
      %unique3A_1515, %unique3A_1516 = tpu.scan_count mask(%broadcast_in_dim3A_1514 : vector<16xi1>) value(%get3A_1512 : vector<16xi32>) : vector<16xi1>, vector<16xi32>
      %shift_right_logical3A_1517 = arith.constant 7 : i32
      %shift_right_logical3A_1518 = vector.broadcast %shift_right_logical3A_1517 : i32 to vector<16xi32>
      %shift_right_logical3A_1519 = arith.shrui %get3A_1512, %shift_right_logical3A_1518 : vector<16xi32>
      %and3A_1520 = arith.constant 127 : i32
      %and3A_1521 = vector.broadcast %and3A_1520 : i32 to vector<16xi32>
      %and3A_1522 = arith.andi %get3A_1512, %and3A_1521 : vector<16xi32>
      %convert_element_type3A_1523 = arith.sitofp %unique3A_1516 : vector<16xi32> to vector<16xf32>
      tpu.vector_store_idx %arg12[%shift_right_logical3A_1519, %and3A_1522], %convert_element_type3A_1523 masked %unique3A_1515 {add = true} : memref<80x128xf32, #tpu.memory_space<vmem>>[vector<16xi32>, vector<16xi32>], vector<16xf32>, vector<16xi1>
      %get3A_1524 = arith.constant 8 : i32
      %get3A_1525 = arith.index_cast %get3A_1524 : i32 to index
      %get3A_1526 = arith.constant 80 : index
      %get3A_1527 = tpu.vector_load %arg10[%get3A_1525, %get3A_1526] {strides = array<i32>} : memref<20x128xi32, #tpu.memory_space<vmem>>, vector<16xi32>,
      %broadcast_in_dim3A_1528 = arith.constant true
      %broadcast_in_dim3A_1529 = vector.broadcast %broadcast_in_dim3A_1528 : i1 to vector<16xi1>
      %unique3A_1530, %unique3A_1531 = tpu.scan_count mask(%broadcast_in_dim3A_1529 : vector<16xi1>) value(%get3A_1527 : vector<16xi32>) : vector<16xi1>, vector<16xi32>
      %shift_right_logical3A_1532 = arith.constant 7 : i32
      %shift_right_logical3A_1533 = vector.broadcast %shift_right_logical3A_1532 : i32 to vector<16xi32>
      %shift_right_logical3A_1534 = arith.shrui %get3A_1527, %shift_right_logical3A_1533 : vector<16xi32>
      %and3A_1535 = arith.constant 127 : i32
      %and3A_1536 = vector.broadcast %and3A_1535 : i32 to vector<16xi32>
      %and3A_1537 = arith.andi %get3A_1527, %and3A_1536 : vector<16xi32>
      %convert_element_type3A_1538 = arith.sitofp %unique3A_1531 : vector<16xi32> to vector<16xf32>
      tpu.vector_store_idx %arg12[%shift_right_logical3A_1534, %and3A_1537], %convert_element_type3A_1538 masked %unique3A_1530 {add = true} : memref<80x128xf32, #tpu.memory_space<vmem>>[vector<16xi32>, vector<16xi32>], vector<16xf32>, vector<16xi1>
      %get3A_1539 = arith.constant 8 : i32
      %get3A_1540 = arith.index_cast %get3A_1539 : i32 to index
      %get3A_1541 = arith.constant 96 : index
      %get3A_1542 = tpu.vector_load %arg10[%get3A_1540, %get3A_1541] {strides = array<i32>} : memref<20x128xi32, #tpu.memory_space<vmem>>, vector<16xi32>,
      %broadcast_in_dim3A_1543 = arith.constant true
      %broadcast_in_dim3A_1544 = vector.broadcast %broadcast_in_dim3A_1543 : i1 to vector<16xi1>
      %unique3A_1545, %unique3A_1546 = tpu.scan_count mask(%broadcast_in_dim3A_1544 : vector<16xi1>) value(%get3A_1542 : vector<16xi32>) : vector<16xi1>, vector<16xi32>
      %shift_right_logical3A_1547 = arith.constant 7 : i32
      %shift_right_logical3A_1548 = vector.broadcast %shift_right_logical3A_1547 : i32 to vector<16xi32>
      %shift_right_logical3A_1549 = arith.shrui %get3A_1542, %shift_right_logical3A_1548 : vector<16xi32>
      %and3A_1550 = arith.constant 127 : i32
      %and3A_1551 = vector.broadcast %and3A_1550 : i32 to vector<16xi32>
      %and3A_1552 = arith.andi %get3A_1542, %and3A_1551 : vector<16xi32>
      %convert_element_type3A_1553 = arith.sitofp %unique3A_1546 : vector<16xi32> to vector<16xf32>
      tpu.vector_store_idx %arg12[%shift_right_logical3A_1549, %and3A_1552], %convert_element_type3A_1553 masked %unique3A_1545 {add = true} : memref<80x128xf32, #tpu.memory_space<vmem>>[vector<16xi32>, vector<16xi32>], vector<16xf32>, vector<16xi1>
      %get3A_1554 = arith.constant 8 : i32
      %get3A_1555 = arith.index_cast %get3A_1554 : i32 to index
      %get3A_1556 = arith.constant 112 : index
      %get3A_1557 = tpu.vector_load %arg10[%get3A_1555, %get3A_1556] {strides = array<i32>} : memref<20x128xi32, #tpu.memory_space<vmem>>, vector<16xi32>,
      %broadcast_in_dim3A_1558 = arith.constant true
      %broadcast_in_dim3A_1559 = vector.broadcast %broadcast_in_dim3A_1558 : i1 to vector<16xi1>
      %unique3A_1560, %unique3A_1561 = tpu.scan_count mask(%broadcast_in_dim3A_1559 : vector<16xi1>) value(%get3A_1557 : vector<16xi32>) : vector<16xi1>, vector<16xi32>
      %shift_right_logical3A_1562 = arith.constant 7 : i32
      %shift_right_logical3A_1563 = vector.broadcast %shift_right_logical3A_1562 : i32 to vector<16xi32>
      %shift_right_logical3A_1564 = arith.shrui %get3A_1557, %shift_right_logical3A_1563 : vector<16xi32>
      %and3A_1565 = arith.constant 127 : i32
      %and3A_1566 = vector.broadcast %and3A_1565 : i32 to vector<16xi32>
      %and3A_1567 = arith.andi %get3A_1557, %and3A_1566 : vector<16xi32>
      %convert_element_type3A_1568 = arith.sitofp %unique3A_1561 : vector<16xi32> to vector<16xf32>
      tpu.vector_store_idx %arg12[%shift_right_logical3A_1564, %and3A_1567], %convert_element_type3A_1568 masked %unique3A_1560 {add = true} : memref<80x128xf32, #tpu.memory_space<vmem>>[vector<16xi32>, vector<16xi32>], vector<16xf32>, vector<16xi1>
      %dma_wait3A_1569 = arith.constant 0 : i32
      %dma_wait3A_1570 = arith.constant 8 : i32
      %dma_wait3A_1571 = arith.constant 0 : i32
      %dma_wait3A_1572 = arith.constant 0 : i32
      %dma_wait3A_1573 = tpu.memref_slice %arg11[%dma_wait3A_1569, %dma_wait3A_1571, %dma_wait3A_1572] : memref<2x128x128xf32, #tpu.memory_space<vmem>> -> memref<1x128x128xf32, #tpu.memory_space<vmem>>
      %dma_wait3A_1574 = tpu.memref_squeeze %dma_wait3A_1573 : memref<1x128x128xf32, #tpu.memory_space<vmem>> -> memref<128x128xf32, #tpu.memory_space<vmem>>
      %dma_wait3A_1575 = arith.constant 0 : i32
      %dma_wait3A_1576 = tpu.memref_slice %arg10[%dma_wait3A_1570, %dma_wait3A_1575] : memref<20x128xi32, #tpu.memory_space<vmem>> -> memref<1x128xi32, #tpu.memory_space<vmem>>
      %dma_wait3A_1577 = tpu.memref_squeeze %dma_wait3A_1576 : memref<1x128xi32, #tpu.memory_space<vmem>> -> memref<128xi32, #tpu.memory_space<vmem>>
      %dma_wait3A_1578 = arith.constant 0 : i32
      %dma_wait3A_1579 = arith.constant 0 : i32
      %dma_wait3A_1580 = tpu.memref_slice %arg14[%dma_wait3A_1578, %dma_wait3A_1579] : memref<10112x128xf32, #tpu.memory_space<vmem_shared>> -> memref<10112x128xf32, #tpu.memory_space<vmem_shared>>
      tpu.wait_indirect_dma semaphore(%arg19 : memref<!tpu.dma_semaphore, #tpu.memory_space<semaphore_mem>>) src(%dma_wait3A_1574 : memref<128x128xf32, #tpu.memory_space<vmem>>) dst(%dma_wait3A_1580 : memref<10112x128xf32, #tpu.memory_space<vmem_shared>>)
      %dma_start3A_1581 = arith.constant 10 : i32
      %dma_start3A_1582 = arith.constant 0 : i32
      %dma_start3A_1583 = arith.constant 0 : i32
      %dma_start3A_1584 = arith.constant 0 : i32
      %dma_start3A_1585 = tpu.memref_slice %arg11[%dma_start3A_1582, %dma_start3A_1583, %dma_start3A_1584] : memref<2x128x128xf32, #tpu.memory_space<vmem>> -> memref<1x128x128xf32, #tpu.memory_space<vmem>>
      %dma_start3A_1586 = tpu.memref_squeeze %dma_start3A_1585 : memref<1x128x128xf32, #tpu.memory_space<vmem>> -> memref<128x128xf32, #tpu.memory_space<vmem>>
      %dma_start3A_1587 = arith.constant 0 : i32
      %dma_start3A_1588 = tpu.memref_slice %arg9[%dma_start3A_1581, %dma_start3A_1587] : memref<20x128xi32, #tpu.memory_space<vmem>> -> memref<1x128xi32, #tpu.memory_space<vmem>>
      %dma_start3A_1589 = tpu.memref_squeeze %dma_start3A_1588 : memref<1x128xi32, #tpu.memory_space<vmem>> -> memref<128xi32, #tpu.memory_space<vmem>>
      %dma_start3A_1590 = arith.constant 0 : i32
      %dma_start3A_1591 = arith.constant 0 : i32
      %dma_start3A_1592 = tpu.memref_slice %arg2[%dma_start3A_1590, %dma_start3A_1591] : memref<10000x128xf32, #tpu.memory_space<hbm>> -> memref<10000x128xf32, #tpu.memory_space<hbm>>
      tpu.enqueue_indirect_dma source(%dma_start3A_1592 : memref<10000x128xf32, #tpu.memory_space<hbm>>) target(%dma_start3A_1586 : memref<128x128xf32, #tpu.memory_space<vmem>>) offsets(%dma_start3A_1589 : memref<128xi32, #tpu.memory_space<vmem>>) semaphore(%arg16 : memref<!tpu.dma_semaphore, #tpu.memory_space<semaphore_mem>>)
      %dma_wait3A_1593 = arith.constant 9 : i32
      %dma_wait3A_1594 = arith.constant 1 : i32
      %dma_wait3A_1595 = arith.constant 0 : i32
      %dma_wait3A_1596 = arith.constant 0 : i32
      %dma_wait3A_1597 = tpu.memref_slice %arg11[%dma_wait3A_1594, %dma_wait3A_1595, %dma_wait3A_1596] : memref<2x128x128xf32, #tpu.memory_space<vmem>> -> memref<1x128x128xf32, #tpu.memory_space<vmem>>
      %dma_wait3A_1598 = tpu.memref_squeeze %dma_wait3A_1597 : memref<1x128x128xf32, #tpu.memory_space<vmem>> -> memref<128x128xf32, #tpu.memory_space<vmem>>
      %dma_wait3A_1599 = arith.constant 0 : i32
      %dma_wait3A_1600 = tpu.memref_slice %arg9[%dma_wait3A_1593, %dma_wait3A_1599] : memref<20x128xi32, #tpu.memory_space<vmem>> -> memref<1x128xi32, #tpu.memory_space<vmem>>
      %dma_wait3A_1601 = tpu.memref_squeeze %dma_wait3A_1600 : memref<1x128xi32, #tpu.memory_space<vmem>> -> memref<128xi32, #tpu.memory_space<vmem>>
      %dma_wait3A_1602 = arith.constant 0 : i32
      %dma_wait3A_1603 = arith.constant 0 : i32
      %dma_wait3A_1604 = tpu.memref_slice %arg2[%dma_wait3A_1602, %dma_wait3A_1603] : memref<10000x128xf32, #tpu.memory_space<hbm>> -> memref<10000x128xf32, #tpu.memory_space<hbm>>
      tpu.wait_indirect_dma semaphore(%arg17 : memref<!tpu.dma_semaphore, #tpu.memory_space<semaphore_mem>>) src(%dma_wait3A_1604 : memref<10000x128xf32, #tpu.memory_space<hbm>>) dst(%dma_wait3A_1598 : memref<128x128xf32, #tpu.memory_space<vmem>>)
      %dma_start3A_1605 = arith.constant 1 : i32
      %dma_start3A_1606 = arith.constant 9 : i32
      %dma_start3A_1607 = arith.constant 0 : i32
      %dma_start3A_1608 = arith.constant 0 : i32
      %dma_start3A_1609 = tpu.memref_slice %arg11[%dma_start3A_1605, %dma_start3A_1607, %dma_start3A_1608] : memref<2x128x128xf32, #tpu.memory_space<vmem>> -> memref<1x128x128xf32, #tpu.memory_space<vmem>>
      %dma_start3A_1610 = tpu.memref_squeeze %dma_start3A_1609 : memref<1x128x128xf32, #tpu.memory_space<vmem>> -> memref<128x128xf32, #tpu.memory_space<vmem>>
      %dma_start3A_1611 = arith.constant 0 : i32
      %dma_start3A_1612 = tpu.memref_slice %arg10[%dma_start3A_1606, %dma_start3A_1611] : memref<20x128xi32, #tpu.memory_space<vmem>> -> memref<1x128xi32, #tpu.memory_space<vmem>>
      %dma_start3A_1613 = tpu.memref_squeeze %dma_start3A_1612 : memref<1x128xi32, #tpu.memory_space<vmem>> -> memref<128xi32, #tpu.memory_space<vmem>>
      %dma_start3A_1614 = arith.constant 0 : i32
      %dma_start3A_1615 = arith.constant 0 : i32
      %dma_start3A_1616 = tpu.memref_slice %arg14[%dma_start3A_1614, %dma_start3A_1615] : memref<10112x128xf32, #tpu.memory_space<vmem_shared>> -> memref<10112x128xf32, #tpu.memory_space<vmem_shared>>
      tpu.enqueue_indirect_dma source(%dma_start3A_1610 : memref<128x128xf32, #tpu.memory_space<vmem>>) target(%dma_start3A_1616 : memref<10112x128xf32, #tpu.memory_space<vmem_shared>>) offsets(%dma_start3A_1613 : memref<128xi32, #tpu.memory_space<vmem>>) semaphore(%arg20 : memref<!tpu.dma_semaphore, #tpu.memory_space<semaphore_mem>>) {add = true}
      %get3A_1617 = arith.constant 9 : i32
      %get3A_1618 = arith.index_cast %get3A_1617 : i32 to index
      %get3A_1619 = arith.constant 0 : index
      %get3A_1620 = tpu.vector_load %arg10[%get3A_1618, %get3A_1619] {strides = array<i32>} : memref<20x128xi32, #tpu.memory_space<vmem>>, vector<16xi32>,
      %broadcast_in_dim3A_1621 = arith.constant true
      %broadcast_in_dim3A_1622 = vector.broadcast %broadcast_in_dim3A_1621 : i1 to vector<16xi1>
      %unique3A_1623, %unique3A_1624 = tpu.scan_count mask(%broadcast_in_dim3A_1622 : vector<16xi1>) value(%get3A_1620 : vector<16xi32>) : vector<16xi1>, vector<16xi32>
      %shift_right_logical3A_1625 = arith.constant 7 : i32
      %shift_right_logical3A_1626 = vector.broadcast %shift_right_logical3A_1625 : i32 to vector<16xi32>
      %shift_right_logical3A_1627 = arith.shrui %get3A_1620, %shift_right_logical3A_1626 : vector<16xi32>
      %and3A_1628 = arith.constant 127 : i32
      %and3A_1629 = vector.broadcast %and3A_1628 : i32 to vector<16xi32>
      %and3A_1630 = arith.andi %get3A_1620, %and3A_1629 : vector<16xi32>
      %convert_element_type3A_1631 = arith.sitofp %unique3A_1624 : vector<16xi32> to vector<16xf32>
      tpu.vector_store_idx %arg12[%shift_right_logical3A_1627, %and3A_1630], %convert_element_type3A_1631 masked %unique3A_1623 {add = true} : memref<80x128xf32, #tpu.memory_space<vmem>>[vector<16xi32>, vector<16xi32>], vector<16xf32>, vector<16xi1>
      %get3A_1632 = arith.constant 9 : i32
      %get3A_1633 = arith.index_cast %get3A_1632 : i32 to index
      %get3A_1634 = arith.constant 16 : index
      %get3A_1635 = tpu.vector_load %arg10[%get3A_1633, %get3A_1634] {strides = array<i32>} : memref<20x128xi32, #tpu.memory_space<vmem>>, vector<16xi32>,
      %broadcast_in_dim3A_1636 = arith.constant true
      %broadcast_in_dim3A_1637 = vector.broadcast %broadcast_in_dim3A_1636 : i1 to vector<16xi1>
      %unique3A_1638, %unique3A_1639 = tpu.scan_count mask(%broadcast_in_dim3A_1637 : vector<16xi1>) value(%get3A_1635 : vector<16xi32>) : vector<16xi1>, vector<16xi32>
      %shift_right_logical3A_1640 = arith.constant 7 : i32
      %shift_right_logical3A_1641 = vector.broadcast %shift_right_logical3A_1640 : i32 to vector<16xi32>
      %shift_right_logical3A_1642 = arith.shrui %get3A_1635, %shift_right_logical3A_1641 : vector<16xi32>
      %and3A_1643 = arith.constant 127 : i32
      %and3A_1644 = vector.broadcast %and3A_1643 : i32 to vector<16xi32>
      %and3A_1645 = arith.andi %get3A_1635, %and3A_1644 : vector<16xi32>
      %convert_element_type3A_1646 = arith.sitofp %unique3A_1639 : vector<16xi32> to vector<16xf32>
      tpu.vector_store_idx %arg12[%shift_right_logical3A_1642, %and3A_1645], %convert_element_type3A_1646 masked %unique3A_1638 {add = true} : memref<80x128xf32, #tpu.memory_space<vmem>>[vector<16xi32>, vector<16xi32>], vector<16xf32>, vector<16xi1>
      %get3A_1647 = arith.constant 9 : i32
      %get3A_1648 = arith.index_cast %get3A_1647 : i32 to index
      %get3A_1649 = arith.constant 32 : index
      %get3A_1650 = tpu.vector_load %arg10[%get3A_1648, %get3A_1649] {strides = array<i32>} : memref<20x128xi32, #tpu.memory_space<vmem>>, vector<16xi32>,
      %broadcast_in_dim3A_1651 = arith.constant true
      %broadcast_in_dim3A_1652 = vector.broadcast %broadcast_in_dim3A_1651 : i1 to vector<16xi1>
      %unique3A_1653, %unique3A_1654 = tpu.scan_count mask(%broadcast_in_dim3A_1652 : vector<16xi1>) value(%get3A_1650 : vector<16xi32>) : vector<16xi1>, vector<16xi32>
      %shift_right_logical3A_1655 = arith.constant 7 : i32
      %shift_right_logical3A_1656 = vector.broadcast %shift_right_logical3A_1655 : i32 to vector<16xi32>
      %shift_right_logical3A_1657 = arith.shrui %get3A_1650, %shift_right_logical3A_1656 : vector<16xi32>
      %and3A_1658 = arith.constant 127 : i32
      %and3A_1659 = vector.broadcast %and3A_1658 : i32 to vector<16xi32>
      %and3A_1660 = arith.andi %get3A_1650, %and3A_1659 : vector<16xi32>
      %convert_element_type3A_1661 = arith.sitofp %unique3A_1654 : vector<16xi32> to vector<16xf32>
      tpu.vector_store_idx %arg12[%shift_right_logical3A_1657, %and3A_1660], %convert_element_type3A_1661 masked %unique3A_1653 {add = true} : memref<80x128xf32, #tpu.memory_space<vmem>>[vector<16xi32>, vector<16xi32>], vector<16xf32>, vector<16xi1>
      %get3A_1662 = arith.constant 9 : i32
      %get3A_1663 = arith.index_cast %get3A_1662 : i32 to index
      %get3A_1664 = arith.constant 48 : index
      %get3A_1665 = tpu.vector_load %arg10[%get3A_1663, %get3A_1664] {strides = array<i32>} : memref<20x128xi32, #tpu.memory_space<vmem>>, vector<16xi32>,
      %broadcast_in_dim3A_1666 = arith.constant true
      %broadcast_in_dim3A_1667 = vector.broadcast %broadcast_in_dim3A_1666 : i1 to vector<16xi1>
      %unique3A_1668, %unique3A_1669 = tpu.scan_count mask(%broadcast_in_dim3A_1667 : vector<16xi1>) value(%get3A_1665 : vector<16xi32>) : vector<16xi1>, vector<16xi32>
      %shift_right_logical3A_1670 = arith.constant 7 : i32
      %shift_right_logical3A_1671 = vector.broadcast %shift_right_logical3A_1670 : i32 to vector<16xi32>
      %shift_right_logical3A_1672 = arith.shrui %get3A_1665, %shift_right_logical3A_1671 : vector<16xi32>
      %and3A_1673 = arith.constant 127 : i32
      %and3A_1674 = vector.broadcast %and3A_1673 : i32 to vector<16xi32>
      %and3A_1675 = arith.andi %get3A_1665, %and3A_1674 : vector<16xi32>
      %convert_element_type3A_1676 = arith.sitofp %unique3A_1669 : vector<16xi32> to vector<16xf32>
      tpu.vector_store_idx %arg12[%shift_right_logical3A_1672, %and3A_1675], %convert_element_type3A_1676 masked %unique3A_1668 {add = true} : memref<80x128xf32, #tpu.memory_space<vmem>>[vector<16xi32>, vector<16xi32>], vector<16xf32>, vector<16xi1>
      %get3A_1677 = arith.constant 9 : i32
      %get3A_1678 = arith.index_cast %get3A_1677 : i32 to index
      %get3A_1679 = arith.constant 64 : index
      %get3A_1680 = tpu.vector_load %arg10[%get3A_1678, %get3A_1679] {strides = array<i32>} : memref<20x128xi32, #tpu.memory_space<vmem>>, vector<16xi32>,
      %broadcast_in_dim3A_1681 = arith.constant true
      %broadcast_in_dim3A_1682 = vector.broadcast %broadcast_in_dim3A_1681 : i1 to vector<16xi1>
      %unique3A_1683, %unique3A_1684 = tpu.scan_count mask(%broadcast_in_dim3A_1682 : vector<16xi1>) value(%get3A_1680 : vector<16xi32>) : vector<16xi1>, vector<16xi32>
      %shift_right_logical3A_1685 = arith.constant 7 : i32
      %shift_right_logical3A_1686 = vector.broadcast %shift_right_logical3A_1685 : i32 to vector<16xi32>
      %shift_right_logical3A_1687 = arith.shrui %get3A_1680, %shift_right_logical3A_1686 : vector<16xi32>
      %and3A_1688 = arith.constant 127 : i32
      %and3A_1689 = vector.broadcast %and3A_1688 : i32 to vector<16xi32>
      %and3A_1690 = arith.andi %get3A_1680, %and3A_1689 : vector<16xi32>
      %convert_element_type3A_1691 = arith.sitofp %unique3A_1684 : vector<16xi32> to vector<16xf32>
      tpu.vector_store_idx %arg12[%shift_right_logical3A_1687, %and3A_1690], %convert_element_type3A_1691 masked %unique3A_1683 {add = true} : memref<80x128xf32, #tpu.memory_space<vmem>>[vector<16xi32>, vector<16xi32>], vector<16xf32>, vector<16xi1>
      %get3A_1692 = arith.constant 9 : i32
      %get3A_1693 = arith.index_cast %get3A_1692 : i32 to index
      %get3A_1694 = arith.constant 80 : index
      %get3A_1695 = tpu.vector_load %arg10[%get3A_1693, %get3A_1694] {strides = array<i32>} : memref<20x128xi32, #tpu.memory_space<vmem>>, vector<16xi32>,
      %broadcast_in_dim3A_1696 = arith.constant true
      %broadcast_in_dim3A_1697 = vector.broadcast %broadcast_in_dim3A_1696 : i1 to vector<16xi1>
      %unique3A_1698, %unique3A_1699 = tpu.scan_count mask(%broadcast_in_dim3A_1697 : vector<16xi1>) value(%get3A_1695 : vector<16xi32>) : vector<16xi1>, vector<16xi32>
      %shift_right_logical3A_1700 = arith.constant 7 : i32
      %shift_right_logical3A_1701 = vector.broadcast %shift_right_logical3A_1700 : i32 to vector<16xi32>
      %shift_right_logical3A_1702 = arith.shrui %get3A_1695, %shift_right_logical3A_1701 : vector<16xi32>
      %and3A_1703 = arith.constant 127 : i32
      %and3A_1704 = vector.broadcast %and3A_1703 : i32 to vector<16xi32>
      %and3A_1705 = arith.andi %get3A_1695, %and3A_1704 : vector<16xi32>
      %convert_element_type3A_1706 = arith.sitofp %unique3A_1699 : vector<16xi32> to vector<16xf32>
      tpu.vector_store_idx %arg12[%shift_right_logical3A_1702, %and3A_1705], %convert_element_type3A_1706 masked %unique3A_1698 {add = true} : memref<80x128xf32, #tpu.memory_space<vmem>>[vector<16xi32>, vector<16xi32>], vector<16xf32>, vector<16xi1>
      %get3A_1707 = arith.constant 9 : i32
      %get3A_1708 = arith.index_cast %get3A_1707 : i32 to index
      %get3A_1709 = arith.constant 96 : index
      %get3A_1710 = tpu.vector_load %arg10[%get3A_1708, %get3A_1709] {strides = array<i32>} : memref<20x128xi32, #tpu.memory_space<vmem>>, vector<16xi32>,
      %broadcast_in_dim3A_1711 = arith.constant true
      %broadcast_in_dim3A_1712 = vector.broadcast %broadcast_in_dim3A_1711 : i1 to vector<16xi1>
      %unique3A_1713, %unique3A_1714 = tpu.scan_count mask(%broadcast_in_dim3A_1712 : vector<16xi1>) value(%get3A_1710 : vector<16xi32>) : vector<16xi1>, vector<16xi32>
      %shift_right_logical3A_1715 = arith.constant 7 : i32
      %shift_right_logical3A_1716 = vector.broadcast %shift_right_logical3A_1715 : i32 to vector<16xi32>
      %shift_right_logical3A_1717 = arith.shrui %get3A_1710, %shift_right_logical3A_1716 : vector<16xi32>
      %and3A_1718 = arith.constant 127 : i32
      %and3A_1719 = vector.broadcast %and3A_1718 : i32 to vector<16xi32>
      %and3A_1720 = arith.andi %get3A_1710, %and3A_1719 : vector<16xi32>
      %convert_element_type3A_1721 = arith.sitofp %unique3A_1714 : vector<16xi32> to vector<16xf32>
      tpu.vector_store_idx %arg12[%shift_right_logical3A_1717, %and3A_1720], %convert_element_type3A_1721 masked %unique3A_1713 {add = true} : memref<80x128xf32, #tpu.memory_space<vmem>>[vector<16xi32>, vector<16xi32>], vector<16xf32>, vector<16xi1>
      %get3A_1722 = arith.constant 9 : i32
      %get3A_1723 = arith.index_cast %get3A_1722 : i32 to index
      %get3A_1724 = arith.constant 112 : index
      %get3A_1725 = tpu.vector_load %arg10[%get3A_1723, %get3A_1724] {strides = array<i32>} : memref<20x128xi32, #tpu.memory_space<vmem>>, vector<16xi32>,
      %broadcast_in_dim3A_1726 = arith.constant true
      %broadcast_in_dim3A_1727 = vector.broadcast %broadcast_in_dim3A_1726 : i1 to vector<16xi1>
      %unique3A_1728, %unique3A_1729 = tpu.scan_count mask(%broadcast_in_dim3A_1727 : vector<16xi1>) value(%get3A_1725 : vector<16xi32>) : vector<16xi1>, vector<16xi32>
      %shift_right_logical3A_1730 = arith.constant 7 : i32
      %shift_right_logical3A_1731 = vector.broadcast %shift_right_logical3A_1730 : i32 to vector<16xi32>
      %shift_right_logical3A_1732 = arith.shrui %get3A_1725, %shift_right_logical3A_1731 : vector<16xi32>
      %and3A_1733 = arith.constant 127 : i32
      %and3A_1734 = vector.broadcast %and3A_1733 : i32 to vector<16xi32>
      %and3A_1735 = arith.andi %get3A_1725, %and3A_1734 : vector<16xi32>
      %convert_element_type3A_1736 = arith.sitofp %unique3A_1729 : vector<16xi32> to vector<16xf32>
      tpu.vector_store_idx %arg12[%shift_right_logical3A_1732, %and3A_1735], %convert_element_type3A_1736 masked %unique3A_1728 {add = true} : memref<80x128xf32, #tpu.memory_space<vmem>>[vector<16xi32>, vector<16xi32>], vector<16xf32>, vector<16xi1>
      %dma_wait3A_1737 = arith.constant 1 : i32
      %dma_wait3A_1738 = arith.constant 9 : i32
      %dma_wait3A_1739 = arith.constant 0 : i32
      %dma_wait3A_1740 = arith.constant 0 : i32
      %dma_wait3A_1741 = tpu.memref_slice %arg11[%dma_wait3A_1737, %dma_wait3A_1739, %dma_wait3A_1740] : memref<2x128x128xf32, #tpu.memory_space<vmem>> -> memref<1x128x128xf32, #tpu.memory_space<vmem>>
      %dma_wait3A_1742 = tpu.memref_squeeze %dma_wait3A_1741 : memref<1x128x128xf32, #tpu.memory_space<vmem>> -> memref<128x128xf32, #tpu.memory_space<vmem>>
      %dma_wait3A_1743 = arith.constant 0 : i32
      %dma_wait3A_1744 = tpu.memref_slice %arg10[%dma_wait3A_1738, %dma_wait3A_1743] : memref<20x128xi32, #tpu.memory_space<vmem>> -> memref<1x128xi32, #tpu.memory_space<vmem>>
      %dma_wait3A_1745 = tpu.memref_squeeze %dma_wait3A_1744 : memref<1x128xi32, #tpu.memory_space<vmem>> -> memref<128xi32, #tpu.memory_space<vmem>>
      %dma_wait3A_1746 = arith.constant 0 : i32
      %dma_wait3A_1747 = arith.constant 0 : i32
      %dma_wait3A_1748 = tpu.memref_slice %arg14[%dma_wait3A_1746, %dma_wait3A_1747] : memref<10112x128xf32, #tpu.memory_space<vmem_shared>> -> memref<10112x128xf32, #tpu.memory_space<vmem_shared>>
      tpu.wait_indirect_dma semaphore(%arg20 : memref<!tpu.dma_semaphore, #tpu.memory_space<semaphore_mem>>) src(%dma_wait3A_1742 : memref<128x128xf32, #tpu.memory_space<vmem>>) dst(%dma_wait3A_1748 : memref<10112x128xf32, #tpu.memory_space<vmem_shared>>)
      %dma_start3A_1749 = arith.constant 11 : i32
      %dma_start3A_1750 = arith.constant 1 : i32
      %dma_start3A_1751 = arith.constant 0 : i32
      %dma_start3A_1752 = arith.constant 0 : i32
      %dma_start3A_1753 = tpu.memref_slice %arg11[%dma_start3A_1750, %dma_start3A_1751, %dma_start3A_1752] : memref<2x128x128xf32, #tpu.memory_space<vmem>> -> memref<1x128x128xf32, #tpu.memory_space<vmem>>
      %dma_start3A_1754 = tpu.memref_squeeze %dma_start3A_1753 : memref<1x128x128xf32, #tpu.memory_space<vmem>> -> memref<128x128xf32, #tpu.memory_space<vmem>>
      %dma_start3A_1755 = arith.constant 0 : i32
      %dma_start3A_1756 = tpu.memref_slice %arg9[%dma_start3A_1749, %dma_start3A_1755] : memref<20x128xi32, #tpu.memory_space<vmem>> -> memref<1x128xi32, #tpu.memory_space<vmem>>
      %dma_start3A_1757 = tpu.memref_squeeze %dma_start3A_1756 : memref<1x128xi32, #tpu.memory_space<vmem>> -> memref<128xi32, #tpu.memory_space<vmem>>
      %dma_start3A_1758 = arith.constant 0 : i32
      %dma_start3A_1759 = arith.constant 0 : i32
      %dma_start3A_1760 = tpu.memref_slice %arg2[%dma_start3A_1758, %dma_start3A_1759] : memref<10000x128xf32, #tpu.memory_space<hbm>> -> memref<10000x128xf32, #tpu.memory_space<hbm>>
      tpu.enqueue_indirect_dma source(%dma_start3A_1760 : memref<10000x128xf32, #tpu.memory_space<hbm>>) target(%dma_start3A_1754 : memref<128x128xf32, #tpu.memory_space<vmem>>) offsets(%dma_start3A_1757 : memref<128xi32, #tpu.memory_space<vmem>>) semaphore(%arg17 : memref<!tpu.dma_semaphore, #tpu.memory_space<semaphore_mem>>)
      %dma_wait3A_1761 = arith.constant 10 : i32
      %dma_wait3A_1762 = arith.constant 0 : i32
      %dma_wait3A_1763 = arith.constant 0 : i32
      %dma_wait3A_1764 = arith.constant 0 : i32
      %dma_wait3A_1765 = tpu.memref_slice %arg11[%dma_wait3A_1762, %dma_wait3A_1763, %dma_wait3A_1764] : memref<2x128x128xf32, #tpu.memory_space<vmem>> -> memref<1x128x128xf32, #tpu.memory_space<vmem>>
      %dma_wait3A_1766 = tpu.memref_squeeze %dma_wait3A_1765 : memref<1x128x128xf32, #tpu.memory_space<vmem>> -> memref<128x128xf32, #tpu.memory_space<vmem>>
      %dma_wait3A_1767 = arith.constant 0 : i32
      %dma_wait3A_1768 = tpu.memref_slice %arg9[%dma_wait3A_1761, %dma_wait3A_1767] : memref<20x128xi32, #tpu.memory_space<vmem>> -> memref<1x128xi32, #tpu.memory_space<vmem>>
      %dma_wait3A_1769 = tpu.memref_squeeze %dma_wait3A_1768 : memref<1x128xi32, #tpu.memory_space<vmem>> -> memref<128xi32, #tpu.memory_space<vmem>>
      %dma_wait3A_1770 = arith.constant 0 : i32
      %dma_wait3A_1771 = arith.constant 0 : i32
      %dma_wait3A_1772 = tpu.memref_slice %arg2[%dma_wait3A_1770, %dma_wait3A_1771] : memref<10000x128xf32, #tpu.memory_space<hbm>> -> memref<10000x128xf32, #tpu.memory_space<hbm>>
      tpu.wait_indirect_dma semaphore(%arg16 : memref<!tpu.dma_semaphore, #tpu.memory_space<semaphore_mem>>) src(%dma_wait3A_1772 : memref<10000x128xf32, #tpu.memory_space<hbm>>) dst(%dma_wait3A_1766 : memref<128x128xf32, #tpu.memory_space<vmem>>)
      %dma_start3A_1773 = arith.constant 0 : i32
      %dma_start3A_1774 = arith.constant 10 : i32
      %dma_start3A_1775 = arith.constant 0 : i32
      %dma_start3A_1776 = arith.constant 0 : i32
      %dma_start3A_1777 = tpu.memref_slice %arg11[%dma_start3A_1773, %dma_start3A_1775, %dma_start3A_1776] : memref<2x128x128xf32, #tpu.memory_space<vmem>> -> memref<1x128x128xf32, #tpu.memory_space<vmem>>
      %dma_start3A_1778 = tpu.memref_squeeze %dma_start3A_1777 : memref<1x128x128xf32, #tpu.memory_space<vmem>> -> memref<128x128xf32, #tpu.memory_space<vmem>>
      %dma_start3A_1779 = arith.constant 0 : i32
      %dma_start3A_1780 = tpu.memref_slice %arg10[%dma_start3A_1774, %dma_start3A_1779] : memref<20x128xi32, #tpu.memory_space<vmem>> -> memref<1x128xi32, #tpu.memory_space<vmem>>
      %dma_start3A_1781 = tpu.memref_squeeze %dma_start3A_1780 : memref<1x128xi32, #tpu.memory_space<vmem>> -> memref<128xi32, #tpu.memory_space<vmem>>
      %dma_start3A_1782 = arith.constant 0 : i32
      %dma_start3A_1783 = arith.constant 0 : i32
      %dma_start3A_1784 = tpu.memref_slice %arg14[%dma_start3A_1782, %dma_start3A_1783] : memref<10112x128xf32, #tpu.memory_space<vmem_shared>> -> memref<10112x128xf32, #tpu.memory_space<vmem_shared>>
      tpu.enqueue_indirect_dma source(%dma_start3A_1778 : memref<128x128xf32, #tpu.memory_space<vmem>>) target(%dma_start3A_1784 : memref<10112x128xf32, #tpu.memory_space<vmem_shared>>) offsets(%dma_start3A_1781 : memref<128xi32, #tpu.memory_space<vmem>>) semaphore(%arg19 : memref<!tpu.dma_semaphore, #tpu.memory_space<semaphore_mem>>) {add = true}
      %get3A_1785 = arith.constant 10 : i32
      %get3A_1786 = arith.index_cast %get3A_1785 : i32 to index
      %get3A_1787 = arith.constant 0 : index
      %get3A_1788 = tpu.vector_load %arg10[%get3A_1786, %get3A_1787] {strides = array<i32>} : memref<20x128xi32, #tpu.memory_space<vmem>>, vector<16xi32>,
      %broadcast_in_dim3A_1789 = arith.constant true
      %broadcast_in_dim3A_1790 = vector.broadcast %broadcast_in_dim3A_1789 : i1 to vector<16xi1>
      %unique3A_1791, %unique3A_1792 = tpu.scan_count mask(%broadcast_in_dim3A_1790 : vector<16xi1>) value(%get3A_1788 : vector<16xi32>) : vector<16xi1>, vector<16xi32>
      %shift_right_logical3A_1793 = arith.constant 7 : i32
      %shift_right_logical3A_1794 = vector.broadcast %shift_right_logical3A_1793 : i32 to vector<16xi32>
      %shift_right_logical3A_1795 = arith.shrui %get3A_1788, %shift_right_logical3A_1794 : vector<16xi32>
      %and3A_1796 = arith.constant 127 : i32
      %and3A_1797 = vector.broadcast %and3A_1796 : i32 to vector<16xi32>
      %and3A_1798 = arith.andi %get3A_1788, %and3A_1797 : vector<16xi32>
      %convert_element_type3A_1799 = arith.sitofp %unique3A_1792 : vector<16xi32> to vector<16xf32>
      tpu.vector_store_idx %arg12[%shift_right_logical3A_1795, %and3A_1798], %convert_element_type3A_1799 masked %unique3A_1791 {add = true} : memref<80x128xf32, #tpu.memory_space<vmem>>[vector<16xi32>, vector<16xi32>], vector<16xf32>, vector<16xi1>
      %get3A_1800 = arith.constant 10 : i32
      %get3A_1801 = arith.index_cast %get3A_1800 : i32 to index
      %get3A_1802 = arith.constant 16 : index
      %get3A_1803 = tpu.vector_load %arg10[%get3A_1801, %get3A_1802] {strides = array<i32>} : memref<20x128xi32, #tpu.memory_space<vmem>>, vector<16xi32>,
      %broadcast_in_dim3A_1804 = arith.constant true
      %broadcast_in_dim3A_1805 = vector.broadcast %broadcast_in_dim3A_1804 : i1 to vector<16xi1>
      %unique3A_1806, %unique3A_1807 = tpu.scan_count mask(%broadcast_in_dim3A_1805 : vector<16xi1>) value(%get3A_1803 : vector<16xi32>) : vector<16xi1>, vector<16xi32>
      %shift_right_logical3A_1808 = arith.constant 7 : i32
      %shift_right_logical3A_1809 = vector.broadcast %shift_right_logical3A_1808 : i32 to vector<16xi32>
      %shift_right_logical3A_1810 = arith.shrui %get3A_1803, %shift_right_logical3A_1809 : vector<16xi32>
      %and3A_1811 = arith.constant 127 : i32
      %and3A_1812 = vector.broadcast %and3A_1811 : i32 to vector<16xi32>
      %and3A_1813 = arith.andi %get3A_1803, %and3A_1812 : vector<16xi32>
      %convert_element_type3A_1814 = arith.sitofp %unique3A_1807 : vector<16xi32> to vector<16xf32>
      tpu.vector_store_idx %arg12[%shift_right_logical3A_1810, %and3A_1813], %convert_element_type3A_1814 masked %unique3A_1806 {add = true} : memref<80x128xf32, #tpu.memory_space<vmem>>[vector<16xi32>, vector<16xi32>], vector<16xf32>, vector<16xi1>
      %get3A_1815 = arith.constant 10 : i32
      %get3A_1816 = arith.index_cast %get3A_1815 : i32 to index
      %get3A_1817 = arith.constant 32 : index
      %get3A_1818 = tpu.vector_load %arg10[%get3A_1816, %get3A_1817] {strides = array<i32>} : memref<20x128xi32, #tpu.memory_space<vmem>>, vector<16xi32>,
      %broadcast_in_dim3A_1819 = arith.constant true
      %broadcast_in_dim3A_1820 = vector.broadcast %broadcast_in_dim3A_1819 : i1 to vector<16xi1>
      %unique3A_1821, %unique3A_1822 = tpu.scan_count mask(%broadcast_in_dim3A_1820 : vector<16xi1>) value(%get3A_1818 : vector<16xi32>) : vector<16xi1>, vector<16xi32>
      %shift_right_logical3A_1823 = arith.constant 7 : i32
      %shift_right_logical3A_1824 = vector.broadcast %shift_right_logical3A_1823 : i32 to vector<16xi32>
      %shift_right_logical3A_1825 = arith.shrui %get3A_1818, %shift_right_logical3A_1824 : vector<16xi32>
      %and3A_1826 = arith.constant 127 : i32
      %and3A_1827 = vector.broadcast %and3A_1826 : i32 to vector<16xi32>
      %and3A_1828 = arith.andi %get3A_1818, %and3A_1827 : vector<16xi32>
      %convert_element_type3A_1829 = arith.sitofp %unique3A_1822 : vector<16xi32> to vector<16xf32>
      tpu.vector_store_idx %arg12[%shift_right_logical3A_1825, %and3A_1828], %convert_element_type3A_1829 masked %unique3A_1821 {add = true} : memref<80x128xf32, #tpu.memory_space<vmem>>[vector<16xi32>, vector<16xi32>], vector<16xf32>, vector<16xi1>
      %get3A_1830 = arith.constant 10 : i32
      %get3A_1831 = arith.index_cast %get3A_1830 : i32 to index
      %get3A_1832 = arith.constant 48 : index
      %get3A_1833 = tpu.vector_load %arg10[%get3A_1831, %get3A_1832] {strides = array<i32>} : memref<20x128xi32, #tpu.memory_space<vmem>>, vector<16xi32>,
      %broadcast_in_dim3A_1834 = arith.constant true
      %broadcast_in_dim3A_1835 = vector.broadcast %broadcast_in_dim3A_1834 : i1 to vector<16xi1>
      %unique3A_1836, %unique3A_1837 = tpu.scan_count mask(%broadcast_in_dim3A_1835 : vector<16xi1>) value(%get3A_1833 : vector<16xi32>) : vector<16xi1>, vector<16xi32>
      %shift_right_logical3A_1838 = arith.constant 7 : i32
      %shift_right_logical3A_1839 = vector.broadcast %shift_right_logical3A_1838 : i32 to vector<16xi32>
      %shift_right_logical3A_1840 = arith.shrui %get3A_1833, %shift_right_logical3A_1839 : vector<16xi32>
      %and3A_1841 = arith.constant 127 : i32
      %and3A_1842 = vector.broadcast %and3A_1841 : i32 to vector<16xi32>
      %and3A_1843 = arith.andi %get3A_1833, %and3A_1842 : vector<16xi32>
      %convert_element_type3A_1844 = arith.sitofp %unique3A_1837 : vector<16xi32> to vector<16xf32>
      tpu.vector_store_idx %arg12[%shift_right_logical3A_1840, %and3A_1843], %convert_element_type3A_1844 masked %unique3A_1836 {add = true} : memref<80x128xf32, #tpu.memory_space<vmem>>[vector<16xi32>, vector<16xi32>], vector<16xf32>, vector<16xi1>
      %get3A_1845 = arith.constant 10 : i32
      %get3A_1846 = arith.index_cast %get3A_1845 : i32 to index
      %get3A_1847 = arith.constant 64 : index
      %get3A_1848 = tpu.vector_load %arg10[%get3A_1846, %get3A_1847] {strides = array<i32>} : memref<20x128xi32, #tpu.memory_space<vmem>>, vector<16xi32>,
      %broadcast_in_dim3A_1849 = arith.constant true
      %broadcast_in_dim3A_1850 = vector.broadcast %broadcast_in_dim3A_1849 : i1 to vector<16xi1>
      %unique3A_1851, %unique3A_1852 = tpu.scan_count mask(%broadcast_in_dim3A_1850 : vector<16xi1>) value(%get3A_1848 : vector<16xi32>) : vector<16xi1>, vector<16xi32>
      %shift_right_logical3A_1853 = arith.constant 7 : i32
      %shift_right_logical3A_1854 = vector.broadcast %shift_right_logical3A_1853 : i32 to vector<16xi32>
      %shift_right_logical3A_1855 = arith.shrui %get3A_1848, %shift_right_logical3A_1854 : vector<16xi32>
      %and3A_1856 = arith.constant 127 : i32
      %and3A_1857 = vector.broadcast %and3A_1856 : i32 to vector<16xi32>
      %and3A_1858 = arith.andi %get3A_1848, %and3A_1857 : vector<16xi32>
      %convert_element_type3A_1859 = arith.sitofp %unique3A_1852 : vector<16xi32> to vector<16xf32>
      tpu.vector_store_idx %arg12[%shift_right_logical3A_1855, %and3A_1858], %convert_element_type3A_1859 masked %unique3A_1851 {add = true} : memref<80x128xf32, #tpu.memory_space<vmem>>[vector<16xi32>, vector<16xi32>], vector<16xf32>, vector<16xi1>
      %get3A_1860 = arith.constant 10 : i32
      %get3A_1861 = arith.index_cast %get3A_1860 : i32 to index
      %get3A_1862 = arith.constant 80 : index
      %get3A_1863 = tpu.vector_load %arg10[%get3A_1861, %get3A_1862] {strides = array<i32>} : memref<20x128xi32, #tpu.memory_space<vmem>>, vector<16xi32>,
      %broadcast_in_dim3A_1864 = arith.constant true
      %broadcast_in_dim3A_1865 = vector.broadcast %broadcast_in_dim3A_1864 : i1 to vector<16xi1>
      %unique3A_1866, %unique3A_1867 = tpu.scan_count mask(%broadcast_in_dim3A_1865 : vector<16xi1>) value(%get3A_1863 : vector<16xi32>) : vector<16xi1>, vector<16xi32>
      %shift_right_logical3A_1868 = arith.constant 7 : i32
      %shift_right_logical3A_1869 = vector.broadcast %shift_right_logical3A_1868 : i32 to vector<16xi32>
      %shift_right_logical3A_1870 = arith.shrui %get3A_1863, %shift_right_logical3A_1869 : vector<16xi32>
      %and3A_1871 = arith.constant 127 : i32
      %and3A_1872 = vector.broadcast %and3A_1871 : i32 to vector<16xi32>
      %and3A_1873 = arith.andi %get3A_1863, %and3A_1872 : vector<16xi32>
      %convert_element_type3A_1874 = arith.sitofp %unique3A_1867 : vector<16xi32> to vector<16xf32>
      tpu.vector_store_idx %arg12[%shift_right_logical3A_1870, %and3A_1873], %convert_element_type3A_1874 masked %unique3A_1866 {add = true} : memref<80x128xf32, #tpu.memory_space<vmem>>[vector<16xi32>, vector<16xi32>], vector<16xf32>, vector<16xi1>
      %get3A_1875 = arith.constant 10 : i32
      %get3A_1876 = arith.index_cast %get3A_1875 : i32 to index
      %get3A_1877 = arith.constant 96 : index
      %get3A_1878 = tpu.vector_load %arg10[%get3A_1876, %get3A_1877] {strides = array<i32>} : memref<20x128xi32, #tpu.memory_space<vmem>>, vector<16xi32>,
      %broadcast_in_dim3A_1879 = arith.constant true
      %broadcast_in_dim3A_1880 = vector.broadcast %broadcast_in_dim3A_1879 : i1 to vector<16xi1>
      %unique3A_1881, %unique3A_1882 = tpu.scan_count mask(%broadcast_in_dim3A_1880 : vector<16xi1>) value(%get3A_1878 : vector<16xi32>) : vector<16xi1>, vector<16xi32>
      %shift_right_logical3A_1883 = arith.constant 7 : i32
      %shift_right_logical3A_1884 = vector.broadcast %shift_right_logical3A_1883 : i32 to vector<16xi32>
      %shift_right_logical3A_1885 = arith.shrui %get3A_1878, %shift_right_logical3A_1884 : vector<16xi32>
      %and3A_1886 = arith.constant 127 : i32
      %and3A_1887 = vector.broadcast %and3A_1886 : i32 to vector<16xi32>
      %and3A_1888 = arith.andi %get3A_1878, %and3A_1887 : vector<16xi32>
      %convert_element_type3A_1889 = arith.sitofp %unique3A_1882 : vector<16xi32> to vector<16xf32>
      tpu.vector_store_idx %arg12[%shift_right_logical3A_1885, %and3A_1888], %convert_element_type3A_1889 masked %unique3A_1881 {add = true} : memref<80x128xf32, #tpu.memory_space<vmem>>[vector<16xi32>, vector<16xi32>], vector<16xf32>, vector<16xi1>
      %get3A_1890 = arith.constant 10 : i32
      %get3A_1891 = arith.index_cast %get3A_1890 : i32 to index
      %get3A_1892 = arith.constant 112 : index
      %get3A_1893 = tpu.vector_load %arg10[%get3A_1891, %get3A_1892] {strides = array<i32>} : memref<20x128xi32, #tpu.memory_space<vmem>>, vector<16xi32>,
      %broadcast_in_dim3A_1894 = arith.constant true
      %broadcast_in_dim3A_1895 = vector.broadcast %broadcast_in_dim3A_1894 : i1 to vector<16xi1>
      %unique3A_1896, %unique3A_1897 = tpu.scan_count mask(%broadcast_in_dim3A_1895 : vector<16xi1>) value(%get3A_1893 : vector<16xi32>) : vector<16xi1>, vector<16xi32>
      %shift_right_logical3A_1898 = arith.constant 7 : i32
      %shift_right_logical3A_1899 = vector.broadcast %shift_right_logical3A_1898 : i32 to vector<16xi32>
      %shift_right_logical3A_1900 = arith.shrui %get3A_1893, %shift_right_logical3A_1899 : vector<16xi32>
      %and3A_1901 = arith.constant 127 : i32
      %and3A_1902 = vector.broadcast %and3A_1901 : i32 to vector<16xi32>
      %and3A_1903 = arith.andi %get3A_1893, %and3A_1902 : vector<16xi32>
      %convert_element_type3A_1904 = arith.sitofp %unique3A_1897 : vector<16xi32> to vector<16xf32>
      tpu.vector_store_idx %arg12[%shift_right_logical3A_1900, %and3A_1903], %convert_element_type3A_1904 masked %unique3A_1896 {add = true} : memref<80x128xf32, #tpu.memory_space<vmem>>[vector<16xi32>, vector<16xi32>], vector<16xf32>, vector<16xi1>
      %dma_wait3A_1905 = arith.constant 0 : i32
      %dma_wait3A_1906 = arith.constant 10 : i32
      %dma_wait3A_1907 = arith.constant 0 : i32
      %dma_wait3A_1908 = arith.constant 0 : i32
      %dma_wait3A_1909 = tpu.memref_slice %arg11[%dma_wait3A_1905, %dma_wait3A_1907, %dma_wait3A_1908] : memref<2x128x128xf32, #tpu.memory_space<vmem>> -> memref<1x128x128xf32, #tpu.memory_space<vmem>>
      %dma_wait3A_1910 = tpu.memref_squeeze %dma_wait3A_1909 : memref<1x128x128xf32, #tpu.memory_space<vmem>> -> memref<128x128xf32, #tpu.memory_space<vmem>>
      %dma_wait3A_1911 = arith.constant 0 : i32
      %dma_wait3A_1912 = tpu.memref_slice %arg10[%dma_wait3A_1906, %dma_wait3A_1911] : memref<20x128xi32, #tpu.memory_space<vmem>> -> memref<1x128xi32, #tpu.memory_space<vmem>>
      %dma_wait3A_1913 = tpu.memref_squeeze %dma_wait3A_1912 : memref<1x128xi32, #tpu.memory_space<vmem>> -> memref<128xi32, #tpu.memory_space<vmem>>
      %dma_wait3A_1914 = arith.constant 0 : i32
      %dma_wait3A_1915 = arith.constant 0 : i32
      %dma_wait3A_1916 = tpu.memref_slice %arg14[%dma_wait3A_1914, %dma_wait3A_1915] : memref<10112x128xf32, #tpu.memory_space<vmem_shared>> -> memref<10112x128xf32, #tpu.memory_space<vmem_shared>>
      tpu.wait_indirect_dma semaphore(%arg19 : memref<!tpu.dma_semaphore, #tpu.memory_space<semaphore_mem>>) src(%dma_wait3A_1910 : memref<128x128xf32, #tpu.memory_space<vmem>>) dst(%dma_wait3A_1916 : memref<10112x128xf32, #tpu.memory_space<vmem_shared>>)
      %dma_start3A_1917 = arith.constant 12 : i32
      %dma_start3A_1918 = arith.constant 0 : i32
      %dma_start3A_1919 = arith.constant 0 : i32
      %dma_start3A_1920 = arith.constant 0 : i32
      %dma_start3A_1921 = tpu.memref_slice %arg11[%dma_start3A_1918, %dma_start3A_1919, %dma_start3A_1920] : memref<2x128x128xf32, #tpu.memory_space<vmem>> -> memref<1x128x128xf32, #tpu.memory_space<vmem>>
      %dma_start3A_1922 = tpu.memref_squeeze %dma_start3A_1921 : memref<1x128x128xf32, #tpu.memory_space<vmem>> -> memref<128x128xf32, #tpu.memory_space<vmem>>
      %dma_start3A_1923 = arith.constant 0 : i32
      %dma_start3A_1924 = tpu.memref_slice %arg9[%dma_start3A_1917, %dma_start3A_1923] : memref<20x128xi32, #tpu.memory_space<vmem>> -> memref<1x128xi32, #tpu.memory_space<vmem>>
      %dma_start3A_1925 = tpu.memref_squeeze %dma_start3A_1924 : memref<1x128xi32, #tpu.memory_space<vmem>> -> memref<128xi32, #tpu.memory_space<vmem>>
      %dma_start3A_1926 = arith.constant 0 : i32
      %dma_start3A_1927 = arith.constant 0 : i32
      %dma_start3A_1928 = tpu.memref_slice %arg2[%dma_start3A_1926, %dma_start3A_1927] : memref<10000x128xf32, #tpu.memory_space<hbm>> -> memref<10000x128xf32, #tpu.memory_space<hbm>>
      tpu.enqueue_indirect_dma source(%dma_start3A_1928 : memref<10000x128xf32, #tpu.memory_space<hbm>>) target(%dma_start3A_1922 : memref<128x128xf32, #tpu.memory_space<vmem>>) offsets(%dma_start3A_1925 : memref<128xi32, #tpu.memory_space<vmem>>) semaphore(%arg16 : memref<!tpu.dma_semaphore, #tpu.memory_space<semaphore_mem>>)
      %dma_wait3A_1929 = arith.constant 11 : i32
      %dma_wait3A_1930 = arith.constant 1 : i32
      %dma_wait3A_1931 = arith.constant 0 : i32
      %dma_wait3A_1932 = arith.constant 0 : i32
      %dma_wait3A_1933 = tpu.memref_slice %arg11[%dma_wait3A_1930, %dma_wait3A_1931, %dma_wait3A_1932] : memref<2x128x128xf32, #tpu.memory_space<vmem>> -> memref<1x128x128xf32, #tpu.memory_space<vmem>>
      %dma_wait3A_1934 = tpu.memref_squeeze %dma_wait3A_1933 : memref<1x128x128xf32, #tpu.memory_space<vmem>> -> memref<128x128xf32, #tpu.memory_space<vmem>>
      %dma_wait3A_1935 = arith.constant 0 : i32
      %dma_wait3A_1936 = tpu.memref_slice %arg9[%dma_wait3A_1929, %dma_wait3A_1935] : memref<20x128xi32, #tpu.memory_space<vmem>> -> memref<1x128xi32, #tpu.memory_space<vmem>>
      %dma_wait3A_1937 = tpu.memref_squeeze %dma_wait3A_1936 : memref<1x128xi32, #tpu.memory_space<vmem>> -> memref<128xi32, #tpu.memory_space<vmem>>
      %dma_wait3A_1938 = arith.constant 0 : i32
      %dma_wait3A_1939 = arith.constant 0 : i32
      %dma_wait3A_1940 = tpu.memref_slice %arg2[%dma_wait3A_1938, %dma_wait3A_1939] : memref<10000x128xf32, #tpu.memory_space<hbm>> -> memref<10000x128xf32, #tpu.memory_space<hbm>>
      tpu.wait_indirect_dma semaphore(%arg17 : memref<!tpu.dma_semaphore, #tpu.memory_space<semaphore_mem>>) src(%dma_wait3A_1940 : memref<10000x128xf32, #tpu.memory_space<hbm>>) dst(%dma_wait3A_1934 : memref<128x128xf32, #tpu.memory_space<vmem>>)
      %dma_start3A_1941 = arith.constant 1 : i32
      %dma_start3A_1942 = arith.constant 11 : i32
      %dma_start3A_1943 = arith.constant 0 : i32
      %dma_start3A_1944 = arith.constant 0 : i32
      %dma_start3A_1945 = tpu.memref_slice %arg11[%dma_start3A_1941, %dma_start3A_1943, %dma_start3A_1944] : memref<2x128x128xf32, #tpu.memory_space<vmem>> -> memref<1x128x128xf32, #tpu.memory_space<vmem>>
      %dma_start3A_1946 = tpu.memref_squeeze %dma_start3A_1945 : memref<1x128x128xf32, #tpu.memory_space<vmem>> -> memref<128x128xf32, #tpu.memory_space<vmem>>
      %dma_start3A_1947 = arith.constant 0 : i32
      %dma_start3A_1948 = tpu.memref_slice %arg10[%dma_start3A_1942, %dma_start3A_1947] : memref<20x128xi32, #tpu.memory_space<vmem>> -> memref<1x128xi32, #tpu.memory_space<vmem>>
      %dma_start3A_1949 = tpu.memref_squeeze %dma_start3A_1948 : memref<1x128xi32, #tpu.memory_space<vmem>> -> memref<128xi32, #tpu.memory_space<vmem>>
      %dma_start3A_1950 = arith.constant 0 : i32
      %dma_start3A_1951 = arith.constant 0 : i32
      %dma_start3A_1952 = tpu.memref_slice %arg14[%dma_start3A_1950, %dma_start3A_1951] : memref<10112x128xf32, #tpu.memory_space<vmem_shared>> -> memref<10112x128xf32, #tpu.memory_space<vmem_shared>>
      tpu.enqueue_indirect_dma source(%dma_start3A_1946 : memref<128x128xf32, #tpu.memory_space<vmem>>) target(%dma_start3A_1952 : memref<10112x128xf32, #tpu.memory_space<vmem_shared>>) offsets(%dma_start3A_1949 : memref<128xi32, #tpu.memory_space<vmem>>) semaphore(%arg20 : memref<!tpu.dma_semaphore, #tpu.memory_space<semaphore_mem>>) {add = true}
      %get3A_1953 = arith.constant 11 : i32
      %get3A_1954 = arith.index_cast %get3A_1953 : i32 to index
      %get3A_1955 = arith.constant 0 : index
      %get3A_1956 = tpu.vector_load %arg10[%get3A_1954, %get3A_1955] {strides = array<i32>} : memref<20x128xi32, #tpu.memory_space<vmem>>, vector<16xi32>,
      %broadcast_in_dim3A_1957 = arith.constant true
      %broadcast_in_dim3A_1958 = vector.broadcast %broadcast_in_dim3A_1957 : i1 to vector<16xi1>
      %unique3A_1959, %unique3A_1960 = tpu.scan_count mask(%broadcast_in_dim3A_1958 : vector<16xi1>) value(%get3A_1956 : vector<16xi32>) : vector<16xi1>, vector<16xi32>
      %shift_right_logical3A_1961 = arith.constant 7 : i32
      %shift_right_logical3A_1962 = vector.broadcast %shift_right_logical3A_1961 : i32 to vector<16xi32>
      %shift_right_logical3A_1963 = arith.shrui %get3A_1956, %shift_right_logical3A_1962 : vector<16xi32>
      %and3A_1964 = arith.constant 127 : i32
      %and3A_1965 = vector.broadcast %and3A_1964 : i32 to vector<16xi32>
      %and3A_1966 = arith.andi %get3A_1956, %and3A_1965 : vector<16xi32>
      %convert_element_type3A_1967 = arith.sitofp %unique3A_1960 : vector<16xi32> to vector<16xf32>
      tpu.vector_store_idx %arg12[%shift_right_logical3A_1963, %and3A_1966], %convert_element_type3A_1967 masked %unique3A_1959 {add = true} : memref<80x128xf32, #tpu.memory_space<vmem>>[vector<16xi32>, vector<16xi32>], vector<16xf32>, vector<16xi1>
      %get3A_1968 = arith.constant 11 : i32
      %get3A_1969 = arith.index_cast %get3A_1968 : i32 to index
      %get3A_1970 = arith.constant 16 : index
      %get3A_1971 = tpu.vector_load %arg10[%get3A_1969, %get3A_1970] {strides = array<i32>} : memref<20x128xi32, #tpu.memory_space<vmem>>, vector<16xi32>,
      %broadcast_in_dim3A_1972 = arith.constant true
      %broadcast_in_dim3A_1973 = vector.broadcast %broadcast_in_dim3A_1972 : i1 to vector<16xi1>
      %unique3A_1974, %unique3A_1975 = tpu.scan_count mask(%broadcast_in_dim3A_1973 : vector<16xi1>) value(%get3A_1971 : vector<16xi32>) : vector<16xi1>, vector<16xi32>
      %shift_right_logical3A_1976 = arith.constant 7 : i32
      %shift_right_logical3A_1977 = vector.broadcast %shift_right_logical3A_1976 : i32 to vector<16xi32>
      %shift_right_logical3A_1978 = arith.shrui %get3A_1971, %shift_right_logical3A_1977 : vector<16xi32>
      %and3A_1979 = arith.constant 127 : i32
      %and3A_1980 = vector.broadcast %and3A_1979 : i32 to vector<16xi32>
      %and3A_1981 = arith.andi %get3A_1971, %and3A_1980 : vector<16xi32>
      %convert_element_type3A_1982 = arith.sitofp %unique3A_1975 : vector<16xi32> to vector<16xf32>
      tpu.vector_store_idx %arg12[%shift_right_logical3A_1978, %and3A_1981], %convert_element_type3A_1982 masked %unique3A_1974 {add = true} : memref<80x128xf32, #tpu.memory_space<vmem>>[vector<16xi32>, vector<16xi32>], vector<16xf32>, vector<16xi1>
      %get3A_1983 = arith.constant 11 : i32
      %get3A_1984 = arith.index_cast %get3A_1983 : i32 to index
      %get3A_1985 = arith.constant 32 : index
      %get3A_1986 = tpu.vector_load %arg10[%get3A_1984, %get3A_1985] {strides = array<i32>} : memref<20x128xi32, #tpu.memory_space<vmem>>, vector<16xi32>,
      %broadcast_in_dim3A_1987 = arith.constant true
      %broadcast_in_dim3A_1988 = vector.broadcast %broadcast_in_dim3A_1987 : i1 to vector<16xi1>
      %unique3A_1989, %unique3A_1990 = tpu.scan_count mask(%broadcast_in_dim3A_1988 : vector<16xi1>) value(%get3A_1986 : vector<16xi32>) : vector<16xi1>, vector<16xi32>
      %shift_right_logical3A_1991 = arith.constant 7 : i32
      %shift_right_logical3A_1992 = vector.broadcast %shift_right_logical3A_1991 : i32 to vector<16xi32>
      %shift_right_logical3A_1993 = arith.shrui %get3A_1986, %shift_right_logical3A_1992 : vector<16xi32>
      %and3A_1994 = arith.constant 127 : i32
      %and3A_1995 = vector.broadcast %and3A_1994 : i32 to vector<16xi32>
      %and3A_1996 = arith.andi %get3A_1986, %and3A_1995 : vector<16xi32>
      %convert_element_type3A_1997 = arith.sitofp %unique3A_1990 : vector<16xi32> to vector<16xf32>
      tpu.vector_store_idx %arg12[%shift_right_logical3A_1993, %and3A_1996], %convert_element_type3A_1997 masked %unique3A_1989 {add = true} : memref<80x128xf32, #tpu.memory_space<vmem>>[vector<16xi32>, vector<16xi32>], vector<16xf32>, vector<16xi1>
      %get3A_1998 = arith.constant 11 : i32
      %get3A_1999 = arith.index_cast %get3A_1998 : i32 to index
      %get3A_2000 = arith.constant 48 : index
      %get3A_2001 = tpu.vector_load %arg10[%get3A_1999, %get3A_2000] {strides = array<i32>} : memref<20x128xi32, #tpu.memory_space<vmem>>, vector<16xi32>,
      %broadcast_in_dim3A_2002 = arith.constant true
      %broadcast_in_dim3A_2003 = vector.broadcast %broadcast_in_dim3A_2002 : i1 to vector<16xi1>
      %unique3A_2004, %unique3A_2005 = tpu.scan_count mask(%broadcast_in_dim3A_2003 : vector<16xi1>) value(%get3A_2001 : vector<16xi32>) : vector<16xi1>, vector<16xi32>
      %shift_right_logical3A_2006 = arith.constant 7 : i32
      %shift_right_logical3A_2007 = vector.broadcast %shift_right_logical3A_2006 : i32 to vector<16xi32>
      %shift_right_logical3A_2008 = arith.shrui %get3A_2001, %shift_right_logical3A_2007 : vector<16xi32>
      %and3A_2009 = arith.constant 127 : i32
      %and3A_2010 = vector.broadcast %and3A_2009 : i32 to vector<16xi32>
      %and3A_2011 = arith.andi %get3A_2001, %and3A_2010 : vector<16xi32>
      %convert_element_type3A_2012 = arith.sitofp %unique3A_2005 : vector<16xi32> to vector<16xf32>
      tpu.vector_store_idx %arg12[%shift_right_logical3A_2008, %and3A_2011], %convert_element_type3A_2012 masked %unique3A_2004 {add = true} : memref<80x128xf32, #tpu.memory_space<vmem>>[vector<16xi32>, vector<16xi32>], vector<16xf32>, vector<16xi1>
      %get3A_2013 = arith.constant 11 : i32
      %get3A_2014 = arith.index_cast %get3A_2013 : i32 to index
      %get3A_2015 = arith.constant 64 : index
      %get3A_2016 = tpu.vector_load %arg10[%get3A_2014, %get3A_2015] {strides = array<i32>} : memref<20x128xi32, #tpu.memory_space<vmem>>, vector<16xi32>,
      %broadcast_in_dim3A_2017 = arith.constant true
      %broadcast_in_dim3A_2018 = vector.broadcast %broadcast_in_dim3A_2017 : i1 to vector<16xi1>
      %unique3A_2019, %unique3A_2020 = tpu.scan_count mask(%broadcast_in_dim3A_2018 : vector<16xi1>) value(%get3A_2016 : vector<16xi32>) : vector<16xi1>, vector<16xi32>
      %shift_right_logical3A_2021 = arith.constant 7 : i32
      %shift_right_logical3A_2022 = vector.broadcast %shift_right_logical3A_2021 : i32 to vector<16xi32>
      %shift_right_logical3A_2023 = arith.shrui %get3A_2016, %shift_right_logical3A_2022 : vector<16xi32>
      %and3A_2024 = arith.constant 127 : i32
      %and3A_2025 = vector.broadcast %and3A_2024 : i32 to vector<16xi32>
      %and3A_2026 = arith.andi %get3A_2016, %and3A_2025 : vector<16xi32>
      %convert_element_type3A_2027 = arith.sitofp %unique3A_2020 : vector<16xi32> to vector<16xf32>
      tpu.vector_store_idx %arg12[%shift_right_logical3A_2023, %and3A_2026], %convert_element_type3A_2027 masked %unique3A_2019 {add = true} : memref<80x128xf32, #tpu.memory_space<vmem>>[vector<16xi32>, vector<16xi32>], vector<16xf32>, vector<16xi1>
      %get3A_2028 = arith.constant 11 : i32
      %get3A_2029 = arith.index_cast %get3A_2028 : i32 to index
      %get3A_2030 = arith.constant 80 : index
      %get3A_2031 = tpu.vector_load %arg10[%get3A_2029, %get3A_2030] {strides = array<i32>} : memref<20x128xi32, #tpu.memory_space<vmem>>, vector<16xi32>,
      %broadcast_in_dim3A_2032 = arith.constant true
      %broadcast_in_dim3A_2033 = vector.broadcast %broadcast_in_dim3A_2032 : i1 to vector<16xi1>
      %unique3A_2034, %unique3A_2035 = tpu.scan_count mask(%broadcast_in_dim3A_2033 : vector<16xi1>) value(%get3A_2031 : vector<16xi32>) : vector<16xi1>, vector<16xi32>
      %shift_right_logical3A_2036 = arith.constant 7 : i32
      %shift_right_logical3A_2037 = vector.broadcast %shift_right_logical3A_2036 : i32 to vector<16xi32>
      %shift_right_logical3A_2038 = arith.shrui %get3A_2031, %shift_right_logical3A_2037 : vector<16xi32>
      %and3A_2039 = arith.constant 127 : i32
      %and3A_2040 = vector.broadcast %and3A_2039 : i32 to vector<16xi32>
      %and3A_2041 = arith.andi %get3A_2031, %and3A_2040 : vector<16xi32>
      %convert_element_type3A_2042 = arith.sitofp %unique3A_2035 : vector<16xi32> to vector<16xf32>
      tpu.vector_store_idx %arg12[%shift_right_logical3A_2038, %and3A_2041], %convert_element_type3A_2042 masked %unique3A_2034 {add = true} : memref<80x128xf32, #tpu.memory_space<vmem>>[vector<16xi32>, vector<16xi32>], vector<16xf32>, vector<16xi1>
      %get3A_2043 = arith.constant 11 : i32
      %get3A_2044 = arith.index_cast %get3A_2043 : i32 to index
      %get3A_2045 = arith.constant 96 : index
      %get3A_2046 = tpu.vector_load %arg10[%get3A_2044, %get3A_2045] {strides = array<i32>} : memref<20x128xi32, #tpu.memory_space<vmem>>, vector<16xi32>,
      %broadcast_in_dim3A_2047 = arith.constant true
      %broadcast_in_dim3A_2048 = vector.broadcast %broadcast_in_dim3A_2047 : i1 to vector<16xi1>
      %unique3A_2049, %unique3A_2050 = tpu.scan_count mask(%broadcast_in_dim3A_2048 : vector<16xi1>) value(%get3A_2046 : vector<16xi32>) : vector<16xi1>, vector<16xi32>
      %shift_right_logical3A_2051 = arith.constant 7 : i32
      %shift_right_logical3A_2052 = vector.broadcast %shift_right_logical3A_2051 : i32 to vector<16xi32>
      %shift_right_logical3A_2053 = arith.shrui %get3A_2046, %shift_right_logical3A_2052 : vector<16xi32>
      %and3A_2054 = arith.constant 127 : i32
      %and3A_2055 = vector.broadcast %and3A_2054 : i32 to vector<16xi32>
      %and3A_2056 = arith.andi %get3A_2046, %and3A_2055 : vector<16xi32>
      %convert_element_type3A_2057 = arith.sitofp %unique3A_2050 : vector<16xi32> to vector<16xf32>
      tpu.vector_store_idx %arg12[%shift_right_logical3A_2053, %and3A_2056], %convert_element_type3A_2057 masked %unique3A_2049 {add = true} : memref<80x128xf32, #tpu.memory_space<vmem>>[vector<16xi32>, vector<16xi32>], vector<16xf32>, vector<16xi1>
      %get3A_2058 = arith.constant 11 : i32
      %get3A_2059 = arith.index_cast %get3A_2058 : i32 to index
      %get3A_2060 = arith.constant 112 : index
      %get3A_2061 = tpu.vector_load %arg10[%get3A_2059, %get3A_2060] {strides = array<i32>} : memref<20x128xi32, #tpu.memory_space<vmem>>, vector<16xi32>,
      %broadcast_in_dim3A_2062 = arith.constant true
      %broadcast_in_dim3A_2063 = vector.broadcast %broadcast_in_dim3A_2062 : i1 to vector<16xi1>
      %unique3A_2064, %unique3A_2065 = tpu.scan_count mask(%broadcast_in_dim3A_2063 : vector<16xi1>) value(%get3A_2061 : vector<16xi32>) : vector<16xi1>, vector<16xi32>
      %shift_right_logical3A_2066 = arith.constant 7 : i32
      %shift_right_logical3A_2067 = vector.broadcast %shift_right_logical3A_2066 : i32 to vector<16xi32>
      %shift_right_logical3A_2068 = arith.shrui %get3A_2061, %shift_right_logical3A_2067 : vector<16xi32>
      %and3A_2069 = arith.constant 127 : i32
      %and3A_2070 = vector.broadcast %and3A_2069 : i32 to vector<16xi32>
      %and3A_2071 = arith.andi %get3A_2061, %and3A_2070 : vector<16xi32>
      %convert_element_type3A_2072 = arith.sitofp %unique3A_2065 : vector<16xi32> to vector<16xf32>
      tpu.vector_store_idx %arg12[%shift_right_logical3A_2068, %and3A_2071], %convert_element_type3A_2072 masked %unique3A_2064 {add = true} : memref<80x128xf32, #tpu.memory_space<vmem>>[vector<16xi32>, vector<16xi32>], vector<16xf32>, vector<16xi1>
      %dma_wait3A_2073 = arith.constant 1 : i32
      %dma_wait3A_2074 = arith.constant 11 : i32
      %dma_wait3A_2075 = arith.constant 0 : i32
      %dma_wait3A_2076 = arith.constant 0 : i32
      %dma_wait3A_2077 = tpu.memref_slice %arg11[%dma_wait3A_2073, %dma_wait3A_2075, %dma_wait3A_2076] : memref<2x128x128xf32, #tpu.memory_space<vmem>> -> memref<1x128x128xf32, #tpu.memory_space<vmem>>
      %dma_wait3A_2078 = tpu.memref_squeeze %dma_wait3A_2077 : memref<1x128x128xf32, #tpu.memory_space<vmem>> -> memref<128x128xf32, #tpu.memory_space<vmem>>
      %dma_wait3A_2079 = arith.constant 0 : i32
      %dma_wait3A_2080 = tpu.memref_slice %arg10[%dma_wait3A_2074, %dma_wait3A_2079] : memref<20x128xi32, #tpu.memory_space<vmem>> -> memref<1x128xi32, #tpu.memory_space<vmem>>
      %dma_wait3A_2081 = tpu.memref_squeeze %dma_wait3A_2080 : memref<1x128xi32, #tpu.memory_space<vmem>> -> memref<128xi32, #tpu.memory_space<vmem>>
      %dma_wait3A_2082 = arith.constant 0 : i32
      %dma_wait3A_2083 = arith.constant 0 : i32
      %dma_wait3A_2084 = tpu.memref_slice %arg14[%dma_wait3A_2082, %dma_wait3A_2083] : memref<10112x128xf32, #tpu.memory_space<vmem_shared>> -> memref<10112x128xf32, #tpu.memory_space<vmem_shared>>
      tpu.wait_indirect_dma semaphore(%arg20 : memref<!tpu.dma_semaphore, #tpu.memory_space<semaphore_mem>>) src(%dma_wait3A_2078 : memref<128x128xf32, #tpu.memory_space<vmem>>) dst(%dma_wait3A_2084 : memref<10112x128xf32, #tpu.memory_space<vmem_shared>>)
      %dma_start3A_2085 = arith.constant 13 : i32
      %dma_start3A_2086 = arith.constant 1 : i32
      %dma_start3A_2087 = arith.constant 0 : i32
      %dma_start3A_2088 = arith.constant 0 : i32
      %dma_start3A_2089 = tpu.memref_slice %arg11[%dma_start3A_2086, %dma_start3A_2087, %dma_start3A_2088] : memref<2x128x128xf32, #tpu.memory_space<vmem>> -> memref<1x128x128xf32, #tpu.memory_space<vmem>>
      %dma_start3A_2090 = tpu.memref_squeeze %dma_start3A_2089 : memref<1x128x128xf32, #tpu.memory_space<vmem>> -> memref<128x128xf32, #tpu.memory_space<vmem>>
      %dma_start3A_2091 = arith.constant 0 : i32
      %dma_start3A_2092 = tpu.memref_slice %arg9[%dma_start3A_2085, %dma_start3A_2091] : memref<20x128xi32, #tpu.memory_space<vmem>> -> memref<1x128xi32, #tpu.memory_space<vmem>>
      %dma_start3A_2093 = tpu.memref_squeeze %dma_start3A_2092 : memref<1x128xi32, #tpu.memory_space<vmem>> -> memref<128xi32, #tpu.memory_space<vmem>>
      %dma_start3A_2094 = arith.constant 0 : i32
      %dma_start3A_2095 = arith.constant 0 : i32
      %dma_start3A_2096 = tpu.memref_slice %arg2[%dma_start3A_2094, %dma_start3A_2095] : memref<10000x128xf32, #tpu.memory_space<hbm>> -> memref<10000x128xf32, #tpu.memory_space<hbm>>
      tpu.enqueue_indirect_dma source(%dma_start3A_2096 : memref<10000x128xf32, #tpu.memory_space<hbm>>) target(%dma_start3A_2090 : memref<128x128xf32, #tpu.memory_space<vmem>>) offsets(%dma_start3A_2093 : memref<128xi32, #tpu.memory_space<vmem>>) semaphore(%arg17 : memref<!tpu.dma_semaphore, #tpu.memory_space<semaphore_mem>>)
      %dma_wait3A_2097 = arith.constant 12 : i32
      %dma_wait3A_2098 = arith.constant 0 : i32
      %dma_wait3A_2099 = arith.constant 0 : i32
      %dma_wait3A_2100 = arith.constant 0 : i32
      %dma_wait3A_2101 = tpu.memref_slice %arg11[%dma_wait3A_2098, %dma_wait3A_2099, %dma_wait3A_2100] : memref<2x128x128xf32, #tpu.memory_space<vmem>> -> memref<1x128x128xf32, #tpu.memory_space<vmem>>
      %dma_wait3A_2102 = tpu.memref_squeeze %dma_wait3A_2101 : memref<1x128x128xf32, #tpu.memory_space<vmem>> -> memref<128x128xf32, #tpu.memory_space<vmem>>
      %dma_wait3A_2103 = arith.constant 0 : i32
      %dma_wait3A_2104 = tpu.memref_slice %arg9[%dma_wait3A_2097, %dma_wait3A_2103] : memref<20x128xi32, #tpu.memory_space<vmem>> -> memref<1x128xi32, #tpu.memory_space<vmem>>
      %dma_wait3A_2105 = tpu.memref_squeeze %dma_wait3A_2104 : memref<1x128xi32, #tpu.memory_space<vmem>> -> memref<128xi32, #tpu.memory_space<vmem>>
      %dma_wait3A_2106 = arith.constant 0 : i32
      %dma_wait3A_2107 = arith.constant 0 : i32
      %dma_wait3A_2108 = tpu.memref_slice %arg2[%dma_wait3A_2106, %dma_wait3A_2107] : memref<10000x128xf32, #tpu.memory_space<hbm>> -> memref<10000x128xf32, #tpu.memory_space<hbm>>
      tpu.wait_indirect_dma semaphore(%arg16 : memref<!tpu.dma_semaphore, #tpu.memory_space<semaphore_mem>>) src(%dma_wait3A_2108 : memref<10000x128xf32, #tpu.memory_space<hbm>>) dst(%dma_wait3A_2102 : memref<128x128xf32, #tpu.memory_space<vmem>>)
      %dma_start3A_2109 = arith.constant 0 : i32
      %dma_start3A_2110 = arith.constant 12 : i32
      %dma_start3A_2111 = arith.constant 0 : i32
      %dma_start3A_2112 = arith.constant 0 : i32
      %dma_start3A_2113 = tpu.memref_slice %arg11[%dma_start3A_2109, %dma_start3A_2111, %dma_start3A_2112] : memref<2x128x128xf32, #tpu.memory_space<vmem>> -> memref<1x128x128xf32, #tpu.memory_space<vmem>>
      %dma_start3A_2114 = tpu.memref_squeeze %dma_start3A_2113 : memref<1x128x128xf32, #tpu.memory_space<vmem>> -> memref<128x128xf32, #tpu.memory_space<vmem>>
      %dma_start3A_2115 = arith.constant 0 : i32
      %dma_start3A_2116 = tpu.memref_slice %arg10[%dma_start3A_2110, %dma_start3A_2115] : memref<20x128xi32, #tpu.memory_space<vmem>> -> memref<1x128xi32, #tpu.memory_space<vmem>>
      %dma_start3A_2117 = tpu.memref_squeeze %dma_start3A_2116 : memref<1x128xi32, #tpu.memory_space<vmem>> -> memref<128xi32, #tpu.memory_space<vmem>>
      %dma_start3A_2118 = arith.constant 0 : i32
      %dma_start3A_2119 = arith.constant 0 : i32
      %dma_start3A_2120 = tpu.memref_slice %arg14[%dma_start3A_2118, %dma_start3A_2119] : memref<10112x128xf32, #tpu.memory_space<vmem_shared>> -> memref<10112x128xf32, #tpu.memory_space<vmem_shared>>
      tpu.enqueue_indirect_dma source(%dma_start3A_2114 : memref<128x128xf32, #tpu.memory_space<vmem>>) target(%dma_start3A_2120 : memref<10112x128xf32, #tpu.memory_space<vmem_shared>>) offsets(%dma_start3A_2117 : memref<128xi32, #tpu.memory_space<vmem>>) semaphore(%arg19 : memref<!tpu.dma_semaphore, #tpu.memory_space<semaphore_mem>>) {add = true}
      %get3A_2121 = arith.constant 12 : i32
      %get3A_2122 = arith.index_cast %get3A_2121 : i32 to index
      %get3A_2123 = arith.constant 0 : index
      %get3A_2124 = tpu.vector_load %arg10[%get3A_2122, %get3A_2123] {strides = array<i32>} : memref<20x128xi32, #tpu.memory_space<vmem>>, vector<16xi32>,
      %broadcast_in_dim3A_2125 = arith.constant true
      %broadcast_in_dim3A_2126 = vector.broadcast %broadcast_in_dim3A_2125 : i1 to vector<16xi1>
      %unique3A_2127, %unique3A_2128 = tpu.scan_count mask(%broadcast_in_dim3A_2126 : vector<16xi1>) value(%get3A_2124 : vector<16xi32>) : vector<16xi1>, vector<16xi32>
      %shift_right_logical3A_2129 = arith.constant 7 : i32
      %shift_right_logical3A_2130 = vector.broadcast %shift_right_logical3A_2129 : i32 to vector<16xi32>
      %shift_right_logical3A_2131 = arith.shrui %get3A_2124, %shift_right_logical3A_2130 : vector<16xi32>
      %and3A_2132 = arith.constant 127 : i32
      %and3A_2133 = vector.broadcast %and3A_2132 : i32 to vector<16xi32>
      %and3A_2134 = arith.andi %get3A_2124, %and3A_2133 : vector<16xi32>
      %convert_element_type3A_2135 = arith.sitofp %unique3A_2128 : vector<16xi32> to vector<16xf32>
      tpu.vector_store_idx %arg12[%shift_right_logical3A_2131, %and3A_2134], %convert_element_type3A_2135 masked %unique3A_2127 {add = true} : memref<80x128xf32, #tpu.memory_space<vmem>>[vector<16xi32>, vector<16xi32>], vector<16xf32>, vector<16xi1>
      %get3A_2136 = arith.constant 12 : i32
      %get3A_2137 = arith.index_cast %get3A_2136 : i32 to index
      %get3A_2138 = arith.constant 16 : index
      %get3A_2139 = tpu.vector_load %arg10[%get3A_2137, %get3A_2138] {strides = array<i32>} : memref<20x128xi32, #tpu.memory_space<vmem>>, vector<16xi32>,
      %broadcast_in_dim3A_2140 = arith.constant true
      %broadcast_in_dim3A_2141 = vector.broadcast %broadcast_in_dim3A_2140 : i1 to vector<16xi1>
      %unique3A_2142, %unique3A_2143 = tpu.scan_count mask(%broadcast_in_dim3A_2141 : vector<16xi1>) value(%get3A_2139 : vector<16xi32>) : vector<16xi1>, vector<16xi32>
      %shift_right_logical3A_2144 = arith.constant 7 : i32
      %shift_right_logical3A_2145 = vector.broadcast %shift_right_logical3A_2144 : i32 to vector<16xi32>
      %shift_right_logical3A_2146 = arith.shrui %get3A_2139, %shift_right_logical3A_2145 : vector<16xi32>
      %and3A_2147 = arith.constant 127 : i32
      %and3A_2148 = vector.broadcast %and3A_2147 : i32 to vector<16xi32>
      %and3A_2149 = arith.andi %get3A_2139, %and3A_2148 : vector<16xi32>
      %convert_element_type3A_2150 = arith.sitofp %unique3A_2143 : vector<16xi32> to vector<16xf32>
      tpu.vector_store_idx %arg12[%shift_right_logical3A_2146, %and3A_2149], %convert_element_type3A_2150 masked %unique3A_2142 {add = true} : memref<80x128xf32, #tpu.memory_space<vmem>>[vector<16xi32>, vector<16xi32>], vector<16xf32>, vector<16xi1>
      %get3A_2151 = arith.constant 12 : i32
      %get3A_2152 = arith.index_cast %get3A_2151 : i32 to index
      %get3A_2153 = arith.constant 32 : index
      %get3A_2154 = tpu.vector_load %arg10[%get3A_2152, %get3A_2153] {strides = array<i32>} : memref<20x128xi32, #tpu.memory_space<vmem>>, vector<16xi32>,
      %broadcast_in_dim3A_2155 = arith.constant true
      %broadcast_in_dim3A_2156 = vector.broadcast %broadcast_in_dim3A_2155 : i1 to vector<16xi1>
      %unique3A_2157, %unique3A_2158 = tpu.scan_count mask(%broadcast_in_dim3A_2156 : vector<16xi1>) value(%get3A_2154 : vector<16xi32>) : vector<16xi1>, vector<16xi32>
      %shift_right_logical3A_2159 = arith.constant 7 : i32
      %shift_right_logical3A_2160 = vector.broadcast %shift_right_logical3A_2159 : i32 to vector<16xi32>
      %shift_right_logical3A_2161 = arith.shrui %get3A_2154, %shift_right_logical3A_2160 : vector<16xi32>
      %and3A_2162 = arith.constant 127 : i32
      %and3A_2163 = vector.broadcast %and3A_2162 : i32 to vector<16xi32>
      %and3A_2164 = arith.andi %get3A_2154, %and3A_2163 : vector<16xi32>
      %convert_element_type3A_2165 = arith.sitofp %unique3A_2158 : vector<16xi32> to vector<16xf32>
      tpu.vector_store_idx %arg12[%shift_right_logical3A_2161, %and3A_2164], %convert_element_type3A_2165 masked %unique3A_2157 {add = true} : memref<80x128xf32, #tpu.memory_space<vmem>>[vector<16xi32>, vector<16xi32>], vector<16xf32>, vector<16xi1>
      %get3A_2166 = arith.constant 12 : i32
      %get3A_2167 = arith.index_cast %get3A_2166 : i32 to index
      %get3A_2168 = arith.constant 48 : index
      %get3A_2169 = tpu.vector_load %arg10[%get3A_2167, %get3A_2168] {strides = array<i32>} : memref<20x128xi32, #tpu.memory_space<vmem>>, vector<16xi32>,
      %broadcast_in_dim3A_2170 = arith.constant true
      %broadcast_in_dim3A_2171 = vector.broadcast %broadcast_in_dim3A_2170 : i1 to vector<16xi1>
      %unique3A_2172, %unique3A_2173 = tpu.scan_count mask(%broadcast_in_dim3A_2171 : vector<16xi1>) value(%get3A_2169 : vector<16xi32>) : vector<16xi1>, vector<16xi32>
      %shift_right_logical3A_2174 = arith.constant 7 : i32
      %shift_right_logical3A_2175 = vector.broadcast %shift_right_logical3A_2174 : i32 to vector<16xi32>
      %shift_right_logical3A_2176 = arith.shrui %get3A_2169, %shift_right_logical3A_2175 : vector<16xi32>
      %and3A_2177 = arith.constant 127 : i32
      %and3A_2178 = vector.broadcast %and3A_2177 : i32 to vector<16xi32>
      %and3A_2179 = arith.andi %get3A_2169, %and3A_2178 : vector<16xi32>
      %convert_element_type3A_2180 = arith.sitofp %unique3A_2173 : vector<16xi32> to vector<16xf32>
      tpu.vector_store_idx %arg12[%shift_right_logical3A_2176, %and3A_2179], %convert_element_type3A_2180 masked %unique3A_2172 {add = true} : memref<80x128xf32, #tpu.memory_space<vmem>>[vector<16xi32>, vector<16xi32>], vector<16xf32>, vector<16xi1>
      %get3A_2181 = arith.constant 12 : i32
      %get3A_2182 = arith.index_cast %get3A_2181 : i32 to index
      %get3A_2183 = arith.constant 64 : index
      %get3A_2184 = tpu.vector_load %arg10[%get3A_2182, %get3A_2183] {strides = array<i32>} : memref<20x128xi32, #tpu.memory_space<vmem>>, vector<16xi32>,
      %broadcast_in_dim3A_2185 = arith.constant true
      %broadcast_in_dim3A_2186 = vector.broadcast %broadcast_in_dim3A_2185 : i1 to vector<16xi1>
      %unique3A_2187, %unique3A_2188 = tpu.scan_count mask(%broadcast_in_dim3A_2186 : vector<16xi1>) value(%get3A_2184 : vector<16xi32>) : vector<16xi1>, vector<16xi32>
      %shift_right_logical3A_2189 = arith.constant 7 : i32
      %shift_right_logical3A_2190 = vector.broadcast %shift_right_logical3A_2189 : i32 to vector<16xi32>
      %shift_right_logical3A_2191 = arith.shrui %get3A_2184, %shift_right_logical3A_2190 : vector<16xi32>
      %and3A_2192 = arith.constant 127 : i32
      %and3A_2193 = vector.broadcast %and3A_2192 : i32 to vector<16xi32>
      %and3A_2194 = arith.andi %get3A_2184, %and3A_2193 : vector<16xi32>
      %convert_element_type3A_2195 = arith.sitofp %unique3A_2188 : vector<16xi32> to vector<16xf32>
      tpu.vector_store_idx %arg12[%shift_right_logical3A_2191, %and3A_2194], %convert_element_type3A_2195 masked %unique3A_2187 {add = true} : memref<80x128xf32, #tpu.memory_space<vmem>>[vector<16xi32>, vector<16xi32>], vector<16xf32>, vector<16xi1>
      %get3A_2196 = arith.constant 12 : i32
      %get3A_2197 = arith.index_cast %get3A_2196 : i32 to index
      %get3A_2198 = arith.constant 80 : index
      %get3A_2199 = tpu.vector_load %arg10[%get3A_2197, %get3A_2198] {strides = array<i32>} : memref<20x128xi32, #tpu.memory_space<vmem>>, vector<16xi32>,
      %broadcast_in_dim3A_2200 = arith.constant true
      %broadcast_in_dim3A_2201 = vector.broadcast %broadcast_in_dim3A_2200 : i1 to vector<16xi1>
      %unique3A_2202, %unique3A_2203 = tpu.scan_count mask(%broadcast_in_dim3A_2201 : vector<16xi1>) value(%get3A_2199 : vector<16xi32>) : vector<16xi1>, vector<16xi32>
      %shift_right_logical3A_2204 = arith.constant 7 : i32
      %shift_right_logical3A_2205 = vector.broadcast %shift_right_logical3A_2204 : i32 to vector<16xi32>
      %shift_right_logical3A_2206 = arith.shrui %get3A_2199, %shift_right_logical3A_2205 : vector<16xi32>
      %and3A_2207 = arith.constant 127 : i32
      %and3A_2208 = vector.broadcast %and3A_2207 : i32 to vector<16xi32>
      %and3A_2209 = arith.andi %get3A_2199, %and3A_2208 : vector<16xi32>
      %convert_element_type3A_2210 = arith.sitofp %unique3A_2203 : vector<16xi32> to vector<16xf32>
      tpu.vector_store_idx %arg12[%shift_right_logical3A_2206, %and3A_2209], %convert_element_type3A_2210 masked %unique3A_2202 {add = true} : memref<80x128xf32, #tpu.memory_space<vmem>>[vector<16xi32>, vector<16xi32>], vector<16xf32>, vector<16xi1>
      %get3A_2211 = arith.constant 12 : i32
      %get3A_2212 = arith.index_cast %get3A_2211 : i32 to index
      %get3A_2213 = arith.constant 96 : index
      %get3A_2214 = tpu.vector_load %arg10[%get3A_2212, %get3A_2213] {strides = array<i32>} : memref<20x128xi32, #tpu.memory_space<vmem>>, vector<16xi32>,
      %broadcast_in_dim3A_2215 = arith.constant true
      %broadcast_in_dim3A_2216 = vector.broadcast %broadcast_in_dim3A_2215 : i1 to vector<16xi1>
      %unique3A_2217, %unique3A_2218 = tpu.scan_count mask(%broadcast_in_dim3A_2216 : vector<16xi1>) value(%get3A_2214 : vector<16xi32>) : vector<16xi1>, vector<16xi32>
      %shift_right_logical3A_2219 = arith.constant 7 : i32
      %shift_right_logical3A_2220 = vector.broadcast %shift_right_logical3A_2219 : i32 to vector<16xi32>
      %shift_right_logical3A_2221 = arith.shrui %get3A_2214, %shift_right_logical3A_2220 : vector<16xi32>
      %and3A_2222 = arith.constant 127 : i32
      %and3A_2223 = vector.broadcast %and3A_2222 : i32 to vector<16xi32>
      %and3A_2224 = arith.andi %get3A_2214, %and3A_2223 : vector<16xi32>
      %convert_element_type3A_2225 = arith.sitofp %unique3A_2218 : vector<16xi32> to vector<16xf32>
      tpu.vector_store_idx %arg12[%shift_right_logical3A_2221, %and3A_2224], %convert_element_type3A_2225 masked %unique3A_2217 {add = true} : memref<80x128xf32, #tpu.memory_space<vmem>>[vector<16xi32>, vector<16xi32>], vector<16xf32>, vector<16xi1>
      %get3A_2226 = arith.constant 12 : i32
      %get3A_2227 = arith.index_cast %get3A_2226 : i32 to index
      %get3A_2228 = arith.constant 112 : index
      %get3A_2229 = tpu.vector_load %arg10[%get3A_2227, %get3A_2228] {strides = array<i32>} : memref<20x128xi32, #tpu.memory_space<vmem>>, vector<16xi32>,
      %broadcast_in_dim3A_2230 = arith.constant true
      %broadcast_in_dim3A_2231 = vector.broadcast %broadcast_in_dim3A_2230 : i1 to vector<16xi1>
      %unique3A_2232, %unique3A_2233 = tpu.scan_count mask(%broadcast_in_dim3A_2231 : vector<16xi1>) value(%get3A_2229 : vector<16xi32>) : vector<16xi1>, vector<16xi32>
      %shift_right_logical3A_2234 = arith.constant 7 : i32
      %shift_right_logical3A_2235 = vector.broadcast %shift_right_logical3A_2234 : i32 to vector<16xi32>
      %shift_right_logical3A_2236 = arith.shrui %get3A_2229, %shift_right_logical3A_2235 : vector<16xi32>
      %and3A_2237 = arith.constant 127 : i32
      %and3A_2238 = vector.broadcast %and3A_2237 : i32 to vector<16xi32>
      %and3A_2239 = arith.andi %get3A_2229, %and3A_2238 : vector<16xi32>
      %convert_element_type3A_2240 = arith.sitofp %unique3A_2233 : vector<16xi32> to vector<16xf32>
      tpu.vector_store_idx %arg12[%shift_right_logical3A_2236, %and3A_2239], %convert_element_type3A_2240 masked %unique3A_2232 {add = true} : memref<80x128xf32, #tpu.memory_space<vmem>>[vector<16xi32>, vector<16xi32>], vector<16xf32>, vector<16xi1>
      %dma_wait3A_2241 = arith.constant 0 : i32
      %dma_wait3A_2242 = arith.constant 12 : i32
      %dma_wait3A_2243 = arith.constant 0 : i32
      %dma_wait3A_2244 = arith.constant 0 : i32
      %dma_wait3A_2245 = tpu.memref_slice %arg11[%dma_wait3A_2241, %dma_wait3A_2243, %dma_wait3A_2244] : memref<2x128x128xf32, #tpu.memory_space<vmem>> -> memref<1x128x128xf32, #tpu.memory_space<vmem>>
      %dma_wait3A_2246 = tpu.memref_squeeze %dma_wait3A_2245 : memref<1x128x128xf32, #tpu.memory_space<vmem>> -> memref<128x128xf32, #tpu.memory_space<vmem>>
      %dma_wait3A_2247 = arith.constant 0 : i32
      %dma_wait3A_2248 = tpu.memref_slice %arg10[%dma_wait3A_2242, %dma_wait3A_2247] : memref<20x128xi32, #tpu.memory_space<vmem>> -> memref<1x128xi32, #tpu.memory_space<vmem>>
      %dma_wait3A_2249 = tpu.memref_squeeze %dma_wait3A_2248 : memref<1x128xi32, #tpu.memory_space<vmem>> -> memref<128xi32, #tpu.memory_space<vmem>>
      %dma_wait3A_2250 = arith.constant 0 : i32
      %dma_wait3A_2251 = arith.constant 0 : i32
      %dma_wait3A_2252 = tpu.memref_slice %arg14[%dma_wait3A_2250, %dma_wait3A_2251] : memref<10112x128xf32, #tpu.memory_space<vmem_shared>> -> memref<10112x128xf32, #tpu.memory_space<vmem_shared>>
      tpu.wait_indirect_dma semaphore(%arg19 : memref<!tpu.dma_semaphore, #tpu.memory_space<semaphore_mem>>) src(%dma_wait3A_2246 : memref<128x128xf32, #tpu.memory_space<vmem>>) dst(%dma_wait3A_2252 : memref<10112x128xf32, #tpu.memory_space<vmem_shared>>)
      %dma_start3A_2253 = arith.constant 14 : i32
      %dma_start3A_2254 = arith.constant 0 : i32
      %dma_start3A_2255 = arith.constant 0 : i32
      %dma_start3A_2256 = arith.constant 0 : i32
      %dma_start3A_2257 = tpu.memref_slice %arg11[%dma_start3A_2254, %dma_start3A_2255, %dma_start3A_2256] : memref<2x128x128xf32, #tpu.memory_space<vmem>> -> memref<1x128x128xf32, #tpu.memory_space<vmem>>
      %dma_start3A_2258 = tpu.memref_squeeze %dma_start3A_2257 : memref<1x128x128xf32, #tpu.memory_space<vmem>> -> memref<128x128xf32, #tpu.memory_space<vmem>>
      %dma_start3A_2259 = arith.constant 0 : i32
      %dma_start3A_2260 = tpu.memref_slice %arg9[%dma_start3A_2253, %dma_start3A_2259] : memref<20x128xi32, #tpu.memory_space<vmem>> -> memref<1x128xi32, #tpu.memory_space<vmem>>
      %dma_start3A_2261 = tpu.memref_squeeze %dma_start3A_2260 : memref<1x128xi32, #tpu.memory_space<vmem>> -> memref<128xi32, #tpu.memory_space<vmem>>
      %dma_start3A_2262 = arith.constant 0 : i32
      %dma_start3A_2263 = arith.constant 0 : i32
      %dma_start3A_2264 = tpu.memref_slice %arg2[%dma_start3A_2262, %dma_start3A_2263] : memref<10000x128xf32, #tpu.memory_space<hbm>> -> memref<10000x128xf32, #tpu.memory_space<hbm>>
      tpu.enqueue_indirect_dma source(%dma_start3A_2264 : memref<10000x128xf32, #tpu.memory_space<hbm>>) target(%dma_start3A_2258 : memref<128x128xf32, #tpu.memory_space<vmem>>) offsets(%dma_start3A_2261 : memref<128xi32, #tpu.memory_space<vmem>>) semaphore(%arg16 : memref<!tpu.dma_semaphore, #tpu.memory_space<semaphore_mem>>)
      %dma_wait3A_2265 = arith.constant 13 : i32
      %dma_wait3A_2266 = arith.constant 1 : i32
      %dma_wait3A_2267 = arith.constant 0 : i32
      %dma_wait3A_2268 = arith.constant 0 : i32
      %dma_wait3A_2269 = tpu.memref_slice %arg11[%dma_wait3A_2266, %dma_wait3A_2267, %dma_wait3A_2268] : memref<2x128x128xf32, #tpu.memory_space<vmem>> -> memref<1x128x128xf32, #tpu.memory_space<vmem>>
      %dma_wait3A_2270 = tpu.memref_squeeze %dma_wait3A_2269 : memref<1x128x128xf32, #tpu.memory_space<vmem>> -> memref<128x128xf32, #tpu.memory_space<vmem>>
      %dma_wait3A_2271 = arith.constant 0 : i32
      %dma_wait3A_2272 = tpu.memref_slice %arg9[%dma_wait3A_2265, %dma_wait3A_2271] : memref<20x128xi32, #tpu.memory_space<vmem>> -> memref<1x128xi32, #tpu.memory_space<vmem>>
      %dma_wait3A_2273 = tpu.memref_squeeze %dma_wait3A_2272 : memref<1x128xi32, #tpu.memory_space<vmem>> -> memref<128xi32, #tpu.memory_space<vmem>>
      %dma_wait3A_2274 = arith.constant 0 : i32
      %dma_wait3A_2275 = arith.constant 0 : i32
      %dma_wait3A_2276 = tpu.memref_slice %arg2[%dma_wait3A_2274, %dma_wait3A_2275] : memref<10000x128xf32, #tpu.memory_space<hbm>> -> memref<10000x128xf32, #tpu.memory_space<hbm>>
      tpu.wait_indirect_dma semaphore(%arg17 : memref<!tpu.dma_semaphore, #tpu.memory_space<semaphore_mem>>) src(%dma_wait3A_2276 : memref<10000x128xf32, #tpu.memory_space<hbm>>) dst(%dma_wait3A_2270 : memref<128x128xf32, #tpu.memory_space<vmem>>)
      %dma_start3A_2277 = arith.constant 1 : i32
      %dma_start3A_2278 = arith.constant 13 : i32
      %dma_start3A_2279 = arith.constant 0 : i32
      %dma_start3A_2280 = arith.constant 0 : i32
      %dma_start3A_2281 = tpu.memref_slice %arg11[%dma_start3A_2277, %dma_start3A_2279, %dma_start3A_2280] : memref<2x128x128xf32, #tpu.memory_space<vmem>> -> memref<1x128x128xf32, #tpu.memory_space<vmem>>
      %dma_start3A_2282 = tpu.memref_squeeze %dma_start3A_2281 : memref<1x128x128xf32, #tpu.memory_space<vmem>> -> memref<128x128xf32, #tpu.memory_space<vmem>>
      %dma_start3A_2283 = arith.constant 0 : i32
      %dma_start3A_2284 = tpu.memref_slice %arg10[%dma_start3A_2278, %dma_start3A_2283] : memref<20x128xi32, #tpu.memory_space<vmem>> -> memref<1x128xi32, #tpu.memory_space<vmem>>
      %dma_start3A_2285 = tpu.memref_squeeze %dma_start3A_2284 : memref<1x128xi32, #tpu.memory_space<vmem>> -> memref<128xi32, #tpu.memory_space<vmem>>
      %dma_start3A_2286 = arith.constant 0 : i32
      %dma_start3A_2287 = arith.constant 0 : i32
      %dma_start3A_2288 = tpu.memref_slice %arg14[%dma_start3A_2286, %dma_start3A_2287] : memref<10112x128xf32, #tpu.memory_space<vmem_shared>> -> memref<10112x128xf32, #tpu.memory_space<vmem_shared>>
      tpu.enqueue_indirect_dma source(%dma_start3A_2282 : memref<128x128xf32, #tpu.memory_space<vmem>>) target(%dma_start3A_2288 : memref<10112x128xf32, #tpu.memory_space<vmem_shared>>) offsets(%dma_start3A_2285 : memref<128xi32, #tpu.memory_space<vmem>>) semaphore(%arg20 : memref<!tpu.dma_semaphore, #tpu.memory_space<semaphore_mem>>) {add = true}
      %get3A_2289 = arith.constant 13 : i32
      %get3A_2290 = arith.index_cast %get3A_2289 : i32 to index
      %get3A_2291 = arith.constant 0 : index
      %get3A_2292 = tpu.vector_load %arg10[%get3A_2290, %get3A_2291] {strides = array<i32>} : memref<20x128xi32, #tpu.memory_space<vmem>>, vector<16xi32>,
      %broadcast_in_dim3A_2293 = arith.constant true
      %broadcast_in_dim3A_2294 = vector.broadcast %broadcast_in_dim3A_2293 : i1 to vector<16xi1>
      %unique3A_2295, %unique3A_2296 = tpu.scan_count mask(%broadcast_in_dim3A_2294 : vector<16xi1>) value(%get3A_2292 : vector<16xi32>) : vector<16xi1>, vector<16xi32>
      %shift_right_logical3A_2297 = arith.constant 7 : i32
      %shift_right_logical3A_2298 = vector.broadcast %shift_right_logical3A_2297 : i32 to vector<16xi32>
      %shift_right_logical3A_2299 = arith.shrui %get3A_2292, %shift_right_logical3A_2298 : vector<16xi32>
      %and3A_2300 = arith.constant 127 : i32
      %and3A_2301 = vector.broadcast %and3A_2300 : i32 to vector<16xi32>
      %and3A_2302 = arith.andi %get3A_2292, %and3A_2301 : vector<16xi32>
      %convert_element_type3A_2303 = arith.sitofp %unique3A_2296 : vector<16xi32> to vector<16xf32>
      tpu.vector_store_idx %arg12[%shift_right_logical3A_2299, %and3A_2302], %convert_element_type3A_2303 masked %unique3A_2295 {add = true} : memref<80x128xf32, #tpu.memory_space<vmem>>[vector<16xi32>, vector<16xi32>], vector<16xf32>, vector<16xi1>
      %get3A_2304 = arith.constant 13 : i32
      %get3A_2305 = arith.index_cast %get3A_2304 : i32 to index
      %get3A_2306 = arith.constant 16 : index
      %get3A_2307 = tpu.vector_load %arg10[%get3A_2305, %get3A_2306] {strides = array<i32>} : memref<20x128xi32, #tpu.memory_space<vmem>>, vector<16xi32>,
      %broadcast_in_dim3A_2308 = arith.constant true
      %broadcast_in_dim3A_2309 = vector.broadcast %broadcast_in_dim3A_2308 : i1 to vector<16xi1>
      %unique3A_2310, %unique3A_2311 = tpu.scan_count mask(%broadcast_in_dim3A_2309 : vector<16xi1>) value(%get3A_2307 : vector<16xi32>) : vector<16xi1>, vector<16xi32>
      %shift_right_logical3A_2312 = arith.constant 7 : i32
      %shift_right_logical3A_2313 = vector.broadcast %shift_right_logical3A_2312 : i32 to vector<16xi32>
      %shift_right_logical3A_2314 = arith.shrui %get3A_2307, %shift_right_logical3A_2313 : vector<16xi32>
      %and3A_2315 = arith.constant 127 : i32
      %and3A_2316 = vector.broadcast %and3A_2315 : i32 to vector<16xi32>
      %and3A_2317 = arith.andi %get3A_2307, %and3A_2316 : vector<16xi32>
      %convert_element_type3A_2318 = arith.sitofp %unique3A_2311 : vector<16xi32> to vector<16xf32>
      tpu.vector_store_idx %arg12[%shift_right_logical3A_2314, %and3A_2317], %convert_element_type3A_2318 masked %unique3A_2310 {add = true} : memref<80x128xf32, #tpu.memory_space<vmem>>[vector<16xi32>, vector<16xi32>], vector<16xf32>, vector<16xi1>
      %get3A_2319 = arith.constant 13 : i32
      %get3A_2320 = arith.index_cast %get3A_2319 : i32 to index
      %get3A_2321 = arith.constant 32 : index
      %get3A_2322 = tpu.vector_load %arg10[%get3A_2320, %get3A_2321] {strides = array<i32>} : memref<20x128xi32, #tpu.memory_space<vmem>>, vector<16xi32>,
      %broadcast_in_dim3A_2323 = arith.constant true
      %broadcast_in_dim3A_2324 = vector.broadcast %broadcast_in_dim3A_2323 : i1 to vector<16xi1>
      %unique3A_2325, %unique3A_2326 = tpu.scan_count mask(%broadcast_in_dim3A_2324 : vector<16xi1>) value(%get3A_2322 : vector<16xi32>) : vector<16xi1>, vector<16xi32>
      %shift_right_logical3A_2327 = arith.constant 7 : i32
      %shift_right_logical3A_2328 = vector.broadcast %shift_right_logical3A_2327 : i32 to vector<16xi32>
      %shift_right_logical3A_2329 = arith.shrui %get3A_2322, %shift_right_logical3A_2328 : vector<16xi32>
      %and3A_2330 = arith.constant 127 : i32
      %and3A_2331 = vector.broadcast %and3A_2330 : i32 to vector<16xi32>
      %and3A_2332 = arith.andi %get3A_2322, %and3A_2331 : vector<16xi32>
      %convert_element_type3A_2333 = arith.sitofp %unique3A_2326 : vector<16xi32> to vector<16xf32>
      tpu.vector_store_idx %arg12[%shift_right_logical3A_2329, %and3A_2332], %convert_element_type3A_2333 masked %unique3A_2325 {add = true} : memref<80x128xf32, #tpu.memory_space<vmem>>[vector<16xi32>, vector<16xi32>], vector<16xf32>, vector<16xi1>
      %get3A_2334 = arith.constant 13 : i32
      %get3A_2335 = arith.index_cast %get3A_2334 : i32 to index
      %get3A_2336 = arith.constant 48 : index
      %get3A_2337 = tpu.vector_load %arg10[%get3A_2335, %get3A_2336] {strides = array<i32>} : memref<20x128xi32, #tpu.memory_space<vmem>>, vector<16xi32>,
      %broadcast_in_dim3A_2338 = arith.constant true
      %broadcast_in_dim3A_2339 = vector.broadcast %broadcast_in_dim3A_2338 : i1 to vector<16xi1>
      %unique3A_2340, %unique3A_2341 = tpu.scan_count mask(%broadcast_in_dim3A_2339 : vector<16xi1>) value(%get3A_2337 : vector<16xi32>) : vector<16xi1>, vector<16xi32>
      %shift_right_logical3A_2342 = arith.constant 7 : i32
      %shift_right_logical3A_2343 = vector.broadcast %shift_right_logical3A_2342 : i32 to vector<16xi32>
      %shift_right_logical3A_2344 = arith.shrui %get3A_2337, %shift_right_logical3A_2343 : vector<16xi32>
      %and3A_2345 = arith.constant 127 : i32
      %and3A_2346 = vector.broadcast %and3A_2345 : i32 to vector<16xi32>
      %and3A_2347 = arith.andi %get3A_2337, %and3A_2346 : vector<16xi32>
      %convert_element_type3A_2348 = arith.sitofp %unique3A_2341 : vector<16xi32> to vector<16xf32>
      tpu.vector_store_idx %arg12[%shift_right_logical3A_2344, %and3A_2347], %convert_element_type3A_2348 masked %unique3A_2340 {add = true} : memref<80x128xf32, #tpu.memory_space<vmem>>[vector<16xi32>, vector<16xi32>], vector<16xf32>, vector<16xi1>
      %get3A_2349 = arith.constant 13 : i32
      %get3A_2350 = arith.index_cast %get3A_2349 : i32 to index
      %get3A_2351 = arith.constant 64 : index
      %get3A_2352 = tpu.vector_load %arg10[%get3A_2350, %get3A_2351] {strides = array<i32>} : memref<20x128xi32, #tpu.memory_space<vmem>>, vector<16xi32>,
      %broadcast_in_dim3A_2353 = arith.constant true
      %broadcast_in_dim3A_2354 = vector.broadcast %broadcast_in_dim3A_2353 : i1 to vector<16xi1>
      %unique3A_2355, %unique3A_2356 = tpu.scan_count mask(%broadcast_in_dim3A_2354 : vector<16xi1>) value(%get3A_2352 : vector<16xi32>) : vector<16xi1>, vector<16xi32>
      %shift_right_logical3A_2357 = arith.constant 7 : i32
      %shift_right_logical3A_2358 = vector.broadcast %shift_right_logical3A_2357 : i32 to vector<16xi32>
      %shift_right_logical3A_2359 = arith.shrui %get3A_2352, %shift_right_logical3A_2358 : vector<16xi32>
      %and3A_2360 = arith.constant 127 : i32
      %and3A_2361 = vector.broadcast %and3A_2360 : i32 to vector<16xi32>
      %and3A_2362 = arith.andi %get3A_2352, %and3A_2361 : vector<16xi32>
      %convert_element_type3A_2363 = arith.sitofp %unique3A_2356 : vector<16xi32> to vector<16xf32>
      tpu.vector_store_idx %arg12[%shift_right_logical3A_2359, %and3A_2362], %convert_element_type3A_2363 masked %unique3A_2355 {add = true} : memref<80x128xf32, #tpu.memory_space<vmem>>[vector<16xi32>, vector<16xi32>], vector<16xf32>, vector<16xi1>
      %get3A_2364 = arith.constant 13 : i32
      %get3A_2365 = arith.index_cast %get3A_2364 : i32 to index
      %get3A_2366 = arith.constant 80 : index
      %get3A_2367 = tpu.vector_load %arg10[%get3A_2365, %get3A_2366] {strides = array<i32>} : memref<20x128xi32, #tpu.memory_space<vmem>>, vector<16xi32>,
      %broadcast_in_dim3A_2368 = arith.constant true
      %broadcast_in_dim3A_2369 = vector.broadcast %broadcast_in_dim3A_2368 : i1 to vector<16xi1>
      %unique3A_2370, %unique3A_2371 = tpu.scan_count mask(%broadcast_in_dim3A_2369 : vector<16xi1>) value(%get3A_2367 : vector<16xi32>) : vector<16xi1>, vector<16xi32>
      %shift_right_logical3A_2372 = arith.constant 7 : i32
      %shift_right_logical3A_2373 = vector.broadcast %shift_right_logical3A_2372 : i32 to vector<16xi32>
      %shift_right_logical3A_2374 = arith.shrui %get3A_2367, %shift_right_logical3A_2373 : vector<16xi32>
      %and3A_2375 = arith.constant 127 : i32
      %and3A_2376 = vector.broadcast %and3A_2375 : i32 to vector<16xi32>
      %and3A_2377 = arith.andi %get3A_2367, %and3A_2376 : vector<16xi32>
      %convert_element_type3A_2378 = arith.sitofp %unique3A_2371 : vector<16xi32> to vector<16xf32>
      tpu.vector_store_idx %arg12[%shift_right_logical3A_2374, %and3A_2377], %convert_element_type3A_2378 masked %unique3A_2370 {add = true} : memref<80x128xf32, #tpu.memory_space<vmem>>[vector<16xi32>, vector<16xi32>], vector<16xf32>, vector<16xi1>
      %get3A_2379 = arith.constant 13 : i32
      %get3A_2380 = arith.index_cast %get3A_2379 : i32 to index
      %get3A_2381 = arith.constant 96 : index
      %get3A_2382 = tpu.vector_load %arg10[%get3A_2380, %get3A_2381] {strides = array<i32>} : memref<20x128xi32, #tpu.memory_space<vmem>>, vector<16xi32>,
      %broadcast_in_dim3A_2383 = arith.constant true
      %broadcast_in_dim3A_2384 = vector.broadcast %broadcast_in_dim3A_2383 : i1 to vector<16xi1>
      %unique3A_2385, %unique3A_2386 = tpu.scan_count mask(%broadcast_in_dim3A_2384 : vector<16xi1>) value(%get3A_2382 : vector<16xi32>) : vector<16xi1>, vector<16xi32>
      %shift_right_logical3A_2387 = arith.constant 7 : i32
      %shift_right_logical3A_2388 = vector.broadcast %shift_right_logical3A_2387 : i32 to vector<16xi32>
      %shift_right_logical3A_2389 = arith.shrui %get3A_2382, %shift_right_logical3A_2388 : vector<16xi32>
      %and3A_2390 = arith.constant 127 : i32
      %and3A_2391 = vector.broadcast %and3A_2390 : i32 to vector<16xi32>
      %and3A_2392 = arith.andi %get3A_2382, %and3A_2391 : vector<16xi32>
      %convert_element_type3A_2393 = arith.sitofp %unique3A_2386 : vector<16xi32> to vector<16xf32>
      tpu.vector_store_idx %arg12[%shift_right_logical3A_2389, %and3A_2392], %convert_element_type3A_2393 masked %unique3A_2385 {add = true} : memref<80x128xf32, #tpu.memory_space<vmem>>[vector<16xi32>, vector<16xi32>], vector<16xf32>, vector<16xi1>
      %get3A_2394 = arith.constant 13 : i32
      %get3A_2395 = arith.index_cast %get3A_2394 : i32 to index
      %get3A_2396 = arith.constant 112 : index
      %get3A_2397 = tpu.vector_load %arg10[%get3A_2395, %get3A_2396] {strides = array<i32>} : memref<20x128xi32, #tpu.memory_space<vmem>>, vector<16xi32>,
      %broadcast_in_dim3A_2398 = arith.constant true
      %broadcast_in_dim3A_2399 = vector.broadcast %broadcast_in_dim3A_2398 : i1 to vector<16xi1>
      %unique3A_2400, %unique3A_2401 = tpu.scan_count mask(%broadcast_in_dim3A_2399 : vector<16xi1>) value(%get3A_2397 : vector<16xi32>) : vector<16xi1>, vector<16xi32>
      %shift_right_logical3A_2402 = arith.constant 7 : i32
      %shift_right_logical3A_2403 = vector.broadcast %shift_right_logical3A_2402 : i32 to vector<16xi32>
      %shift_right_logical3A_2404 = arith.shrui %get3A_2397, %shift_right_logical3A_2403 : vector<16xi32>
      %and3A_2405 = arith.constant 127 : i32
      %and3A_2406 = vector.broadcast %and3A_2405 : i32 to vector<16xi32>
      %and3A_2407 = arith.andi %get3A_2397, %and3A_2406 : vector<16xi32>
      %convert_element_type3A_2408 = arith.sitofp %unique3A_2401 : vector<16xi32> to vector<16xf32>
      tpu.vector_store_idx %arg12[%shift_right_logical3A_2404, %and3A_2407], %convert_element_type3A_2408 masked %unique3A_2400 {add = true} : memref<80x128xf32, #tpu.memory_space<vmem>>[vector<16xi32>, vector<16xi32>], vector<16xf32>, vector<16xi1>
      %dma_wait3A_2409 = arith.constant 1 : i32
      %dma_wait3A_2410 = arith.constant 13 : i32
      %dma_wait3A_2411 = arith.constant 0 : i32
      %dma_wait3A_2412 = arith.constant 0 : i32
      %dma_wait3A_2413 = tpu.memref_slice %arg11[%dma_wait3A_2409, %dma_wait3A_2411, %dma_wait3A_2412] : memref<2x128x128xf32, #tpu.memory_space<vmem>> -> memref<1x128x128xf32, #tpu.memory_space<vmem>>
      %dma_wait3A_2414 = tpu.memref_squeeze %dma_wait3A_2413 : memref<1x128x128xf32, #tpu.memory_space<vmem>> -> memref<128x128xf32, #tpu.memory_space<vmem>>
      %dma_wait3A_2415 = arith.constant 0 : i32
      %dma_wait3A_2416 = tpu.memref_slice %arg10[%dma_wait3A_2410, %dma_wait3A_2415] : memref<20x128xi32, #tpu.memory_space<vmem>> -> memref<1x128xi32, #tpu.memory_space<vmem>>
      %dma_wait3A_2417 = tpu.memref_squeeze %dma_wait3A_2416 : memref<1x128xi32, #tpu.memory_space<vmem>> -> memref<128xi32, #tpu.memory_space<vmem>>
      %dma_wait3A_2418 = arith.constant 0 : i32
      %dma_wait3A_2419 = arith.constant 0 : i32
      %dma_wait3A_2420 = tpu.memref_slice %arg14[%dma_wait3A_2418, %dma_wait3A_2419] : memref<10112x128xf32, #tpu.memory_space<vmem_shared>> -> memref<10112x128xf32, #tpu.memory_space<vmem_shared>>
      tpu.wait_indirect_dma semaphore(%arg20 : memref<!tpu.dma_semaphore, #tpu.memory_space<semaphore_mem>>) src(%dma_wait3A_2414 : memref<128x128xf32, #tpu.memory_space<vmem>>) dst(%dma_wait3A_2420 : memref<10112x128xf32, #tpu.memory_space<vmem_shared>>)
      %dma_start3A_2421 = arith.constant 15 : i32
      %dma_start3A_2422 = arith.constant 1 : i32
      %dma_start3A_2423 = arith.constant 0 : i32
      %dma_start3A_2424 = arith.constant 0 : i32
      %dma_start3A_2425 = tpu.memref_slice %arg11[%dma_start3A_2422, %dma_start3A_2423, %dma_start3A_2424] : memref<2x128x128xf32, #tpu.memory_space<vmem>> -> memref<1x128x128xf32, #tpu.memory_space<vmem>>
      %dma_start3A_2426 = tpu.memref_squeeze %dma_start3A_2425 : memref<1x128x128xf32, #tpu.memory_space<vmem>> -> memref<128x128xf32, #tpu.memory_space<vmem>>
      %dma_start3A_2427 = arith.constant 0 : i32
      %dma_start3A_2428 = tpu.memref_slice %arg9[%dma_start3A_2421, %dma_start3A_2427] : memref<20x128xi32, #tpu.memory_space<vmem>> -> memref<1x128xi32, #tpu.memory_space<vmem>>
      %dma_start3A_2429 = tpu.memref_squeeze %dma_start3A_2428 : memref<1x128xi32, #tpu.memory_space<vmem>> -> memref<128xi32, #tpu.memory_space<vmem>>
      %dma_start3A_2430 = arith.constant 0 : i32
      %dma_start3A_2431 = arith.constant 0 : i32
      %dma_start3A_2432 = tpu.memref_slice %arg2[%dma_start3A_2430, %dma_start3A_2431] : memref<10000x128xf32, #tpu.memory_space<hbm>> -> memref<10000x128xf32, #tpu.memory_space<hbm>>
      tpu.enqueue_indirect_dma source(%dma_start3A_2432 : memref<10000x128xf32, #tpu.memory_space<hbm>>) target(%dma_start3A_2426 : memref<128x128xf32, #tpu.memory_space<vmem>>) offsets(%dma_start3A_2429 : memref<128xi32, #tpu.memory_space<vmem>>) semaphore(%arg17 : memref<!tpu.dma_semaphore, #tpu.memory_space<semaphore_mem>>)
      %dma_wait3A_2433 = arith.constant 14 : i32
      %dma_wait3A_2434 = arith.constant 0 : i32
      %dma_wait3A_2435 = arith.constant 0 : i32
      %dma_wait3A_2436 = arith.constant 0 : i32
      %dma_wait3A_2437 = tpu.memref_slice %arg11[%dma_wait3A_2434, %dma_wait3A_2435, %dma_wait3A_2436] : memref<2x128x128xf32, #tpu.memory_space<vmem>> -> memref<1x128x128xf32, #tpu.memory_space<vmem>>
      %dma_wait3A_2438 = tpu.memref_squeeze %dma_wait3A_2437 : memref<1x128x128xf32, #tpu.memory_space<vmem>> -> memref<128x128xf32, #tpu.memory_space<vmem>>
      %dma_wait3A_2439 = arith.constant 0 : i32
      %dma_wait3A_2440 = tpu.memref_slice %arg9[%dma_wait3A_2433, %dma_wait3A_2439] : memref<20x128xi32, #tpu.memory_space<vmem>> -> memref<1x128xi32, #tpu.memory_space<vmem>>
      %dma_wait3A_2441 = tpu.memref_squeeze %dma_wait3A_2440 : memref<1x128xi32, #tpu.memory_space<vmem>> -> memref<128xi32, #tpu.memory_space<vmem>>
      %dma_wait3A_2442 = arith.constant 0 : i32
      %dma_wait3A_2443 = arith.constant 0 : i32
      %dma_wait3A_2444 = tpu.memref_slice %arg2[%dma_wait3A_2442, %dma_wait3A_2443] : memref<10000x128xf32, #tpu.memory_space<hbm>> -> memref<10000x128xf32, #tpu.memory_space<hbm>>
      tpu.wait_indirect_dma semaphore(%arg16 : memref<!tpu.dma_semaphore, #tpu.memory_space<semaphore_mem>>) src(%dma_wait3A_2444 : memref<10000x128xf32, #tpu.memory_space<hbm>>) dst(%dma_wait3A_2438 : memref<128x128xf32, #tpu.memory_space<vmem>>)
      %dma_start3A_2445 = arith.constant 0 : i32
      %dma_start3A_2446 = arith.constant 14 : i32
      %dma_start3A_2447 = arith.constant 0 : i32
      %dma_start3A_2448 = arith.constant 0 : i32
      %dma_start3A_2449 = tpu.memref_slice %arg11[%dma_start3A_2445, %dma_start3A_2447, %dma_start3A_2448] : memref<2x128x128xf32, #tpu.memory_space<vmem>> -> memref<1x128x128xf32, #tpu.memory_space<vmem>>
      %dma_start3A_2450 = tpu.memref_squeeze %dma_start3A_2449 : memref<1x128x128xf32, #tpu.memory_space<vmem>> -> memref<128x128xf32, #tpu.memory_space<vmem>>
      %dma_start3A_2451 = arith.constant 0 : i32
      %dma_start3A_2452 = tpu.memref_slice %arg10[%dma_start3A_2446, %dma_start3A_2451] : memref<20x128xi32, #tpu.memory_space<vmem>> -> memref<1x128xi32, #tpu.memory_space<vmem>>
      %dma_start3A_2453 = tpu.memref_squeeze %dma_start3A_2452 : memref<1x128xi32, #tpu.memory_space<vmem>> -> memref<128xi32, #tpu.memory_space<vmem>>
      %dma_start3A_2454 = arith.constant 0 : i32
      %dma_start3A_2455 = arith.constant 0 : i32
      %dma_start3A_2456 = tpu.memref_slice %arg14[%dma_start3A_2454, %dma_start3A_2455] : memref<10112x128xf32, #tpu.memory_space<vmem_shared>> -> memref<10112x128xf32, #tpu.memory_space<vmem_shared>>
      tpu.enqueue_indirect_dma source(%dma_start3A_2450 : memref<128x128xf32, #tpu.memory_space<vmem>>) target(%dma_start3A_2456 : memref<10112x128xf32, #tpu.memory_space<vmem_shared>>) offsets(%dma_start3A_2453 : memref<128xi32, #tpu.memory_space<vmem>>) semaphore(%arg19 : memref<!tpu.dma_semaphore, #tpu.memory_space<semaphore_mem>>) {add = true}
      %get3A_2457 = arith.constant 14 : i32
      %get3A_2458 = arith.index_cast %get3A_2457 : i32 to index
      %get3A_2459 = arith.constant 0 : index
      %get3A_2460 = tpu.vector_load %arg10[%get3A_2458, %get3A_2459] {strides = array<i32>} : memref<20x128xi32, #tpu.memory_space<vmem>>, vector<16xi32>,
      %broadcast_in_dim3A_2461 = arith.constant true
      %broadcast_in_dim3A_2462 = vector.broadcast %broadcast_in_dim3A_2461 : i1 to vector<16xi1>
      %unique3A_2463, %unique3A_2464 = tpu.scan_count mask(%broadcast_in_dim3A_2462 : vector<16xi1>) value(%get3A_2460 : vector<16xi32>) : vector<16xi1>, vector<16xi32>
      %shift_right_logical3A_2465 = arith.constant 7 : i32
      %shift_right_logical3A_2466 = vector.broadcast %shift_right_logical3A_2465 : i32 to vector<16xi32>
      %shift_right_logical3A_2467 = arith.shrui %get3A_2460, %shift_right_logical3A_2466 : vector<16xi32>
      %and3A_2468 = arith.constant 127 : i32
      %and3A_2469 = vector.broadcast %and3A_2468 : i32 to vector<16xi32>
      %and3A_2470 = arith.andi %get3A_2460, %and3A_2469 : vector<16xi32>
      %convert_element_type3A_2471 = arith.sitofp %unique3A_2464 : vector<16xi32> to vector<16xf32>
      tpu.vector_store_idx %arg12[%shift_right_logical3A_2467, %and3A_2470], %convert_element_type3A_2471 masked %unique3A_2463 {add = true} : memref<80x128xf32, #tpu.memory_space<vmem>>[vector<16xi32>, vector<16xi32>], vector<16xf32>, vector<16xi1>
      %get3A_2472 = arith.constant 14 : i32
      %get3A_2473 = arith.index_cast %get3A_2472 : i32 to index
      %get3A_2474 = arith.constant 16 : index
      %get3A_2475 = tpu.vector_load %arg10[%get3A_2473, %get3A_2474] {strides = array<i32>} : memref<20x128xi32, #tpu.memory_space<vmem>>, vector<16xi32>,
      %broadcast_in_dim3A_2476 = arith.constant true
      %broadcast_in_dim3A_2477 = vector.broadcast %broadcast_in_dim3A_2476 : i1 to vector<16xi1>
      %unique3A_2478, %unique3A_2479 = tpu.scan_count mask(%broadcast_in_dim3A_2477 : vector<16xi1>) value(%get3A_2475 : vector<16xi32>) : vector<16xi1>, vector<16xi32>
      %shift_right_logical3A_2480 = arith.constant 7 : i32
      %shift_right_logical3A_2481 = vector.broadcast %shift_right_logical3A_2480 : i32 to vector<16xi32>
      %shift_right_logical3A_2482 = arith.shrui %get3A_2475, %shift_right_logical3A_2481 : vector<16xi32>
      %and3A_2483 = arith.constant 127 : i32
      %and3A_2484 = vector.broadcast %and3A_2483 : i32 to vector<16xi32>
      %and3A_2485 = arith.andi %get3A_2475, %and3A_2484 : vector<16xi32>
      %convert_element_type3A_2486 = arith.sitofp %unique3A_2479 : vector<16xi32> to vector<16xf32>
      tpu.vector_store_idx %arg12[%shift_right_logical3A_2482, %and3A_2485], %convert_element_type3A_2486 masked %unique3A_2478 {add = true} : memref<80x128xf32, #tpu.memory_space<vmem>>[vector<16xi32>, vector<16xi32>], vector<16xf32>, vector<16xi1>
      %get3A_2487 = arith.constant 14 : i32
      %get3A_2488 = arith.index_cast %get3A_2487 : i32 to index
      %get3A_2489 = arith.constant 32 : index
      %get3A_2490 = tpu.vector_load %arg10[%get3A_2488, %get3A_2489] {strides = array<i32>} : memref<20x128xi32, #tpu.memory_space<vmem>>, vector<16xi32>,
      %broadcast_in_dim3A_2491 = arith.constant true
      %broadcast_in_dim3A_2492 = vector.broadcast %broadcast_in_dim3A_2491 : i1 to vector<16xi1>
      %unique3A_2493, %unique3A_2494 = tpu.scan_count mask(%broadcast_in_dim3A_2492 : vector<16xi1>) value(%get3A_2490 : vector<16xi32>) : vector<16xi1>, vector<16xi32>
      %shift_right_logical3A_2495 = arith.constant 7 : i32
      %shift_right_logical3A_2496 = vector.broadcast %shift_right_logical3A_2495 : i32 to vector<16xi32>
      %shift_right_logical3A_2497 = arith.shrui %get3A_2490, %shift_right_logical3A_2496 : vector<16xi32>
      %and3A_2498 = arith.constant 127 : i32
      %and3A_2499 = vector.broadcast %and3A_2498 : i32 to vector<16xi32>
      %and3A_2500 = arith.andi %get3A_2490, %and3A_2499 : vector<16xi32>
      %convert_element_type3A_2501 = arith.sitofp %unique3A_2494 : vector<16xi32> to vector<16xf32>
      tpu.vector_store_idx %arg12[%shift_right_logical3A_2497, %and3A_2500], %convert_element_type3A_2501 masked %unique3A_2493 {add = true} : memref<80x128xf32, #tpu.memory_space<vmem>>[vector<16xi32>, vector<16xi32>], vector<16xf32>, vector<16xi1>
      %get3A_2502 = arith.constant 14 : i32
      %get3A_2503 = arith.index_cast %get3A_2502 : i32 to index
      %get3A_2504 = arith.constant 48 : index
      %get3A_2505 = tpu.vector_load %arg10[%get3A_2503, %get3A_2504] {strides = array<i32>} : memref<20x128xi32, #tpu.memory_space<vmem>>, vector<16xi32>,
      %broadcast_in_dim3A_2506 = arith.constant true
      %broadcast_in_dim3A_2507 = vector.broadcast %broadcast_in_dim3A_2506 : i1 to vector<16xi1>
      %unique3A_2508, %unique3A_2509 = tpu.scan_count mask(%broadcast_in_dim3A_2507 : vector<16xi1>) value(%get3A_2505 : vector<16xi32>) : vector<16xi1>, vector<16xi32>
      %shift_right_logical3A_2510 = arith.constant 7 : i32
      %shift_right_logical3A_2511 = vector.broadcast %shift_right_logical3A_2510 : i32 to vector<16xi32>
      %shift_right_logical3A_2512 = arith.shrui %get3A_2505, %shift_right_logical3A_2511 : vector<16xi32>
      %and3A_2513 = arith.constant 127 : i32
      %and3A_2514 = vector.broadcast %and3A_2513 : i32 to vector<16xi32>
      %and3A_2515 = arith.andi %get3A_2505, %and3A_2514 : vector<16xi32>
      %convert_element_type3A_2516 = arith.sitofp %unique3A_2509 : vector<16xi32> to vector<16xf32>
      tpu.vector_store_idx %arg12[%shift_right_logical3A_2512, %and3A_2515], %convert_element_type3A_2516 masked %unique3A_2508 {add = true} : memref<80x128xf32, #tpu.memory_space<vmem>>[vector<16xi32>, vector<16xi32>], vector<16xf32>, vector<16xi1>
      %get3A_2517 = arith.constant 14 : i32
      %get3A_2518 = arith.index_cast %get3A_2517 : i32 to index
      %get3A_2519 = arith.constant 64 : index
      %get3A_2520 = tpu.vector_load %arg10[%get3A_2518, %get3A_2519] {strides = array<i32>} : memref<20x128xi32, #tpu.memory_space<vmem>>, vector<16xi32>,
      %broadcast_in_dim3A_2521 = arith.constant true
      %broadcast_in_dim3A_2522 = vector.broadcast %broadcast_in_dim3A_2521 : i1 to vector<16xi1>
      %unique3A_2523, %unique3A_2524 = tpu.scan_count mask(%broadcast_in_dim3A_2522 : vector<16xi1>) value(%get3A_2520 : vector<16xi32>) : vector<16xi1>, vector<16xi32>
      %shift_right_logical3A_2525 = arith.constant 7 : i32
      %shift_right_logical3A_2526 = vector.broadcast %shift_right_logical3A_2525 : i32 to vector<16xi32>
      %shift_right_logical3A_2527 = arith.shrui %get3A_2520, %shift_right_logical3A_2526 : vector<16xi32>
      %and3A_2528 = arith.constant 127 : i32
      %and3A_2529 = vector.broadcast %and3A_2528 : i32 to vector<16xi32>
      %and3A_2530 = arith.andi %get3A_2520, %and3A_2529 : vector<16xi32>
      %convert_element_type3A_2531 = arith.sitofp %unique3A_2524 : vector<16xi32> to vector<16xf32>
      tpu.vector_store_idx %arg12[%shift_right_logical3A_2527, %and3A_2530], %convert_element_type3A_2531 masked %unique3A_2523 {add = true} : memref<80x128xf32, #tpu.memory_space<vmem>>[vector<16xi32>, vector<16xi32>], vector<16xf32>, vector<16xi1>
      %get3A_2532 = arith.constant 14 : i32
      %get3A_2533 = arith.index_cast %get3A_2532 : i32 to index
      %get3A_2534 = arith.constant 80 : index
      %get3A_2535 = tpu.vector_load %arg10[%get3A_2533, %get3A_2534] {strides = array<i32>} : memref<20x128xi32, #tpu.memory_space<vmem>>, vector<16xi32>,
      %broadcast_in_dim3A_2536 = arith.constant true
      %broadcast_in_dim3A_2537 = vector.broadcast %broadcast_in_dim3A_2536 : i1 to vector<16xi1>
      %unique3A_2538, %unique3A_2539 = tpu.scan_count mask(%broadcast_in_dim3A_2537 : vector<16xi1>) value(%get3A_2535 : vector<16xi32>) : vector<16xi1>, vector<16xi32>
      %shift_right_logical3A_2540 = arith.constant 7 : i32
      %shift_right_logical3A_2541 = vector.broadcast %shift_right_logical3A_2540 : i32 to vector<16xi32>
      %shift_right_logical3A_2542 = arith.shrui %get3A_2535, %shift_right_logical3A_2541 : vector<16xi32>
      %and3A_2543 = arith.constant 127 : i32
      %and3A_2544 = vector.broadcast %and3A_2543 : i32 to vector<16xi32>
      %and3A_2545 = arith.andi %get3A_2535, %and3A_2544 : vector<16xi32>
      %convert_element_type3A_2546 = arith.sitofp %unique3A_2539 : vector<16xi32> to vector<16xf32>
      tpu.vector_store_idx %arg12[%shift_right_logical3A_2542, %and3A_2545], %convert_element_type3A_2546 masked %unique3A_2538 {add = true} : memref<80x128xf32, #tpu.memory_space<vmem>>[vector<16xi32>, vector<16xi32>], vector<16xf32>, vector<16xi1>
      %get3A_2547 = arith.constant 14 : i32
      %get3A_2548 = arith.index_cast %get3A_2547 : i32 to index
      %get3A_2549 = arith.constant 96 : index
      %get3A_2550 = tpu.vector_load %arg10[%get3A_2548, %get3A_2549] {strides = array<i32>} : memref<20x128xi32, #tpu.memory_space<vmem>>, vector<16xi32>,
      %broadcast_in_dim3A_2551 = arith.constant true
      %broadcast_in_dim3A_2552 = vector.broadcast %broadcast_in_dim3A_2551 : i1 to vector<16xi1>
      %unique3A_2553, %unique3A_2554 = tpu.scan_count mask(%broadcast_in_dim3A_2552 : vector<16xi1>) value(%get3A_2550 : vector<16xi32>) : vector<16xi1>, vector<16xi32>
      %shift_right_logical3A_2555 = arith.constant 7 : i32
      %shift_right_logical3A_2556 = vector.broadcast %shift_right_logical3A_2555 : i32 to vector<16xi32>
      %shift_right_logical3A_2557 = arith.shrui %get3A_2550, %shift_right_logical3A_2556 : vector<16xi32>
      %and3A_2558 = arith.constant 127 : i32
      %and3A_2559 = vector.broadcast %and3A_2558 : i32 to vector<16xi32>
      %and3A_2560 = arith.andi %get3A_2550, %and3A_2559 : vector<16xi32>
      %convert_element_type3A_2561 = arith.sitofp %unique3A_2554 : vector<16xi32> to vector<16xf32>
      tpu.vector_store_idx %arg12[%shift_right_logical3A_2557, %and3A_2560], %convert_element_type3A_2561 masked %unique3A_2553 {add = true} : memref<80x128xf32, #tpu.memory_space<vmem>>[vector<16xi32>, vector<16xi32>], vector<16xf32>, vector<16xi1>
      %get3A_2562 = arith.constant 14 : i32
      %get3A_2563 = arith.index_cast %get3A_2562 : i32 to index
      %get3A_2564 = arith.constant 112 : index
      %get3A_2565 = tpu.vector_load %arg10[%get3A_2563, %get3A_2564] {strides = array<i32>} : memref<20x128xi32, #tpu.memory_space<vmem>>, vector<16xi32>,
      %broadcast_in_dim3A_2566 = arith.constant true
      %broadcast_in_dim3A_2567 = vector.broadcast %broadcast_in_dim3A_2566 : i1 to vector<16xi1>
      %unique3A_2568, %unique3A_2569 = tpu.scan_count mask(%broadcast_in_dim3A_2567 : vector<16xi1>) value(%get3A_2565 : vector<16xi32>) : vector<16xi1>, vector<16xi32>
      %shift_right_logical3A_2570 = arith.constant 7 : i32
      %shift_right_logical3A_2571 = vector.broadcast %shift_right_logical3A_2570 : i32 to vector<16xi32>
      %shift_right_logical3A_2572 = arith.shrui %get3A_2565, %shift_right_logical3A_2571 : vector<16xi32>
      %and3A_2573 = arith.constant 127 : i32
      %and3A_2574 = vector.broadcast %and3A_2573 : i32 to vector<16xi32>
      %and3A_2575 = arith.andi %get3A_2565, %and3A_2574 : vector<16xi32>
      %convert_element_type3A_2576 = arith.sitofp %unique3A_2569 : vector<16xi32> to vector<16xf32>
      tpu.vector_store_idx %arg12[%shift_right_logical3A_2572, %and3A_2575], %convert_element_type3A_2576 masked %unique3A_2568 {add = true} : memref<80x128xf32, #tpu.memory_space<vmem>>[vector<16xi32>, vector<16xi32>], vector<16xf32>, vector<16xi1>
      %dma_wait3A_2577 = arith.constant 0 : i32
      %dma_wait3A_2578 = arith.constant 14 : i32
      %dma_wait3A_2579 = arith.constant 0 : i32
      %dma_wait3A_2580 = arith.constant 0 : i32
      %dma_wait3A_2581 = tpu.memref_slice %arg11[%dma_wait3A_2577, %dma_wait3A_2579, %dma_wait3A_2580] : memref<2x128x128xf32, #tpu.memory_space<vmem>> -> memref<1x128x128xf32, #tpu.memory_space<vmem>>
      %dma_wait3A_2582 = tpu.memref_squeeze %dma_wait3A_2581 : memref<1x128x128xf32, #tpu.memory_space<vmem>> -> memref<128x128xf32, #tpu.memory_space<vmem>>
      %dma_wait3A_2583 = arith.constant 0 : i32
      %dma_wait3A_2584 = tpu.memref_slice %arg10[%dma_wait3A_2578, %dma_wait3A_2583] : memref<20x128xi32, #tpu.memory_space<vmem>> -> memref<1x128xi32, #tpu.memory_space<vmem>>
      %dma_wait3A_2585 = tpu.memref_squeeze %dma_wait3A_2584 : memref<1x128xi32, #tpu.memory_space<vmem>> -> memref<128xi32, #tpu.memory_space<vmem>>
      %dma_wait3A_2586 = arith.constant 0 : i32
      %dma_wait3A_2587 = arith.constant 0 : i32
      %dma_wait3A_2588 = tpu.memref_slice %arg14[%dma_wait3A_2586, %dma_wait3A_2587] : memref<10112x128xf32, #tpu.memory_space<vmem_shared>> -> memref<10112x128xf32, #tpu.memory_space<vmem_shared>>
      tpu.wait_indirect_dma semaphore(%arg19 : memref<!tpu.dma_semaphore, #tpu.memory_space<semaphore_mem>>) src(%dma_wait3A_2582 : memref<128x128xf32, #tpu.memory_space<vmem>>) dst(%dma_wait3A_2588 : memref<10112x128xf32, #tpu.memory_space<vmem_shared>>)
      %dma_start3A_2589 = arith.constant 16 : i32
      %dma_start3A_2590 = arith.constant 0 : i32
      %dma_start3A_2591 = arith.constant 0 : i32
      %dma_start3A_2592 = arith.constant 0 : i32
      %dma_start3A_2593 = tpu.memref_slice %arg11[%dma_start3A_2590, %dma_start3A_2591, %dma_start3A_2592] : memref<2x128x128xf32, #tpu.memory_space<vmem>> -> memref<1x128x128xf32, #tpu.memory_space<vmem>>
      %dma_start3A_2594 = tpu.memref_squeeze %dma_start3A_2593 : memref<1x128x128xf32, #tpu.memory_space<vmem>> -> memref<128x128xf32, #tpu.memory_space<vmem>>
      %dma_start3A_2595 = arith.constant 0 : i32
      %dma_start3A_2596 = tpu.memref_slice %arg9[%dma_start3A_2589, %dma_start3A_2595] : memref<20x128xi32, #tpu.memory_space<vmem>> -> memref<1x128xi32, #tpu.memory_space<vmem>>
      %dma_start3A_2597 = tpu.memref_squeeze %dma_start3A_2596 : memref<1x128xi32, #tpu.memory_space<vmem>> -> memref<128xi32, #tpu.memory_space<vmem>>
      %dma_start3A_2598 = arith.constant 0 : i32
      %dma_start3A_2599 = arith.constant 0 : i32
      %dma_start3A_2600 = tpu.memref_slice %arg2[%dma_start3A_2598, %dma_start3A_2599] : memref<10000x128xf32, #tpu.memory_space<hbm>> -> memref<10000x128xf32, #tpu.memory_space<hbm>>
      tpu.enqueue_indirect_dma source(%dma_start3A_2600 : memref<10000x128xf32, #tpu.memory_space<hbm>>) target(%dma_start3A_2594 : memref<128x128xf32, #tpu.memory_space<vmem>>) offsets(%dma_start3A_2597 : memref<128xi32, #tpu.memory_space<vmem>>) semaphore(%arg16 : memref<!tpu.dma_semaphore, #tpu.memory_space<semaphore_mem>>)
      %dma_wait3A_2601 = arith.constant 15 : i32
      %dma_wait3A_2602 = arith.constant 1 : i32
      %dma_wait3A_2603 = arith.constant 0 : i32
      %dma_wait3A_2604 = arith.constant 0 : i32
      %dma_wait3A_2605 = tpu.memref_slice %arg11[%dma_wait3A_2602, %dma_wait3A_2603, %dma_wait3A_2604] : memref<2x128x128xf32, #tpu.memory_space<vmem>> -> memref<1x128x128xf32, #tpu.memory_space<vmem>>
      %dma_wait3A_2606 = tpu.memref_squeeze %dma_wait3A_2605 : memref<1x128x128xf32, #tpu.memory_space<vmem>> -> memref<128x128xf32, #tpu.memory_space<vmem>>
      %dma_wait3A_2607 = arith.constant 0 : i32
      %dma_wait3A_2608 = tpu.memref_slice %arg9[%dma_wait3A_2601, %dma_wait3A_2607] : memref<20x128xi32, #tpu.memory_space<vmem>> -> memref<1x128xi32, #tpu.memory_space<vmem>>
      %dma_wait3A_2609 = tpu.memref_squeeze %dma_wait3A_2608 : memref<1x128xi32, #tpu.memory_space<vmem>> -> memref<128xi32, #tpu.memory_space<vmem>>
      %dma_wait3A_2610 = arith.constant 0 : i32
      %dma_wait3A_2611 = arith.constant 0 : i32
      %dma_wait3A_2612 = tpu.memref_slice %arg2[%dma_wait3A_2610, %dma_wait3A_2611] : memref<10000x128xf32, #tpu.memory_space<hbm>> -> memref<10000x128xf32, #tpu.memory_space<hbm>>
      tpu.wait_indirect_dma semaphore(%arg17 : memref<!tpu.dma_semaphore, #tpu.memory_space<semaphore_mem>>) src(%dma_wait3A_2612 : memref<10000x128xf32, #tpu.memory_space<hbm>>) dst(%dma_wait3A_2606 : memref<128x128xf32, #tpu.memory_space<vmem>>)
      %dma_start3A_2613 = arith.constant 1 : i32
      %dma_start3A_2614 = arith.constant 15 : i32
      %dma_start3A_2615 = arith.constant 0 : i32
      %dma_start3A_2616 = arith.constant 0 : i32
      %dma_start3A_2617 = tpu.memref_slice %arg11[%dma_start3A_2613, %dma_start3A_2615, %dma_start3A_2616] : memref<2x128x128xf32, #tpu.memory_space<vmem>> -> memref<1x128x128xf32, #tpu.memory_space<vmem>>
      %dma_start3A_2618 = tpu.memref_squeeze %dma_start3A_2617 : memref<1x128x128xf32, #tpu.memory_space<vmem>> -> memref<128x128xf32, #tpu.memory_space<vmem>>
      %dma_start3A_2619 = arith.constant 0 : i32
      %dma_start3A_2620 = tpu.memref_slice %arg10[%dma_start3A_2614, %dma_start3A_2619] : memref<20x128xi32, #tpu.memory_space<vmem>> -> memref<1x128xi32, #tpu.memory_space<vmem>>
      %dma_start3A_2621 = tpu.memref_squeeze %dma_start3A_2620 : memref<1x128xi32, #tpu.memory_space<vmem>> -> memref<128xi32, #tpu.memory_space<vmem>>
      %dma_start3A_2622 = arith.constant 0 : i32
      %dma_start3A_2623 = arith.constant 0 : i32
      %dma_start3A_2624 = tpu.memref_slice %arg14[%dma_start3A_2622, %dma_start3A_2623] : memref<10112x128xf32, #tpu.memory_space<vmem_shared>> -> memref<10112x128xf32, #tpu.memory_space<vmem_shared>>
      tpu.enqueue_indirect_dma source(%dma_start3A_2618 : memref<128x128xf32, #tpu.memory_space<vmem>>) target(%dma_start3A_2624 : memref<10112x128xf32, #tpu.memory_space<vmem_shared>>) offsets(%dma_start3A_2621 : memref<128xi32, #tpu.memory_space<vmem>>) semaphore(%arg20 : memref<!tpu.dma_semaphore, #tpu.memory_space<semaphore_mem>>) {add = true}
      %get3A_2625 = arith.constant 15 : i32
      %get3A_2626 = arith.index_cast %get3A_2625 : i32 to index
      %get3A_2627 = arith.constant 0 : index
      %get3A_2628 = tpu.vector_load %arg10[%get3A_2626, %get3A_2627] {strides = array<i32>} : memref<20x128xi32, #tpu.memory_space<vmem>>, vector<16xi32>,
      %broadcast_in_dim3A_2629 = arith.constant true
      %broadcast_in_dim3A_2630 = vector.broadcast %broadcast_in_dim3A_2629 : i1 to vector<16xi1>
      %unique3A_2631, %unique3A_2632 = tpu.scan_count mask(%broadcast_in_dim3A_2630 : vector<16xi1>) value(%get3A_2628 : vector<16xi32>) : vector<16xi1>, vector<16xi32>
      %shift_right_logical3A_2633 = arith.constant 7 : i32
      %shift_right_logical3A_2634 = vector.broadcast %shift_right_logical3A_2633 : i32 to vector<16xi32>
      %shift_right_logical3A_2635 = arith.shrui %get3A_2628, %shift_right_logical3A_2634 : vector<16xi32>
      %and3A_2636 = arith.constant 127 : i32
      %and3A_2637 = vector.broadcast %and3A_2636 : i32 to vector<16xi32>
      %and3A_2638 = arith.andi %get3A_2628, %and3A_2637 : vector<16xi32>
      %convert_element_type3A_2639 = arith.sitofp %unique3A_2632 : vector<16xi32> to vector<16xf32>
      tpu.vector_store_idx %arg12[%shift_right_logical3A_2635, %and3A_2638], %convert_element_type3A_2639 masked %unique3A_2631 {add = true} : memref<80x128xf32, #tpu.memory_space<vmem>>[vector<16xi32>, vector<16xi32>], vector<16xf32>, vector<16xi1>
      %get3A_2640 = arith.constant 15 : i32
      %get3A_2641 = arith.index_cast %get3A_2640 : i32 to index
      %get3A_2642 = arith.constant 16 : index
      %get3A_2643 = tpu.vector_load %arg10[%get3A_2641, %get3A_2642] {strides = array<i32>} : memref<20x128xi32, #tpu.memory_space<vmem>>, vector<16xi32>,
      %broadcast_in_dim3A_2644 = arith.constant true
      %broadcast_in_dim3A_2645 = vector.broadcast %broadcast_in_dim3A_2644 : i1 to vector<16xi1>
      %unique3A_2646, %unique3A_2647 = tpu.scan_count mask(%broadcast_in_dim3A_2645 : vector<16xi1>) value(%get3A_2643 : vector<16xi32>) : vector<16xi1>, vector<16xi32>
      %shift_right_logical3A_2648 = arith.constant 7 : i32
      %shift_right_logical3A_2649 = vector.broadcast %shift_right_logical3A_2648 : i32 to vector<16xi32>
      %shift_right_logical3A_2650 = arith.shrui %get3A_2643, %shift_right_logical3A_2649 : vector<16xi32>
      %and3A_2651 = arith.constant 127 : i32
      %and3A_2652 = vector.broadcast %and3A_2651 : i32 to vector<16xi32>
      %and3A_2653 = arith.andi %get3A_2643, %and3A_2652 : vector<16xi32>
      %convert_element_type3A_2654 = arith.sitofp %unique3A_2647 : vector<16xi32> to vector<16xf32>
      tpu.vector_store_idx %arg12[%shift_right_logical3A_2650, %and3A_2653], %convert_element_type3A_2654 masked %unique3A_2646 {add = true} : memref<80x128xf32, #tpu.memory_space<vmem>>[vector<16xi32>, vector<16xi32>], vector<16xf32>, vector<16xi1>
      %get3A_2655 = arith.constant 15 : i32
      %get3A_2656 = arith.index_cast %get3A_2655 : i32 to index
      %get3A_2657 = arith.constant 32 : index
      %get3A_2658 = tpu.vector_load %arg10[%get3A_2656, %get3A_2657] {strides = array<i32>} : memref<20x128xi32, #tpu.memory_space<vmem>>, vector<16xi32>,
      %broadcast_in_dim3A_2659 = arith.constant true
      %broadcast_in_dim3A_2660 = vector.broadcast %broadcast_in_dim3A_2659 : i1 to vector<16xi1>
      %unique3A_2661, %unique3A_2662 = tpu.scan_count mask(%broadcast_in_dim3A_2660 : vector<16xi1>) value(%get3A_2658 : vector<16xi32>) : vector<16xi1>, vector<16xi32>
      %shift_right_logical3A_2663 = arith.constant 7 : i32
      %shift_right_logical3A_2664 = vector.broadcast %shift_right_logical3A_2663 : i32 to vector<16xi32>
      %shift_right_logical3A_2665 = arith.shrui %get3A_2658, %shift_right_logical3A_2664 : vector<16xi32>
      %and3A_2666 = arith.constant 127 : i32
      %and3A_2667 = vector.broadcast %and3A_2666 : i32 to vector<16xi32>
      %and3A_2668 = arith.andi %get3A_2658, %and3A_2667 : vector<16xi32>
      %convert_element_type3A_2669 = arith.sitofp %unique3A_2662 : vector<16xi32> to vector<16xf32>
      tpu.vector_store_idx %arg12[%shift_right_logical3A_2665, %and3A_2668], %convert_element_type3A_2669 masked %unique3A_2661 {add = true} : memref<80x128xf32, #tpu.memory_space<vmem>>[vector<16xi32>, vector<16xi32>], vector<16xf32>, vector<16xi1>
      %get3A_2670 = arith.constant 15 : i32
      %get3A_2671 = arith.index_cast %get3A_2670 : i32 to index
      %get3A_2672 = arith.constant 48 : index
      %get3A_2673 = tpu.vector_load %arg10[%get3A_2671, %get3A_2672] {strides = array<i32>} : memref<20x128xi32, #tpu.memory_space<vmem>>, vector<16xi32>,
      %broadcast_in_dim3A_2674 = arith.constant true
      %broadcast_in_dim3A_2675 = vector.broadcast %broadcast_in_dim3A_2674 : i1 to vector<16xi1>
      %unique3A_2676, %unique3A_2677 = tpu.scan_count mask(%broadcast_in_dim3A_2675 : vector<16xi1>) value(%get3A_2673 : vector<16xi32>) : vector<16xi1>, vector<16xi32>
      %shift_right_logical3A_2678 = arith.constant 7 : i32
      %shift_right_logical3A_2679 = vector.broadcast %shift_right_logical3A_2678 : i32 to vector<16xi32>
      %shift_right_logical3A_2680 = arith.shrui %get3A_2673, %shift_right_logical3A_2679 : vector<16xi32>
      %and3A_2681 = arith.constant 127 : i32
      %and3A_2682 = vector.broadcast %and3A_2681 : i32 to vector<16xi32>
      %and3A_2683 = arith.andi %get3A_2673, %and3A_2682 : vector<16xi32>
      %convert_element_type3A_2684 = arith.sitofp %unique3A_2677 : vector<16xi32> to vector<16xf32>
      tpu.vector_store_idx %arg12[%shift_right_logical3A_2680, %and3A_2683], %convert_element_type3A_2684 masked %unique3A_2676 {add = true} : memref<80x128xf32, #tpu.memory_space<vmem>>[vector<16xi32>, vector<16xi32>], vector<16xf32>, vector<16xi1>
      %get3A_2685 = arith.constant 15 : i32
      %get3A_2686 = arith.index_cast %get3A_2685 : i32 to index
      %get3A_2687 = arith.constant 64 : index
      %get3A_2688 = tpu.vector_load %arg10[%get3A_2686, %get3A_2687] {strides = array<i32>} : memref<20x128xi32, #tpu.memory_space<vmem>>, vector<16xi32>,
      %broadcast_in_dim3A_2689 = arith.constant true
      %broadcast_in_dim3A_2690 = vector.broadcast %broadcast_in_dim3A_2689 : i1 to vector<16xi1>
      %unique3A_2691, %unique3A_2692 = tpu.scan_count mask(%broadcast_in_dim3A_2690 : vector<16xi1>) value(%get3A_2688 : vector<16xi32>) : vector<16xi1>, vector<16xi32>
      %shift_right_logical3A_2693 = arith.constant 7 : i32
      %shift_right_logical3A_2694 = vector.broadcast %shift_right_logical3A_2693 : i32 to vector<16xi32>
      %shift_right_logical3A_2695 = arith.shrui %get3A_2688, %shift_right_logical3A_2694 : vector<16xi32>
      %and3A_2696 = arith.constant 127 : i32
      %and3A_2697 = vector.broadcast %and3A_2696 : i32 to vector<16xi32>
      %and3A_2698 = arith.andi %get3A_2688, %and3A_2697 : vector<16xi32>
      %convert_element_type3A_2699 = arith.sitofp %unique3A_2692 : vector<16xi32> to vector<16xf32>
      tpu.vector_store_idx %arg12[%shift_right_logical3A_2695, %and3A_2698], %convert_element_type3A_2699 masked %unique3A_2691 {add = true} : memref<80x128xf32, #tpu.memory_space<vmem>>[vector<16xi32>, vector<16xi32>], vector<16xf32>, vector<16xi1>
      %get3A_2700 = arith.constant 15 : i32
      %get3A_2701 = arith.index_cast %get3A_2700 : i32 to index
      %get3A_2702 = arith.constant 80 : index
      %get3A_2703 = tpu.vector_load %arg10[%get3A_2701, %get3A_2702] {strides = array<i32>} : memref<20x128xi32, #tpu.memory_space<vmem>>, vector<16xi32>,
      %broadcast_in_dim3A_2704 = arith.constant true
      %broadcast_in_dim3A_2705 = vector.broadcast %broadcast_in_dim3A_2704 : i1 to vector<16xi1>
      %unique3A_2706, %unique3A_2707 = tpu.scan_count mask(%broadcast_in_dim3A_2705 : vector<16xi1>) value(%get3A_2703 : vector<16xi32>) : vector<16xi1>, vector<16xi32>
      %shift_right_logical3A_2708 = arith.constant 7 : i32
      %shift_right_logical3A_2709 = vector.broadcast %shift_right_logical3A_2708 : i32 to vector<16xi32>
      %shift_right_logical3A_2710 = arith.shrui %get3A_2703, %shift_right_logical3A_2709 : vector<16xi32>
      %and3A_2711 = arith.constant 127 : i32
      %and3A_2712 = vector.broadcast %and3A_2711 : i32 to vector<16xi32>
      %and3A_2713 = arith.andi %get3A_2703, %and3A_2712 : vector<16xi32>
      %convert_element_type3A_2714 = arith.sitofp %unique3A_2707 : vector<16xi32> to vector<16xf32>
      tpu.vector_store_idx %arg12[%shift_right_logical3A_2710, %and3A_2713], %convert_element_type3A_2714 masked %unique3A_2706 {add = true} : memref<80x128xf32, #tpu.memory_space<vmem>>[vector<16xi32>, vector<16xi32>], vector<16xf32>, vector<16xi1>
      %get3A_2715 = arith.constant 15 : i32
      %get3A_2716 = arith.index_cast %get3A_2715 : i32 to index
      %get3A_2717 = arith.constant 96 : index
      %get3A_2718 = tpu.vector_load %arg10[%get3A_2716, %get3A_2717] {strides = array<i32>} : memref<20x128xi32, #tpu.memory_space<vmem>>, vector<16xi32>,
      %broadcast_in_dim3A_2719 = arith.constant true
      %broadcast_in_dim3A_2720 = vector.broadcast %broadcast_in_dim3A_2719 : i1 to vector<16xi1>
      %unique3A_2721, %unique3A_2722 = tpu.scan_count mask(%broadcast_in_dim3A_2720 : vector<16xi1>) value(%get3A_2718 : vector<16xi32>) : vector<16xi1>, vector<16xi32>
      %shift_right_logical3A_2723 = arith.constant 7 : i32
      %shift_right_logical3A_2724 = vector.broadcast %shift_right_logical3A_2723 : i32 to vector<16xi32>
      %shift_right_logical3A_2725 = arith.shrui %get3A_2718, %shift_right_logical3A_2724 : vector<16xi32>
      %and3A_2726 = arith.constant 127 : i32
      %and3A_2727 = vector.broadcast %and3A_2726 : i32 to vector<16xi32>
      %and3A_2728 = arith.andi %get3A_2718, %and3A_2727 : vector<16xi32>
      %convert_element_type3A_2729 = arith.sitofp %unique3A_2722 : vector<16xi32> to vector<16xf32>
      tpu.vector_store_idx %arg12[%shift_right_logical3A_2725, %and3A_2728], %convert_element_type3A_2729 masked %unique3A_2721 {add = true} : memref<80x128xf32, #tpu.memory_space<vmem>>[vector<16xi32>, vector<16xi32>], vector<16xf32>, vector<16xi1>
      %get3A_2730 = arith.constant 15 : i32
      %get3A_2731 = arith.index_cast %get3A_2730 : i32 to index
      %get3A_2732 = arith.constant 112 : index
      %get3A_2733 = tpu.vector_load %arg10[%get3A_2731, %get3A_2732] {strides = array<i32>} : memref<20x128xi32, #tpu.memory_space<vmem>>, vector<16xi32>,
      %broadcast_in_dim3A_2734 = arith.constant true
      %broadcast_in_dim3A_2735 = vector.broadcast %broadcast_in_dim3A_2734 : i1 to vector<16xi1>
      %unique3A_2736, %unique3A_2737 = tpu.scan_count mask(%broadcast_in_dim3A_2735 : vector<16xi1>) value(%get3A_2733 : vector<16xi32>) : vector<16xi1>, vector<16xi32>
      %shift_right_logical3A_2738 = arith.constant 7 : i32
      %shift_right_logical3A_2739 = vector.broadcast %shift_right_logical3A_2738 : i32 to vector<16xi32>
      %shift_right_logical3A_2740 = arith.shrui %get3A_2733, %shift_right_logical3A_2739 : vector<16xi32>
      %and3A_2741 = arith.constant 127 : i32
      %and3A_2742 = vector.broadcast %and3A_2741 : i32 to vector<16xi32>
      %and3A_2743 = arith.andi %get3A_2733, %and3A_2742 : vector<16xi32>
      %convert_element_type3A_2744 = arith.sitofp %unique3A_2737 : vector<16xi32> to vector<16xf32>
      tpu.vector_store_idx %arg12[%shift_right_logical3A_2740, %and3A_2743], %convert_element_type3A_2744 masked %unique3A_2736 {add = true} : memref<80x128xf32, #tpu.memory_space<vmem>>[vector<16xi32>, vector<16xi32>], vector<16xf32>, vector<16xi1>
      %dma_wait3A_2745 = arith.constant 1 : i32
      %dma_wait3A_2746 = arith.constant 15 : i32
      %dma_wait3A_2747 = arith.constant 0 : i32
      %dma_wait3A_2748 = arith.constant 0 : i32
      %dma_wait3A_2749 = tpu.memref_slice %arg11[%dma_wait3A_2745, %dma_wait3A_2747, %dma_wait3A_2748] : memref<2x128x128xf32, #tpu.memory_space<vmem>> -> memref<1x128x128xf32, #tpu.memory_space<vmem>>
      %dma_wait3A_2750 = tpu.memref_squeeze %dma_wait3A_2749 : memref<1x128x128xf32, #tpu.memory_space<vmem>> -> memref<128x128xf32, #tpu.memory_space<vmem>>
      %dma_wait3A_2751 = arith.constant 0 : i32
      %dma_wait3A_2752 = tpu.memref_slice %arg10[%dma_wait3A_2746, %dma_wait3A_2751] : memref<20x128xi32, #tpu.memory_space<vmem>> -> memref<1x128xi32, #tpu.memory_space<vmem>>
      %dma_wait3A_2753 = tpu.memref_squeeze %dma_wait3A_2752 : memref<1x128xi32, #tpu.memory_space<vmem>> -> memref<128xi32, #tpu.memory_space<vmem>>
      %dma_wait3A_2754 = arith.constant 0 : i32
      %dma_wait3A_2755 = arith.constant 0 : i32
      %dma_wait3A_2756 = tpu.memref_slice %arg14[%dma_wait3A_2754, %dma_wait3A_2755] : memref<10112x128xf32, #tpu.memory_space<vmem_shared>> -> memref<10112x128xf32, #tpu.memory_space<vmem_shared>>
      tpu.wait_indirect_dma semaphore(%arg20 : memref<!tpu.dma_semaphore, #tpu.memory_space<semaphore_mem>>) src(%dma_wait3A_2750 : memref<128x128xf32, #tpu.memory_space<vmem>>) dst(%dma_wait3A_2756 : memref<10112x128xf32, #tpu.memory_space<vmem_shared>>)
      %dma_start3A_2757 = arith.constant 17 : i32
      %dma_start3A_2758 = arith.constant 1 : i32
      %dma_start3A_2759 = arith.constant 0 : i32
      %dma_start3A_2760 = arith.constant 0 : i32
      %dma_start3A_2761 = tpu.memref_slice %arg11[%dma_start3A_2758, %dma_start3A_2759, %dma_start3A_2760] : memref<2x128x128xf32, #tpu.memory_space<vmem>> -> memref<1x128x128xf32, #tpu.memory_space<vmem>>
      %dma_start3A_2762 = tpu.memref_squeeze %dma_start3A_2761 : memref<1x128x128xf32, #tpu.memory_space<vmem>> -> memref<128x128xf32, #tpu.memory_space<vmem>>
      %dma_start3A_2763 = arith.constant 0 : i32
      %dma_start3A_2764 = tpu.memref_slice %arg9[%dma_start3A_2757, %dma_start3A_2763] : memref<20x128xi32, #tpu.memory_space<vmem>> -> memref<1x128xi32, #tpu.memory_space<vmem>>
      %dma_start3A_2765 = tpu.memref_squeeze %dma_start3A_2764 : memref<1x128xi32, #tpu.memory_space<vmem>> -> memref<128xi32, #tpu.memory_space<vmem>>
      %dma_start3A_2766 = arith.constant 0 : i32
      %dma_start3A_2767 = arith.constant 0 : i32
      %dma_start3A_2768 = tpu.memref_slice %arg2[%dma_start3A_2766, %dma_start3A_2767] : memref<10000x128xf32, #tpu.memory_space<hbm>> -> memref<10000x128xf32, #tpu.memory_space<hbm>>
      tpu.enqueue_indirect_dma source(%dma_start3A_2768 : memref<10000x128xf32, #tpu.memory_space<hbm>>) target(%dma_start3A_2762 : memref<128x128xf32, #tpu.memory_space<vmem>>) offsets(%dma_start3A_2765 : memref<128xi32, #tpu.memory_space<vmem>>) semaphore(%arg17 : memref<!tpu.dma_semaphore, #tpu.memory_space<semaphore_mem>>)
      %dma_wait3A_2769 = arith.constant 16 : i32
      %dma_wait3A_2770 = arith.constant 0 : i32
      %dma_wait3A_2771 = arith.constant 0 : i32
      %dma_wait3A_2772 = arith.constant 0 : i32
      %dma_wait3A_2773 = tpu.memref_slice %arg11[%dma_wait3A_2770, %dma_wait3A_2771, %dma_wait3A_2772] : memref<2x128x128xf32, #tpu.memory_space<vmem>> -> memref<1x128x128xf32, #tpu.memory_space<vmem>>
      %dma_wait3A_2774 = tpu.memref_squeeze %dma_wait3A_2773 : memref<1x128x128xf32, #tpu.memory_space<vmem>> -> memref<128x128xf32, #tpu.memory_space<vmem>>
      %dma_wait3A_2775 = arith.constant 0 : i32
      %dma_wait3A_2776 = tpu.memref_slice %arg9[%dma_wait3A_2769, %dma_wait3A_2775] : memref<20x128xi32, #tpu.memory_space<vmem>> -> memref<1x128xi32, #tpu.memory_space<vmem>>
      %dma_wait3A_2777 = tpu.memref_squeeze %dma_wait3A_2776 : memref<1x128xi32, #tpu.memory_space<vmem>> -> memref<128xi32, #tpu.memory_space<vmem>>
      %dma_wait3A_2778 = arith.constant 0 : i32
      %dma_wait3A_2779 = arith.constant 0 : i32
      %dma_wait3A_2780 = tpu.memref_slice %arg2[%dma_wait3A_2778, %dma_wait3A_2779] : memref<10000x128xf32, #tpu.memory_space<hbm>> -> memref<10000x128xf32, #tpu.memory_space<hbm>>
      tpu.wait_indirect_dma semaphore(%arg16 : memref<!tpu.dma_semaphore, #tpu.memory_space<semaphore_mem>>) src(%dma_wait3A_2780 : memref<10000x128xf32, #tpu.memory_space<hbm>>) dst(%dma_wait3A_2774 : memref<128x128xf32, #tpu.memory_space<vmem>>)
      %dma_start3A_2781 = arith.constant 0 : i32
      %dma_start3A_2782 = arith.constant 16 : i32
      %dma_start3A_2783 = arith.constant 0 : i32
      %dma_start3A_2784 = arith.constant 0 : i32
      %dma_start3A_2785 = tpu.memref_slice %arg11[%dma_start3A_2781, %dma_start3A_2783, %dma_start3A_2784] : memref<2x128x128xf32, #tpu.memory_space<vmem>> -> memref<1x128x128xf32, #tpu.memory_space<vmem>>
      %dma_start3A_2786 = tpu.memref_squeeze %dma_start3A_2785 : memref<1x128x128xf32, #tpu.memory_space<vmem>> -> memref<128x128xf32, #tpu.memory_space<vmem>>
      %dma_start3A_2787 = arith.constant 0 : i32
      %dma_start3A_2788 = tpu.memref_slice %arg10[%dma_start3A_2782, %dma_start3A_2787] : memref<20x128xi32, #tpu.memory_space<vmem>> -> memref<1x128xi32, #tpu.memory_space<vmem>>
      %dma_start3A_2789 = tpu.memref_squeeze %dma_start3A_2788 : memref<1x128xi32, #tpu.memory_space<vmem>> -> memref<128xi32, #tpu.memory_space<vmem>>
      %dma_start3A_2790 = arith.constant 0 : i32
      %dma_start3A_2791 = arith.constant 0 : i32
      %dma_start3A_2792 = tpu.memref_slice %arg14[%dma_start3A_2790, %dma_start3A_2791] : memref<10112x128xf32, #tpu.memory_space<vmem_shared>> -> memref<10112x128xf32, #tpu.memory_space<vmem_shared>>
      tpu.enqueue_indirect_dma source(%dma_start3A_2786 : memref<128x128xf32, #tpu.memory_space<vmem>>) target(%dma_start3A_2792 : memref<10112x128xf32, #tpu.memory_space<vmem_shared>>) offsets(%dma_start3A_2789 : memref<128xi32, #tpu.memory_space<vmem>>) semaphore(%arg19 : memref<!tpu.dma_semaphore, #tpu.memory_space<semaphore_mem>>) {add = true}
      %get3A_2793 = arith.constant 16 : i32
      %get3A_2794 = arith.index_cast %get3A_2793 : i32 to index
      %get3A_2795 = arith.constant 0 : index
      %get3A_2796 = tpu.vector_load %arg10[%get3A_2794, %get3A_2795] {strides = array<i32>} : memref<20x128xi32, #tpu.memory_space<vmem>>, vector<16xi32>,
      %broadcast_in_dim3A_2797 = arith.constant true
      %broadcast_in_dim3A_2798 = vector.broadcast %broadcast_in_dim3A_2797 : i1 to vector<16xi1>
      %unique3A_2799, %unique3A_2800 = tpu.scan_count mask(%broadcast_in_dim3A_2798 : vector<16xi1>) value(%get3A_2796 : vector<16xi32>) : vector<16xi1>, vector<16xi32>
      %shift_right_logical3A_2801 = arith.constant 7 : i32
      %shift_right_logical3A_2802 = vector.broadcast %shift_right_logical3A_2801 : i32 to vector<16xi32>
      %shift_right_logical3A_2803 = arith.shrui %get3A_2796, %shift_right_logical3A_2802 : vector<16xi32>
      %and3A_2804 = arith.constant 127 : i32
      %and3A_2805 = vector.broadcast %and3A_2804 : i32 to vector<16xi32>
      %and3A_2806 = arith.andi %get3A_2796, %and3A_2805 : vector<16xi32>
      %convert_element_type3A_2807 = arith.sitofp %unique3A_2800 : vector<16xi32> to vector<16xf32>
      tpu.vector_store_idx %arg12[%shift_right_logical3A_2803, %and3A_2806], %convert_element_type3A_2807 masked %unique3A_2799 {add = true} : memref<80x128xf32, #tpu.memory_space<vmem>>[vector<16xi32>, vector<16xi32>], vector<16xf32>, vector<16xi1>
      %get3A_2808 = arith.constant 16 : i32
      %get3A_2809 = arith.index_cast %get3A_2808 : i32 to index
      %get3A_2810 = arith.constant 16 : index
      %get3A_2811 = tpu.vector_load %arg10[%get3A_2809, %get3A_2810] {strides = array<i32>} : memref<20x128xi32, #tpu.memory_space<vmem>>, vector<16xi32>,
      %broadcast_in_dim3A_2812 = arith.constant true
      %broadcast_in_dim3A_2813 = vector.broadcast %broadcast_in_dim3A_2812 : i1 to vector<16xi1>
      %unique3A_2814, %unique3A_2815 = tpu.scan_count mask(%broadcast_in_dim3A_2813 : vector<16xi1>) value(%get3A_2811 : vector<16xi32>) : vector<16xi1>, vector<16xi32>
      %shift_right_logical3A_2816 = arith.constant 7 : i32
      %shift_right_logical3A_2817 = vector.broadcast %shift_right_logical3A_2816 : i32 to vector<16xi32>
      %shift_right_logical3A_2818 = arith.shrui %get3A_2811, %shift_right_logical3A_2817 : vector<16xi32>
      %and3A_2819 = arith.constant 127 : i32
      %and3A_2820 = vector.broadcast %and3A_2819 : i32 to vector<16xi32>
      %and3A_2821 = arith.andi %get3A_2811, %and3A_2820 : vector<16xi32>
      %convert_element_type3A_2822 = arith.sitofp %unique3A_2815 : vector<16xi32> to vector<16xf32>
      tpu.vector_store_idx %arg12[%shift_right_logical3A_2818, %and3A_2821], %convert_element_type3A_2822 masked %unique3A_2814 {add = true} : memref<80x128xf32, #tpu.memory_space<vmem>>[vector<16xi32>, vector<16xi32>], vector<16xf32>, vector<16xi1>
      %get3A_2823 = arith.constant 16 : i32
      %get3A_2824 = arith.index_cast %get3A_2823 : i32 to index
      %get3A_2825 = arith.constant 32 : index
      %get3A_2826 = tpu.vector_load %arg10[%get3A_2824, %get3A_2825] {strides = array<i32>} : memref<20x128xi32, #tpu.memory_space<vmem>>, vector<16xi32>,
      %broadcast_in_dim3A_2827 = arith.constant true
      %broadcast_in_dim3A_2828 = vector.broadcast %broadcast_in_dim3A_2827 : i1 to vector<16xi1>
      %unique3A_2829, %unique3A_2830 = tpu.scan_count mask(%broadcast_in_dim3A_2828 : vector<16xi1>) value(%get3A_2826 : vector<16xi32>) : vector<16xi1>, vector<16xi32>
      %shift_right_logical3A_2831 = arith.constant 7 : i32
      %shift_right_logical3A_2832 = vector.broadcast %shift_right_logical3A_2831 : i32 to vector<16xi32>
      %shift_right_logical3A_2833 = arith.shrui %get3A_2826, %shift_right_logical3A_2832 : vector<16xi32>
      %and3A_2834 = arith.constant 127 : i32
      %and3A_2835 = vector.broadcast %and3A_2834 : i32 to vector<16xi32>
      %and3A_2836 = arith.andi %get3A_2826, %and3A_2835 : vector<16xi32>
      %convert_element_type3A_2837 = arith.sitofp %unique3A_2830 : vector<16xi32> to vector<16xf32>
      tpu.vector_store_idx %arg12[%shift_right_logical3A_2833, %and3A_2836], %convert_element_type3A_2837 masked %unique3A_2829 {add = true} : memref<80x128xf32, #tpu.memory_space<vmem>>[vector<16xi32>, vector<16xi32>], vector<16xf32>, vector<16xi1>
      %get3A_2838 = arith.constant 16 : i32
      %get3A_2839 = arith.index_cast %get3A_2838 : i32 to index
      %get3A_2840 = arith.constant 48 : index
      %get3A_2841 = tpu.vector_load %arg10[%get3A_2839, %get3A_2840] {strides = array<i32>} : memref<20x128xi32, #tpu.memory_space<vmem>>, vector<16xi32>,
      %broadcast_in_dim3A_2842 = arith.constant true
      %broadcast_in_dim3A_2843 = vector.broadcast %broadcast_in_dim3A_2842 : i1 to vector<16xi1>
      %unique3A_2844, %unique3A_2845 = tpu.scan_count mask(%broadcast_in_dim3A_2843 : vector<16xi1>) value(%get3A_2841 : vector<16xi32>) : vector<16xi1>, vector<16xi32>
      %shift_right_logical3A_2846 = arith.constant 7 : i32
      %shift_right_logical3A_2847 = vector.broadcast %shift_right_logical3A_2846 : i32 to vector<16xi32>
      %shift_right_logical3A_2848 = arith.shrui %get3A_2841, %shift_right_logical3A_2847 : vector<16xi32>
      %and3A_2849 = arith.constant 127 : i32
      %and3A_2850 = vector.broadcast %and3A_2849 : i32 to vector<16xi32>
      %and3A_2851 = arith.andi %get3A_2841, %and3A_2850 : vector<16xi32>
      %convert_element_type3A_2852 = arith.sitofp %unique3A_2845 : vector<16xi32> to vector<16xf32>
      tpu.vector_store_idx %arg12[%shift_right_logical3A_2848, %and3A_2851], %convert_element_type3A_2852 masked %unique3A_2844 {add = true} : memref<80x128xf32, #tpu.memory_space<vmem>>[vector<16xi32>, vector<16xi32>], vector<16xf32>, vector<16xi1>
      %get3A_2853 = arith.constant 16 : i32
      %get3A_2854 = arith.index_cast %get3A_2853 : i32 to index
      %get3A_2855 = arith.constant 64 : index
      %get3A_2856 = tpu.vector_load %arg10[%get3A_2854, %get3A_2855] {strides = array<i32>} : memref<20x128xi32, #tpu.memory_space<vmem>>, vector<16xi32>,
      %broadcast_in_dim3A_2857 = arith.constant true
      %broadcast_in_dim3A_2858 = vector.broadcast %broadcast_in_dim3A_2857 : i1 to vector<16xi1>
      %unique3A_2859, %unique3A_2860 = tpu.scan_count mask(%broadcast_in_dim3A_2858 : vector<16xi1>) value(%get3A_2856 : vector<16xi32>) : vector<16xi1>, vector<16xi32>
      %shift_right_logical3A_2861 = arith.constant 7 : i32
      %shift_right_logical3A_2862 = vector.broadcast %shift_right_logical3A_2861 : i32 to vector<16xi32>
      %shift_right_logical3A_2863 = arith.shrui %get3A_2856, %shift_right_logical3A_2862 : vector<16xi32>
      %and3A_2864 = arith.constant 127 : i32
      %and3A_2865 = vector.broadcast %and3A_2864 : i32 to vector<16xi32>
      %and3A_2866 = arith.andi %get3A_2856, %and3A_2865 : vector<16xi32>
      %convert_element_type3A_2867 = arith.sitofp %unique3A_2860 : vector<16xi32> to vector<16xf32>
      tpu.vector_store_idx %arg12[%shift_right_logical3A_2863, %and3A_2866], %convert_element_type3A_2867 masked %unique3A_2859 {add = true} : memref<80x128xf32, #tpu.memory_space<vmem>>[vector<16xi32>, vector<16xi32>], vector<16xf32>, vector<16xi1>
      %get3A_2868 = arith.constant 16 : i32
      %get3A_2869 = arith.index_cast %get3A_2868 : i32 to index
      %get3A_2870 = arith.constant 80 : index
      %get3A_2871 = tpu.vector_load %arg10[%get3A_2869, %get3A_2870] {strides = array<i32>} : memref<20x128xi32, #tpu.memory_space<vmem>>, vector<16xi32>,
      %broadcast_in_dim3A_2872 = arith.constant true
      %broadcast_in_dim3A_2873 = vector.broadcast %broadcast_in_dim3A_2872 : i1 to vector<16xi1>
      %unique3A_2874, %unique3A_2875 = tpu.scan_count mask(%broadcast_in_dim3A_2873 : vector<16xi1>) value(%get3A_2871 : vector<16xi32>) : vector<16xi1>, vector<16xi32>
      %shift_right_logical3A_2876 = arith.constant 7 : i32
      %shift_right_logical3A_2877 = vector.broadcast %shift_right_logical3A_2876 : i32 to vector<16xi32>
      %shift_right_logical3A_2878 = arith.shrui %get3A_2871, %shift_right_logical3A_2877 : vector<16xi32>
      %and3A_2879 = arith.constant 127 : i32
      %and3A_2880 = vector.broadcast %and3A_2879 : i32 to vector<16xi32>
      %and3A_2881 = arith.andi %get3A_2871, %and3A_2880 : vector<16xi32>
      %convert_element_type3A_2882 = arith.sitofp %unique3A_2875 : vector<16xi32> to vector<16xf32>
      tpu.vector_store_idx %arg12[%shift_right_logical3A_2878, %and3A_2881], %convert_element_type3A_2882 masked %unique3A_2874 {add = true} : memref<80x128xf32, #tpu.memory_space<vmem>>[vector<16xi32>, vector<16xi32>], vector<16xf32>, vector<16xi1>
      %get3A_2883 = arith.constant 16 : i32
      %get3A_2884 = arith.index_cast %get3A_2883 : i32 to index
      %get3A_2885 = arith.constant 96 : index
      %get3A_2886 = tpu.vector_load %arg10[%get3A_2884, %get3A_2885] {strides = array<i32>} : memref<20x128xi32, #tpu.memory_space<vmem>>, vector<16xi32>,
      %broadcast_in_dim3A_2887 = arith.constant true
      %broadcast_in_dim3A_2888 = vector.broadcast %broadcast_in_dim3A_2887 : i1 to vector<16xi1>
      %unique3A_2889, %unique3A_2890 = tpu.scan_count mask(%broadcast_in_dim3A_2888 : vector<16xi1>) value(%get3A_2886 : vector<16xi32>) : vector<16xi1>, vector<16xi32>
      %shift_right_logical3A_2891 = arith.constant 7 : i32
      %shift_right_logical3A_2892 = vector.broadcast %shift_right_logical3A_2891 : i32 to vector<16xi32>
      %shift_right_logical3A_2893 = arith.shrui %get3A_2886, %shift_right_logical3A_2892 : vector<16xi32>
      %and3A_2894 = arith.constant 127 : i32
      %and3A_2895 = vector.broadcast %and3A_2894 : i32 to vector<16xi32>
      %and3A_2896 = arith.andi %get3A_2886, %and3A_2895 : vector<16xi32>
      %convert_element_type3A_2897 = arith.sitofp %unique3A_2890 : vector<16xi32> to vector<16xf32>
      tpu.vector_store_idx %arg12[%shift_right_logical3A_2893, %and3A_2896], %convert_element_type3A_2897 masked %unique3A_2889 {add = true} : memref<80x128xf32, #tpu.memory_space<vmem>>[vector<16xi32>, vector<16xi32>], vector<16xf32>, vector<16xi1>
      %get3A_2898 = arith.constant 16 : i32
      %get3A_2899 = arith.index_cast %get3A_2898 : i32 to index
      %get3A_2900 = arith.constant 112 : index
      %get3A_2901 = tpu.vector_load %arg10[%get3A_2899, %get3A_2900] {strides = array<i32>} : memref<20x128xi32, #tpu.memory_space<vmem>>, vector<16xi32>,
      %broadcast_in_dim3A_2902 = arith.constant true
      %broadcast_in_dim3A_2903 = vector.broadcast %broadcast_in_dim3A_2902 : i1 to vector<16xi1>
      %unique3A_2904, %unique3A_2905 = tpu.scan_count mask(%broadcast_in_dim3A_2903 : vector<16xi1>) value(%get3A_2901 : vector<16xi32>) : vector<16xi1>, vector<16xi32>
      %shift_right_logical3A_2906 = arith.constant 7 : i32
      %shift_right_logical3A_2907 = vector.broadcast %shift_right_logical3A_2906 : i32 to vector<16xi32>
      %shift_right_logical3A_2908 = arith.shrui %get3A_2901, %shift_right_logical3A_2907 : vector<16xi32>
      %and3A_2909 = arith.constant 127 : i32
      %and3A_2910 = vector.broadcast %and3A_2909 : i32 to vector<16xi32>
      %and3A_2911 = arith.andi %get3A_2901, %and3A_2910 : vector<16xi32>
      %convert_element_type3A_2912 = arith.sitofp %unique3A_2905 : vector<16xi32> to vector<16xf32>
      tpu.vector_store_idx %arg12[%shift_right_logical3A_2908, %and3A_2911], %convert_element_type3A_2912 masked %unique3A_2904 {add = true} : memref<80x128xf32, #tpu.memory_space<vmem>>[vector<16xi32>, vector<16xi32>], vector<16xf32>, vector<16xi1>
      %dma_wait3A_2913 = arith.constant 0 : i32
      %dma_wait3A_2914 = arith.constant 16 : i32
      %dma_wait3A_2915 = arith.constant 0 : i32
      %dma_wait3A_2916 = arith.constant 0 : i32
      %dma_wait3A_2917 = tpu.memref_slice %arg11[%dma_wait3A_2913, %dma_wait3A_2915, %dma_wait3A_2916] : memref<2x128x128xf32, #tpu.memory_space<vmem>> -> memref<1x128x128xf32, #tpu.memory_space<vmem>>
      %dma_wait3A_2918 = tpu.memref_squeeze %dma_wait3A_2917 : memref<1x128x128xf32, #tpu.memory_space<vmem>> -> memref<128x128xf32, #tpu.memory_space<vmem>>
      %dma_wait3A_2919 = arith.constant 0 : i32
      %dma_wait3A_2920 = tpu.memref_slice %arg10[%dma_wait3A_2914, %dma_wait3A_2919] : memref<20x128xi32, #tpu.memory_space<vmem>> -> memref<1x128xi32, #tpu.memory_space<vmem>>
      %dma_wait3A_2921 = tpu.memref_squeeze %dma_wait3A_2920 : memref<1x128xi32, #tpu.memory_space<vmem>> -> memref<128xi32, #tpu.memory_space<vmem>>
      %dma_wait3A_2922 = arith.constant 0 : i32
      %dma_wait3A_2923 = arith.constant 0 : i32
      %dma_wait3A_2924 = tpu.memref_slice %arg14[%dma_wait3A_2922, %dma_wait3A_2923] : memref<10112x128xf32, #tpu.memory_space<vmem_shared>> -> memref<10112x128xf32, #tpu.memory_space<vmem_shared>>
      tpu.wait_indirect_dma semaphore(%arg19 : memref<!tpu.dma_semaphore, #tpu.memory_space<semaphore_mem>>) src(%dma_wait3A_2918 : memref<128x128xf32, #tpu.memory_space<vmem>>) dst(%dma_wait3A_2924 : memref<10112x128xf32, #tpu.memory_space<vmem_shared>>)
      %dma_start3A_2925 = arith.constant 18 : i32
      %dma_start3A_2926 = arith.constant 0 : i32
      %dma_start3A_2927 = arith.constant 0 : i32
      %dma_start3A_2928 = arith.constant 0 : i32
      %dma_start3A_2929 = tpu.memref_slice %arg11[%dma_start3A_2926, %dma_start3A_2927, %dma_start3A_2928] : memref<2x128x128xf32, #tpu.memory_space<vmem>> -> memref<1x128x128xf32, #tpu.memory_space<vmem>>
      %dma_start3A_2930 = tpu.memref_squeeze %dma_start3A_2929 : memref<1x128x128xf32, #tpu.memory_space<vmem>> -> memref<128x128xf32, #tpu.memory_space<vmem>>
      %dma_start3A_2931 = arith.constant 0 : i32
      %dma_start3A_2932 = tpu.memref_slice %arg9[%dma_start3A_2925, %dma_start3A_2931] : memref<20x128xi32, #tpu.memory_space<vmem>> -> memref<1x128xi32, #tpu.memory_space<vmem>>
      %dma_start3A_2933 = tpu.memref_squeeze %dma_start3A_2932 : memref<1x128xi32, #tpu.memory_space<vmem>> -> memref<128xi32, #tpu.memory_space<vmem>>
      %dma_start3A_2934 = arith.constant 0 : i32
      %dma_start3A_2935 = arith.constant 0 : i32
      %dma_start3A_2936 = tpu.memref_slice %arg2[%dma_start3A_2934, %dma_start3A_2935] : memref<10000x128xf32, #tpu.memory_space<hbm>> -> memref<10000x128xf32, #tpu.memory_space<hbm>>
      tpu.enqueue_indirect_dma source(%dma_start3A_2936 : memref<10000x128xf32, #tpu.memory_space<hbm>>) target(%dma_start3A_2930 : memref<128x128xf32, #tpu.memory_space<vmem>>) offsets(%dma_start3A_2933 : memref<128xi32, #tpu.memory_space<vmem>>) semaphore(%arg16 : memref<!tpu.dma_semaphore, #tpu.memory_space<semaphore_mem>>)
      %dma_wait3A_2937 = arith.constant 17 : i32
      %dma_wait3A_2938 = arith.constant 1 : i32
      %dma_wait3A_2939 = arith.constant 0 : i32
      %dma_wait3A_2940 = arith.constant 0 : i32
      %dma_wait3A_2941 = tpu.memref_slice %arg11[%dma_wait3A_2938, %dma_wait3A_2939, %dma_wait3A_2940] : memref<2x128x128xf32, #tpu.memory_space<vmem>> -> memref<1x128x128xf32, #tpu.memory_space<vmem>>
      %dma_wait3A_2942 = tpu.memref_squeeze %dma_wait3A_2941 : memref<1x128x128xf32, #tpu.memory_space<vmem>> -> memref<128x128xf32, #tpu.memory_space<vmem>>
      %dma_wait3A_2943 = arith.constant 0 : i32
      %dma_wait3A_2944 = tpu.memref_slice %arg9[%dma_wait3A_2937, %dma_wait3A_2943] : memref<20x128xi32, #tpu.memory_space<vmem>> -> memref<1x128xi32, #tpu.memory_space<vmem>>
      %dma_wait3A_2945 = tpu.memref_squeeze %dma_wait3A_2944 : memref<1x128xi32, #tpu.memory_space<vmem>> -> memref<128xi32, #tpu.memory_space<vmem>>
      %dma_wait3A_2946 = arith.constant 0 : i32
      %dma_wait3A_2947 = arith.constant 0 : i32
      %dma_wait3A_2948 = tpu.memref_slice %arg2[%dma_wait3A_2946, %dma_wait3A_2947] : memref<10000x128xf32, #tpu.memory_space<hbm>> -> memref<10000x128xf32, #tpu.memory_space<hbm>>
      tpu.wait_indirect_dma semaphore(%arg17 : memref<!tpu.dma_semaphore, #tpu.memory_space<semaphore_mem>>) src(%dma_wait3A_2948 : memref<10000x128xf32, #tpu.memory_space<hbm>>) dst(%dma_wait3A_2942 : memref<128x128xf32, #tpu.memory_space<vmem>>)
      %dma_start3A_2949 = arith.constant 1 : i32
      %dma_start3A_2950 = arith.constant 17 : i32
      %dma_start3A_2951 = arith.constant 0 : i32
      %dma_start3A_2952 = arith.constant 0 : i32
      %dma_start3A_2953 = tpu.memref_slice %arg11[%dma_start3A_2949, %dma_start3A_2951, %dma_start3A_2952] : memref<2x128x128xf32, #tpu.memory_space<vmem>> -> memref<1x128x128xf32, #tpu.memory_space<vmem>>
      %dma_start3A_2954 = tpu.memref_squeeze %dma_start3A_2953 : memref<1x128x128xf32, #tpu.memory_space<vmem>> -> memref<128x128xf32, #tpu.memory_space<vmem>>
      %dma_start3A_2955 = arith.constant 0 : i32
      %dma_start3A_2956 = tpu.memref_slice %arg10[%dma_start3A_2950, %dma_start3A_2955] : memref<20x128xi32, #tpu.memory_space<vmem>> -> memref<1x128xi32, #tpu.memory_space<vmem>>
      %dma_start3A_2957 = tpu.memref_squeeze %dma_start3A_2956 : memref<1x128xi32, #tpu.memory_space<vmem>> -> memref<128xi32, #tpu.memory_space<vmem>>
      %dma_start3A_2958 = arith.constant 0 : i32
      %dma_start3A_2959 = arith.constant 0 : i32
      %dma_start3A_2960 = tpu.memref_slice %arg14[%dma_start3A_2958, %dma_start3A_2959] : memref<10112x128xf32, #tpu.memory_space<vmem_shared>> -> memref<10112x128xf32, #tpu.memory_space<vmem_shared>>
      tpu.enqueue_indirect_dma source(%dma_start3A_2954 : memref<128x128xf32, #tpu.memory_space<vmem>>) target(%dma_start3A_2960 : memref<10112x128xf32, #tpu.memory_space<vmem_shared>>) offsets(%dma_start3A_2957 : memref<128xi32, #tpu.memory_space<vmem>>) semaphore(%arg20 : memref<!tpu.dma_semaphore, #tpu.memory_space<semaphore_mem>>) {add = true}
      %get3A_2961 = arith.constant 17 : i32
      %get3A_2962 = arith.index_cast %get3A_2961 : i32 to index
      %get3A_2963 = arith.constant 0 : index
      %get3A_2964 = tpu.vector_load %arg10[%get3A_2962, %get3A_2963] {strides = array<i32>} : memref<20x128xi32, #tpu.memory_space<vmem>>, vector<16xi32>,
      %broadcast_in_dim3A_2965 = arith.constant true
      %broadcast_in_dim3A_2966 = vector.broadcast %broadcast_in_dim3A_2965 : i1 to vector<16xi1>
      %unique3A_2967, %unique3A_2968 = tpu.scan_count mask(%broadcast_in_dim3A_2966 : vector<16xi1>) value(%get3A_2964 : vector<16xi32>) : vector<16xi1>, vector<16xi32>
      %shift_right_logical3A_2969 = arith.constant 7 : i32
      %shift_right_logical3A_2970 = vector.broadcast %shift_right_logical3A_2969 : i32 to vector<16xi32>
      %shift_right_logical3A_2971 = arith.shrui %get3A_2964, %shift_right_logical3A_2970 : vector<16xi32>
      %and3A_2972 = arith.constant 127 : i32
      %and3A_2973 = vector.broadcast %and3A_2972 : i32 to vector<16xi32>
      %and3A_2974 = arith.andi %get3A_2964, %and3A_2973 : vector<16xi32>
      %convert_element_type3A_2975 = arith.sitofp %unique3A_2968 : vector<16xi32> to vector<16xf32>
      tpu.vector_store_idx %arg12[%shift_right_logical3A_2971, %and3A_2974], %convert_element_type3A_2975 masked %unique3A_2967 {add = true} : memref<80x128xf32, #tpu.memory_space<vmem>>[vector<16xi32>, vector<16xi32>], vector<16xf32>, vector<16xi1>
      %get3A_2976 = arith.constant 17 : i32
      %get3A_2977 = arith.index_cast %get3A_2976 : i32 to index
      %get3A_2978 = arith.constant 16 : index
      %get3A_2979 = tpu.vector_load %arg10[%get3A_2977, %get3A_2978] {strides = array<i32>} : memref<20x128xi32, #tpu.memory_space<vmem>>, vector<16xi32>,
      %broadcast_in_dim3A_2980 = arith.constant true
      %broadcast_in_dim3A_2981 = vector.broadcast %broadcast_in_dim3A_2980 : i1 to vector<16xi1>
      %unique3A_2982, %unique3A_2983 = tpu.scan_count mask(%broadcast_in_dim3A_2981 : vector<16xi1>) value(%get3A_2979 : vector<16xi32>) : vector<16xi1>, vector<16xi32>
      %shift_right_logical3A_2984 = arith.constant 7 : i32
      %shift_right_logical3A_2985 = vector.broadcast %shift_right_logical3A_2984 : i32 to vector<16xi32>
      %shift_right_logical3A_2986 = arith.shrui %get3A_2979, %shift_right_logical3A_2985 : vector<16xi32>
      %and3A_2987 = arith.constant 127 : i32
      %and3A_2988 = vector.broadcast %and3A_2987 : i32 to vector<16xi32>
      %and3A_2989 = arith.andi %get3A_2979, %and3A_2988 : vector<16xi32>
      %convert_element_type3A_2990 = arith.sitofp %unique3A_2983 : vector<16xi32> to vector<16xf32>
      tpu.vector_store_idx %arg12[%shift_right_logical3A_2986, %and3A_2989], %convert_element_type3A_2990 masked %unique3A_2982 {add = true} : memref<80x128xf32, #tpu.memory_space<vmem>>[vector<16xi32>, vector<16xi32>], vector<16xf32>, vector<16xi1>
      %get3A_2991 = arith.constant 17 : i32
      %get3A_2992 = arith.index_cast %get3A_2991 : i32 to index
      %get3A_2993 = arith.constant 32 : index
      %get3A_2994 = tpu.vector_load %arg10[%get3A_2992, %get3A_2993] {strides = array<i32>} : memref<20x128xi32, #tpu.memory_space<vmem>>, vector<16xi32>,
      %broadcast_in_dim3A_2995 = arith.constant true
      %broadcast_in_dim3A_2996 = vector.broadcast %broadcast_in_dim3A_2995 : i1 to vector<16xi1>
      %unique3A_2997, %unique3A_2998 = tpu.scan_count mask(%broadcast_in_dim3A_2996 : vector<16xi1>) value(%get3A_2994 : vector<16xi32>) : vector<16xi1>, vector<16xi32>
      %shift_right_logical3A_2999 = arith.constant 7 : i32
      %shift_right_logical3A_3000 = vector.broadcast %shift_right_logical3A_2999 : i32 to vector<16xi32>
      %shift_right_logical3A_3001 = arith.shrui %get3A_2994, %shift_right_logical3A_3000 : vector<16xi32>
      %and3A_3002 = arith.constant 127 : i32
      %and3A_3003 = vector.broadcast %and3A_3002 : i32 to vector<16xi32>
      %and3A_3004 = arith.andi %get3A_2994, %and3A_3003 : vector<16xi32>
      %convert_element_type3A_3005 = arith.sitofp %unique3A_2998 : vector<16xi32> to vector<16xf32>
      tpu.vector_store_idx %arg12[%shift_right_logical3A_3001, %and3A_3004], %convert_element_type3A_3005 masked %unique3A_2997 {add = true} : memref<80x128xf32, #tpu.memory_space<vmem>>[vector<16xi32>, vector<16xi32>], vector<16xf32>, vector<16xi1>
      %get3A_3006 = arith.constant 17 : i32
      %get3A_3007 = arith.index_cast %get3A_3006 : i32 to index
      %get3A_3008 = arith.constant 48 : index
      %get3A_3009 = tpu.vector_load %arg10[%get3A_3007, %get3A_3008] {strides = array<i32>} : memref<20x128xi32, #tpu.memory_space<vmem>>, vector<16xi32>,
      %broadcast_in_dim3A_3010 = arith.constant true
      %broadcast_in_dim3A_3011 = vector.broadcast %broadcast_in_dim3A_3010 : i1 to vector<16xi1>
      %unique3A_3012, %unique3A_3013 = tpu.scan_count mask(%broadcast_in_dim3A_3011 : vector<16xi1>) value(%get3A_3009 : vector<16xi32>) : vector<16xi1>, vector<16xi32>
      %shift_right_logical3A_3014 = arith.constant 7 : i32
      %shift_right_logical3A_3015 = vector.broadcast %shift_right_logical3A_3014 : i32 to vector<16xi32>
      %shift_right_logical3A_3016 = arith.shrui %get3A_3009, %shift_right_logical3A_3015 : vector<16xi32>
      %and3A_3017 = arith.constant 127 : i32
      %and3A_3018 = vector.broadcast %and3A_3017 : i32 to vector<16xi32>
      %and3A_3019 = arith.andi %get3A_3009, %and3A_3018 : vector<16xi32>
      %convert_element_type3A_3020 = arith.sitofp %unique3A_3013 : vector<16xi32> to vector<16xf32>
      tpu.vector_store_idx %arg12[%shift_right_logical3A_3016, %and3A_3019], %convert_element_type3A_3020 masked %unique3A_3012 {add = true} : memref<80x128xf32, #tpu.memory_space<vmem>>[vector<16xi32>, vector<16xi32>], vector<16xf32>, vector<16xi1>
      %get3A_3021 = arith.constant 17 : i32
      %get3A_3022 = arith.index_cast %get3A_3021 : i32 to index
      %get3A_3023 = arith.constant 64 : index
      %get3A_3024 = tpu.vector_load %arg10[%get3A_3022, %get3A_3023] {strides = array<i32>} : memref<20x128xi32, #tpu.memory_space<vmem>>, vector<16xi32>,
      %broadcast_in_dim3A_3025 = arith.constant true
      %broadcast_in_dim3A_3026 = vector.broadcast %broadcast_in_dim3A_3025 : i1 to vector<16xi1>
      %unique3A_3027, %unique3A_3028 = tpu.scan_count mask(%broadcast_in_dim3A_3026 : vector<16xi1>) value(%get3A_3024 : vector<16xi32>) : vector<16xi1>, vector<16xi32>
      %shift_right_logical3A_3029 = arith.constant 7 : i32
      %shift_right_logical3A_3030 = vector.broadcast %shift_right_logical3A_3029 : i32 to vector<16xi32>
      %shift_right_logical3A_3031 = arith.shrui %get3A_3024, %shift_right_logical3A_3030 : vector<16xi32>
      %and3A_3032 = arith.constant 127 : i32
      %and3A_3033 = vector.broadcast %and3A_3032 : i32 to vector<16xi32>
      %and3A_3034 = arith.andi %get3A_3024, %and3A_3033 : vector<16xi32>
      %convert_element_type3A_3035 = arith.sitofp %unique3A_3028 : vector<16xi32> to vector<16xf32>
      tpu.vector_store_idx %arg12[%shift_right_logical3A_3031, %and3A_3034], %convert_element_type3A_3035 masked %unique3A_3027 {add = true} : memref<80x128xf32, #tpu.memory_space<vmem>>[vector<16xi32>, vector<16xi32>], vector<16xf32>, vector<16xi1>
      %get3A_3036 = arith.constant 17 : i32
      %get3A_3037 = arith.index_cast %get3A_3036 : i32 to index
      %get3A_3038 = arith.constant 80 : index
      %get3A_3039 = tpu.vector_load %arg10[%get3A_3037, %get3A_3038] {strides = array<i32>} : memref<20x128xi32, #tpu.memory_space<vmem>>, vector<16xi32>,
      %broadcast_in_dim3A_3040 = arith.constant true
      %broadcast_in_dim3A_3041 = vector.broadcast %broadcast_in_dim3A_3040 : i1 to vector<16xi1>
      %unique3A_3042, %unique3A_3043 = tpu.scan_count mask(%broadcast_in_dim3A_3041 : vector<16xi1>) value(%get3A_3039 : vector<16xi32>) : vector<16xi1>, vector<16xi32>
      %shift_right_logical3A_3044 = arith.constant 7 : i32
      %shift_right_logical3A_3045 = vector.broadcast %shift_right_logical3A_3044 : i32 to vector<16xi32>
      %shift_right_logical3A_3046 = arith.shrui %get3A_3039, %shift_right_logical3A_3045 : vector<16xi32>
      %and3A_3047 = arith.constant 127 : i32
      %and3A_3048 = vector.broadcast %and3A_3047 : i32 to vector<16xi32>
      %and3A_3049 = arith.andi %get3A_3039, %and3A_3048 : vector<16xi32>
      %convert_element_type3A_3050 = arith.sitofp %unique3A_3043 : vector<16xi32> to vector<16xf32>
      tpu.vector_store_idx %arg12[%shift_right_logical3A_3046, %and3A_3049], %convert_element_type3A_3050 masked %unique3A_3042 {add = true} : memref<80x128xf32, #tpu.memory_space<vmem>>[vector<16xi32>, vector<16xi32>], vector<16xf32>, vector<16xi1>
      %get3A_3051 = arith.constant 17 : i32
      %get3A_3052 = arith.index_cast %get3A_3051 : i32 to index
      %get3A_3053 = arith.constant 96 : index
      %get3A_3054 = tpu.vector_load %arg10[%get3A_3052, %get3A_3053] {strides = array<i32>} : memref<20x128xi32, #tpu.memory_space<vmem>>, vector<16xi32>,
      %broadcast_in_dim3A_3055 = arith.constant true
      %broadcast_in_dim3A_3056 = vector.broadcast %broadcast_in_dim3A_3055 : i1 to vector<16xi1>
      %unique3A_3057, %unique3A_3058 = tpu.scan_count mask(%broadcast_in_dim3A_3056 : vector<16xi1>) value(%get3A_3054 : vector<16xi32>) : vector<16xi1>, vector<16xi32>
      %shift_right_logical3A_3059 = arith.constant 7 : i32
      %shift_right_logical3A_3060 = vector.broadcast %shift_right_logical3A_3059 : i32 to vector<16xi32>
      %shift_right_logical3A_3061 = arith.shrui %get3A_3054, %shift_right_logical3A_3060 : vector<16xi32>
      %and3A_3062 = arith.constant 127 : i32
      %and3A_3063 = vector.broadcast %and3A_3062 : i32 to vector<16xi32>
      %and3A_3064 = arith.andi %get3A_3054, %and3A_3063 : vector<16xi32>
      %convert_element_type3A_3065 = arith.sitofp %unique3A_3058 : vector<16xi32> to vector<16xf32>
      tpu.vector_store_idx %arg12[%shift_right_logical3A_3061, %and3A_3064], %convert_element_type3A_3065 masked %unique3A_3057 {add = true} : memref<80x128xf32, #tpu.memory_space<vmem>>[vector<16xi32>, vector<16xi32>], vector<16xf32>, vector<16xi1>
      %get3A_3066 = arith.constant 17 : i32
      %get3A_3067 = arith.index_cast %get3A_3066 : i32 to index
      %get3A_3068 = arith.constant 112 : index
      %get3A_3069 = tpu.vector_load %arg10[%get3A_3067, %get3A_3068] {strides = array<i32>} : memref<20x128xi32, #tpu.memory_space<vmem>>, vector<16xi32>,
      %broadcast_in_dim3A_3070 = arith.constant true
      %broadcast_in_dim3A_3071 = vector.broadcast %broadcast_in_dim3A_3070 : i1 to vector<16xi1>
      %unique3A_3072, %unique3A_3073 = tpu.scan_count mask(%broadcast_in_dim3A_3071 : vector<16xi1>) value(%get3A_3069 : vector<16xi32>) : vector<16xi1>, vector<16xi32>
      %shift_right_logical3A_3074 = arith.constant 7 : i32
      %shift_right_logical3A_3075 = vector.broadcast %shift_right_logical3A_3074 : i32 to vector<16xi32>
      %shift_right_logical3A_3076 = arith.shrui %get3A_3069, %shift_right_logical3A_3075 : vector<16xi32>
      %and3A_3077 = arith.constant 127 : i32
      %and3A_3078 = vector.broadcast %and3A_3077 : i32 to vector<16xi32>
      %and3A_3079 = arith.andi %get3A_3069, %and3A_3078 : vector<16xi32>
      %convert_element_type3A_3080 = arith.sitofp %unique3A_3073 : vector<16xi32> to vector<16xf32>
      tpu.vector_store_idx %arg12[%shift_right_logical3A_3076, %and3A_3079], %convert_element_type3A_3080 masked %unique3A_3072 {add = true} : memref<80x128xf32, #tpu.memory_space<vmem>>[vector<16xi32>, vector<16xi32>], vector<16xf32>, vector<16xi1>
      %dma_wait3A_3081 = arith.constant 1 : i32
      %dma_wait3A_3082 = arith.constant 17 : i32
      %dma_wait3A_3083 = arith.constant 0 : i32
      %dma_wait3A_3084 = arith.constant 0 : i32
      %dma_wait3A_3085 = tpu.memref_slice %arg11[%dma_wait3A_3081, %dma_wait3A_3083, %dma_wait3A_3084] : memref<2x128x128xf32, #tpu.memory_space<vmem>> -> memref<1x128x128xf32, #tpu.memory_space<vmem>>
      %dma_wait3A_3086 = tpu.memref_squeeze %dma_wait3A_3085 : memref<1x128x128xf32, #tpu.memory_space<vmem>> -> memref<128x128xf32, #tpu.memory_space<vmem>>
      %dma_wait3A_3087 = arith.constant 0 : i32
      %dma_wait3A_3088 = tpu.memref_slice %arg10[%dma_wait3A_3082, %dma_wait3A_3087] : memref<20x128xi32, #tpu.memory_space<vmem>> -> memref<1x128xi32, #tpu.memory_space<vmem>>
      %dma_wait3A_3089 = tpu.memref_squeeze %dma_wait3A_3088 : memref<1x128xi32, #tpu.memory_space<vmem>> -> memref<128xi32, #tpu.memory_space<vmem>>
      %dma_wait3A_3090 = arith.constant 0 : i32
      %dma_wait3A_3091 = arith.constant 0 : i32
      %dma_wait3A_3092 = tpu.memref_slice %arg14[%dma_wait3A_3090, %dma_wait3A_3091] : memref<10112x128xf32, #tpu.memory_space<vmem_shared>> -> memref<10112x128xf32, #tpu.memory_space<vmem_shared>>
      tpu.wait_indirect_dma semaphore(%arg20 : memref<!tpu.dma_semaphore, #tpu.memory_space<semaphore_mem>>) src(%dma_wait3A_3086 : memref<128x128xf32, #tpu.memory_space<vmem>>) dst(%dma_wait3A_3092 : memref<10112x128xf32, #tpu.memory_space<vmem_shared>>)
      %dma_start3A_3093 = arith.constant 19 : i32
      %dma_start3A_3094 = arith.constant 1 : i32
      %dma_start3A_3095 = arith.constant 0 : i32
      %dma_start3A_3096 = arith.constant 0 : i32
      %dma_start3A_3097 = tpu.memref_slice %arg11[%dma_start3A_3094, %dma_start3A_3095, %dma_start3A_3096] : memref<2x128x128xf32, #tpu.memory_space<vmem>> -> memref<1x128x128xf32, #tpu.memory_space<vmem>>
      %dma_start3A_3098 = tpu.memref_squeeze %dma_start3A_3097 : memref<1x128x128xf32, #tpu.memory_space<vmem>> -> memref<128x128xf32, #tpu.memory_space<vmem>>
      %dma_start3A_3099 = arith.constant 0 : i32
      %dma_start3A_3100 = tpu.memref_slice %arg9[%dma_start3A_3093, %dma_start3A_3099] : memref<20x128xi32, #tpu.memory_space<vmem>> -> memref<1x128xi32, #tpu.memory_space<vmem>>
      %dma_start3A_3101 = tpu.memref_squeeze %dma_start3A_3100 : memref<1x128xi32, #tpu.memory_space<vmem>> -> memref<128xi32, #tpu.memory_space<vmem>>
      %dma_start3A_3102 = arith.constant 0 : i32
      %dma_start3A_3103 = arith.constant 0 : i32
      %dma_start3A_3104 = tpu.memref_slice %arg2[%dma_start3A_3102, %dma_start3A_3103] : memref<10000x128xf32, #tpu.memory_space<hbm>> -> memref<10000x128xf32, #tpu.memory_space<hbm>>
      tpu.enqueue_indirect_dma source(%dma_start3A_3104 : memref<10000x128xf32, #tpu.memory_space<hbm>>) target(%dma_start3A_3098 : memref<128x128xf32, #tpu.memory_space<vmem>>) offsets(%dma_start3A_3101 : memref<128xi32, #tpu.memory_space<vmem>>) semaphore(%arg17 : memref<!tpu.dma_semaphore, #tpu.memory_space<semaphore_mem>>)
      %dma_wait3A_3105 = arith.constant 18 : i32
      %dma_wait3A_3106 = arith.constant 0 : i32
      %dma_wait3A_3107 = arith.constant 0 : i32
      %dma_wait3A_3108 = arith.constant 0 : i32
      %dma_wait3A_3109 = tpu.memref_slice %arg11[%dma_wait3A_3106, %dma_wait3A_3107, %dma_wait3A_3108] : memref<2x128x128xf32, #tpu.memory_space<vmem>> -> memref<1x128x128xf32, #tpu.memory_space<vmem>>
      %dma_wait3A_3110 = tpu.memref_squeeze %dma_wait3A_3109 : memref<1x128x128xf32, #tpu.memory_space<vmem>> -> memref<128x128xf32, #tpu.memory_space<vmem>>
      %dma_wait3A_3111 = arith.constant 0 : i32
      %dma_wait3A_3112 = tpu.memref_slice %arg9[%dma_wait3A_3105, %dma_wait3A_3111] : memref<20x128xi32, #tpu.memory_space<vmem>> -> memref<1x128xi32, #tpu.memory_space<vmem>>
      %dma_wait3A_3113 = tpu.memref_squeeze %dma_wait3A_3112 : memref<1x128xi32, #tpu.memory_space<vmem>> -> memref<128xi32, #tpu.memory_space<vmem>>
      %dma_wait3A_3114 = arith.constant 0 : i32
      %dma_wait3A_3115 = arith.constant 0 : i32
      %dma_wait3A_3116 = tpu.memref_slice %arg2[%dma_wait3A_3114, %dma_wait3A_3115] : memref<10000x128xf32, #tpu.memory_space<hbm>> -> memref<10000x128xf32, #tpu.memory_space<hbm>>
      tpu.wait_indirect_dma semaphore(%arg16 : memref<!tpu.dma_semaphore, #tpu.memory_space<semaphore_mem>>) src(%dma_wait3A_3116 : memref<10000x128xf32, #tpu.memory_space<hbm>>) dst(%dma_wait3A_3110 : memref<128x128xf32, #tpu.memory_space<vmem>>)
      %dma_start3A_3117 = arith.constant 0 : i32
      %dma_start3A_3118 = arith.constant 18 : i32
      %dma_start3A_3119 = arith.constant 0 : i32
      %dma_start3A_3120 = arith.constant 0 : i32
      %dma_start3A_3121 = tpu.memref_slice %arg11[%dma_start3A_3117, %dma_start3A_3119, %dma_start3A_3120] : memref<2x128x128xf32, #tpu.memory_space<vmem>> -> memref<1x128x128xf32, #tpu.memory_space<vmem>>
      %dma_start3A_3122 = tpu.memref_squeeze %dma_start3A_3121 : memref<1x128x128xf32, #tpu.memory_space<vmem>> -> memref<128x128xf32, #tpu.memory_space<vmem>>
      %dma_start3A_3123 = arith.constant 0 : i32
      %dma_start3A_3124 = tpu.memref_slice %arg10[%dma_start3A_3118, %dma_start3A_3123] : memref<20x128xi32, #tpu.memory_space<vmem>> -> memref<1x128xi32, #tpu.memory_space<vmem>>
      %dma_start3A_3125 = tpu.memref_squeeze %dma_start3A_3124 : memref<1x128xi32, #tpu.memory_space<vmem>> -> memref<128xi32, #tpu.memory_space<vmem>>
      %dma_start3A_3126 = arith.constant 0 : i32
      %dma_start3A_3127 = arith.constant 0 : i32
      %dma_start3A_3128 = tpu.memref_slice %arg14[%dma_start3A_3126, %dma_start3A_3127] : memref<10112x128xf32, #tpu.memory_space<vmem_shared>> -> memref<10112x128xf32, #tpu.memory_space<vmem_shared>>
      tpu.enqueue_indirect_dma source(%dma_start3A_3122 : memref<128x128xf32, #tpu.memory_space<vmem>>) target(%dma_start3A_3128 : memref<10112x128xf32, #tpu.memory_space<vmem_shared>>) offsets(%dma_start3A_3125 : memref<128xi32, #tpu.memory_space<vmem>>) semaphore(%arg19 : memref<!tpu.dma_semaphore, #tpu.memory_space<semaphore_mem>>) {add = true}
      %get3A_3129 = arith.constant 18 : i32
      %get3A_3130 = arith.index_cast %get3A_3129 : i32 to index
      %get3A_3131 = arith.constant 0 : index
      %get3A_3132 = tpu.vector_load %arg10[%get3A_3130, %get3A_3131] {strides = array<i32>} : memref<20x128xi32, #tpu.memory_space<vmem>>, vector<16xi32>,
      %broadcast_in_dim3A_3133 = arith.constant true
      %broadcast_in_dim3A_3134 = vector.broadcast %broadcast_in_dim3A_3133 : i1 to vector<16xi1>
      %unique3A_3135, %unique3A_3136 = tpu.scan_count mask(%broadcast_in_dim3A_3134 : vector<16xi1>) value(%get3A_3132 : vector<16xi32>) : vector<16xi1>, vector<16xi32>
      %shift_right_logical3A_3137 = arith.constant 7 : i32
      %shift_right_logical3A_3138 = vector.broadcast %shift_right_logical3A_3137 : i32 to vector<16xi32>
      %shift_right_logical3A_3139 = arith.shrui %get3A_3132, %shift_right_logical3A_3138 : vector<16xi32>
      %and3A_3140 = arith.constant 127 : i32
      %and3A_3141 = vector.broadcast %and3A_3140 : i32 to vector<16xi32>
      %and3A_3142 = arith.andi %get3A_3132, %and3A_3141 : vector<16xi32>
      %convert_element_type3A_3143 = arith.sitofp %unique3A_3136 : vector<16xi32> to vector<16xf32>
      tpu.vector_store_idx %arg12[%shift_right_logical3A_3139, %and3A_3142], %convert_element_type3A_3143 masked %unique3A_3135 {add = true} : memref<80x128xf32, #tpu.memory_space<vmem>>[vector<16xi32>, vector<16xi32>], vector<16xf32>, vector<16xi1>
      %get3A_3144 = arith.constant 18 : i32
      %get3A_3145 = arith.index_cast %get3A_3144 : i32 to index
      %get3A_3146 = arith.constant 16 : index
      %get3A_3147 = tpu.vector_load %arg10[%get3A_3145, %get3A_3146] {strides = array<i32>} : memref<20x128xi32, #tpu.memory_space<vmem>>, vector<16xi32>,
      %broadcast_in_dim3A_3148 = arith.constant true
      %broadcast_in_dim3A_3149 = vector.broadcast %broadcast_in_dim3A_3148 : i1 to vector<16xi1>
      %unique3A_3150, %unique3A_3151 = tpu.scan_count mask(%broadcast_in_dim3A_3149 : vector<16xi1>) value(%get3A_3147 : vector<16xi32>) : vector<16xi1>, vector<16xi32>
      %shift_right_logical3A_3152 = arith.constant 7 : i32
      %shift_right_logical3A_3153 = vector.broadcast %shift_right_logical3A_3152 : i32 to vector<16xi32>
      %shift_right_logical3A_3154 = arith.shrui %get3A_3147, %shift_right_logical3A_3153 : vector<16xi32>
      %and3A_3155 = arith.constant 127 : i32
      %and3A_3156 = vector.broadcast %and3A_3155 : i32 to vector<16xi32>
      %and3A_3157 = arith.andi %get3A_3147, %and3A_3156 : vector<16xi32>
      %convert_element_type3A_3158 = arith.sitofp %unique3A_3151 : vector<16xi32> to vector<16xf32>
      tpu.vector_store_idx %arg12[%shift_right_logical3A_3154, %and3A_3157], %convert_element_type3A_3158 masked %unique3A_3150 {add = true} : memref<80x128xf32, #tpu.memory_space<vmem>>[vector<16xi32>, vector<16xi32>], vector<16xf32>, vector<16xi1>
      %get3A_3159 = arith.constant 18 : i32
      %get3A_3160 = arith.index_cast %get3A_3159 : i32 to index
      %get3A_3161 = arith.constant 32 : index
      %get3A_3162 = tpu.vector_load %arg10[%get3A_3160, %get3A_3161] {strides = array<i32>} : memref<20x128xi32, #tpu.memory_space<vmem>>, vector<16xi32>,
      %broadcast_in_dim3A_3163 = arith.constant true
      %broadcast_in_dim3A_3164 = vector.broadcast %broadcast_in_dim3A_3163 : i1 to vector<16xi1>
      %unique3A_3165, %unique3A_3166 = tpu.scan_count mask(%broadcast_in_dim3A_3164 : vector<16xi1>) value(%get3A_3162 : vector<16xi32>) : vector<16xi1>, vector<16xi32>
      %shift_right_logical3A_3167 = arith.constant 7 : i32
      %shift_right_logical3A_3168 = vector.broadcast %shift_right_logical3A_3167 : i32 to vector<16xi32>
      %shift_right_logical3A_3169 = arith.shrui %get3A_3162, %shift_right_logical3A_3168 : vector<16xi32>
      %and3A_3170 = arith.constant 127 : i32
      %and3A_3171 = vector.broadcast %and3A_3170 : i32 to vector<16xi32>
      %and3A_3172 = arith.andi %get3A_3162, %and3A_3171 : vector<16xi32>
      %convert_element_type3A_3173 = arith.sitofp %unique3A_3166 : vector<16xi32> to vector<16xf32>
      tpu.vector_store_idx %arg12[%shift_right_logical3A_3169, %and3A_3172], %convert_element_type3A_3173 masked %unique3A_3165 {add = true} : memref<80x128xf32, #tpu.memory_space<vmem>>[vector<16xi32>, vector<16xi32>], vector<16xf32>, vector<16xi1>
      %get3A_3174 = arith.constant 18 : i32
      %get3A_3175 = arith.index_cast %get3A_3174 : i32 to index
      %get3A_3176 = arith.constant 48 : index
      %get3A_3177 = tpu.vector_load %arg10[%get3A_3175, %get3A_3176] {strides = array<i32>} : memref<20x128xi32, #tpu.memory_space<vmem>>, vector<16xi32>,
      %broadcast_in_dim3A_3178 = arith.constant true
      %broadcast_in_dim3A_3179 = vector.broadcast %broadcast_in_dim3A_3178 : i1 to vector<16xi1>
      %unique3A_3180, %unique3A_3181 = tpu.scan_count mask(%broadcast_in_dim3A_3179 : vector<16xi1>) value(%get3A_3177 : vector<16xi32>) : vector<16xi1>, vector<16xi32>
      %shift_right_logical3A_3182 = arith.constant 7 : i32
      %shift_right_logical3A_3183 = vector.broadcast %shift_right_logical3A_3182 : i32 to vector<16xi32>
      %shift_right_logical3A_3184 = arith.shrui %get3A_3177, %shift_right_logical3A_3183 : vector<16xi32>
      %and3A_3185 = arith.constant 127 : i32
      %and3A_3186 = vector.broadcast %and3A_3185 : i32 to vector<16xi32>
      %and3A_3187 = arith.andi %get3A_3177, %and3A_3186 : vector<16xi32>
      %convert_element_type3A_3188 = arith.sitofp %unique3A_3181 : vector<16xi32> to vector<16xf32>
      tpu.vector_store_idx %arg12[%shift_right_logical3A_3184, %and3A_3187], %convert_element_type3A_3188 masked %unique3A_3180 {add = true} : memref<80x128xf32, #tpu.memory_space<vmem>>[vector<16xi32>, vector<16xi32>], vector<16xf32>, vector<16xi1>
      %get3A_3189 = arith.constant 18 : i32
      %get3A_3190 = arith.index_cast %get3A_3189 : i32 to index
      %get3A_3191 = arith.constant 64 : index
      %get3A_3192 = tpu.vector_load %arg10[%get3A_3190, %get3A_3191] {strides = array<i32>} : memref<20x128xi32, #tpu.memory_space<vmem>>, vector<16xi32>,
      %broadcast_in_dim3A_3193 = arith.constant true
      %broadcast_in_dim3A_3194 = vector.broadcast %broadcast_in_dim3A_3193 : i1 to vector<16xi1>
      %unique3A_3195, %unique3A_3196 = tpu.scan_count mask(%broadcast_in_dim3A_3194 : vector<16xi1>) value(%get3A_3192 : vector<16xi32>) : vector<16xi1>, vector<16xi32>
      %shift_right_logical3A_3197 = arith.constant 7 : i32
      %shift_right_logical3A_3198 = vector.broadcast %shift_right_logical3A_3197 : i32 to vector<16xi32>
      %shift_right_logical3A_3199 = arith.shrui %get3A_3192, %shift_right_logical3A_3198 : vector<16xi32>
      %and3A_3200 = arith.constant 127 : i32
      %and3A_3201 = vector.broadcast %and3A_3200 : i32 to vector<16xi32>
      %and3A_3202 = arith.andi %get3A_3192, %and3A_3201 : vector<16xi32>
      %convert_element_type3A_3203 = arith.sitofp %unique3A_3196 : vector<16xi32> to vector<16xf32>
      tpu.vector_store_idx %arg12[%shift_right_logical3A_3199, %and3A_3202], %convert_element_type3A_3203 masked %unique3A_3195 {add = true} : memref<80x128xf32, #tpu.memory_space<vmem>>[vector<16xi32>, vector<16xi32>], vector<16xf32>, vector<16xi1>
      %get3A_3204 = arith.constant 18 : i32
      %get3A_3205 = arith.index_cast %get3A_3204 : i32 to index
      %get3A_3206 = arith.constant 80 : index
      %get3A_3207 = tpu.vector_load %arg10[%get3A_3205, %get3A_3206] {strides = array<i32>} : memref<20x128xi32, #tpu.memory_space<vmem>>, vector<16xi32>,
      %broadcast_in_dim3A_3208 = arith.constant true
      %broadcast_in_dim3A_3209 = vector.broadcast %broadcast_in_dim3A_3208 : i1 to vector<16xi1>
      %unique3A_3210, %unique3A_3211 = tpu.scan_count mask(%broadcast_in_dim3A_3209 : vector<16xi1>) value(%get3A_3207 : vector<16xi32>) : vector<16xi1>, vector<16xi32>
      %shift_right_logical3A_3212 = arith.constant 7 : i32
      %shift_right_logical3A_3213 = vector.broadcast %shift_right_logical3A_3212 : i32 to vector<16xi32>
      %shift_right_logical3A_3214 = arith.shrui %get3A_3207, %shift_right_logical3A_3213 : vector<16xi32>
      %and3A_3215 = arith.constant 127 : i32
      %and3A_3216 = vector.broadcast %and3A_3215 : i32 to vector<16xi32>
      %and3A_3217 = arith.andi %get3A_3207, %and3A_3216 : vector<16xi32>
      %convert_element_type3A_3218 = arith.sitofp %unique3A_3211 : vector<16xi32> to vector<16xf32>
      tpu.vector_store_idx %arg12[%shift_right_logical3A_3214, %and3A_3217], %convert_element_type3A_3218 masked %unique3A_3210 {add = true} : memref<80x128xf32, #tpu.memory_space<vmem>>[vector<16xi32>, vector<16xi32>], vector<16xf32>, vector<16xi1>
      %get3A_3219 = arith.constant 18 : i32
      %get3A_3220 = arith.index_cast %get3A_3219 : i32 to index
      %get3A_3221 = arith.constant 96 : index
      %get3A_3222 = tpu.vector_load %arg10[%get3A_3220, %get3A_3221] {strides = array<i32>} : memref<20x128xi32, #tpu.memory_space<vmem>>, vector<16xi32>,
      %broadcast_in_dim3A_3223 = arith.constant true
      %broadcast_in_dim3A_3224 = vector.broadcast %broadcast_in_dim3A_3223 : i1 to vector<16xi1>
      %unique3A_3225, %unique3A_3226 = tpu.scan_count mask(%broadcast_in_dim3A_3224 : vector<16xi1>) value(%get3A_3222 : vector<16xi32>) : vector<16xi1>, vector<16xi32>
      %shift_right_logical3A_3227 = arith.constant 7 : i32
      %shift_right_logical3A_3228 = vector.broadcast %shift_right_logical3A_3227 : i32 to vector<16xi32>
      %shift_right_logical3A_3229 = arith.shrui %get3A_3222, %shift_right_logical3A_3228 : vector<16xi32>
      %and3A_3230 = arith.constant 127 : i32
      %and3A_3231 = vector.broadcast %and3A_3230 : i32 to vector<16xi32>
      %and3A_3232 = arith.andi %get3A_3222, %and3A_3231 : vector<16xi32>
      %convert_element_type3A_3233 = arith.sitofp %unique3A_3226 : vector<16xi32> to vector<16xf32>
      tpu.vector_store_idx %arg12[%shift_right_logical3A_3229, %and3A_3232], %convert_element_type3A_3233 masked %unique3A_3225 {add = true} : memref<80x128xf32, #tpu.memory_space<vmem>>[vector<16xi32>, vector<16xi32>], vector<16xf32>, vector<16xi1>
      %get3A_3234 = arith.constant 18 : i32
      %get3A_3235 = arith.index_cast %get3A_3234 : i32 to index
      %get3A_3236 = arith.constant 112 : index
      %get3A_3237 = tpu.vector_load %arg10[%get3A_3235, %get3A_3236] {strides = array<i32>} : memref<20x128xi32, #tpu.memory_space<vmem>>, vector<16xi32>,
      %broadcast_in_dim3A_3238 = arith.constant true
      %broadcast_in_dim3A_3239 = vector.broadcast %broadcast_in_dim3A_3238 : i1 to vector<16xi1>
      %unique3A_3240, %unique3A_3241 = tpu.scan_count mask(%broadcast_in_dim3A_3239 : vector<16xi1>) value(%get3A_3237 : vector<16xi32>) : vector<16xi1>, vector<16xi32>
      %shift_right_logical3A_3242 = arith.constant 7 : i32
      %shift_right_logical3A_3243 = vector.broadcast %shift_right_logical3A_3242 : i32 to vector<16xi32>
      %shift_right_logical3A_3244 = arith.shrui %get3A_3237, %shift_right_logical3A_3243 : vector<16xi32>
      %and3A_3245 = arith.constant 127 : i32
      %and3A_3246 = vector.broadcast %and3A_3245 : i32 to vector<16xi32>
      %and3A_3247 = arith.andi %get3A_3237, %and3A_3246 : vector<16xi32>
      %convert_element_type3A_3248 = arith.sitofp %unique3A_3241 : vector<16xi32> to vector<16xf32>
      tpu.vector_store_idx %arg12[%shift_right_logical3A_3244, %and3A_3247], %convert_element_type3A_3248 masked %unique3A_3240 {add = true} : memref<80x128xf32, #tpu.memory_space<vmem>>[vector<16xi32>, vector<16xi32>], vector<16xf32>, vector<16xi1>
      %dma_wait3A_3249 = arith.constant 19 : i32
      %dma_wait3A_3250 = arith.constant 1 : i32
      %dma_wait3A_3251 = arith.constant 0 : i32
      %dma_wait3A_3252 = arith.constant 0 : i32
      %dma_wait3A_3253 = tpu.memref_slice %arg11[%dma_wait3A_3250, %dma_wait3A_3251, %dma_wait3A_3252] : memref<2x128x128xf32, #tpu.memory_space<vmem>> -> memref<1x128x128xf32, #tpu.memory_space<vmem>>
      %dma_wait3A_3254 = tpu.memref_squeeze %dma_wait3A_3253 : memref<1x128x128xf32, #tpu.memory_space<vmem>> -> memref<128x128xf32, #tpu.memory_space<vmem>>
      %dma_wait3A_3255 = arith.constant 0 : i32
      %dma_wait3A_3256 = tpu.memref_slice %arg9[%dma_wait3A_3249, %dma_wait3A_3255] : memref<20x128xi32, #tpu.memory_space<vmem>> -> memref<1x128xi32, #tpu.memory_space<vmem>>
      %dma_wait3A_3257 = tpu.memref_squeeze %dma_wait3A_3256 : memref<1x128xi32, #tpu.memory_space<vmem>> -> memref<128xi32, #tpu.memory_space<vmem>>
      %dma_wait3A_3258 = arith.constant 0 : i32
      %dma_wait3A_3259 = arith.constant 0 : i32
      %dma_wait3A_3260 = tpu.memref_slice %arg2[%dma_wait3A_3258, %dma_wait3A_3259] : memref<10000x128xf32, #tpu.memory_space<hbm>> -> memref<10000x128xf32, #tpu.memory_space<hbm>>
      tpu.wait_indirect_dma semaphore(%arg17 : memref<!tpu.dma_semaphore, #tpu.memory_space<semaphore_mem>>) src(%dma_wait3A_3260 : memref<10000x128xf32, #tpu.memory_space<hbm>>) dst(%dma_wait3A_3254 : memref<128x128xf32, #tpu.memory_space<vmem>>)
      %dma_start3A_3261 = arith.constant 1 : i32
      %dma_start3A_3262 = arith.constant 19 : i32
      %dma_start3A_3263 = arith.constant 0 : i32
      %dma_start3A_3264 = arith.constant 0 : i32
      %dma_start3A_3265 = tpu.memref_slice %arg11[%dma_start3A_3261, %dma_start3A_3263, %dma_start3A_3264] : memref<2x128x128xf32, #tpu.memory_space<vmem>> -> memref<1x128x128xf32, #tpu.memory_space<vmem>>
      %dma_start3A_3266 = tpu.memref_squeeze %dma_start3A_3265 : memref<1x128x128xf32, #tpu.memory_space<vmem>> -> memref<128x128xf32, #tpu.memory_space<vmem>>
      %dma_start3A_3267 = arith.constant 0 : i32
      %dma_start3A_3268 = tpu.memref_slice %arg10[%dma_start3A_3262, %dma_start3A_3267] : memref<20x128xi32, #tpu.memory_space<vmem>> -> memref<1x128xi32, #tpu.memory_space<vmem>>
      %dma_start3A_3269 = tpu.memref_squeeze %dma_start3A_3268 : memref<1x128xi32, #tpu.memory_space<vmem>> -> memref<128xi32, #tpu.memory_space<vmem>>
      %dma_start3A_3270 = arith.constant 0 : i32
      %dma_start3A_3271 = arith.constant 0 : i32
      %dma_start3A_3272 = tpu.memref_slice %arg14[%dma_start3A_3270, %dma_start3A_3271] : memref<10112x128xf32, #tpu.memory_space<vmem_shared>> -> memref<10112x128xf32, #tpu.memory_space<vmem_shared>>
      tpu.enqueue_indirect_dma source(%dma_start3A_3266 : memref<128x128xf32, #tpu.memory_space<vmem>>) target(%dma_start3A_3272 : memref<10112x128xf32, #tpu.memory_space<vmem_shared>>) offsets(%dma_start3A_3269 : memref<128xi32, #tpu.memory_space<vmem>>) semaphore(%arg20 : memref<!tpu.dma_semaphore, #tpu.memory_space<semaphore_mem>>) {add = true}
      %get3A_3273 = arith.constant 19 : i32
      %get3A_3274 = arith.index_cast %get3A_3273 : i32 to index
      %get3A_3275 = arith.constant 0 : index
      %get3A_3276 = tpu.vector_load %arg10[%get3A_3274, %get3A_3275] {strides = array<i32>} : memref<20x128xi32, #tpu.memory_space<vmem>>, vector<16xi32>,
      %broadcast_in_dim3A_3277 = arith.constant true
      %broadcast_in_dim3A_3278 = vector.broadcast %broadcast_in_dim3A_3277 : i1 to vector<16xi1>
      %unique3A_3279, %unique3A_3280 = tpu.scan_count mask(%broadcast_in_dim3A_3278 : vector<16xi1>) value(%get3A_3276 : vector<16xi32>) : vector<16xi1>, vector<16xi32>
      %shift_right_logical3A_3281 = arith.constant 7 : i32
      %shift_right_logical3A_3282 = vector.broadcast %shift_right_logical3A_3281 : i32 to vector<16xi32>
      %shift_right_logical3A_3283 = arith.shrui %get3A_3276, %shift_right_logical3A_3282 : vector<16xi32>
      %and3A_3284 = arith.constant 127 : i32
      %and3A_3285 = vector.broadcast %and3A_3284 : i32 to vector<16xi32>
      %and3A_3286 = arith.andi %get3A_3276, %and3A_3285 : vector<16xi32>
      %convert_element_type3A_3287 = arith.sitofp %unique3A_3280 : vector<16xi32> to vector<16xf32>
      tpu.vector_store_idx %arg12[%shift_right_logical3A_3283, %and3A_3286], %convert_element_type3A_3287 masked %unique3A_3279 {add = true} : memref<80x128xf32, #tpu.memory_space<vmem>>[vector<16xi32>, vector<16xi32>], vector<16xf32>, vector<16xi1>
      %get3A_3288 = arith.constant 19 : i32
      %get3A_3289 = arith.index_cast %get3A_3288 : i32 to index
      %get3A_3290 = arith.constant 16 : index
      %get3A_3291 = tpu.vector_load %arg10[%get3A_3289, %get3A_3290] {strides = array<i32>} : memref<20x128xi32, #tpu.memory_space<vmem>>, vector<16xi32>,
      %broadcast_in_dim3A_3292 = arith.constant true
      %broadcast_in_dim3A_3293 = vector.broadcast %broadcast_in_dim3A_3292 : i1 to vector<16xi1>
      %unique3A_3294, %unique3A_3295 = tpu.scan_count mask(%broadcast_in_dim3A_3293 : vector<16xi1>) value(%get3A_3291 : vector<16xi32>) : vector<16xi1>, vector<16xi32>
      %shift_right_logical3A_3296 = arith.constant 7 : i32
      %shift_right_logical3A_3297 = vector.broadcast %shift_right_logical3A_3296 : i32 to vector<16xi32>
      %shift_right_logical3A_3298 = arith.shrui %get3A_3291, %shift_right_logical3A_3297 : vector<16xi32>
      %and3A_3299 = arith.constant 127 : i32
      %and3A_3300 = vector.broadcast %and3A_3299 : i32 to vector<16xi32>
      %and3A_3301 = arith.andi %get3A_3291, %and3A_3300 : vector<16xi32>
      %convert_element_type3A_3302 = arith.sitofp %unique3A_3295 : vector<16xi32> to vector<16xf32>
      tpu.vector_store_idx %arg12[%shift_right_logical3A_3298, %and3A_3301], %convert_element_type3A_3302 masked %unique3A_3294 {add = true} : memref<80x128xf32, #tpu.memory_space<vmem>>[vector<16xi32>, vector<16xi32>], vector<16xf32>, vector<16xi1>
      %get3A_3303 = arith.constant 19 : i32
      %get3A_3304 = arith.index_cast %get3A_3303 : i32 to index
      %get3A_3305 = arith.constant 32 : index
      %get3A_3306 = tpu.vector_load %arg10[%get3A_3304, %get3A_3305] {strides = array<i32>} : memref<20x128xi32, #tpu.memory_space<vmem>>, vector<16xi32>,
      %broadcast_in_dim3A_3307 = arith.constant true
      %broadcast_in_dim3A_3308 = vector.broadcast %broadcast_in_dim3A_3307 : i1 to vector<16xi1>
      %unique3A_3309, %unique3A_3310 = tpu.scan_count mask(%broadcast_in_dim3A_3308 : vector<16xi1>) value(%get3A_3306 : vector<16xi32>) : vector<16xi1>, vector<16xi32>
      %shift_right_logical3A_3311 = arith.constant 7 : i32
      %shift_right_logical3A_3312 = vector.broadcast %shift_right_logical3A_3311 : i32 to vector<16xi32>
      %shift_right_logical3A_3313 = arith.shrui %get3A_3306, %shift_right_logical3A_3312 : vector<16xi32>
      %and3A_3314 = arith.constant 127 : i32
      %and3A_3315 = vector.broadcast %and3A_3314 : i32 to vector<16xi32>
      %and3A_3316 = arith.andi %get3A_3306, %and3A_3315 : vector<16xi32>
      %convert_element_type3A_3317 = arith.sitofp %unique3A_3310 : vector<16xi32> to vector<16xf32>
      tpu.vector_store_idx %arg12[%shift_right_logical3A_3313, %and3A_3316], %convert_element_type3A_3317 masked %unique3A_3309 {add = true} : memref<80x128xf32, #tpu.memory_space<vmem>>[vector<16xi32>, vector<16xi32>], vector<16xf32>, vector<16xi1>
      %get3A_3318 = arith.constant 19 : i32
      %get3A_3319 = arith.index_cast %get3A_3318 : i32 to index
      %get3A_3320 = arith.constant 48 : index
      %get3A_3321 = tpu.vector_load %arg10[%get3A_3319, %get3A_3320] {strides = array<i32>} : memref<20x128xi32, #tpu.memory_space<vmem>>, vector<16xi32>,
      %broadcast_in_dim3A_3322 = arith.constant true
      %broadcast_in_dim3A_3323 = vector.broadcast %broadcast_in_dim3A_3322 : i1 to vector<16xi1>
      %unique3A_3324, %unique3A_3325 = tpu.scan_count mask(%broadcast_in_dim3A_3323 : vector<16xi1>) value(%get3A_3321 : vector<16xi32>) : vector<16xi1>, vector<16xi32>
      %shift_right_logical3A_3326 = arith.constant 7 : i32
      %shift_right_logical3A_3327 = vector.broadcast %shift_right_logical3A_3326 : i32 to vector<16xi32>
      %shift_right_logical3A_3328 = arith.shrui %get3A_3321, %shift_right_logical3A_3327 : vector<16xi32>
      %and3A_3329 = arith.constant 127 : i32
      %and3A_3330 = vector.broadcast %and3A_3329 : i32 to vector<16xi32>
      %and3A_3331 = arith.andi %get3A_3321, %and3A_3330 : vector<16xi32>
      %convert_element_type3A_3332 = arith.sitofp %unique3A_3325 : vector<16xi32> to vector<16xf32>
      tpu.vector_store_idx %arg12[%shift_right_logical3A_3328, %and3A_3331], %convert_element_type3A_3332 masked %unique3A_3324 {add = true} : memref<80x128xf32, #tpu.memory_space<vmem>>[vector<16xi32>, vector<16xi32>], vector<16xf32>, vector<16xi1>
      %get3A_3333 = arith.constant 19 : i32
      %get3A_3334 = arith.index_cast %get3A_3333 : i32 to index
      %get3A_3335 = arith.constant 64 : index
      %get3A_3336 = tpu.vector_load %arg10[%get3A_3334, %get3A_3335] {strides = array<i32>} : memref<20x128xi32, #tpu.memory_space<vmem>>, vector<16xi32>,
      %broadcast_in_dim3A_3337 = arith.constant true
      %broadcast_in_dim3A_3338 = vector.broadcast %broadcast_in_dim3A_3337 : i1 to vector<16xi1>
      %unique3A_3339, %unique3A_3340 = tpu.scan_count mask(%broadcast_in_dim3A_3338 : vector<16xi1>) value(%get3A_3336 : vector<16xi32>) : vector<16xi1>, vector<16xi32>
      %shift_right_logical3A_3341 = arith.constant 7 : i32
      %shift_right_logical3A_3342 = vector.broadcast %shift_right_logical3A_3341 : i32 to vector<16xi32>
      %shift_right_logical3A_3343 = arith.shrui %get3A_3336, %shift_right_logical3A_3342 : vector<16xi32>
      %and3A_3344 = arith.constant 127 : i32
      %and3A_3345 = vector.broadcast %and3A_3344 : i32 to vector<16xi32>
      %and3A_3346 = arith.andi %get3A_3336, %and3A_3345 : vector<16xi32>
      %convert_element_type3A_3347 = arith.sitofp %unique3A_3340 : vector<16xi32> to vector<16xf32>
      tpu.vector_store_idx %arg12[%shift_right_logical3A_3343, %and3A_3346], %convert_element_type3A_3347 masked %unique3A_3339 {add = true} : memref<80x128xf32, #tpu.memory_space<vmem>>[vector<16xi32>, vector<16xi32>], vector<16xf32>, vector<16xi1>
      %get3A_3348 = arith.constant 19 : i32
      %get3A_3349 = arith.index_cast %get3A_3348 : i32 to index
      %get3A_3350 = arith.constant 80 : index
      %get3A_3351 = tpu.vector_load %arg10[%get3A_3349, %get3A_3350] {strides = array<i32>} : memref<20x128xi32, #tpu.memory_space<vmem>>, vector<16xi32>,
      %broadcast_in_dim3A_3352 = arith.constant true
      %broadcast_in_dim3A_3353 = vector.broadcast %broadcast_in_dim3A_3352 : i1 to vector<16xi1>
      %unique3A_3354, %unique3A_3355 = tpu.scan_count mask(%broadcast_in_dim3A_3353 : vector<16xi1>) value(%get3A_3351 : vector<16xi32>) : vector<16xi1>, vector<16xi32>
      %shift_right_logical3A_3356 = arith.constant 7 : i32
      %shift_right_logical3A_3357 = vector.broadcast %shift_right_logical3A_3356 : i32 to vector<16xi32>
      %shift_right_logical3A_3358 = arith.shrui %get3A_3351, %shift_right_logical3A_3357 : vector<16xi32>
      %and3A_3359 = arith.constant 127 : i32
      %and3A_3360 = vector.broadcast %and3A_3359 : i32 to vector<16xi32>
      %and3A_3361 = arith.andi %get3A_3351, %and3A_3360 : vector<16xi32>
      %convert_element_type3A_3362 = arith.sitofp %unique3A_3355 : vector<16xi32> to vector<16xf32>
      tpu.vector_store_idx %arg12[%shift_right_logical3A_3358, %and3A_3361], %convert_element_type3A_3362 masked %unique3A_3354 {add = true} : memref<80x128xf32, #tpu.memory_space<vmem>>[vector<16xi32>, vector<16xi32>], vector<16xf32>, vector<16xi1>
      %get3A_3363 = arith.constant 19 : i32
      %get3A_3364 = arith.index_cast %get3A_3363 : i32 to index
      %get3A_3365 = arith.constant 96 : index
      %get3A_3366 = tpu.vector_load %arg10[%get3A_3364, %get3A_3365] {strides = array<i32>} : memref<20x128xi32, #tpu.memory_space<vmem>>, vector<16xi32>,
      %broadcast_in_dim3A_3367 = arith.constant true
      %broadcast_in_dim3A_3368 = vector.broadcast %broadcast_in_dim3A_3367 : i1 to vector<16xi1>
      %unique3A_3369, %unique3A_3370 = tpu.scan_count mask(%broadcast_in_dim3A_3368 : vector<16xi1>) value(%get3A_3366 : vector<16xi32>) : vector<16xi1>, vector<16xi32>
      %shift_right_logical3A_3371 = arith.constant 7 : i32
      %shift_right_logical3A_3372 = vector.broadcast %shift_right_logical3A_3371 : i32 to vector<16xi32>
      %shift_right_logical3A_3373 = arith.shrui %get3A_3366, %shift_right_logical3A_3372 : vector<16xi32>
      %and3A_3374 = arith.constant 127 : i32
      %and3A_3375 = vector.broadcast %and3A_3374 : i32 to vector<16xi32>
      %and3A_3376 = arith.andi %get3A_3366, %and3A_3375 : vector<16xi32>
      %convert_element_type3A_3377 = arith.sitofp %unique3A_3370 : vector<16xi32> to vector<16xf32>
      tpu.vector_store_idx %arg12[%shift_right_logical3A_3373, %and3A_3376], %convert_element_type3A_3377 masked %unique3A_3369 {add = true} : memref<80x128xf32, #tpu.memory_space<vmem>>[vector<16xi32>, vector<16xi32>], vector<16xf32>, vector<16xi1>
      %get3A_3378 = arith.constant 19 : i32
      %get3A_3379 = arith.index_cast %get3A_3378 : i32 to index
      %get3A_3380 = arith.constant 112 : index
      %get3A_3381 = tpu.vector_load %arg10[%get3A_3379, %get3A_3380] {strides = array<i32>} : memref<20x128xi32, #tpu.memory_space<vmem>>, vector<16xi32>,
      %broadcast_in_dim3A_3382 = arith.constant true
      %broadcast_in_dim3A_3383 = vector.broadcast %broadcast_in_dim3A_3382 : i1 to vector<16xi1>
      %unique3A_3384, %unique3A_3385 = tpu.scan_count mask(%broadcast_in_dim3A_3383 : vector<16xi1>) value(%get3A_3381 : vector<16xi32>) : vector<16xi1>, vector<16xi32>
      %shift_right_logical3A_3386 = arith.constant 7 : i32
      %shift_right_logical3A_3387 = vector.broadcast %shift_right_logical3A_3386 : i32 to vector<16xi32>
      %shift_right_logical3A_3388 = arith.shrui %get3A_3381, %shift_right_logical3A_3387 : vector<16xi32>
      %and3A_3389 = arith.constant 127 : i32
      %and3A_3390 = vector.broadcast %and3A_3389 : i32 to vector<16xi32>
      %and3A_3391 = arith.andi %get3A_3381, %and3A_3390 : vector<16xi32>
      %convert_element_type3A_3392 = arith.sitofp %unique3A_3385 : vector<16xi32> to vector<16xf32>
      tpu.vector_store_idx %arg12[%shift_right_logical3A_3388, %and3A_3391], %convert_element_type3A_3392 masked %unique3A_3384 {add = true} : memref<80x128xf32, #tpu.memory_space<vmem>>[vector<16xi32>, vector<16xi32>], vector<16xf32>, vector<16xi1>
      %dma_wait3A_3393 = arith.constant 0 : i32
      %dma_wait3A_3394 = arith.constant 18 : i32
      %dma_wait3A_3395 = arith.constant 0 : i32
      %dma_wait3A_3396 = arith.constant 0 : i32
      %dma_wait3A_3397 = tpu.memref_slice %arg11[%dma_wait3A_3393, %dma_wait3A_3395, %dma_wait3A_3396] : memref<2x128x128xf32, #tpu.memory_space<vmem>> -> memref<1x128x128xf32, #tpu.memory_space<vmem>>
      %dma_wait3A_3398 = tpu.memref_squeeze %dma_wait3A_3397 : memref<1x128x128xf32, #tpu.memory_space<vmem>> -> memref<128x128xf32, #tpu.memory_space<vmem>>
      %dma_wait3A_3399 = arith.constant 0 : i32
      %dma_wait3A_3400 = tpu.memref_slice %arg10[%dma_wait3A_3394, %dma_wait3A_3399] : memref<20x128xi32, #tpu.memory_space<vmem>> -> memref<1x128xi32, #tpu.memory_space<vmem>>
      %dma_wait3A_3401 = tpu.memref_squeeze %dma_wait3A_3400 : memref<1x128xi32, #tpu.memory_space<vmem>> -> memref<128xi32, #tpu.memory_space<vmem>>
      %dma_wait3A_3402 = arith.constant 0 : i32
      %dma_wait3A_3403 = arith.constant 0 : i32
      %dma_wait3A_3404 = tpu.memref_slice %arg14[%dma_wait3A_3402, %dma_wait3A_3403] : memref<10112x128xf32, #tpu.memory_space<vmem_shared>> -> memref<10112x128xf32, #tpu.memory_space<vmem_shared>>
      tpu.wait_indirect_dma semaphore(%arg19 : memref<!tpu.dma_semaphore, #tpu.memory_space<semaphore_mem>>) src(%dma_wait3A_3398 : memref<128x128xf32, #tpu.memory_space<vmem>>) dst(%dma_wait3A_3404 : memref<10112x128xf32, #tpu.memory_space<vmem_shared>>)
      %dma_wait3A_3405 = arith.constant 1 : i32
      %dma_wait3A_3406 = arith.constant 19 : i32
      %dma_wait3A_3407 = arith.constant 0 : i32
      %dma_wait3A_3408 = arith.constant 0 : i32
      %dma_wait3A_3409 = tpu.memref_slice %arg11[%dma_wait3A_3405, %dma_wait3A_3407, %dma_wait3A_3408] : memref<2x128x128xf32, #tpu.memory_space<vmem>> -> memref<1x128x128xf32, #tpu.memory_space<vmem>>
      %dma_wait3A_3410 = tpu.memref_squeeze %dma_wait3A_3409 : memref<1x128x128xf32, #tpu.memory_space<vmem>> -> memref<128x128xf32, #tpu.memory_space<vmem>>
      %dma_wait3A_3411 = arith.constant 0 : i32
      %dma_wait3A_3412 = tpu.memref_slice %arg10[%dma_wait3A_3406, %dma_wait3A_3411] : memref<20x128xi32, #tpu.memory_space<vmem>> -> memref<1x128xi32, #tpu.memory_space<vmem>>
      %dma_wait3A_3413 = tpu.memref_squeeze %dma_wait3A_3412 : memref<1x128xi32, #tpu.memory_space<vmem>> -> memref<128xi32, #tpu.memory_space<vmem>>
      %dma_wait3A_3414 = arith.constant 0 : i32
      %dma_wait3A_3415 = arith.constant 0 : i32
      %dma_wait3A_3416 = tpu.memref_slice %arg14[%dma_wait3A_3414, %dma_wait3A_3415] : memref<10112x128xf32, #tpu.memory_space<vmem_shared>> -> memref<10112x128xf32, #tpu.memory_space<vmem_shared>>
      tpu.wait_indirect_dma semaphore(%arg20 : memref<!tpu.dma_semaphore, #tpu.memory_space<semaphore_mem>>) src(%dma_wait3A_3410 : memref<128x128xf32, #tpu.memory_space<vmem>>) dst(%dma_wait3A_3416 : memref<10112x128xf32, #tpu.memory_space<vmem_shared>>)
    }
    %scan3A_44 = arith.constant 4 : i32
    "tpu.region"() ({
      %run_scoped3A = tpu.sem_alloc : memref<!tpu.dma_semaphore, #tpu.memory_space<semaphore_mem>>
      %dma_start3A = arith.constant 0 : i32
      %dma_start3A_55 = arith.constant 0 : i32
      %dma_start3A_56 = tpu.memref_slice %arg15[%dma_start3A, %dma_start3A_55] : memref<80x128xf32, #tpu.memory_space<vmem_shared>> -> memref<80x128xf32, #tpu.memory_space<vmem_shared>>
      tpu.enqueue_indirect_dma source(%arg12 : memref<80x128xf32, #tpu.memory_space<vmem>>) target(%dma_start3A_56 : memref<80x128xf32, #tpu.memory_space<vmem_shared>>) offsets(%arg13 : memref<80xi32, #tpu.memory_space<vmem>>) semaphore(%run_scoped3A : memref<!tpu.dma_semaphore, #tpu.memory_space<semaphore_mem>>) {add = true}
      %dma_wait3A = arith.constant 0 : i32
      %dma_wait3A_57 = arith.constant 0 : i32
      %dma_wait3A_58 = tpu.memref_slice %arg15[%dma_wait3A, %dma_wait3A_57] : memref<80x128xf32, #tpu.memory_space<vmem_shared>> -> memref<80x128xf32, #tpu.memory_space<vmem_shared>>
      tpu.wait_indirect_dma semaphore(%run_scoped3A : memref<!tpu.dma_semaphore, #tpu.memory_space<semaphore_mem>>) src(%arg12 : memref<80x128xf32, #tpu.memory_space<vmem>>) dst(%dma_wait3A_58 : memref<80x128xf32, #tpu.memory_space<vmem_shared>>)
      tpu.yield
    }) : () -> ()
    %barrier3A_45 = arith.constant 0 : index
    tpu.barrier barrier_id(%barrier3A_45)
    %eq3A = arith.constant 0 : i32
    %eq3A_46 = arith.cmpi eq, %arg0, %eq3A : i32
    %convert_element_type3A_47 = arith.extui %eq3A_46 : i1 to i32
    %cond3A_48 = arith.constant 0 : i32
    %cond3A_49 = arith.cmpi ne, %convert_element_type3A_47, %cond3A_48 : i32
    scf.if %cond3A_49 {
      %mul3A_55 = arith.constant 632 : i32
      %mul3A_56 = arith.muli %arg1, %mul3A_55 : i32
      %mul3A_57 = arith.constant 632 : i32
      %mul3A_58 = arith.muli %arg1, %mul3A_57 : i32
      "tpu.region"() ({
        %run_scoped3A = tpu.sem_alloc : memref<!tpu.dma_semaphore, #tpu.memory_space<semaphore_mem>>
        %dma_start3A = arith.constant 0 : i32
        %dma_start3A_64 = tpu.memref_slice %arg5[%mul3A_58, %dma_start3A] : memref<10112x128xf32, #tpu.memory_space<hbm>> -> memref<632x128xf32, #tpu.memory_space<hbm>>
        %dma_start3A_65 = arith.constant 0 : i32
        %dma_start3A_66 = tpu.memref_slice %arg14[%mul3A_56, %dma_start3A_65] : memref<10112x128xf32, #tpu.memory_space<vmem_shared>> -> memref<632x128xf32, #tpu.memory_space<vmem_shared>>
        tpu.enqueue_dma source(%dma_start3A_66 : memref<632x128xf32, #tpu.memory_space<vmem_shared>>) target(%dma_start3A_64 : memref<632x128xf32, #tpu.memory_space<hbm>>) target_semaphore(%run_scoped3A : memref<!tpu.dma_semaphore, #tpu.memory_space<semaphore_mem>>)
        %dma_wait3A = arith.constant 0 : i32
        %dma_wait3A_67 = tpu.memref_slice %arg5[%mul3A_58, %dma_wait3A] : memref<10112x128xf32, #tpu.memory_space<hbm>> -> memref<632x128xf32, #tpu.memory_space<hbm>>
        %dma_wait3A_68 = arith.constant 0 : i32
        %dma_wait3A_69 = tpu.memref_slice %arg14[%mul3A_56, %dma_wait3A_68] : memref<10112x128xf32, #tpu.memory_space<vmem_shared>> -> memref<632x128xf32, #tpu.memory_space<vmem_shared>>
        tpu.wait_dma2 semaphore(%run_scoped3A : memref<!tpu.dma_semaphore, #tpu.memory_space<semaphore_mem>>) src(%dma_wait3A_69 : memref<632x128xf32, #tpu.memory_space<vmem_shared>>) dst(%dma_wait3A_67 : memref<632x128xf32, #tpu.memory_space<hbm>>)
        tpu.yield
      }) : () -> ()
      %lt3A_59 = arith.constant 10 : i32
      %lt3A_60 = arith.cmpi slt, %arg1, %lt3A_59 : i32
      %convert_element_type3A_61 = arith.extui %lt3A_60 : i1 to i32
      %cond3A_62 = arith.constant 0 : i32
      %cond3A_63 = arith.cmpi ne, %convert_element_type3A_61, %cond3A_62 : i32
      scf.if %cond3A_63 {
        %mul3A_64 = arith.constant 8 : i32
        %mul3A_65 = arith.muli %arg1, %mul3A_64 : i32
        %mul3A_66 = arith.constant 8 : i32
        %mul3A_67 = arith.muli %arg1, %mul3A_66 : i32
        "tpu.region"() ({
          %run_scoped3A = tpu.sem_alloc : memref<!tpu.dma_semaphore, #tpu.memory_space<semaphore_mem>>
          %dma_start3A = arith.constant 0 : i32
          %dma_start3A_68 = tpu.memref_slice %arg7[%mul3A_67, %dma_start3A] : memref<80x128xf32, #tpu.memory_space<hbm>> -> memref<8x128xf32, #tpu.memory_space<hbm>>
          %dma_start3A_69 = arith.constant 0 : i32
          %dma_start3A_70 = tpu.memref_slice %arg15[%mul3A_65, %dma_start3A_69] : memref<80x128xf32, #tpu.memory_space<vmem_shared>> -> memref<8x128xf32, #tpu.memory_space<vmem_shared>>
          tpu.enqueue_dma source(%dma_start3A_70 : memref<8x128xf32, #tpu.memory_space<vmem_shared>>) target(%dma_start3A_68 : memref<8x128xf32, #tpu.memory_space<hbm>>) target_semaphore(%run_scoped3A : memref<!tpu.dma_semaphore, #tpu.memory_space<semaphore_mem>>)
          %dma_wait3A = arith.constant 0 : i32
          %dma_wait3A_71 = tpu.memref_slice %arg7[%mul3A_67, %dma_wait3A] : memref<80x128xf32, #tpu.memory_space<hbm>> -> memref<8x128xf32, #tpu.memory_space<hbm>>
          %dma_wait3A_72 = arith.constant 0 : i32
          %dma_wait3A_73 = tpu.memref_slice %arg15[%mul3A_65, %dma_wait3A_72] : memref<80x128xf32, #tpu.memory_space<vmem_shared>> -> memref<8x128xf32, #tpu.memory_space<vmem_shared>>
          tpu.wait_dma2 semaphore(%run_scoped3A : memref<!tpu.dma_semaphore, #tpu.memory_space<semaphore_mem>>) src(%dma_wait3A_73 : memref<8x128xf32, #tpu.memory_space<vmem_shared>>) dst(%dma_wait3A_71 : memref<8x128xf32, #tpu.memory_space<hbm>>)
          tpu.yield
        }) : () -> ()
      } else {
      }
    } else {
    }
    %eq3A_50 = arith.constant 1 : i32
    %eq3A_51 = arith.cmpi eq, %arg0, %eq3A_50 : i32
    %convert_element_type3A_52 = arith.extui %eq3A_51 : i1 to i32
    %cond3A_53 = arith.constant 0 : i32
    %cond3A_54 = arith.cmpi ne, %convert_element_type3A_52, %cond3A_53 : i32
    scf.if %cond3A_54 {
      %mul3A_55 = arith.constant 632 : i32
      %mul3A_56 = arith.muli %arg1, %mul3A_55 : i32
      %mul3A_57 = arith.constant 632 : i32
      %mul3A_58 = arith.muli %arg1, %mul3A_57 : i32
      "tpu.region"() ({
        %run_scoped3A = tpu.sem_alloc : memref<!tpu.dma_semaphore, #tpu.memory_space<semaphore_mem>>
        %dma_start3A = arith.constant 0 : i32
        %dma_start3A_64 = tpu.memref_slice %arg6[%mul3A_58, %dma_start3A] : memref<10112x128xf32, #tpu.memory_space<hbm>> -> memref<632x128xf32, #tpu.memory_space<hbm>>
        %dma_start3A_65 = arith.constant 0 : i32
        %dma_start3A_66 = tpu.memref_slice %arg14[%mul3A_56, %dma_start3A_65] : memref<10112x128xf32, #tpu.memory_space<vmem_shared>> -> memref<632x128xf32, #tpu.memory_space<vmem_shared>>
        tpu.enqueue_dma source(%dma_start3A_66 : memref<632x128xf32, #tpu.memory_space<vmem_shared>>) target(%dma_start3A_64 : memref<632x128xf32, #tpu.memory_space<hbm>>) target_semaphore(%run_scoped3A : memref<!tpu.dma_semaphore, #tpu.memory_space<semaphore_mem>>)
        %dma_wait3A = arith.constant 0 : i32
        %dma_wait3A_67 = tpu.memref_slice %arg6[%mul3A_58, %dma_wait3A] : memref<10112x128xf32, #tpu.memory_space<hbm>> -> memref<632x128xf32, #tpu.memory_space<hbm>>
        %dma_wait3A_68 = arith.constant 0 : i32
        %dma_wait3A_69 = tpu.memref_slice %arg14[%mul3A_56, %dma_wait3A_68] : memref<10112x128xf32, #tpu.memory_space<vmem_shared>> -> memref<632x128xf32, #tpu.memory_space<vmem_shared>>
        tpu.wait_dma2 semaphore(%run_scoped3A : memref<!tpu.dma_semaphore, #tpu.memory_space<semaphore_mem>>) src(%dma_wait3A_69 : memref<632x128xf32, #tpu.memory_space<vmem_shared>>) dst(%dma_wait3A_67 : memref<632x128xf32, #tpu.memory_space<hbm>>)
        tpu.yield
      }) : () -> ()
      %lt3A_59 = arith.constant 10 : i32
      %lt3A_60 = arith.cmpi slt, %arg1, %lt3A_59 : i32
      %convert_element_type3A_61 = arith.extui %lt3A_60 : i1 to i32
      %cond3A_62 = arith.constant 0 : i32
      %cond3A_63 = arith.cmpi ne, %convert_element_type3A_61, %cond3A_62 : i32
      scf.if %cond3A_63 {
        %mul3A_64 = arith.constant 8 : i32
        %mul3A_65 = arith.muli %arg1, %mul3A_64 : i32
        %mul3A_66 = arith.constant 8 : i32
        %mul3A_67 = arith.muli %arg1, %mul3A_66 : i32
        "tpu.region"() ({
          %run_scoped3A = tpu.sem_alloc : memref<!tpu.dma_semaphore, #tpu.memory_space<semaphore_mem>>
          %dma_start3A = arith.constant 0 : i32
          %dma_start3A_68 = tpu.memref_slice %arg8[%mul3A_67, %dma_start3A] : memref<80x128xf32, #tpu.memory_space<hbm>> -> memref<8x128xf32, #tpu.memory_space<hbm>>
          %dma_start3A_69 = arith.constant 0 : i32
          %dma_start3A_70 = tpu.memref_slice %arg15[%mul3A_65, %dma_start3A_69] : memref<80x128xf32, #tpu.memory_space<vmem_shared>> -> memref<8x128xf32, #tpu.memory_space<vmem_shared>>
          tpu.enqueue_dma source(%dma_start3A_70 : memref<8x128xf32, #tpu.memory_space<vmem_shared>>) target(%dma_start3A_68 : memref<8x128xf32, #tpu.memory_space<hbm>>) target_semaphore(%run_scoped3A : memref<!tpu.dma_semaphore, #tpu.memory_space<semaphore_mem>>)
          %dma_wait3A = arith.constant 0 : i32
          %dma_wait3A_71 = tpu.memref_slice %arg8[%mul3A_67, %dma_wait3A] : memref<80x128xf32, #tpu.memory_space<hbm>> -> memref<8x128xf32, #tpu.memory_space<hbm>>
          %dma_wait3A_72 = arith.constant 0 : i32
          %dma_wait3A_73 = tpu.memref_slice %arg15[%mul3A_65, %dma_wait3A_72] : memref<80x128xf32, #tpu.memory_space<vmem_shared>> -> memref<8x128xf32, #tpu.memory_space<vmem_shared>>
          tpu.wait_dma2 semaphore(%run_scoped3A : memref<!tpu.dma_semaphore, #tpu.memory_space<semaphore_mem>>) src(%dma_wait3A_73 : memref<8x128xf32, #tpu.memory_space<vmem_shared>>) dst(%dma_wait3A_71 : memref<8x128xf32, #tpu.memory_space<hbm>>)
          tpu.yield
        }) : () -> ()
      } else {
      }
    } else {
    }
    return
  }
}

module attributes {stable_mosaic.version = 14 : i64} {
  func.func @_combine_body(%arg0: i32, %arg1: memref<1024x128xf32, #tpu.memory_space<vmem>>, %arg2: memref<1024x128xf32, #tpu.memory_space<vmem>>, %arg3: memref<8x128xf32, #tpu.memory_space<vmem>>, %arg4: memref<8x128xf32, #tpu.memory_space<vmem>>, %arg5: memref<1024x128xf32, #tpu.memory_space<vmem>>, %arg6: memref<128x128xf32, #tpu.memory_space<vmem>>, %arg7: memref<128x128xf32, #tpu.memory_space<vmem>>, %arg8: memref<1x128xf32, #tpu.memory_space<vmem>>, %arg9: memref<1024x128xf32, #tpu.memory_space<vmem>>) attributes {dimension_semantics = [#tpu.dimension_semantics<arbitrary>], iteration_bounds = array<i64: 10>, scalar_prefetch = 0 : i64, scratch_operands = 0 : i64, tpu.core_type = #tpu.core_type<tc>, window_params = [{transform_indices = @transform_0, window_bounds = array<i64: 1024, 128>}, {transform_indices = @transform_1, window_bounds = array<i64: 1024, 128>}, {transform_indices = @transform_2, window_bounds = array<i64: 8, 128>}, {transform_indices = @transform_3, window_bounds = array<i64: 8, 128>}, {transform_indices = @transform_4, window_bounds = array<i64: 1024, 128>}, {pipeline_mode = #tpu.pipeline_mode<synchronous>, transform_indices = @transform_5, window_bounds = array<i64: 128, 128>}, {pipeline_mode = #tpu.pipeline_mode<synchronous>, transform_indices = @transform_6, window_bounds = array<i64: 128, 128>}, {pipeline_mode = #tpu.pipeline_mode<synchronous>, transform_indices = @transform_7, window_bounds = array<i64: 1, 128>}, {transform_indices = @transform_8, window_bounds = array<i64: 1024, 128>}]} {
    %get3A = arith.constant 0 : index
    %get3A_0 = arith.constant 0 : index
    %get3A_1 = vector.load %arg1[%get3A, %get3A_0] : memref<1024x128xf32, #tpu.memory_space<vmem>>, vector<1024x128xf32>
    %get3A_2 = arith.constant 0 : index
    %get3A_3 = arith.constant 0 : index
    %get3A_4 = vector.load %arg2[%get3A_2, %get3A_3] : memref<1024x128xf32, #tpu.memory_space<vmem>>, vector<1024x128xf32>
    %add3A = arith.addf %get3A_1, %get3A_4 : vector<1024x128xf32>
    %get3A_5 = arith.constant 0 : index
    %get3A_6 = arith.constant 0 : index
    %get3A_7 = vector.load %arg3[%get3A_5, %get3A_6] : memref<8x128xf32, #tpu.memory_space<vmem>>, vector<8x128xf32>
    %get3A_8 = arith.constant 0 : index
    %get3A_9 = arith.constant 0 : index
    %get3A_10 = vector.load %arg4[%get3A_8, %get3A_9] : memref<8x128xf32, #tpu.memory_space<vmem>>, vector<8x128xf32>
    %add3A_11 = arith.addf %get3A_7, %get3A_10 : vector<8x128xf32>
    %max3A = arith.constant 1.000000e+00 : f32
    %max3A_12 = vector.broadcast %max3A : f32 to vector<8x128xf32>
    %max3A_13 = arith.maximumf %add3A_11, %max3A_12 : vector<8x128xf32>
    %div3A = arith.constant 1.000000e+00 : f32
    %div3A_14 = vector.broadcast %div3A : f32 to vector<8x128xf32>
    %div3A_15 = arith.divf %div3A_14, %max3A_13 : vector<8x128xf32>
    %reshape3A = vector.shape_cast %add3A : vector<1024x128xf32> to vector<8x128x128xf32>
    %broadcast_in_dim3A = vector.shape_cast %div3A_15 : vector<8x128xf32> to vector<8x128x1xf32>
    %mul3A = vector.broadcast %broadcast_in_dim3A : vector<8x128x1xf32> to vector<8x128x128xf32>
    %mul3A_16 = arith.mulf %reshape3A, %mul3A : vector<8x128x128xf32>
    %reshape3A_17 = vector.shape_cast %mul3A_16 : vector<8x128x128xf32> to vector<1024x128xf32>
    %get3A_18 = arith.constant 0 : index
    %get3A_19 = arith.constant 0 : index
    %get3A_20 = vector.load %arg6[%get3A_18, %get3A_19] : memref<128x128xf32, #tpu.memory_space<vmem>>, vector<128x128xf32>
    %dot_general3A = arith.constant dense<0.000000e+00> : vector<1024x128xf32>
    %dot_general3A_21 = tpu.matmul %reshape3A_17, %get3A_20, %dot_general3A {dimension_numbers = #tpu.dot_dimension_numbers<[1], [1], [0], [0], [0, 0, 1, 0], [], []>, transpose_lhs_hint = false} : vector<1024x128xf32>, vector<128x128xf32>, vector<1024x128xf32> -> vector<1024x128xf32>
    %get3A_22 = arith.constant 0 : index
    %get3A_23 = arith.constant 0 : index
    %get3A_24 = vector.load %arg5[%get3A_22, %get3A_23] : memref<1024x128xf32, #tpu.memory_space<vmem>>, vector<1024x128xf32>
    %get3A_25 = arith.constant 0 : index
    %get3A_26 = arith.constant 0 : index
    %get3A_27 = vector.load %arg7[%get3A_25, %get3A_26] : memref<128x128xf32, #tpu.memory_space<vmem>>, vector<128x128xf32>
    %dot_general3A_28 = arith.constant dense<0.000000e+00> : vector<1024x128xf32>
    %dot_general3A_29 = tpu.matmul %get3A_24, %get3A_27, %dot_general3A_28 {dimension_numbers = #tpu.dot_dimension_numbers<[1], [1], [0], [0], [0, 0, 1, 0], [], []>, transpose_lhs_hint = false} : vector<1024x128xf32>, vector<128x128xf32>, vector<1024x128xf32> -> vector<1024x128xf32>
    %add3A_30 = arith.addf %dot_general3A_21, %dot_general3A_29 : vector<1024x128xf32>
    %get3A_31 = arith.constant 0 : index
    %get3A_32 = arith.constant 0 : index
    %get3A_33 = vector.load %arg8[%get3A_31, %get3A_32] : memref<1x128xf32, #tpu.memory_space<vmem>>, vector<1x128xf32>
    %add3A_34 = vector.broadcast %get3A_33 : vector<1x128xf32> to vector<1024x128xf32>
    %add3A_35 = arith.addf %add3A_30, %add3A_34 : vector<1024x128xf32>
    %swap3A = arith.constant 0 : index
    %swap3A_36 = arith.constant 0 : index
    %swap3A_37 = vector.load %arg9[%swap3A, %swap3A_36] : memref<1024x128xf32, #tpu.memory_space<vmem>>, vector<1024x128xf32>
    tpu.vector_store %arg9[%swap3A, %swap3A_36], %add3A_35 {strides = array<i32>} : memref<1024x128xf32, #tpu.memory_space<vmem>>, vector<1024x128xf32>,
    return
  }
  func.func @transform_0(%arg0: i32) -> (i32, i32) {
    %c0_i32 = arith.constant 0 : i32
    %c0_i32_0 = arith.constant 0 : i32
    return %arg0, %c0_i32 : i32, i32
  }
  func.func @transform_1(%arg0: i32) -> (i32, i32) {
    %c0_i32 = arith.constant 0 : i32
    %c0_i32_0 = arith.constant 0 : i32
    return %arg0, %c0_i32 : i32, i32
  }
  func.func @transform_2(%arg0: i32) -> (i32, i32) {
    %c0_i32 = arith.constant 0 : i32
    %c0_i32_0 = arith.constant 0 : i32
    return %arg0, %c0_i32 : i32, i32
  }
  func.func @transform_3(%arg0: i32) -> (i32, i32) {
    %c0_i32 = arith.constant 0 : i32
    %c0_i32_0 = arith.constant 0 : i32
    return %arg0, %c0_i32 : i32, i32
  }
  func.func @transform_4(%arg0: i32) -> (i32, i32) {
    %c0_i32 = arith.constant 0 : i32
    %c0_i32_0 = arith.constant 0 : i32
    return %arg0, %c0_i32 : i32, i32
  }
  func.func @transform_5(%arg0: i32) -> (i32, i32) {
    %c0_i32 = arith.constant 0 : i32
    %c0_i32_0 = arith.constant 0 : i32
    %c0_i32_1 = arith.constant 0 : i32
    return %c0_i32, %c0_i32_0 : i32, i32
  }
  func.func @transform_6(%arg0: i32) -> (i32, i32) {
    %c0_i32 = arith.constant 0 : i32
    %c0_i32_0 = arith.constant 0 : i32
    %c0_i32_1 = arith.constant 0 : i32
    return %c0_i32, %c0_i32_0 : i32, i32
  }
  func.func @transform_7(%arg0: i32) -> (i32, i32) {
    %c0_i32 = arith.constant 0 : i32
    %c0_i32_0 = arith.constant 0 : i32
    %c0_i32_1 = arith.constant 0 : i32
    return %c0_i32, %c0_i32_0 : i32, i32
  }
  func.func @transform_8(%arg0: i32) -> (i32, i32) {
    %c0_i32 = arith.constant 0 : i32
    %c0_i32_0 = arith.constant 0 : i32
    return %arg0, %c0_i32 : i32, i32
  }
}

</mosaic_0001>

<sc_bundles>
// kernel: kernel.4.cloned.1.call-start
scs
__scs_entry_jumppad:
0x0: {  	(pc) =	sbr.rel $0x88, $3  }
0x1: {  	(tag) =	ssettag $0x0;
	lr =	simm.s32 $0x1  }
0x2: {  	[smem:$0x3F9C] =	sst lr;
	_ =	strace $0xD0000000  }
0x3: {  	_ = 	snop  }
0x4: {  	_ = 	snop  }
0x5: {  	_ = 	snop  }
0x6: {  	_ = 	snop  }
0x7: {  	_ = 	snop  }
__scs_overlays_trampoline_lowered:
0x8: {  	[smem:$0x3FAB] =	sst s0  }
0x9: {  	[smem:$0x3FAC] =	sst s1  }
0xa: {  	[smem:$0x3FAD] =	sst s2  }
0xb: {  	[smem:$0x3FAE] =	sst s3  }
0xc: {  	[smem:$0x3FAF] =	sst s4  }
0xd: {  	[smem:$0x3FB0] =	sst s5  }
0xe: {  	[smem:$0x3FB1] =	sst s6  }
0xf: {  	[smem:$0x3FB2] =	sst s7  }
0x10: {  	[smem:$0x3FB3] =	sst s8  }
0x11: {  	[smem:$0x3FB4] =	sst s9;
	s0 =	simm.s32 @!p0 $0x0  }
0x12: {  	s1 =	sld [smem:$0x3F9A];
	s0 =	simm.s32 @p0 $0x1  }
0x13: {  	[smem:$0x3FB5] =	sst s0;
	s0 =	simm.s32 @!p1 $0x0  }
0x14: {  	s2 =	sld [smem:$0x3F99];
	s0 =	simm.s32 @p1 $0x1  }
0x15: {  	[smem:$0x3FB6] =	sst s0;
	s0 =	simm.s32 @!p2 $0x0  }
0x16: {  	s3 =	sld [smem:$0x3FDB];
	s0 =	simm.s32 @p2 $0x1  }
0x17: {  	s4 =	simm.s32 $0x1BF5;
	[smem:$0x3FB8] =	sst s0  }
0x18: {  	s0 =	sld [smem:$0x3F9B];
	_ =	swait.ge [sflag:s4], $0x0  }
0x19: {  	s7 =	sld [smem:$0x3F9C]  }
0x1a: {  	s8 =	sadd.s32 $0xFFFFE003, lr  }
0x1b: {  	s9 =	sadd.s32 $0xFFFFFEF7, lr;
	s5 =	simm.s32 $0xFFFFFFFF;
	p2 =	slt.u32 s8, $0xFFFFF086  }
0x1c: {  	p1 =	slt.u32 s9, $0xF7A;
	s5 =	simm.s32 @!p2 $0x0  }
0x1d: {  	s5 =	simm.s32 @p1 $0x1;
	p0 =	seq.s32 s7, s2  }
0x1e: {  	s7 =	smul.u32 @!p0 $0xF7A, s2;
	p2 =	seq.s32 @!p0 s5, $0x0  }
0x1f: {  	s9 =	smul.u32 $0xF7A, s1;
	s8 =	simm.s32 @!p0 $0x1BF5;
	p2 =	por !p2, p0  }
0x20: {  	[sflag:s8] =	ssyncset.s32 @!p0 $0xFFFFF086;
	s6 =	sadd.s32 @!p0 s3, s7;
	s7 =	simm.s32 @!p0 $0x108  }
0x21: {  	s3 =	sadd.s32 s3, s9;
	s6 =	sadd.s32 @!p0 $0x88, s6;
	s7 =	simm.s32 @p2 $0x1082  }
0x22: {  	[simem:s7], [sflag:s8] =	dma.local @!p0 [hbm:s6], $0xF7A  }
0x23: {  	s9 =	sor.u32 $0xD0000000, s2;
	s6 =	simm.s32 $0x108;
	_ =	swait.ge @!p0 [sflag:s8], $0x0  }
0x24: {  	s3 =	sadd.s32 $0x88, s3;
	s6 =	simm.s32 @!p1 $0x1082;
	[sflag:s4] =	ssyncset.s32 $0xFFFFF086  }
0x25: {  	[simem:s6], [sflag:s4] =	dma.local [hbm:s3], $0xF7A  }
0x26: {  	[smem:$0x3F9C] =	sst s1;
	(tag) =	ssettag s2;
	_ =	strace s9  }
0x27: {  	s1 =	sld [smem:$0x3FAC]  }
0x28: {  	s2 =	sld [smem:$0x3FAD]  }
0x29: {  	s4 =	sld [smem:$0x3FAF]  }
0x2a: {  	p0 =	seq.s32 s5, $0x0;
	s5 =	sld [smem:$0x3FB0]  }
0x2b: {  	s6 =	sld [smem:$0x3FB1]  }
0x2c: {  	s7 =	sld [smem:$0x3FB2]  }
0x2d: {  	s3 =	simm.s32 $0x108;
	s8 =	sld [smem:$0x3FB3]  }
0x2e: {  	s3 =	simm.s32 @!p0 $0x1082;
	s9 =	sld [smem:$0x3FB4]  }
0x2f: {  	lr =	sadd.s32 s0, s3;
	s0 =	sld [smem:$0x3FAB]  }
0x30: {  	s3 =	sld [smem:$0x3FAE]  }
0x31: {  	[smem:$0x3FB7] =	sst s10  }
0x32: {  	s10 =	sld [smem:$0x3FB5];
	_ =	sdelay $0x3  }
0x33: {  	p0 =	seq.s32 s10, $0x1;
	s10 =	sld [smem:$0x3FB7];
	_ =	sdelay $0x3  }
0x34: {  	[smem:$0x3FB7] =	sst s10  }
0x35: {  	s10 =	sld [smem:$0x3FB6];
	_ =	sdelay $0x3  }
0x36: {  	p1 =	seq.s32 s10, $0x1;
	s10 =	sld [smem:$0x3FB7];
	_ =	sdelay $0x3  }
0x37: {  	[smem:$0x3FB7] =	sst s10  }
0x38: {  	s10 =	sld [smem:$0x3FB8]  }
0x39: {  	_ = 	snop;
	(pc) =	sbr.ind lr, $3  }
0x3a: {  	_ = 	snop  }
0x3b: {  	_ = 	snop  }
0x3c: {  	p2 =	seq.s32 s10, $0x1;
	s10 =	sld [smem:$0x3FB7]  }
0x3d: {  	_ =	shalt  }
0x3e: {  	_ =	shalt  }
0x3f: {  	_ =	shalt  }
0x40: {  	_ =	shalt  }
0x41: {  	_ =	shalt  }
0x42: {  	_ =	shalt  }
0x43: {  	_ =	shalt  }
0x44: {  	_ =	shalt  }
0x45: {  	_ =	shalt  }
0x46: {  	_ =	shalt  }
0x47: {  	_ =	shalt  }
0x48: {  	_ =	shalt  }
0x49: {  	_ =	shalt  }
0x4a: {  	_ =	shalt  }
0x4b: {  	_ =	shalt  }
0x4c: {  	_ =	shalt  }
0x4d: {  	_ =	shalt  }
0x4e: {  	_ =	shalt  }
0x4f: {  	_ =	shalt  }
0x50: {  	_ =	shalt  }
0x51: {  	_ =	shalt  }
0x52: {  	_ =	shalt  }
0x53: {  	_ =	shalt  }
0x54: {  	_ =	shalt  }
0x55: {  	_ =	shalt  }
0x56: {  	_ =	shalt  }
0x57: {  	_ =	shalt  }
0x58: {  	_ =	shalt  }
0x59: {  	_ =	shalt  }
0x5a: {  	_ =	shalt  }
0x5b: {  	_ =	shalt  }
0x5c: {  	_ =	shalt  }
0x5d: {  	_ =	shalt  }
0x5e: {  	_ =	shalt  }
0x5f: {  	_ =	shalt  }
0x60: {  	_ =	shalt  }
0x61: {  	_ =	shalt  }
0x62: {  	_ =	shalt  }
0x63: {  	_ =	shalt  }
0x64: {  	_ =	shalt  }
0x65: {  	_ =	shalt  }
0x66: {  	_ =	shalt  }
0x67: {  	_ =	shalt  }
0x68: {  	_ =	shalt  }
0x69: {  	_ =	shalt  }
0x6a: {  	_ =	shalt  }
0x6b: {  	_ =	shalt  }
0x6c: {  	_ =	shalt  }
0x6d: {  	_ =	shalt  }
0x6e: {  	_ =	shalt  }
0x6f: {  	_ =	shalt  }
0x70: {  	_ =	shalt  }
0x71: {  	_ =	shalt  }
0x72: {  	_ =	shalt  }
0x73: {  	_ =	shalt  }
0x74: {  	_ =	shalt  }
0x75: {  	_ =	shalt  }
0x76: {  	_ =	shalt  }
0x77: {  	_ =	shalt  }
0x78: {  	_ =	shalt  }
0x79: {  	_ =	shalt  }
0x7a: {  	_ =	shalt  }
0x7b: {  	_ =	shalt  }
0x7c: {  	_ =	shalt  }
0x7d: {  	_ =	shalt  }
0x7e: {  	_ =	shalt  }
0x7f: {  	_ =	shalt  }
0x80: {  	_ =	shalt  }
0x81: {  	_ =	shalt  }
0x82: {  	_ =	shalt  }
0x83: {  	_ =	shalt  }
0x84: {  	_ =	shalt  }
0x85: {  	_ =	shalt  }
0x86: {  	_ =	shalt  }
0x87: {  	_ =	shalt  }
.Lfunc_end0:
.L_simem_size_0:
called_computation_lowered:
.L_overlay_start_0:
0x88: {  	s2 =	sld [smem:$0x3FD9]  }
0x89: {  	s3 =	sld [smem:$0x3FFE];
	_ =	sdelay $0x1  }
0x8a: {  	s1 =	srdreg.scid  }
0x8b: {  	s0 =	sand.u32 $0x1, s1  }
0x8c: {  	s17 =	sshll.u32 s0, $0xA;
	s2 =	sadd.s32 s3, s2  }
0x8d: {  	s2 =	sadd.s32 s2, s17  }
0x8e: {  	[smem:$0x3FC3] =	sst s2  }
0x8f: {  	_ = 	snop  }
0x90: {  	s2 =	sld [smem:$0x3FC9]  }
0x91: {  	s18 =	sld [smem:$0x3FD0];
	(tm) =	ssettm $0x1  }
0x92: {  	s4 =	sld [smem:$0x3FFB];
	_ =	sdelay $0x3  }
0x93: {  	_ =	strace s4  }
0x94: {  	s4 =	sld [smem:$0x3FFC];
	_ =	sdelay $0x3  }
0x95: {  	_ =	strace s4  }
0x96: {  	s4 =	sld [smem:$0x3FFD];
	_ =	sdelay $0x3  }
0x97: {  	_ =	strace s4  }
0x98: {  	_ =	strace $0x8FFFFFFF  }
0x99: {  	s19 =	sld [smem:$0x3FDB];
	_ =	sdelay $0x1  }
0x9a: {  	s5 =	simm.s32 $_scs_section_size  }
0x9b: {  	s6 =	simm.s32 $_size__tile_overlayer_lowered;
	s7 =	simm.s32 $_tile_overlayer_lowered  }
0x9c: {  	s22 =	simm.s32 $0x1BFF;
	s21 =	sshll.u32 s7, $0x1;
	s4 =	sadd.s32 s5, s19  }
0x9d: {  	s8 =	simm.s32 $0x0;
	s20 =	sshll.u32 s6, $0x1;
	s6 =	sadd.s32 s21, s4  }
0x9e: {  	[timem:s8], [sflag:s22] =	dma.local [hbm:s6], s20  }
0x9f: {  	_ =	swait.ge [sflag:s22], s20  }
0xa0: {  	s5 =	ssub.s32 $0x0, s20;
	[sflag:s22] =	ssyncset.done $0x0  }
0xa1: {  	[sflag:s22] =	ssyncadd.s32 s5;
	_ =	sdelay $0x1  }
0xa2: {  	s23 =	simm.s32 $0x1B8B  }
0xa3: {  	_ =	swait.ge [sflag:s23], $0x1  }
0xa4: {  	[sflag:s23] =	ssyncset.done $0x0  }
0xa5: {  	s25 =	simm.s32 $0x1B8E;
	s24 =	sld [smem:$0x3FFE];
	[sflag:s23] =	ssyncadd.s32 $0xFFFFFFFF  }
0xa6: {  	s26 =	simm.s32 $execute0_lowered;
	[smem:$0x3FD2] =	sst s25  }
0xa7: {  	s6 =	sshll.u32 s26, $0x1;
	_ =	strace $0x80000046;
	[dreg:$0x1] =	wrdreg $0xFFFFFFFF  }
0xa8: {  	s28 =	simm.s32 $_size_execute0_lowered;
	s4 =	sadd.s32 s4, s6;
	[dreg:$0x0] =	wrdreg $0x0  }
0xa9: {  	s6 =	sshll.u32 s28, $0x1;
	[dreg:$0x2] =	wrdreg s4  }
0xaa: {  	[dreg:$0x3] =	wrdreg s6  }
0xab: {  	[dreg:$0x4] =	wrdreg $0xC0  }
0xac: {  	_ =	task [dreg:s8], $0x5FFFF  }
0xad: {  	[dreg:$0x1] =	wrdreg $0xFFFFFFFF  }
0xae: {  	[dreg:$0x0] =	wrdreg $0x60  }
0xaf: {  	[dreg:$0x2] =	wrdreg s2  }
0xb0: {  	[dreg:$0x3] =	wrdreg s18  }
0xb1: {  	[dreg:$0x4] =	wrdreg s24  }
0xb2: {  	[dreg:$0x5] =	wrdreg $0xC0800  }
0xb3: {  	[dreg:$0x6] =	wrdreg $0x1FC800  }
0xb4: {  	[dreg:$0x7] =	wrdreg $0x9  }
0xb5: {  	_ =	task.clear_ibuf [dreg:s8], $0x8FFFF;
	_ =	strace $0x90000046  }
0xb6: {  	s29 =	simm.s32 $0x9;
	_ =	strace $0x80000048  }
0xb7: {  	_ =	swait.ge [sflag:s29], $0x1  }
0xb8: {  	[sflag:s29] =	ssyncadd.s32 $0xFFFFFFFF  }
0xb9: {  	_ =	strace $0x90000048  }
0xba: {  	_ =	sfence  }
0xbb: {  	s30 =	sld [smem:$0x0];
	_ =	sdelay $0x2  }
0xbc: {  	s31 =	sshll.u32 s1, $0xD;
	s1 =	sshrl.u32 s1, $0x2  }
0xbd: {  	s3 =	sand.u32 $0x4000, s31;
	s1 =	sadd.s32 s1, s30  }
0xbe: {  	s0 =	sor.u32 s3, s0;
	s1 =	sshll.u32 s1, $0x11  }
0xbf: {  	s0 =	sor.u32 s1, s0  }
0xc0: {  	s0 =	sadd.s32 $0x8F2B, s0  }
0xc1: {  	[sflag:s0] =	ssyncadd.remote.s32 $0x1  }
0xc2: {  	_ =	sfence.sel $0xFFFF  }
0xc3: {  	[dreg:$0x0] =	wrdreg $0xFFFFFFFF;
	(pc) =	sbr.abs _section_cstart, $3  }
0xc4: {  	[dreg:$0x1] =	wrdreg $0xFFFFFFFF  }
0xc5: {  	_ =	task.clear_ibuf [dreg:s8], $0x2FFFF;
	_ =	strace $0x9FFFFFFF  }
0xc6: {  	(tm) =	ssettm $0x7FFFFFFF  }
0xc7: {  	_ =	shalt  }
tec
execute0_lowered:
.L_overlay_start_1:
0x0: {  	(tag) =	ssettag $0x1  }
0x1: {  	s1 =	rddreg [dreg:$0x0]  }
0x2: {  	s0 =	rddreg [dreg:$0x1]  }
0x3: {  	s2 =	rddreg [dreg:$0x2]  }
0x4: {  	s3 =	rddreg [dreg:$0x3]  }
0x5: {  	s10 =	stileid.u32;
	s4 =	srdreg.scid  }
0x6: {  	s11 =	rddreg [dreg:$0x4];
	s5 =	simm.s32 $0x0;
	s14 =	simm.s32 $0x100  }
0x7: {  	s16 =	simm.s32 $0xC80;
	s17 =	simm.s32 $0x180;
	s18 =	simm.s32 $0xD00  }
0x8: {  	s20 =	simm.s32 $0x200;
	[smem:$0x7FF] =	sst s5;
	s25 =	sadd.s32 $0x2000, s2  }
0x9: {  	s9 =	sadd.s32 $0x53800, s2;
	_ =	strace $0x80000047;
	[dreg:$0x1f] =	wrdreg s25  }
0xa: {  	s21 =	simm.s32 $0xD80;
	s23 =	simm.s32 $0x280;
	[smem:$0x7F5] =	sst s9  }
0xb: {  	s24 =	simm.s32 $0xE00;
	s28 =	simm.s32 $0x700;
	[dreg:$0x8] =	wrdreg s14  }
0xc: {  	s29 =	simm.s32 $0x1280;
	s30 =	simm.s32 $0x780;
	[dreg:$0x9] =	wrdreg s16  }
0xd: {  	s31 =	simm.s32 $0x1300;
	s6 =	smul.u32 $0x6000, s10;
	[dreg:$0xa] =	wrdreg s17  }
0xe: {  	s4 =	sand.u32 $0x1, s4;
	s8 =	smul.u32 $0x2780, s10;
	[dreg:$0xb] =	wrdreg s18  }
0xf: {  	s13 =	smul.u32 $0x4F000, s10;
	s19 =	sshll.u32 s10, $0x6;
	[dreg:$0xc] =	wrdreg s20  }
0x10: {  	s22 =	sshll.u32 s10, $0xA;
	p1 =	sgt.u32 s10, $0x9;
	[dreg:$0xd] =	wrdreg s21  }
0x11: {  	p2 =	slt.u32 s10, $0xA;
	s7 =	smul.u32 $0x3000, s4;
	[dreg:$0xe] =	wrdreg s23  }
0x12: {  	s9 =	ssub.s32 $0x2, s4;
	[dreg:$0xf] =	wrdreg s24;
	s25 =	simm.s32 $0x300  }
0x13: {  	p0 =	seq.s32 s4, $0x1;
	s14 =	simm.s32 $0xF00;
	[dreg:$0x10] =	wrdreg s25  }
0x14: {  	s16 =	simm.s32 $0x400;
	s17 =	simm.s32 $0xF80;
	[dreg:$0x13] =	wrdreg s14  }
0x15: {  	s18 =	simm.s32 $0x480;
	s20 =	simm.s32 $0x500;
	[dreg:$0x14] =	wrdreg s16  }
0x16: {  	s21 =	simm.s32 $0x1080;
	s23 =	simm.s32 $0x1100;
	[dreg:$0x15] =	wrdreg s17  }
0x17: {  	s24 =	simm.s32 $0x600;
	s4 =	simm.s32 $0x880;
	[dreg:$0x16] =	wrdreg s18  }
0x18: {  	s12 =	sshrl.u32 s9, $0x1;
	s16 =	simm.s32 $0x5;
	[dreg:$0x18] =	wrdreg s20  }
0x19: {  	s17 =	simm.s32 $0xC00;
	s18 =	simm.s32 $0x80;
	[dreg:$0x19] =	wrdreg s21  }
0x1a: {  	s20 =	simm.s32 $0x5800;
	s21 =	simm.s32 $0x1;
	[dreg:$0x1b] =	wrdreg s23  }
0x1b: {  	[dreg:$0x1c] =	wrdreg s24;
	s25 =	simm.s32 $0x1180;
	s23 =	simm.s32 $0x3  }
0x1c: {  	s24 =	simm.s32 $0x2;
	s14 =	simm.s32 $0x1580;
	s6 =	sadd.s32 s7, s6  }
0x1d: {  	s7 =	sadd.s32 s8, s2;
	s2 =	sadd.s32 $0x53E00, s2;
	[dreg:$0x1d] =	wrdreg s25  }
0x1e: {  	s15 =	ssub.s32 s9, s12;
	s12 =	simm.s32 $0x380;
	[smem:$0x7F6] =	sst s2  }
0x1f: {  	s9 =	sor.u32 $0x1C05, s19;
	s19 =	simm.s32 $0x1000;
	[dreg:$0x12] =	wrdreg s12  }
0x20: {  	s25 =	simm.s32 $0x4;
	s26 =	sadd.s32 $0x60000, s6;
	[dreg:$0x17] =	wrdreg s19  }
0x21: {  	s6 =	sshrl.u32 s6, $0x3;
	s15 =	smax.u32 s15, $0x1;
	[smem:$0x7FD] =	sst s9  }
0x22: {  	s8 =	sshrl.u32 s26, $0x3;
	s26 =	sadd.s32 $0x4800, s7;
	[smem:$0x7FB] =	sst s15  }
0x23: {  	s19 =	simm.s32 $0x1800;
	s2 =	sadd.s32 s8, s0;
	[smem:$0x7F8] =	sst s26  }
0x24: {  	s12 =	simm.s32 $0x980;
	s0 =	sadd.s32 s6, s0;
	[dreg:$0x6] =	wrdreg s2  }
0x25: {  	s8 =	sadd.s32 s22, s11;
	s11 =	sshll.u32 s10, $0x7;
	[dreg:$0x7] =	wrdreg s0  }
0x26: {  	s22 =	simm.s32 $0x580;
	s26 =	simm.s32 $0x680;
	[smem:$0x7F7] =	sst s8  }
0x27: {  	s10 =	simm.s32 $0x0;
	s2 =	sshrl.u32 s13, $0x2;
	[smem:$0x7F9] =	sst s11  }
0x28: {  	s8 =	simm.s32 $0xE80;
	s13 =	sadd.s32 $0x2C000, s7;
	[dreg:$0x1a] =	wrdreg s22  }
.Ltmp0:
0x29: {  	s22 =	simm.s32 $0x9800;
	[dreg:$0x1e] =	wrdreg s26;
	(pc) =	sbr.rel .LBB2_1-.Ltmp0, $4  }
0x2a: {  	s26 =	simm.s32 $0x1200;
	s0 =	simm.s32 $0x1380;
	s7 =	simm.s32 $0x1400  }
0x2b: {  	v0 =	vlaneseq.u32;
	s11 =	simm.s32 $0x1480;
	s2 =	sadd.s32 s2, s3;
	[dreg:$0x11] =	wrdreg s8  }
0x2c: {  	v1 =	vimm.f32 $0.0e+00;
	v2 =	vor.u32 $0x10, v0;
	[smem:$0x7FA] =	sst s13;
	s8 =	simm.s32 $0x900;
	s2 =	sshrl.u32 s2, $0x3  }
0x2d: {  	v3 =	vor.u32 $0x20, v0;
	v4 =	vor.u32 $0x30, v0;
	v5 =	vor.u32 $0x40, v0;
	s13 =	simm.s32 $0x1500;
	[smem:$0x7FC] =	sst s2;
	s2 =	simm.s32 $0x800  }
.LBB2_8:
0x2e: {  	s15 =	sld [smem:$0x7F9];
	_ =	sdelay $0x2  }
0x2f: {  	s6 =	sadd.s32 s6, s15;
	s15 =	sld [smem:$0x7F7];
	_ =	sdelay $0x2  }
0x30: {  	s15 =	sshrl.u32 s15, $0x3  }
0x31: {  	[hbm:s6], [sflag:s9] =	dma.local [spmem:s15], $0x80  }
0x32: {  	_ =	swait.ge [sflag:s16], $0x80  }
0x33: {  	[sflag:s16] =	ssyncset.done $0x0  }
0x34: {  	[sflag:s16] =	ssyncadd.s32 $0xFFFFFF80  }
.LBB2_9:
0x35: {  	s6 =	sld [smem:$0x7FB];
	_ =	sdelay $0x1  }
0x36: {  	s10 =	sadd.s32 $0x1, s10  }
0x37: {  	p3 =	sne.s32 s10, s6  }
.Ltmp1:
0x38: {  	_ = 	snop;
	(pc) =	sbr.rel @!p3 .LBB2_10-.Ltmp1, $1  }
0x39: {  	_ =	sdelay $0x3  }
.LBB2_1:
0x3a: {  	s6 =	simm.s32 $0x0;
	s15 =	simm.s32 $0x200  }
.LBB2_2:
0x3b: {  	p3 =	sne.s32 s15, $0x9E00;
	[tilespmem:s6+$0x9870] =	vst v1  }
0x3c: {  	[tilespmem:s6+$0x9800] =	vst v1  }
0x3d: {  	[tilespmem:s6+$0x9810] =	vst v1  }
.Ltmp2:
0x3e: {  	[tilespmem:s6+$0x9820] =	vst v1;
	(pc) =	sbr.rel @p3 .LBB2_2-.Ltmp2, $4  }
0x3f: {  	[tilespmem:s6+$0x9830] =	vst v1  }
0x40: {  	[tilespmem:s6+$0x9840] =	vst v1  }
0x41: {  	[tilespmem:s6+$0x9850] =	vst v1  }
0x42: {  	[tilespmem:s6+$0x9860] =	vst v1;
	s6 =	sshra.s32 s15, $0x2;
	s15 =	sadd.s32 $0x200, s15  }
0x43: {  	[tilespmem:s6+$0x9870] =	vst v1  }
0x44: {  	[tilespmem:s6+$0x9800] =	vst v1  }
0x45: {  	[tilespmem:s6+$0x9810] =	vst v1  }
0x46: {  	[tilespmem:s6+$0x9820] =	vst v1  }
0x47: {  	[tilespmem:s6+$0x9830] =	vst v1  }
0x48: {  	[tilespmem:s6+$0x9840] =	vst v1  }
0x49: {  	[tilespmem:s6+$0x9850] =	vst v1  }
0x4a: {  	[tilespmem:s6+$0x9860] =	vst v1  }
0x4b: {  	[tilespmem:$0xC000] =	vst v0  }
0x4c: {  	[tilespmem:$0xC010] =	vst v2  }
0x4d: {  	s6 =	sld [smem:$0x7FC];
	[tilespmem:$0xC020] =	vst v3  }
0x4e: {  	[tilespmem:$0xC030] =	vst v4  }
0x4f: {  	s15 =	rddreg [dreg:$0x1f];
	[tilespmem:$0xC040] =	vst v5  }
0x50: {  	[spmem:s6], [sflag:s9] =	dma.local [hbm:s15], $0x2780  }
0x51: {  	_ =	swait.ge [sflag:s16], $0x2780  }
0x52: {  	s6 =	sld [smem:$0x7F7];
	_ =	sdelay $0x1  }
0x53: {  	[sflag:s16] =	ssyncset.done $0x0  }
0x54: {  	[sflag:s16] =	ssyncadd.s32 $0xFFFFD880;
	s6 =	sshrl.u32 @!p1 s6, $0x3  }
0x55: {  	[spmem:s6], [sflag:s9] =	dma.local @!p1 [hbm:s15], $0x80  }
0x56: {  	s6 =	simm.s32 @!p1 $0x5  }
0x57: {  	_ =	swait.ge @!p1 [sflag:s6], $0x80  }
0x58: {  	[sflag:s6] =	ssyncset.done @!p1 $0x0  }
0x59: {  	[sflag:s6] =	ssyncadd.s32 @!p1 $0xFFFFFF80  }
0x5a: {  	s6 =	simm.s32 $0x0;
	[bflag:$0x0] =	sbarrier.arrive $0xFFFF  }
.LBB2_4:
0x5b: {  	s15 =	rddreg [dreg:$0x7]  }
0x5c: {  	s15 =	sadd.s32 s6, s15  }
0x5d: {  	[tilespmem:s5], [sflag:$0x5] =	stream.linear.gather [hbm4b:s15+s5], $0xA00, $0x38;
	[tilespmem:$0x1FF00] =	vst v63  }
0x5e: {  	_ =	swait.ge [sflag:s16], $0xA00  }
0x5f: {  	s9 =	rddreg [dreg:$0x6];
	[sflag:s16] =	ssyncset.done $0x0  }
0x60: {  	[sflag:s16] =	ssyncadd.s32 $0xFFFFF600;
	s15 =	sadd.s32 s6, s9  }
0x61: {  	[tilespmem:s17], [sflag:$0x5] =	stream.linear.gather [hbm4b:s15+s5], $0xA00, $0x38;
	[tilespmem:$0x1FF00] =	vst v63  }
0x62: {  	_ =	swait.ge [sflag:s16], $0xA00  }
0x63: {  	[sflag:s16] =	ssyncset.done $0x0  }
0x64: {  	[sflag:s16] =	ssyncadd.s32 $0xFFFFF600  }
0x65: {  	[tilespmem:s19], [sflag:$0x1] =	stream.indirect.gather [hbm4b:s1+s18], $0x80, s5, s18, $0xb8;
	[tilespmem:$0x1FF00] =	vst v63  }
0x66: {  	_ = 	snop  }
0x67: {  	[tilespmem:s20], [sflag:$0x2] =	stream.indirect.gather [hbm4b:s1+s18], $0x80, s18, s18, $0xb8;
	[tilespmem:$0x1FF00] =	vst v63  }
0x68: {  	_ =	swait.ge [sflag:s21], $0x4000  }
0x69: {  	[sflag:s21] =	ssyncset.done $0x0  }
0x6a: {  	[sflag:s21] =	ssyncadd.s32 $0xFFFFC000  }
0x6b: {  	[spmem:s3] =	stream.indirect.scatter.add.f32 [tilespmem:s19], [sflag:$0x3], $0x80, s17, s18, $0xb8;
	[tilespmem:$0x1FF00] =	vst v63  }
0x6c: {  	v6 =	vld [tilespmem:$0xC00];
	_ =	sdelay $0x4  }
0x6d: {  	(xrf1) =	vunique.msk.u32 $0xffff, v6;
	_ =	sdelay $0xd  }
0x6e: {  	_, v7, vm0 =	vpop (xrf1);
	_ =	sdelay $0x3  }
0x6f: {  	v7 =	vcvt.s32.f32 v7;
	_ =	sdelay $0x1  }
0x70: {  	[tilespmem:v6+s22+$0x0] =	vst.idx.add.f32.msk vm0, v7  }
0x71: {  	v6 =	vld [tilespmem:$0xC10];
	_ =	sdelay $0x4  }
0x72: {  	(xrf1) =	vunique.msk.u32 $0xffff, v6;
	_ =	sdelay $0xd  }
0x73: {  	_, v7, vm0 =	vpop (xrf1);
	_ =	sdelay $0x3  }
0x74: {  	v7 =	vcvt.s32.f32 v7;
	_ =	sdelay $0x1  }
0x75: {  	[tilespmem:v6+s22+$0x0] =	vst.idx.add.f32.msk vm0, v7  }
0x76: {  	v6 =	vld [tilespmem:$0xC20];
	_ =	sdelay $0x4  }
0x77: {  	(xrf1) =	vunique.msk.u32 $0xffff, v6;
	_ =	sdelay $0xd  }
0x78: {  	_, v7, vm0 =	vpop (xrf1);
	_ =	sdelay $0x3  }
0x79: {  	v7 =	vcvt.s32.f32 v7;
	_ =	sdelay $0x1  }
0x7a: {  	[tilespmem:v6+s22+$0x0] =	vst.idx.add.f32.msk vm0, v7  }
0x7b: {  	v6 =	vld [tilespmem:$0xC30];
	_ =	sdelay $0x4  }
0x7c: {  	(xrf1) =	vunique.msk.u32 $0xffff, v6;
	_ =	sdelay $0xd  }
0x7d: {  	_, v7, vm0 =	vpop (xrf1);
	_ =	sdelay $0x3  }
0x7e: {  	v7 =	vcvt.s32.f32 v7;
	_ =	sdelay $0x1  }
0x7f: {  	[tilespmem:v6+s22+$0x0] =	vst.idx.add.f32.msk vm0, v7  }
0x80: {  	v6 =	vld [tilespmem:$0xC40];
	_ =	sdelay $0x4  }
0x81: {  	(xrf1) =	vunique.msk.u32 $0xffff, v6;
	_ =	sdelay $0xd  }
0x82: {  	_, v7, vm0 =	vpop (xrf1);
	_ =	sdelay $0x3  }
0x83: {  	v7 =	vcvt.s32.f32 v7;
	_ =	sdelay $0x1  }
0x84: {  	[tilespmem:v6+s22+$0x0] =	vst.idx.add.f32.msk vm0, v7  }
0x85: {  	v6 =	vld [tilespmem:$0xC50];
	_ =	sdelay $0x4  }
0x86: {  	(xrf1) =	vunique.msk.u32 $0xffff, v6;
	_ =	sdelay $0xd  }
0x87: {  	_, v7, vm0 =	vpop (xrf1);
	_ =	sdelay $0x3  }
0x88: {  	v7 =	vcvt.s32.f32 v7;
	_ =	sdelay $0x1  }
0x89: {  	[tilespmem:v6+s22+$0x0] =	vst.idx.add.f32.msk vm0, v7  }
0x8a: {  	v6 =	vld [tilespmem:$0xC60];
	_ =	sdelay $0x4  }
0x8b: {  	(xrf1) =	vunique.msk.u32 $0xffff, v6;
	_ =	sdelay $0xd  }
0x8c: {  	_, v7, vm0 =	vpop (xrf1);
	_ =	sdelay $0x3  }
0x8d: {  	v7 =	vcvt.s32.f32 v7;
	_ =	sdelay $0x1  }
0x8e: {  	[tilespmem:v6+s22+$0x0] =	vst.idx.add.f32.msk vm0, v7  }
0x8f: {  	v6 =	vld [tilespmem:$0xC70];
	_ =	sdelay $0x4  }
0x90: {  	(xrf1) =	vunique.msk.u32 $0xffff, v6;
	_ =	sdelay $0xd  }
0x91: {  	_, v7, vm0 =	vpop (xrf1);
	_ =	sdelay $0x3  }
0x92: {  	v7 =	vcvt.s32.f32 v7;
	_ =	sdelay $0x1  }
0x93: {  	[tilespmem:v6+s22+$0x0] =	vst.idx.add.f32.msk vm0, v7  }
0x94: {  	_ =	swait.ge [sflag:s23], $0x4000  }
0x95: {  	[sflag:s23] =	ssyncset.done $0x0  }
0x96: {  	s9 =	rddreg [dreg:$0x8];
	[sflag:s23] =	ssyncadd.s32 $0xFFFFC000  }
0x97: {  	[tilespmem:s19], [sflag:$0x1] =	stream.indirect.gather [hbm4b:s1+s18], $0x80, s9, s18, $0xb8;
	[tilespmem:$0x1FF00] =	vst v63  }
0x98: {  	_ =	swait.ge [sflag:s24], $0x4000  }
0x99: {  	[sflag:s24] =	ssyncset.done $0x0  }
0x9a: {  	s9 =	rddreg [dreg:$0x9];
	[sflag:s24] =	ssyncadd.s32 $0xFFFFC000  }
0x9b: {  	[spmem:s3] =	stream.indirect.scatter.add.f32 [tilespmem:s20], [sflag:$0x4], $0x80, s9, s18, $0xb8;
	[tilespmem:$0x1FF00] =	vst v63  }
0x9c: {  	v6 =	vld [tilespmem:$0xC80];
	_ =	sdelay $0x4  }
0x9d: {  	(xrf1) =	vunique.msk.u32 $0xffff, v6;
	_ =	sdelay $0xd  }
0x9e: {  	_, v7, vm0 =	vpop (xrf1);
	_ =	sdelay $0x3  }
0x9f: {  	v7 =	vcvt.s32.f32 v7;
	_ =	sdelay $0x1  }
0xa0: {  	[tilespmem:v6+s22+$0x0] =	vst.idx.add.f32.msk vm0, v7  }
0xa1: {  	v6 =	vld [tilespmem:$0xC90];
	_ =	sdelay $0x4  }
0xa2: {  	(xrf1) =	vunique.msk.u32 $0xffff, v6;
	_ =	sdelay $0xd  }
0xa3: {  	_, v7, vm0 =	vpop (xrf1);
	_ =	sdelay $0x3  }
0xa4: {  	v7 =	vcvt.s32.f32 v7;
	_ =	sdelay $0x1  }
0xa5: {  	[tilespmem:v6+s22+$0x0] =	vst.idx.add.f32.msk vm0, v7  }
0xa6: {  	v6 =	vld [tilespmem:$0xCA0];
	_ =	sdelay $0x4  }
0xa7: {  	(xrf1) =	vunique.msk.u32 $0xffff, v6;
	_ =	sdelay $0xd  }
0xa8: {  	_, v7, vm0 =	vpop (xrf1);
	_ =	sdelay $0x3  }
0xa9: {  	v7 =	vcvt.s32.f32 v7;
	_ =	sdelay $0x1  }
0xaa: {  	[tilespmem:v6+s22+$0x0] =	vst.idx.add.f32.msk vm0, v7  }
0xab: {  	v6 =	vld [tilespmem:$0xCB0];
	_ =	sdelay $0x4  }
0xac: {  	(xrf1) =	vunique.msk.u32 $0xffff, v6;
	_ =	sdelay $0xd  }
0xad: {  	_, v7, vm0 =	vpop (xrf1);
	_ =	sdelay $0x3  }
0xae: {  	v7 =	vcvt.s32.f32 v7;
	_ =	sdelay $0x1  }
0xaf: {  	[tilespmem:v6+s22+$0x0] =	vst.idx.add.f32.msk vm0, v7  }
0xb0: {  	v6 =	vld [tilespmem:$0xCC0];
	_ =	sdelay $0x4  }
0xb1: {  	(xrf1) =	vunique.msk.u32 $0xffff, v6;
	_ =	sdelay $0xd  }
0xb2: {  	_, v7, vm0 =	vpop (xrf1);
	_ =	sdelay $0x3  }
0xb3: {  	v7 =	vcvt.s32.f32 v7;
	_ =	sdelay $0x1  }
0xb4: {  	[tilespmem:v6+s22+$0x0] =	vst.idx.add.f32.msk vm0, v7  }
0xb5: {  	v6 =	vld [tilespmem:$0xCD0];
	_ =	sdelay $0x4  }
0xb6: {  	(xrf1) =	vunique.msk.u32 $0xffff, v6;
	_ =	sdelay $0xd  }
0xb7: {  	_, v7, vm0 =	vpop (xrf1);
	_ =	sdelay $0x3  }
0xb8: {  	v7 =	vcvt.s32.f32 v7;
	_ =	sdelay $0x1  }
0xb9: {  	[tilespmem:v6+s22+$0x0] =	vst.idx.add.f32.msk vm0, v7  }
0xba: {  	v6 =	vld [tilespmem:$0xCE0];
	_ =	sdelay $0x4  }
0xbb: {  	(xrf1) =	vunique.msk.u32 $0xffff, v6;
	_ =	sdelay $0xd  }
0xbc: {  	_, v7, vm0 =	vpop (xrf1);
	_ =	sdelay $0x3  }
0xbd: {  	v7 =	vcvt.s32.f32 v7;
	_ =	sdelay $0x1  }
0xbe: {  	[tilespmem:v6+s22+$0x0] =	vst.idx.add.f32.msk vm0, v7  }
0xbf: {  	v6 =	vld [tilespmem:$0xCF0];
	_ =	sdelay $0x4  }
0xc0: {  	(xrf1) =	vunique.msk.u32 $0xffff, v6;
	_ =	sdelay $0xd  }
0xc1: {  	_, v7, vm0 =	vpop (xrf1);
	_ =	sdelay $0x3  }
0xc2: {  	v7 =	vcvt.s32.f32 v7;
	_ =	sdelay $0x1  }
0xc3: {  	[tilespmem:v6+s22+$0x0] =	vst.idx.add.f32.msk vm0, v7  }
0xc4: {  	_ =	swait.ge [sflag:s25], $0x4000  }
0xc5: {  	[sflag:s25] =	ssyncset.done $0x0  }
0xc6: {  	s9 =	rddreg [dreg:$0xa];
	[sflag:s25] =	ssyncadd.s32 $0xFFFFC000  }
0xc7: {  	[tilespmem:s20], [sflag:$0x2] =	stream.indirect.gather [hbm4b:s1+s18], $0x80, s9, s18, $0xb8;
	[tilespmem:$0x1FF00] =	vst v63  }
0xc8: {  	_ =	swait.ge [sflag:s21], $0x4000  }
0xc9: {  	[sflag:s21] =	ssyncset.done $0x0  }
0xca: {  	s9 =	rddreg [dreg:$0xb];
	[sflag:s21] =	ssyncadd.s32 $0xFFFFC000  }
0xcb: {  	[spmem:s3] =	stream.indirect.scatter.add.f32 [tilespmem:s19], [sflag:$0x3], $0x80, s9, s18, $0xb8;
	[tilespmem:$0x1FF00] =	vst v63  }
0xcc: {  	v6 =	vld [tilespmem:$0xD00];
	_ =	sdelay $0x4  }
0xcd: {  	(xrf1) =	vunique.msk.u32 $0xffff, v6;
	_ =	sdelay $0xd  }
0xce: {  	_, v7, vm0 =	vpop (xrf1);
	_ =	sdelay $0x3  }
0xcf: {  	v7 =	vcvt.s32.f32 v7;
	_ =	sdelay $0x1  }
0xd0: {  	[tilespmem:v6+s22+$0x0] =	vst.idx.add.f32.msk vm0, v7  }
0xd1: {  	v6 =	vld [tilespmem:$0xD10];
	_ =	sdelay $0x4  }
0xd2: {  	(xrf1) =	vunique.msk.u32 $0xffff, v6;
	_ =	sdelay $0xd  }
0xd3: {  	_, v7, vm0 =	vpop (xrf1);
	_ =	sdelay $0x3  }
0xd4: {  	v7 =	vcvt.s32.f32 v7;
	_ =	sdelay $0x1  }
0xd5: {  	[tilespmem:v6+s22+$0x0] =	vst.idx.add.f32.msk vm0, v7  }
0xd6: {  	v6 =	vld [tilespmem:$0xD20];
	_ =	sdelay $0x4  }
0xd7: {  	(xrf1) =	vunique.msk.u32 $0xffff, v6;
	_ =	sdelay $0xd  }
0xd8: {  	_, v7, vm0 =	vpop (xrf1);
	_ =	sdelay $0x3  }
0xd9: {  	v7 =	vcvt.s32.f32 v7;
	_ =	sdelay $0x1  }
0xda: {  	[tilespmem:v6+s22+$0x0] =	vst.idx.add.f32.msk vm0, v7  }
0xdb: {  	v6 =	vld [tilespmem:$0xD30];
	_ =	sdelay $0x4  }
0xdc: {  	(xrf1) =	vunique.msk.u32 $0xffff, v6;
	_ =	sdelay $0xd  }
0xdd: {  	_, v7, vm0 =	vpop (xrf1);
	_ =	sdelay $0x3  }
0xde: {  	v7 =	vcvt.s32.f32 v7;
	_ =	sdelay $0x1  }
0xdf: {  	[tilespmem:v6+s22+$0x0] =	vst.idx.add.f32.msk vm0, v7  }
0xe0: {  	v6 =	vld [tilespmem:$0xD40];
	_ =	sdelay $0x4  }
0xe1: {  	(xrf1) =	vunique.msk.u32 $0xffff, v6;
	_ =	sdelay $0xd  }
0xe2: {  	_, v7, vm0 =	vpop (xrf1);
	_ =	sdelay $0x3  }
0xe3: {  	v7 =	vcvt.s32.f32 v7;
	_ =	sdelay $0x1  }
0xe4: {  	[tilespmem:v6+s22+$0x0] =	vst.idx.add.f32.msk vm0, v7  }
0xe5: {  	v6 =	vld [tilespmem:$0xD50];
	_ =	sdelay $0x4  }
0xe6: {  	(xrf1) =	vunique.msk.u32 $0xffff, v6;
	_ =	sdelay $0xd  }
0xe7: {  	_, v7, vm0 =	vpop (xrf1);
	_ =	sdelay $0x3  }
0xe8: {  	v7 =	vcvt.s32.f32 v7;
	_ =	sdelay $0x1  }
0xe9: {  	[tilespmem:v6+s22+$0x0] =	vst.idx.add.f32.msk vm0, v7  }
0xea: {  	v6 =	vld [tilespmem:$0xD60];
	_ =	sdelay $0x4  }
0xeb: {  	(xrf1) =	vunique.msk.u32 $0xffff, v6;
	_ =	sdelay $0xd  }
0xec: {  	_, v7, vm0 =	vpop (xrf1);
	_ =	sdelay $0x3  }
0xed: {  	v7 =	vcvt.s32.f32 v7;
	_ =	sdelay $0x1  }
0xee: {  	[tilespmem:v6+s22+$0x0] =	vst.idx.add.f32.msk vm0, v7  }
0xef: {  	v6 =	vld [tilespmem:$0xD70];
	_ =	sdelay $0x4  }
0xf0: {  	(xrf1) =	vunique.msk.u32 $0xffff, v6;
	_ =	sdelay $0xd  }
0xf1: {  	_, v7, vm0 =	vpop (xrf1);
	_ =	sdelay $0x3  }
0xf2: {  	v7 =	vcvt.s32.f32 v7;
	_ =	sdelay $0x1  }
0xf3: {  	[tilespmem:v6+s22+$0x0] =	vst.idx.add.f32.msk vm0, v7  }
0xf4: {  	_ =	swait.ge [sflag:s23], $0x4000  }
0xf5: {  	[sflag:s23] =	ssyncset.done $0x0  }
0xf6: {  	s9 =	rddreg [dreg:$0xc];
	[sflag:s23] =	ssyncadd.s32 $0xFFFFC000  }
0xf7: {  	[tilespmem:s19], [sflag:$0x1] =	stream.indirect.gather [hbm4b:s1+s18], $0x80, s9, s18, $0xb8;
	[tilespmem:$0x1FF00] =	vst v63  }
0xf8: {  	_ =	swait.ge [sflag:s24], $0x4000  }
0xf9: {  	[sflag:s24] =	ssyncset.done $0x0  }
0xfa: {  	s9 =	rddreg [dreg:$0xd];
	[sflag:s24] =	ssyncadd.s32 $0xFFFFC000  }
0xfb: {  	[spmem:s3] =	stream.indirect.scatter.add.f32 [tilespmem:s20], [sflag:$0x4], $0x80, s9, s18, $0xb8;
	[tilespmem:$0x1FF00] =	vst v63  }
0xfc: {  	v6 =	vld [tilespmem:$0xD80];
	_ =	sdelay $0x4  }
0xfd: {  	(xrf1) =	vunique.msk.u32 $0xffff, v6;
	_ =	sdelay $0xd  }
0xfe: {  	_, v7, vm0 =	vpop (xrf1);
	_ =	sdelay $0x3  }
0xff: {  	v7 =	vcvt.s32.f32 v7;
	_ =	sdelay $0x1  }
0x100: {  	[tilespmem:v6+s22+$0x0] =	vst.idx.add.f32.msk vm0, v7  }
0x101: {  	v6 =	vld [tilespmem:$0xD90];
	_ =	sdelay $0x4  }
0x102: {  	(xrf1) =	vunique.msk.u32 $0xffff, v6;
	_ =	sdelay $0xd  }
0x103: {  	_, v7, vm0 =	vpop (xrf1);
	_ =	sdelay $0x3  }
0x104: {  	v7 =	vcvt.s32.f32 v7;
	_ =	sdelay $0x1  }
0x105: {  	[tilespmem:v6+s22+$0x0] =	vst.idx.add.f32.msk vm0, v7  }
0x106: {  	v6 =	vld [tilespmem:$0xDA0];
	_ =	sdelay $0x4  }
0x107: {  	(xrf1) =	vunique.msk.u32 $0xffff, v6;
	_ =	sdelay $0xd  }
0x108: {  	_, v7, vm0 =	vpop (xrf1);
	_ =	sdelay $0x3  }
0x109: {  	v7 =	vcvt.s32.f32 v7;
	_ =	sdelay $0x1  }
0x10a: {  	[tilespmem:v6+s22+$0x0] =	vst.idx.add.f32.msk vm0, v7  }
0x10b: {  	v6 =	vld [tilespmem:$0xDB0];
	_ =	sdelay $0x4  }
0x10c: {  	(xrf1) =	vunique.msk.u32 $0xffff, v6;
	_ =	sdelay $0xd  }
0x10d: {  	_, v7, vm0 =	vpop (xrf1);
	_ =	sdelay $0x3  }
0x10e: {  	v7 =	vcvt.s32.f32 v7;
	_ =	sdelay $0x1  }
0x10f: {  	[tilespmem:v6+s22+$0x0] =	vst.idx.add.f32.msk vm0, v7  }
0x110: {  	v6 =	vld [tilespmem:$0xDC0];
	_ =	sdelay $0x4  }
0x111: {  	(xrf1) =	vunique.msk.u32 $0xffff, v6;
	_ =	sdelay $0xd  }
0x112: {  	_, v7, vm0 =	vpop (xrf1);
	_ =	sdelay $0x3  }
0x113: {  	v7 =	vcvt.s32.f32 v7;
	_ =	sdelay $0x1  }
0x114: {  	[tilespmem:v6+s22+$0x0] =	vst.idx.add.f32.msk vm0, v7  }
0x115: {  	v6 =	vld [tilespmem:$0xDD0];
	_ =	sdelay $0x4  }
0x116: {  	(xrf1) =	vunique.msk.u32 $0xffff, v6;
	_ =	sdelay $0xd  }
0x117: {  	_, v7, vm0 =	vpop (xrf1);
	_ =	sdelay $0x3  }
0x118: {  	v7 =	vcvt.s32.f32 v7;
	_ =	sdelay $0x1  }
0x119: {  	[tilespmem:v6+s22+$0x0] =	vst.idx.add.f32.msk vm0, v7  }
0x11a: {  	v6 =	vld [tilespmem:$0xDE0];
	_ =	sdelay $0x4  }
0x11b: {  	(xrf1) =	vunique.msk.u32 $0xffff, v6;
	_ =	sdelay $0xd  }
0x11c: {  	_, v7, vm0 =	vpop (xrf1);
	_ =	sdelay $0x3  }
0x11d: {  	v7 =	vcvt.s32.f32 v7;
	_ =	sdelay $0x1  }
0x11e: {  	[tilespmem:v6+s22+$0x0] =	vst.idx.add.f32.msk vm0, v7  }
0x11f: {  	v6 =	vld [tilespmem:$0xDF0];
	_ =	sdelay $0x4  }
0x120: {  	(xrf1) =	vunique.msk.u32 $0xffff, v6;
	_ =	sdelay $0xd  }
0x121: {  	_, v7, vm0 =	vpop (xrf1);
	_ =	sdelay $0x3  }
0x122: {  	v7 =	vcvt.s32.f32 v7;
	_ =	sdelay $0x1  }
0x123: {  	[tilespmem:v6+s22+$0x0] =	vst.idx.add.f32.msk vm0, v7  }
0x124: {  	_ =	swait.ge [sflag:s25], $0x4000  }
0x125: {  	[sflag:s25] =	ssyncset.done $0x0  }
0x126: {  	s9 =	rddreg [dreg:$0xe];
	[sflag:s25] =	ssyncadd.s32 $0xFFFFC000  }
0x127: {  	[tilespmem:s20], [sflag:$0x2] =	stream.indirect.gather [hbm4b:s1+s18], $0x80, s9, s18, $0xb8;
	[tilespmem:$0x1FF00] =	vst v63  }
0x128: {  	_ =	swait.ge [sflag:s21], $0x4000  }
0x129: {  	[sflag:s21] =	ssyncset.done $0x0  }
0x12a: {  	s9 =	rddreg [dreg:$0xf];
	[sflag:s21] =	ssyncadd.s32 $0xFFFFC000  }
0x12b: {  	[spmem:s3] =	stream.indirect.scatter.add.f32 [tilespmem:s19], [sflag:$0x3], $0x80, s9, s18, $0xb8;
	[tilespmem:$0x1FF00] =	vst v63  }
0x12c: {  	v6 =	vld [tilespmem:$0xE00];
	_ =	sdelay $0x4  }
0x12d: {  	(xrf1) =	vunique.msk.u32 $0xffff, v6;
	_ =	sdelay $0xd  }
0x12e: {  	_, v7, vm0 =	vpop (xrf1);
	_ =	sdelay $0x3  }
0x12f: {  	v7 =	vcvt.s32.f32 v7;
	_ =	sdelay $0x1  }
0x130: {  	[tilespmem:v6+s22+$0x0] =	vst.idx.add.f32.msk vm0, v7  }
0x131: {  	v6 =	vld [tilespmem:$0xE10];
	_ =	sdelay $0x4  }
0x132: {  	(xrf1) =	vunique.msk.u32 $0xffff, v6;
	_ =	sdelay $0xd  }
0x133: {  	_, v7, vm0 =	vpop (xrf1);
	_ =	sdelay $0x3  }
0x134: {  	v7 =	vcvt.s32.f32 v7;
	_ =	sdelay $0x1  }
0x135: {  	[tilespmem:v6+s22+$0x0] =	vst.idx.add.f32.msk vm0, v7  }
0x136: {  	v6 =	vld [tilespmem:$0xE20];
	_ =	sdelay $0x4  }
0x137: {  	(xrf1) =	vunique.msk.u32 $0xffff, v6;
	_ =	sdelay $0xd  }
0x138: {  	_, v7, vm0 =	vpop (xrf1);
	_ =	sdelay $0x3  }
0x139: {  	v7 =	vcvt.s32.f32 v7;
	_ =	sdelay $0x1  }
0x13a: {  	[tilespmem:v6+s22+$0x0] =	vst.idx.add.f32.msk vm0, v7  }
0x13b: {  	v6 =	vld [tilespmem:$0xE30];
	_ =	sdelay $0x4  }
0x13c: {  	(xrf1) =	vunique.msk.u32 $0xffff, v6;
	_ =	sdelay $0xd  }
0x13d: {  	_, v7, vm0 =	vpop (xrf1);
	_ =	sdelay $0x3  }
0x13e: {  	v7 =	vcvt.s32.f32 v7;
	_ =	sdelay $0x1  }
0x13f: {  	[tilespmem:v6+s22+$0x0] =	vst.idx.add.f32.msk vm0, v7  }
0x140: {  	v6 =	vld [tilespmem:$0xE40];
	_ =	sdelay $0x4  }
0x141: {  	(xrf1) =	vunique.msk.u32 $0xffff, v6;
	_ =	sdelay $0xd  }
0x142: {  	_, v7, vm0 =	vpop (xrf1);
	_ =	sdelay $0x3  }
0x143: {  	v7 =	vcvt.s32.f32 v7;
	_ =	sdelay $0x1  }
0x144: {  	[tilespmem:v6+s22+$0x0] =	vst.idx.add.f32.msk vm0, v7  }
0x145: {  	v6 =	vld [tilespmem:$0xE50];
	_ =	sdelay $0x4  }
0x146: {  	(xrf1) =	vunique.msk.u32 $0xffff, v6;
	_ =	sdelay $0xd  }
0x147: {  	_, v7, vm0 =	vpop (xrf1);
	_ =	sdelay $0x3  }
0x148: {  	v7 =	vcvt.s32.f32 v7;
	_ =	sdelay $0x1  }
0x149: {  	[tilespmem:v6+s22+$0x0] =	vst.idx.add.f32.msk vm0, v7  }
0x14a: {  	v6 =	vld [tilespmem:$0xE60];
	_ =	sdelay $0x4  }
0x14b: {  	(xrf1) =	vunique.msk.u32 $0xffff, v6;
	_ =	sdelay $0xd  }
0x14c: {  	_, v7, vm0 =	vpop (xrf1);
	_ =	sdelay $0x3  }
0x14d: {  	v7 =	vcvt.s32.f32 v7;
	_ =	sdelay $0x1  }
0x14e: {  	[tilespmem:v6+s22+$0x0] =	vst.idx.add.f32.msk vm0, v7  }
0x14f: {  	v6 =	vld [tilespmem:$0xE70];
	_ =	sdelay $0x4  }
0x150: {  	(xrf1) =	vunique.msk.u32 $0xffff, v6;
	_ =	sdelay $0xd  }
0x151: {  	_, v7, vm0 =	vpop (xrf1);
	_ =	sdelay $0x3  }
0x152: {  	v7 =	vcvt.s32.f32 v7;
	_ =	sdelay $0x1  }
0x153: {  	[tilespmem:v6+s22+$0x0] =	vst.idx.add.f32.msk vm0, v7  }
0x154: {  	_ =	swait.ge [sflag:s23], $0x4000  }
0x155: {  	[sflag:s23] =	ssyncset.done $0x0  }
0x156: {  	s9 =	rddreg [dreg:$0x10];
	[sflag:s23] =	ssyncadd.s32 $0xFFFFC000  }
0x157: {  	[tilespmem:s19], [sflag:$0x1] =	stream.indirect.gather [hbm4b:s1+s18], $0x80, s9, s18, $0xb8;
	[tilespmem:$0x1FF00] =	vst v63  }
0x158: {  	_ =	swait.ge [sflag:s24], $0x4000  }
0x159: {  	[sflag:s24] =	ssyncset.done $0x0  }
0x15a: {  	s9 =	rddreg [dreg:$0x11];
	[sflag:s24] =	ssyncadd.s32 $0xFFFFC000  }
0x15b: {  	[spmem:s3] =	stream.indirect.scatter.add.f32 [tilespmem:s20], [sflag:$0x4], $0x80, s9, s18, $0xb8;
	[tilespmem:$0x1FF00] =	vst v63  }
0x15c: {  	v6 =	vld [tilespmem:$0xE80];
	_ =	sdelay $0x4  }
0x15d: {  	(xrf1) =	vunique.msk.u32 $0xffff, v6;
	_ =	sdelay $0xd  }
0x15e: {  	_, v7, vm0 =	vpop (xrf1);
	_ =	sdelay $0x3  }
0x15f: {  	v7 =	vcvt.s32.f32 v7;
	_ =	sdelay $0x1  }
0x160: {  	[tilespmem:v6+s22+$0x0] =	vst.idx.add.f32.msk vm0, v7  }
0x161: {  	v6 =	vld [tilespmem:$0xE90];
	_ =	sdelay $0x4  }
0x162: {  	(xrf1) =	vunique.msk.u32 $0xffff, v6;
	_ =	sdelay $0xd  }
0x163: {  	_, v7, vm0 =	vpop (xrf1);
	_ =	sdelay $0x3  }
0x164: {  	v7 =	vcvt.s32.f32 v7;
	_ =	sdelay $0x1  }
0x165: {  	[tilespmem:v6+s22+$0x0] =	vst.idx.add.f32.msk vm0, v7  }
0x166: {  	v6 =	vld [tilespmem:$0xEA0];
	_ =	sdelay $0x4  }
0x167: {  	(xrf1) =	vunique.msk.u32 $0xffff, v6;
	_ =	sdelay $0xd  }
0x168: {  	_, v7, vm0 =	vpop (xrf1);
	_ =	sdelay $0x3  }
0x169: {  	v7 =	vcvt.s32.f32 v7;
	_ =	sdelay $0x1  }
0x16a: {  	[tilespmem:v6+s22+$0x0] =	vst.idx.add.f32.msk vm0, v7  }
0x16b: {  	v6 =	vld [tilespmem:$0xEB0];
	_ =	sdelay $0x4  }
0x16c: {  	(xrf1) =	vunique.msk.u32 $0xffff, v6;
	_ =	sdelay $0xd  }
0x16d: {  	_, v7, vm0 =	vpop (xrf1);
	_ =	sdelay $0x3  }
0x16e: {  	v7 =	vcvt.s32.f32 v7;
	_ =	sdelay $0x1  }
0x16f: {  	[tilespmem:v6+s22+$0x0] =	vst.idx.add.f32.msk vm0, v7  }
0x170: {  	v6 =	vld [tilespmem:$0xEC0];
	_ =	sdelay $0x4  }
0x171: {  	(xrf1) =	vunique.msk.u32 $0xffff, v6;
	_ =	sdelay $0xd  }
0x172: {  	_, v7, vm0 =	vpop (xrf1);
	_ =	sdelay $0x3  }
0x173: {  	v7 =	vcvt.s32.f32 v7;
	_ =	sdelay $0x1  }
0x174: {  	[tilespmem:v6+s22+$0x0] =	vst.idx.add.f32.msk vm0, v7  }
0x175: {  	v6 =	vld [tilespmem:$0xED0];
	_ =	sdelay $0x4  }
0x176: {  	(xrf1) =	vunique.msk.u32 $0xffff, v6;
	_ =	sdelay $0xd  }
0x177: {  	_, v7, vm0 =	vpop (xrf1);
	_ =	sdelay $0x3  }
0x178: {  	v7 =	vcvt.s32.f32 v7;
	_ =	sdelay $0x1  }
0x179: {  	[tilespmem:v6+s22+$0x0] =	vst.idx.add.f32.msk vm0, v7  }
0x17a: {  	v6 =	vld [tilespmem:$0xEE0];
	_ =	sdelay $0x4  }
0x17b: {  	(xrf1) =	vunique.msk.u32 $0xffff, v6;
	_ =	sdelay $0xd  }
0x17c: {  	_, v7, vm0 =	vpop (xrf1);
	_ =	sdelay $0x3  }
0x17d: {  	v7 =	vcvt.s32.f32 v7;
	_ =	sdelay $0x1  }
0x17e: {  	[tilespmem:v6+s22+$0x0] =	vst.idx.add.f32.msk vm0, v7  }
0x17f: {  	v6 =	vld [tilespmem:$0xEF0];
	_ =	sdelay $0x4  }
0x180: {  	(xrf1) =	vunique.msk.u32 $0xffff, v6;
	_ =	sdelay $0xd  }
0x181: {  	_, v7, vm0 =	vpop (xrf1);
	_ =	sdelay $0x3  }
0x182: {  	v7 =	vcvt.s32.f32 v7;
	_ =	sdelay $0x1  }
0x183: {  	[tilespmem:v6+s22+$0x0] =	vst.idx.add.f32.msk vm0, v7  }
0x184: {  	_ =	swait.ge [sflag:s25], $0x4000  }
0x185: {  	[sflag:s25] =	ssyncset.done $0x0  }
0x186: {  	s9 =	rddreg [dreg:$0x12];
	[sflag:s25] =	ssyncadd.s32 $0xFFFFC000  }
0x187: {  	[tilespmem:s20], [sflag:$0x2] =	stream.indirect.gather [hbm4b:s1+s18], $0x80, s9, s18, $0xb8;
	[tilespmem:$0x1FF00] =	vst v63  }
0x188: {  	_ =	swait.ge [sflag:s21], $0x4000  }
0x189: {  	[sflag:s21] =	ssyncset.done $0x0  }
0x18a: {  	s9 =	rddreg [dreg:$0x13];
	[sflag:s21] =	ssyncadd.s32 $0xFFFFC000  }
0x18b: {  	[spmem:s3] =	stream.indirect.scatter.add.f32 [tilespmem:s19], [sflag:$0x3], $0x80, s9, s18, $0xb8;
	[tilespmem:$0x1FF00] =	vst v63  }
0x18c: {  	v6 =	vld [tilespmem:$0xF00];
	_ =	sdelay $0x4  }
0x18d: {  	(xrf1) =	vunique.msk.u32 $0xffff, v6;
	_ =	sdelay $0xd  }
0x18e: {  	_, v7, vm0 =	vpop (xrf1);
	_ =	sdelay $0x3  }
0x18f: {  	v7 =	vcvt.s32.f32 v7;
	_ =	sdelay $0x1  }
0x190: {  	[tilespmem:v6+s22+$0x0] =	vst.idx.add.f32.msk vm0, v7  }
0x191: {  	v6 =	vld [tilespmem:$0xF10];
	_ =	sdelay $0x4  }
0x192: {  	(xrf1) =	vunique.msk.u32 $0xffff, v6;
	_ =	sdelay $0xd  }
0x193: {  	_, v7, vm0 =	vpop (xrf1);
	_ =	sdelay $0x3  }
0x194: {  	v7 =	vcvt.s32.f32 v7;
	_ =	sdelay $0x1  }
0x195: {  	[tilespmem:v6+s22+$0x0] =	vst.idx.add.f32.msk vm0, v7  }
0x196: {  	v6 =	vld [tilespmem:$0xF20];
	_ =	sdelay $0x4  }
0x197: {  	(xrf1) =	vunique.msk.u32 $0xffff, v6;
	_ =	sdelay $0xd  }
0x198: {  	_, v7, vm0 =	vpop (xrf1);
	_ =	sdelay $0x3  }
0x199: {  	v7 =	vcvt.s32.f32 v7;
	_ =	sdelay $0x1  }
0x19a: {  	[tilespmem:v6+s22+$0x0] =	vst.idx.add.f32.msk vm0, v7  }
0x19b: {  	v6 =	vld [tilespmem:$0xF30];
	_ =	sdelay $0x4  }
0x19c: {  	(xrf1) =	vunique.msk.u32 $0xffff, v6;
	_ =	sdelay $0xd  }
0x19d: {  	_, v7, vm0 =	vpop (xrf1);
	_ =	sdelay $0x3  }
0x19e: {  	v7 =	vcvt.s32.f32 v7;
	_ =	sdelay $0x1  }
0x19f: {  	[tilespmem:v6+s22+$0x0] =	vst.idx.add.f32.msk vm0, v7  }
0x1a0: {  	v6 =	vld [tilespmem:$0xF40];
	_ =	sdelay $0x4  }
0x1a1: {  	(xrf1) =	vunique.msk.u32 $0xffff, v6;
	_ =	sdelay $0xd  }
0x1a2: {  	_, v7, vm0 =	vpop (xrf1);
	_ =	sdelay $0x3  }
0x1a3: {  	v7 =	vcvt.s32.f32 v7;
	_ =	sdelay $0x1  }
0x1a4: {  	[tilespmem:v6+s22+$0x0] =	vst.idx.add.f32.msk vm0, v7  }
0x1a5: {  	v6 =	vld [tilespmem:$0xF50];
	_ =	sdelay $0x4  }
0x1a6: {  	(xrf1) =	vunique.msk.u32 $0xffff, v6;
	_ =	sdelay $0xd  }
0x1a7: {  	_, v7, vm0 =	vpop (xrf1);
	_ =	sdelay $0x3  }
0x1a8: {  	v7 =	vcvt.s32.f32 v7;
	_ =	sdelay $0x1  }
0x1a9: {  	[tilespmem:v6+s22+$0x0] =	vst.idx.add.f32.msk vm0, v7  }
0x1aa: {  	v6 =	vld [tilespmem:$0xF60];
	_ =	sdelay $0x4  }
0x1ab: {  	(xrf1) =	vunique.msk.u32 $0xffff, v6;
	_ =	sdelay $0xd  }
0x1ac: {  	_, v7, vm0 =	vpop (xrf1);
	_ =	sdelay $0x3  }
0x1ad: {  	v7 =	vcvt.s32.f32 v7;
	_ =	sdelay $0x1  }
0x1ae: {  	[tilespmem:v6+s22+$0x0] =	vst.idx.add.f32.msk vm0, v7  }
0x1af: {  	v6 =	vld [tilespmem:$0xF70];
	_ =	sdelay $0x4  }
0x1b0: {  	(xrf1) =	vunique.msk.u32 $0xffff, v6;
	_ =	sdelay $0xd  }
0x1b1: {  	_, v7, vm0 =	vpop (xrf1);
	_ =	sdelay $0x3  }
0x1b2: {  	v7 =	vcvt.s32.f32 v7;
	_ =	sdelay $0x1  }
0x1b3: {  	[tilespmem:v6+s22+$0x0] =	vst.idx.add.f32.msk vm0, v7  }
0x1b4: {  	_ =	swait.ge [sflag:s23], $0x4000  }
0x1b5: {  	[sflag:s23] =	ssyncset.done $0x0  }
0x1b6: {  	s9 =	rddreg [dreg:$0x14];
	[sflag:s23] =	ssyncadd.s32 $0xFFFFC000  }
0x1b7: {  	[tilespmem:s19], [sflag:$0x1] =	stream.indirect.gather [hbm4b:s1+s18], $0x80, s9, s18, $0xb8;
	[tilespmem:$0x1FF00] =	vst v63  }
0x1b8: {  	_ =	swait.ge [sflag:s24], $0x4000  }
0x1b9: {  	[sflag:s24] =	ssyncset.done $0x0  }
0x1ba: {  	[sflag:s24] =	ssyncadd.s32 $0xFFFFC000  }
0x1bb: {  	s9 =	rddreg [dreg:$0x15]  }
0x1bc: {  	[spmem:s3] =	stream.indirect.scatter.add.f32 [tilespmem:s20], [sflag:$0x4], $0x80, s9, s18, $0xb8;
	[tilespmem:$0x1FF00] =	vst v63  }
0x1bd: {  	v6 =	vld [tilespmem:$0xF80];
	_ =	sdelay $0x4  }
0x1be: {  	(xrf1) =	vunique.msk.u32 $0xffff, v6;
	_ =	sdelay $0xd  }
0x1bf: {  	_, v7, vm0 =	vpop (xrf1);
	_ =	sdelay $0x3  }
0x1c0: {  	v7 =	vcvt.s32.f32 v7;
	_ =	sdelay $0x1  }
0x1c1: {  	[tilespmem:v6+s22+$0x0] =	vst.idx.add.f32.msk vm0, v7  }
0x1c2: {  	v6 =	vld [tilespmem:$0xF90];
	_ =	sdelay $0x4  }
0x1c3: {  	(xrf1) =	vunique.msk.u32 $0xffff, v6;
	_ =	sdelay $0xd  }
0x1c4: {  	_, v7, vm0 =	vpop (xrf1);
	_ =	sdelay $0x3  }
0x1c5: {  	v7 =	vcvt.s32.f32 v7;
	_ =	sdelay $0x1  }
0x1c6: {  	[tilespmem:v6+s22+$0x0] =	vst.idx.add.f32.msk vm0, v7  }
0x1c7: {  	v6 =	vld [tilespmem:$0xFA0];
	_ =	sdelay $0x4  }
0x1c8: {  	(xrf1) =	vunique.msk.u32 $0xffff, v6;
	_ =	sdelay $0xd  }
0x1c9: {  	_, v7, vm0 =	vpop (xrf1);
	_ =	sdelay $0x3  }
0x1ca: {  	v7 =	vcvt.s32.f32 v7;
	_ =	sdelay $0x1  }
0x1cb: {  	[tilespmem:v6+s22+$0x0] =	vst.idx.add.f32.msk vm0, v7  }
0x1cc: {  	v6 =	vld [tilespmem:$0xFB0];
	_ =	sdelay $0x4  }
0x1cd: {  	(xrf1) =	vunique.msk.u32 $0xffff, v6;
	_ =	sdelay $0xd  }
0x1ce: {  	_, v7, vm0 =	vpop (xrf1);
	_ =	sdelay $0x3  }
0x1cf: {  	v7 =	vcvt.s32.f32 v7;
	_ =	sdelay $0x1  }
0x1d0: {  	[tilespmem:v6+s22+$0x0] =	vst.idx.add.f32.msk vm0, v7  }
0x1d1: {  	v6 =	vld [tilespmem:$0xFC0];
	_ =	sdelay $0x4  }
0x1d2: {  	(xrf1) =	vunique.msk.u32 $0xffff, v6;
	_ =	sdelay $0xd  }
0x1d3: {  	_, v7, vm0 =	vpop (xrf1);
	_ =	sdelay $0x3  }
0x1d4: {  	v7 =	vcvt.s32.f32 v7;
	_ =	sdelay $0x1  }
0x1d5: {  	[tilespmem:v6+s22+$0x0] =	vst.idx.add.f32.msk vm0, v7  }
0x1d6: {  	v6 =	vld [tilespmem:$0xFD0];
	_ =	sdelay $0x4  }
0x1d7: {  	(xrf1) =	vunique.msk.u32 $0xffff, v6;
	_ =	sdelay $0xd  }
0x1d8: {  	_, v7, vm0 =	vpop (xrf1);
	_ =	sdelay $0x3  }
0x1d9: {  	v7 =	vcvt.s32.f32 v7;
	_ =	sdelay $0x1  }
0x1da: {  	[tilespmem:v6+s22+$0x0] =	vst.idx.add.f32.msk vm0, v7  }
0x1db: {  	v6 =	vld [tilespmem:$0xFE0];
	_ =	sdelay $0x4  }
0x1dc: {  	(xrf1) =	vunique.msk.u32 $0xffff, v6;
	_ =	sdelay $0xd  }
0x1dd: {  	_, v7, vm0 =	vpop (xrf1);
	_ =	sdelay $0x3  }
0x1de: {  	v7 =	vcvt.s32.f32 v7;
	_ =	sdelay $0x1  }
0x1df: {  	[tilespmem:v6+s22+$0x0] =	vst.idx.add.f32.msk vm0, v7  }
0x1e0: {  	v6 =	vld [tilespmem:$0xFF0];
	_ =	sdelay $0x4  }
0x1e1: {  	(xrf1) =	vunique.msk.u32 $0xffff, v6;
	_ =	sdelay $0xd  }
0x1e2: {  	_, v7, vm0 =	vpop (xrf1);
	_ =	sdelay $0x3  }
0x1e3: {  	v7 =	vcvt.s32.f32 v7;
	_ =	sdelay $0x1  }
0x1e4: {  	[tilespmem:v6+s22+$0x0] =	vst.idx.add.f32.msk vm0, v7  }
0x1e5: {  	_ =	swait.ge [sflag:s25], $0x4000  }
0x1e6: {  	[sflag:s25] =	ssyncset.done $0x0  }
0x1e7: {  	s9 =	rddreg [dreg:$0x16];
	[sflag:s25] =	ssyncadd.s32 $0xFFFFC000  }
0x1e8: {  	[tilespmem:s20], [sflag:$0x2] =	stream.indirect.gather [hbm4b:s1+s18], $0x80, s9, s18, $0xb8;
	[tilespmem:$0x1FF00] =	vst v63  }
0x1e9: {  	_ =	swait.ge [sflag:s21], $0x4000  }
0x1ea: {  	[sflag:s21] =	ssyncset.done $0x0  }
0x1eb: {  	s9 =	rddreg [dreg:$0x17];
	[sflag:s21] =	ssyncadd.s32 $0xFFFFC000  }
0x1ec: {  	[spmem:s3] =	stream.indirect.scatter.add.f32 [tilespmem:s19], [sflag:$0x3], $0x80, s9, s18, $0xb8;
	[tilespmem:$0x1FF00] =	vst v63  }
0x1ed: {  	v6 =	vld [tilespmem:$0x1000];
	_ =	sdelay $0x4  }
0x1ee: {  	(xrf1) =	vunique.msk.u32 $0xffff, v6;
	_ =	sdelay $0xd  }
0x1ef: {  	_, v7, vm0 =	vpop (xrf1);
	_ =	sdelay $0x3  }
0x1f0: {  	v7 =	vcvt.s32.f32 v7;
	_ =	sdelay $0x1  }
0x1f1: {  	[tilespmem:v6+s22+$0x0] =	vst.idx.add.f32.msk vm0, v7  }
0x1f2: {  	v6 =	vld [tilespmem:$0x1010];
	_ =	sdelay $0x4  }
0x1f3: {  	(xrf1) =	vunique.msk.u32 $0xffff, v6;
	_ =	sdelay $0xd  }
0x1f4: {  	_, v7, vm0 =	vpop (xrf1);
	_ =	sdelay $0x3  }
0x1f5: {  	v7 =	vcvt.s32.f32 v7;
	_ =	sdelay $0x1  }
0x1f6: {  	[tilespmem:v6+s22+$0x0] =	vst.idx.add.f32.msk vm0, v7  }
0x1f7: {  	v6 =	vld [tilespmem:$0x1020];
	_ =	sdelay $0x4  }
0x1f8: {  	(xrf1) =	vunique.msk.u32 $0xffff, v6;
	_ =	sdelay $0xd  }
0x1f9: {  	_, v7, vm0 =	vpop (xrf1);
	_ =	sdelay $0x3  }
0x1fa: {  	v7 =	vcvt.s32.f32 v7;
	_ =	sdelay $0x1  }
0x1fb: {  	[tilespmem:v6+s22+$0x0] =	vst.idx.add.f32.msk vm0, v7  }
0x1fc: {  	v6 =	vld [tilespmem:$0x1030];
	_ =	sdelay $0x4  }
0x1fd: {  	(xrf1) =	vunique.msk.u32 $0xffff, v6;
	_ =	sdelay $0xd  }
0x1fe: {  	_, v7, vm0 =	vpop (xrf1);
	_ =	sdelay $0x3  }
0x1ff: {  	v7 =	vcvt.s32.f32 v7;
	_ =	sdelay $0x1  }
0x200: {  	[tilespmem:v6+s22+$0x0] =	vst.idx.add.f32.msk vm0, v7  }
0x201: {  	v6 =	vld [tilespmem:$0x1040];
	_ =	sdelay $0x4  }
0x202: {  	(xrf1) =	vunique.msk.u32 $0xffff, v6;
	_ =	sdelay $0xd  }
0x203: {  	_, v7, vm0 =	vpop (xrf1);
	_ =	sdelay $0x3  }
0x204: {  	v7 =	vcvt.s32.f32 v7;
	_ =	sdelay $0x1  }
0x205: {  	[tilespmem:v6+s22+$0x0] =	vst.idx.add.f32.msk vm0, v7  }
0x206: {  	v6 =	vld [tilespmem:$0x1050];
	_ =	sdelay $0x4  }
0x207: {  	(xrf1) =	vunique.msk.u32 $0xffff, v6;
	_ =	sdelay $0xd  }
0x208: {  	_, v7, vm0 =	vpop (xrf1);
	_ =	sdelay $0x3  }
0x209: {  	v7 =	vcvt.s32.f32 v7;
	_ =	sdelay $0x1  }
0x20a: {  	[tilespmem:v6+s22+$0x0] =	vst.idx.add.f32.msk vm0, v7  }
0x20b: {  	v6 =	vld [tilespmem:$0x1060];
	_ =	sdelay $0x4  }
0x20c: {  	(xrf1) =	vunique.msk.u32 $0xffff, v6;
	_ =	sdelay $0xd  }
0x20d: {  	_, v7, vm0 =	vpop (xrf1);
	_ =	sdelay $0x3  }
0x20e: {  	v7 =	vcvt.s32.f32 v7;
	_ =	sdelay $0x1  }
0x20f: {  	[tilespmem:v6+s22+$0x0] =	vst.idx.add.f32.msk vm0, v7  }
0x210: {  	v6 =	vld [tilespmem:$0x1070];
	_ =	sdelay $0x4  }
0x211: {  	(xrf1) =	vunique.msk.u32 $0xffff, v6;
	_ =	sdelay $0xd  }
0x212: {  	_, v7, vm0 =	vpop (xrf1);
	_ =	sdelay $0x3  }
0x213: {  	v7 =	vcvt.s32.f32 v7;
	_ =	sdelay $0x1  }
0x214: {  	[tilespmem:v6+s22+$0x0] =	vst.idx.add.f32.msk vm0, v7  }
0x215: {  	_ =	swait.ge [sflag:s23], $0x4000  }
0x216: {  	[sflag:s23] =	ssyncset.done $0x0  }
0x217: {  	s9 =	rddreg [dreg:$0x18];
	[sflag:s23] =	ssyncadd.s32 $0xFFFFC000  }
0x218: {  	[tilespmem:s19], [sflag:$0x1] =	stream.indirect.gather [hbm4b:s1+s18], $0x80, s9, s18, $0xb8;
	[tilespmem:$0x1FF00] =	vst v63  }
0x219: {  	_ =	swait.ge [sflag:s24], $0x4000  }
0x21a: {  	[sflag:s24] =	ssyncset.done $0x0  }
0x21b: {  	s9 =	rddreg [dreg:$0x19];
	[sflag:s24] =	ssyncadd.s32 $0xFFFFC000  }
0x21c: {  	[spmem:s3] =	stream.indirect.scatter.add.f32 [tilespmem:s20], [sflag:$0x4], $0x80, s9, s18, $0xb8;
	[tilespmem:$0x1FF00] =	vst v63  }
0x21d: {  	v6 =	vld [tilespmem:$0x1080];
	_ =	sdelay $0x4  }
0x21e: {  	(xrf1) =	vunique.msk.u32 $0xffff, v6;
	_ =	sdelay $0xd  }
0x21f: {  	_, v7, vm0 =	vpop (xrf1);
	_ =	sdelay $0x3  }
0x220: {  	v7 =	vcvt.s32.f32 v7;
	_ =	sdelay $0x1  }
0x221: {  	[tilespmem:v6+s22+$0x0] =	vst.idx.add.f32.msk vm0, v7  }
0x222: {  	v6 =	vld [tilespmem:$0x1090];
	_ =	sdelay $0x4  }
0x223: {  	(xrf1) =	vunique.msk.u32 $0xffff, v6;
	_ =	sdelay $0xd  }
0x224: {  	_, v7, vm0 =	vpop (xrf1);
	_ =	sdelay $0x3  }
0x225: {  	v7 =	vcvt.s32.f32 v7;
	_ =	sdelay $0x1  }
0x226: {  	[tilespmem:v6+s22+$0x0] =	vst.idx.add.f32.msk vm0, v7  }
0x227: {  	v6 =	vld [tilespmem:$0x10A0];
	_ =	sdelay $0x4  }
0x228: {  	(xrf1) =	vunique.msk.u32 $0xffff, v6;
	_ =	sdelay $0xd  }
0x229: {  	_, v7, vm0 =	vpop (xrf1);
	_ =	sdelay $0x3  }
0x22a: {  	v7 =	vcvt.s32.f32 v7;
	_ =	sdelay $0x1  }
0x22b: {  	[tilespmem:v6+s22+$0x0] =	vst.idx.add.f32.msk vm0, v7  }
0x22c: {  	v6 =	vld [tilespmem:$0x10B0];
	_ =	sdelay $0x4  }
0x22d: {  	(xrf1) =	vunique.msk.u32 $0xffff, v6;
	_ =	sdelay $0xd  }
0x22e: {  	_, v7, vm0 =	vpop (xrf1);
	_ =	sdelay $0x3  }
0x22f: {  	v7 =	vcvt.s32.f32 v7;
	_ =	sdelay $0x1  }
0x230: {  	[tilespmem:v6+s22+$0x0] =	vst.idx.add.f32.msk vm0, v7  }
0x231: {  	v6 =	vld [tilespmem:$0x10C0];
	_ =	sdelay $0x4  }
0x232: {  	(xrf1) =	vunique.msk.u32 $0xffff, v6;
	_ =	sdelay $0xd  }
0x233: {  	_, v7, vm0 =	vpop (xrf1);
	_ =	sdelay $0x3  }
0x234: {  	v7 =	vcvt.s32.f32 v7;
	_ =	sdelay $0x1  }
0x235: {  	[tilespmem:v6+s22+$0x0] =	vst.idx.add.f32.msk vm0, v7  }
0x236: {  	v6 =	vld [tilespmem:$0x10D0];
	_ =	sdelay $0x4  }
0x237: {  	(xrf1) =	vunique.msk.u32 $0xffff, v6;
	_ =	sdelay $0xd  }
0x238: {  	_, v7, vm0 =	vpop (xrf1);
	_ =	sdelay $0x3  }
0x239: {  	v7 =	vcvt.s32.f32 v7;
	_ =	sdelay $0x1  }
0x23a: {  	[tilespmem:v6+s22+$0x0] =	vst.idx.add.f32.msk vm0, v7  }
0x23b: {  	v6 =	vld [tilespmem:$0x10E0];
	_ =	sdelay $0x4  }
0x23c: {  	(xrf1) =	vunique.msk.u32 $0xffff, v6;
	_ =	sdelay $0xd  }
0x23d: {  	_, v7, vm0 =	vpop (xrf1);
	_ =	sdelay $0x3  }
0x23e: {  	v7 =	vcvt.s32.f32 v7;
	_ =	sdelay $0x1  }
0x23f: {  	[tilespmem:v6+s22+$0x0] =	vst.idx.add.f32.msk vm0, v7  }
0x240: {  	v6 =	vld [tilespmem:$0x10F0];
	_ =	sdelay $0x4  }
0x241: {  	(xrf1) =	vunique.msk.u32 $0xffff, v6;
	_ =	sdelay $0xd  }
0x242: {  	_, v7, vm0 =	vpop (xrf1);
	_ =	sdelay $0x3  }
0x243: {  	v7 =	vcvt.s32.f32 v7;
	_ =	sdelay $0x1  }
0x244: {  	[tilespmem:v6+s22+$0x0] =	vst.idx.add.f32.msk vm0, v7  }
0x245: {  	_ =	swait.ge [sflag:s25], $0x4000  }
0x246: {  	[sflag:s25] =	ssyncset.done $0x0  }
0x247: {  	s9 =	rddreg [dreg:$0x1a];
	[sflag:s25] =	ssyncadd.s32 $0xFFFFC000  }
0x248: {  	[tilespmem:s20], [sflag:$0x2] =	stream.indirect.gather [hbm4b:s1+s18], $0x80, s9, s18, $0xb8;
	[tilespmem:$0x1FF00] =	vst v63  }
0x249: {  	_ =	swait.ge [sflag:s21], $0x4000  }
0x24a: {  	[sflag:s21] =	ssyncset.done $0x0  }
0x24b: {  	s9 =	rddreg [dreg:$0x1b];
	[sflag:s21] =	ssyncadd.s32 $0xFFFFC000  }
0x24c: {  	[spmem:s3] =	stream.indirect.scatter.add.f32 [tilespmem:s19], [sflag:$0x3], $0x80, s9, s18, $0xb8;
	[tilespmem:$0x1FF00] =	vst v63  }
0x24d: {  	v6 =	vld [tilespmem:$0x1100];
	_ =	sdelay $0x4  }
0x24e: {  	(xrf1) =	vunique.msk.u32 $0xffff, v6;
	_ =	sdelay $0xd  }
0x24f: {  	_, v7, vm0 =	vpop (xrf1);
	_ =	sdelay $0x3  }
0x250: {  	v7 =	vcvt.s32.f32 v7;
	_ =	sdelay $0x1  }
0x251: {  	[tilespmem:v6+s22+$0x0] =	vst.idx.add.f32.msk vm0, v7  }
0x252: {  	v6 =	vld [tilespmem:$0x1110];
	_ =	sdelay $0x4  }
0x253: {  	(xrf1) =	vunique.msk.u32 $0xffff, v6;
	_ =	sdelay $0xd  }
0x254: {  	_, v7, vm0 =	vpop (xrf1);
	_ =	sdelay $0x3  }
0x255: {  	v7 =	vcvt.s32.f32 v7;
	_ =	sdelay $0x1  }
0x256: {  	[tilespmem:v6+s22+$0x0] =	vst.idx.add.f32.msk vm0, v7  }
0x257: {  	v6 =	vld [tilespmem:$0x1120];
	_ =	sdelay $0x4  }
0x258: {  	(xrf1) =	vunique.msk.u32 $0xffff, v6;
	_ =	sdelay $0xd  }
0x259: {  	_, v7, vm0 =	vpop (xrf1);
	_ =	sdelay $0x3  }
0x25a: {  	v7 =	vcvt.s32.f32 v7;
	_ =	sdelay $0x1  }
0x25b: {  	[tilespmem:v6+s22+$0x0] =	vst.idx.add.f32.msk vm0, v7  }
0x25c: {  	v6 =	vld [tilespmem:$0x1130];
	_ =	sdelay $0x4  }
0x25d: {  	(xrf1) =	vunique.msk.u32 $0xffff, v6;
	_ =	sdelay $0xd  }
0x25e: {  	_, v7, vm0 =	vpop (xrf1);
	_ =	sdelay $0x3  }
0x25f: {  	v7 =	vcvt.s32.f32 v7;
	_ =	sdelay $0x1  }
0x260: {  	[tilespmem:v6+s22+$0x0] =	vst.idx.add.f32.msk vm0, v7  }
0x261: {  	v6 =	vld [tilespmem:$0x1140];
	_ =	sdelay $0x4  }
0x262: {  	(xrf1) =	vunique.msk.u32 $0xffff, v6;
	_ =	sdelay $0xd  }
0x263: {  	_, v7, vm0 =	vpop (xrf1);
	_ =	sdelay $0x3  }
0x264: {  	v7 =	vcvt.s32.f32 v7;
	_ =	sdelay $0x1  }
0x265: {  	[tilespmem:v6+s22+$0x0] =	vst.idx.add.f32.msk vm0, v7  }
0x266: {  	v6 =	vld [tilespmem:$0x1150];
	_ =	sdelay $0x4  }
0x267: {  	(xrf1) =	vunique.msk.u32 $0xffff, v6;
	_ =	sdelay $0xd  }
0x268: {  	_, v7, vm0 =	vpop (xrf1);
	_ =	sdelay $0x3  }
0x269: {  	v7 =	vcvt.s32.f32 v7;
	_ =	sdelay $0x1  }
0x26a: {  	[tilespmem:v6+s22+$0x0] =	vst.idx.add.f32.msk vm0, v7  }
0x26b: {  	v6 =	vld [tilespmem:$0x1160];
	_ =	sdelay $0x4  }
0x26c: {  	(xrf1) =	vunique.msk.u32 $0xffff, v6;
	_ =	sdelay $0xd  }
0x26d: {  	_, v7, vm0 =	vpop (xrf1);
	_ =	sdelay $0x3  }
0x26e: {  	v7 =	vcvt.s32.f32 v7;
	_ =	sdelay $0x1  }
0x26f: {  	[tilespmem:v6+s22+$0x0] =	vst.idx.add.f32.msk vm0, v7  }
0x270: {  	v6 =	vld [tilespmem:$0x1170];
	_ =	sdelay $0x4  }
0x271: {  	(xrf1) =	vunique.msk.u32 $0xffff, v6;
	_ =	sdelay $0xd  }
0x272: {  	_, v7, vm0 =	vpop (xrf1);
	_ =	sdelay $0x3  }
0x273: {  	v7 =	vcvt.s32.f32 v7;
	_ =	sdelay $0x1  }
0x274: {  	[tilespmem:v6+s22+$0x0] =	vst.idx.add.f32.msk vm0, v7  }
0x275: {  	_ =	swait.ge [sflag:s23], $0x4000  }
0x276: {  	[sflag:s23] =	ssyncset.done $0x0  }
0x277: {  	s9 =	rddreg [dreg:$0x1c];
	[sflag:s23] =	ssyncadd.s32 $0xFFFFC000  }
0x278: {  	[tilespmem:s19], [sflag:$0x1] =	stream.indirect.gather [hbm4b:s1+s18], $0x80, s9, s18, $0xb8;
	[tilespmem:$0x1FF00] =	vst v63  }
0x279: {  	_ =	swait.ge [sflag:s24], $0x4000  }
0x27a: {  	[sflag:s24] =	ssyncset.done $0x0  }
0x27b: {  	s9 =	rddreg [dreg:$0x1d];
	[sflag:s24] =	ssyncadd.s32 $0xFFFFC000  }
0x27c: {  	[spmem:s3] =	stream.indirect.scatter.add.f32 [tilespmem:s20], [sflag:$0x4], $0x80, s9, s18, $0xb8;
	[tilespmem:$0x1FF00] =	vst v63  }
0x27d: {  	v6 =	vld [tilespmem:$0x1180];
	_ =	sdelay $0x4  }
0x27e: {  	(xrf1) =	vunique.msk.u32 $0xffff, v6;
	_ =	sdelay $0xd  }
0x27f: {  	_, v7, vm0 =	vpop (xrf1);
	_ =	sdelay $0x3  }
0x280: {  	v7 =	vcvt.s32.f32 v7;
	_ =	sdelay $0x1  }
0x281: {  	[tilespmem:v6+s22+$0x0] =	vst.idx.add.f32.msk vm0, v7  }
0x282: {  	v6 =	vld [tilespmem:$0x1190];
	_ =	sdelay $0x4  }
0x283: {  	(xrf1) =	vunique.msk.u32 $0xffff, v6;
	_ =	sdelay $0xd  }
0x284: {  	_, v7, vm0 =	vpop (xrf1);
	_ =	sdelay $0x3  }
0x285: {  	v7 =	vcvt.s32.f32 v7;
	_ =	sdelay $0x1  }
0x286: {  	[tilespmem:v6+s22+$0x0] =	vst.idx.add.f32.msk vm0, v7  }
0x287: {  	v6 =	vld [tilespmem:$0x11A0];
	_ =	sdelay $0x4  }
0x288: {  	(xrf1) =	vunique.msk.u32 $0xffff, v6;
	_ =	sdelay $0xd  }
0x289: {  	_, v7, vm0 =	vpop (xrf1);
	_ =	sdelay $0x3  }
0x28a: {  	v7 =	vcvt.s32.f32 v7;
	_ =	sdelay $0x1  }
0x28b: {  	[tilespmem:v6+s22+$0x0] =	vst.idx.add.f32.msk vm0, v7  }
0x28c: {  	v6 =	vld [tilespmem:$0x11B0];
	_ =	sdelay $0x4  }
0x28d: {  	(xrf1) =	vunique.msk.u32 $0xffff, v6;
	_ =	sdelay $0xd  }
0x28e: {  	_, v7, vm0 =	vpop (xrf1);
	_ =	sdelay $0x3  }
0x28f: {  	v7 =	vcvt.s32.f32 v7;
	_ =	sdelay $0x1  }
0x290: {  	[tilespmem:v6+s22+$0x0] =	vst.idx.add.f32.msk vm0, v7  }
0x291: {  	v6 =	vld [tilespmem:$0x11C0];
	_ =	sdelay $0x4  }
0x292: {  	(xrf1) =	vunique.msk.u32 $0xffff, v6;
	_ =	sdelay $0xd  }
0x293: {  	_, v7, vm0 =	vpop (xrf1);
	_ =	sdelay $0x3  }
0x294: {  	v7 =	vcvt.s32.f32 v7;
	_ =	sdelay $0x1  }
0x295: {  	[tilespmem:v6+s22+$0x0] =	vst.idx.add.f32.msk vm0, v7  }
0x296: {  	v6 =	vld [tilespmem:$0x11D0];
	_ =	sdelay $0x4  }
0x297: {  	(xrf1) =	vunique.msk.u32 $0xffff, v6;
	_ =	sdelay $0xd  }
0x298: {  	_, v7, vm0 =	vpop (xrf1);
	_ =	sdelay $0x3  }
0x299: {  	v7 =	vcvt.s32.f32 v7;
	_ =	sdelay $0x1  }
0x29a: {  	[tilespmem:v6+s22+$0x0] =	vst.idx.add.f32.msk vm0, v7  }
0x29b: {  	v6 =	vld [tilespmem:$0x11E0];
	_ =	sdelay $0x4  }
0x29c: {  	(xrf1) =	vunique.msk.u32 $0xffff, v6;
	_ =	sdelay $0xd  }
0x29d: {  	_, v7, vm0 =	vpop (xrf1);
	_ =	sdelay $0x3  }
0x29e: {  	v7 =	vcvt.s32.f32 v7;
	_ =	sdelay $0x1  }
0x29f: {  	[tilespmem:v6+s22+$0x0] =	vst.idx.add.f32.msk vm0, v7  }
0x2a0: {  	v6 =	vld [tilespmem:$0x11F0];
	_ =	sdelay $0x4  }
0x2a1: {  	(xrf1) =	vunique.msk.u32 $0xffff, v6;
	_ =	sdelay $0xd  }
0x2a2: {  	_, v7, vm0 =	vpop (xrf1);
	_ =	sdelay $0x3  }
0x2a3: {  	v7 =	vcvt.s32.f32 v7;
	_ =	sdelay $0x1  }
0x2a4: {  	[tilespmem:v6+s22+$0x0] =	vst.idx.add.f32.msk vm0, v7  }
0x2a5: {  	_ =	swait.ge [sflag:s25], $0x4000  }
0x2a6: {  	[sflag:s25] =	ssyncset.done $0x0  }
0x2a7: {  	s9 =	rddreg [dreg:$0x1e];
	[sflag:s25] =	ssyncadd.s32 $0xFFFFC000  }
0x2a8: {  	[tilespmem:s20], [sflag:$0x2] =	stream.indirect.gather [hbm4b:s1+s18], $0x80, s9, s18, $0xb8;
	[tilespmem:$0x1FF00] =	vst v63  }
0x2a9: {  	_ =	swait.ge [sflag:s21], $0x4000  }
0x2aa: {  	[sflag:s21] =	ssyncset.done $0x0  }
0x2ab: {  	[sflag:s21] =	ssyncadd.s32 $0xFFFFC000  }
0x2ac: {  	[spmem:s3] =	stream.indirect.scatter.add.f32 [tilespmem:s19], [sflag:$0x3], $0x80, s26, s18, $0xb8;
	[tilespmem:$0x1FF00] =	vst v63  }
0x2ad: {  	v6 =	vld [tilespmem:$0x1200];
	_ =	sdelay $0x4  }
0x2ae: {  	(xrf1) =	vunique.msk.u32 $0xffff, v6;
	_ =	sdelay $0xd  }
0x2af: {  	_, v7, vm0 =	vpop (xrf1);
	_ =	sdelay $0x3  }
0x2b0: {  	v7 =	vcvt.s32.f32 v7;
	_ =	sdelay $0x1  }
0x2b1: {  	[tilespmem:v6+s22+$0x0] =	vst.idx.add.f32.msk vm0, v7  }
0x2b2: {  	v6 =	vld [tilespmem:$0x1210];
	_ =	sdelay $0x4  }
0x2b3: {  	(xrf1) =	vunique.msk.u32 $0xffff, v6;
	_ =	sdelay $0xd  }
0x2b4: {  	_, v7, vm0 =	vpop (xrf1);
	_ =	sdelay $0x3  }
0x2b5: {  	v7 =	vcvt.s32.f32 v7;
	_ =	sdelay $0x1  }
0x2b6: {  	[tilespmem:v6+s22+$0x0] =	vst.idx.add.f32.msk vm0, v7  }
0x2b7: {  	v6 =	vld [tilespmem:$0x1220];
	_ =	sdelay $0x4  }
0x2b8: {  	(xrf1) =	vunique.msk.u32 $0xffff, v6;
	_ =	sdelay $0xd  }
0x2b9: {  	_, v7, vm0 =	vpop (xrf1);
	_ =	sdelay $0x3  }
0x2ba: {  	v7 =	vcvt.s32.f32 v7;
	_ =	sdelay $0x1  }
0x2bb: {  	[tilespmem:v6+s22+$0x0] =	vst.idx.add.f32.msk vm0, v7  }
0x2bc: {  	v6 =	vld [tilespmem:$0x1230];
	_ =	sdelay $0x4  }
0x2bd: {  	(xrf1) =	vunique.msk.u32 $0xffff, v6;
	_ =	sdelay $0xd  }
0x2be: {  	_, v7, vm0 =	vpop (xrf1);
	_ =	sdelay $0x3  }
0x2bf: {  	v7 =	vcvt.s32.f32 v7;
	_ =	sdelay $0x1  }
0x2c0: {  	[tilespmem:v6+s22+$0x0] =	vst.idx.add.f32.msk vm0, v7  }
0x2c1: {  	v6 =	vld [tilespmem:$0x1240];
	_ =	sdelay $0x4  }
0x2c2: {  	(xrf1) =	vunique.msk.u32 $0xffff, v6;
	_ =	sdelay $0xd  }
0x2c3: {  	_, v7, vm0 =	vpop (xrf1);
	_ =	sdelay $0x3  }
0x2c4: {  	v7 =	vcvt.s32.f32 v7;
	_ =	sdelay $0x1  }
0x2c5: {  	[tilespmem:v6+s22+$0x0] =	vst.idx.add.f32.msk vm0, v7  }
0x2c6: {  	v6 =	vld [tilespmem:$0x1250];
	_ =	sdelay $0x4  }
0x2c7: {  	(xrf1) =	vunique.msk.u32 $0xffff, v6;
	_ =	sdelay $0xd  }
0x2c8: {  	_, v7, vm0 =	vpop (xrf1);
	_ =	sdelay $0x3  }
0x2c9: {  	v7 =	vcvt.s32.f32 v7;
	_ =	sdelay $0x1  }
0x2ca: {  	[tilespmem:v6+s22+$0x0] =	vst.idx.add.f32.msk vm0, v7  }
0x2cb: {  	v6 =	vld [tilespmem:$0x1260];
	_ =	sdelay $0x4  }
0x2cc: {  	(xrf1) =	vunique.msk.u32 $0xffff, v6;
	_ =	sdelay $0xd  }
0x2cd: {  	_, v7, vm0 =	vpop (xrf1);
	_ =	sdelay $0x3  }
0x2ce: {  	v7 =	vcvt.s32.f32 v7;
	_ =	sdelay $0x1  }
0x2cf: {  	[tilespmem:v6+s22+$0x0] =	vst.idx.add.f32.msk vm0, v7  }
0x2d0: {  	v6 =	vld [tilespmem:$0x1270];
	_ =	sdelay $0x4  }
0x2d1: {  	(xrf1) =	vunique.msk.u32 $0xffff, v6;
	_ =	sdelay $0xd  }
0x2d2: {  	_, v7, vm0 =	vpop (xrf1);
	_ =	sdelay $0x3  }
0x2d3: {  	v7 =	vcvt.s32.f32 v7;
	_ =	sdelay $0x1  }
0x2d4: {  	[tilespmem:v6+s22+$0x0] =	vst.idx.add.f32.msk vm0, v7  }
0x2d5: {  	_ =	swait.ge [sflag:s23], $0x4000  }
0x2d6: {  	[sflag:s23] =	ssyncset.done $0x0  }
0x2d7: {  	[sflag:s23] =	ssyncadd.s32 $0xFFFFC000  }
0x2d8: {  	[tilespmem:s19], [sflag:$0x1] =	stream.indirect.gather [hbm4b:s1+s18], $0x80, s28, s18, $0xb8;
	[tilespmem:$0x1FF00] =	vst v63  }
0x2d9: {  	_ =	swait.ge [sflag:s24], $0x4000  }
0x2da: {  	[sflag:s24] =	ssyncset.done $0x0  }
0x2db: {  	[sflag:s24] =	ssyncadd.s32 $0xFFFFC000  }
0x2dc: {  	[spmem:s3] =	stream.indirect.scatter.add.f32 [tilespmem:s20], [sflag:$0x4], $0x80, s29, s18, $0xb8;
	[tilespmem:$0x1FF00] =	vst v63  }
0x2dd: {  	v6 =	vld [tilespmem:$0x1280];
	_ =	sdelay $0x4  }
0x2de: {  	(xrf1) =	vunique.msk.u32 $0xffff, v6;
	_ =	sdelay $0xd  }
0x2df: {  	_, v7, vm0 =	vpop (xrf1);
	_ =	sdelay $0x3  }
0x2e0: {  	v7 =	vcvt.s32.f32 v7;
	_ =	sdelay $0x1  }
0x2e1: {  	[tilespmem:v6+s22+$0x0] =	vst.idx.add.f32.msk vm0, v7  }
0x2e2: {  	v6 =	vld [tilespmem:$0x1290];
	_ =	sdelay $0x4  }
0x2e3: {  	(xrf1) =	vunique.msk.u32 $0xffff, v6;
	_ =	sdelay $0xd  }
0x2e4: {  	_, v7, vm0 =	vpop (xrf1);
	_ =	sdelay $0x3  }
0x2e5: {  	v7 =	vcvt.s32.f32 v7;
	_ =	sdelay $0x1  }
0x2e6: {  	[tilespmem:v6+s22+$0x0] =	vst.idx.add.f32.msk vm0, v7  }
0x2e7: {  	v6 =	vld [tilespmem:$0x12A0];
	_ =	sdelay $0x4  }
0x2e8: {  	(xrf1) =	vunique.msk.u32 $0xffff, v6;
	_ =	sdelay $0xd  }
0x2e9: {  	_, v7, vm0 =	vpop (xrf1);
	_ =	sdelay $0x3  }
0x2ea: {  	v7 =	vcvt.s32.f32 v7;
	_ =	sdelay $0x1  }
0x2eb: {  	[tilespmem:v6+s22+$0x0] =	vst.idx.add.f32.msk vm0, v7  }
0x2ec: {  	v6 =	vld [tilespmem:$0x12B0];
	_ =	sdelay $0x4  }
0x2ed: {  	(xrf1) =	vunique.msk.u32 $0xffff, v6;
	_ =	sdelay $0xd  }
0x2ee: {  	_, v7, vm0 =	vpop (xrf1);
	_ =	sdelay $0x3  }
0x2ef: {  	v7 =	vcvt.s32.f32 v7;
	_ =	sdelay $0x1  }
0x2f0: {  	[tilespmem:v6+s22+$0x0] =	vst.idx.add.f32.msk vm0, v7  }
0x2f1: {  	v6 =	vld [tilespmem:$0x12C0];
	_ =	sdelay $0x4  }
0x2f2: {  	(xrf1) =	vunique.msk.u32 $0xffff, v6;
	_ =	sdelay $0xd  }
0x2f3: {  	_, v7, vm0 =	vpop (xrf1);
	_ =	sdelay $0x3  }
0x2f4: {  	v7 =	vcvt.s32.f32 v7;
	_ =	sdelay $0x1  }
0x2f5: {  	[tilespmem:v6+s22+$0x0] =	vst.idx.add.f32.msk vm0, v7  }
0x2f6: {  	v6 =	vld [tilespmem:$0x12D0];
	_ =	sdelay $0x4  }
0x2f7: {  	(xrf1) =	vunique.msk.u32 $0xffff, v6;
	_ =	sdelay $0xd  }
0x2f8: {  	_, v7, vm0 =	vpop (xrf1);
	_ =	sdelay $0x3  }
0x2f9: {  	v7 =	vcvt.s32.f32 v7;
	_ =	sdelay $0x1  }
0x2fa: {  	[tilespmem:v6+s22+$0x0] =	vst.idx.add.f32.msk vm0, v7  }
0x2fb: {  	v6 =	vld [tilespmem:$0x12E0];
	_ =	sdelay $0x4  }
0x2fc: {  	(xrf1) =	vunique.msk.u32 $0xffff, v6;
	_ =	sdelay $0xd  }
0x2fd: {  	_, v7, vm0 =	vpop (xrf1);
	_ =	sdelay $0x3  }
0x2fe: {  	v7 =	vcvt.s32.f32 v7;
	_ =	sdelay $0x1  }
0x2ff: {  	[tilespmem:v6+s22+$0x0] =	vst.idx.add.f32.msk vm0, v7  }
0x300: {  	v6 =	vld [tilespmem:$0x12F0];
	_ =	sdelay $0x4  }
0x301: {  	(xrf1) =	vunique.msk.u32 $0xffff, v6;
	_ =	sdelay $0xd  }
0x302: {  	_, v7, vm0 =	vpop (xrf1);
	_ =	sdelay $0x3  }
0x303: {  	v7 =	vcvt.s32.f32 v7;
	_ =	sdelay $0x1  }
0x304: {  	[tilespmem:v6+s22+$0x0] =	vst.idx.add.f32.msk vm0, v7  }
0x305: {  	_ =	swait.ge [sflag:s25], $0x4000  }
0x306: {  	[sflag:s25] =	ssyncset.done $0x0  }
0x307: {  	[sflag:s25] =	ssyncadd.s32 $0xFFFFC000  }
0x308: {  	[tilespmem:s20], [sflag:$0x2] =	stream.indirect.gather [hbm4b:s1+s18], $0x80, s30, s18, $0xb8;
	[tilespmem:$0x1FF00] =	vst v63  }
0x309: {  	_ =	swait.ge [sflag:s21], $0x4000  }
0x30a: {  	[sflag:s21] =	ssyncset.done $0x0  }
0x30b: {  	[sflag:s21] =	ssyncadd.s32 $0xFFFFC000  }
0x30c: {  	[spmem:s3] =	stream.indirect.scatter.add.f32 [tilespmem:s19], [sflag:$0x3], $0x80, s31, s18, $0xb8;
	[tilespmem:$0x1FF00] =	vst v63  }
0x30d: {  	v6 =	vld [tilespmem:$0x1300];
	_ =	sdelay $0x4  }
0x30e: {  	(xrf1) =	vunique.msk.u32 $0xffff, v6;
	_ =	sdelay $0xd  }
0x30f: {  	_, v7, vm0 =	vpop (xrf1);
	_ =	sdelay $0x3  }
0x310: {  	v7 =	vcvt.s32.f32 v7;
	_ =	sdelay $0x1  }
0x311: {  	[tilespmem:v6+s22+$0x0] =	vst.idx.add.f32.msk vm0, v7  }
0x312: {  	v6 =	vld [tilespmem:$0x1310];
	_ =	sdelay $0x4  }
0x313: {  	(xrf1) =	vunique.msk.u32 $0xffff, v6;
	_ =	sdelay $0xd  }
0x314: {  	_, v7, vm0 =	vpop (xrf1);
	_ =	sdelay $0x3  }
0x315: {  	v7 =	vcvt.s32.f32 v7;
	_ =	sdelay $0x1  }
0x316: {  	[tilespmem:v6+s22+$0x0] =	vst.idx.add.f32.msk vm0, v7  }
0x317: {  	v6 =	vld [tilespmem:$0x1320];
	_ =	sdelay $0x4  }
0x318: {  	(xrf1) =	vunique.msk.u32 $0xffff, v6;
	_ =	sdelay $0xd  }
0x319: {  	_, v7, vm0 =	vpop (xrf1);
	_ =	sdelay $0x3  }
0x31a: {  	v7 =	vcvt.s32.f32 v7;
	_ =	sdelay $0x1  }
0x31b: {  	[tilespmem:v6+s22+$0x0] =	vst.idx.add.f32.msk vm0, v7  }
0x31c: {  	v6 =	vld [tilespmem:$0x1330];
	_ =	sdelay $0x4  }
0x31d: {  	(xrf1) =	vunique.msk.u32 $0xffff, v6;
	_ =	sdelay $0xd  }
0x31e: {  	_, v7, vm0 =	vpop (xrf1);
	_ =	sdelay $0x3  }
0x31f: {  	v7 =	vcvt.s32.f32 v7;
	_ =	sdelay $0x1  }
0x320: {  	[tilespmem:v6+s22+$0x0] =	vst.idx.add.f32.msk vm0, v7  }
0x321: {  	v6 =	vld [tilespmem:$0x1340];
	_ =	sdelay $0x4  }
0x322: {  	(xrf1) =	vunique.msk.u32 $0xffff, v6;
	_ =	sdelay $0xd  }
0x323: {  	_, v7, vm0 =	vpop (xrf1);
	_ =	sdelay $0x3  }
0x324: {  	v7 =	vcvt.s32.f32 v7;
	_ =	sdelay $0x1  }
0x325: {  	[tilespmem:v6+s22+$0x0] =	vst.idx.add.f32.msk vm0, v7  }
0x326: {  	v6 =	vld [tilespmem:$0x1350];
	_ =	sdelay $0x4  }
0x327: {  	(xrf1) =	vunique.msk.u32 $0xffff, v6;
	_ =	sdelay $0xd  }
0x328: {  	_, v7, vm0 =	vpop (xrf1);
	_ =	sdelay $0x3  }
0x329: {  	v7 =	vcvt.s32.f32 v7;
	_ =	sdelay $0x1  }
0x32a: {  	[tilespmem:v6+s22+$0x0] =	vst.idx.add.f32.msk vm0, v7  }
0x32b: {  	v6 =	vld [tilespmem:$0x1360];
	_ =	sdelay $0x4  }
0x32c: {  	(xrf1) =	vunique.msk.u32 $0xffff, v6;
	_ =	sdelay $0xd  }
0x32d: {  	_, v7, vm0 =	vpop (xrf1);
	_ =	sdelay $0x3  }
0x32e: {  	v7 =	vcvt.s32.f32 v7;
	_ =	sdelay $0x1  }
0x32f: {  	[tilespmem:v6+s22+$0x0] =	vst.idx.add.f32.msk vm0, v7  }
0x330: {  	v6 =	vld [tilespmem:$0x1370];
	_ =	sdelay $0x4  }
0x331: {  	(xrf1) =	vunique.msk.u32 $0xffff, v6;
	_ =	sdelay $0xd  }
0x332: {  	_, v7, vm0 =	vpop (xrf1);
	_ =	sdelay $0x3  }
0x333: {  	v7 =	vcvt.s32.f32 v7;
	_ =	sdelay $0x1  }
0x334: {  	[tilespmem:v6+s22+$0x0] =	vst.idx.add.f32.msk vm0, v7  }
0x335: {  	_ =	swait.ge [sflag:s23], $0x4000  }
0x336: {  	[sflag:s23] =	ssyncset.done $0x0  }
0x337: {  	[sflag:s23] =	ssyncadd.s32 $0xFFFFC000  }
0x338: {  	[tilespmem:s19], [sflag:$0x1] =	stream.indirect.gather [hbm4b:s1+s18], $0x80, s2, s18, $0xb8;
	[tilespmem:$0x1FF00] =	vst v63  }
0x339: {  	_ =	swait.ge [sflag:s24], $0x4000  }
0x33a: {  	[sflag:s24] =	ssyncset.done $0x0  }
0x33b: {  	[sflag:s24] =	ssyncadd.s32 $0xFFFFC000  }
0x33c: {  	[spmem:s3] =	stream.indirect.scatter.add.f32 [tilespmem:s20], [sflag:$0x4], $0x80, s0, s18, $0xb8;
	[tilespmem:$0x1FF00] =	vst v63  }
0x33d: {  	v6 =	vld [tilespmem:$0x1380];
	_ =	sdelay $0x4  }
0x33e: {  	(xrf1) =	vunique.msk.u32 $0xffff, v6;
	_ =	sdelay $0xd  }
0x33f: {  	_, v7, vm0 =	vpop (xrf1);
	_ =	sdelay $0x3  }
0x340: {  	v7 =	vcvt.s32.f32 v7;
	_ =	sdelay $0x1  }
0x341: {  	[tilespmem:v6+s22+$0x0] =	vst.idx.add.f32.msk vm0, v7  }
0x342: {  	v6 =	vld [tilespmem:$0x1390];
	_ =	sdelay $0x4  }
0x343: {  	(xrf1) =	vunique.msk.u32 $0xffff, v6;
	_ =	sdelay $0xd  }
0x344: {  	_, v7, vm0 =	vpop (xrf1);
	_ =	sdelay $0x3  }
0x345: {  	v7 =	vcvt.s32.f32 v7;
	_ =	sdelay $0x1  }
0x346: {  	[tilespmem:v6+s22+$0x0] =	vst.idx.add.f32.msk vm0, v7  }
0x347: {  	v6 =	vld [tilespmem:$0x13A0];
	_ =	sdelay $0x4  }
0x348: {  	(xrf1) =	vunique.msk.u32 $0xffff, v6;
	_ =	sdelay $0xd  }
0x349: {  	_, v7, vm0 =	vpop (xrf1);
	_ =	sdelay $0x3  }
0x34a: {  	v7 =	vcvt.s32.f32 v7;
	_ =	sdelay $0x1  }
0x34b: {  	[tilespmem:v6+s22+$0x0] =	vst.idx.add.f32.msk vm0, v7  }
0x34c: {  	v6 =	vld [tilespmem:$0x13B0];
	_ =	sdelay $0x4  }
0x34d: {  	(xrf1) =	vunique.msk.u32 $0xffff, v6;
	_ =	sdelay $0xd  }
0x34e: {  	_, v7, vm0 =	vpop (xrf1);
	_ =	sdelay $0x3  }
0x34f: {  	v7 =	vcvt.s32.f32 v7;
	_ =	sdelay $0x1  }
0x350: {  	[tilespmem:v6+s22+$0x0] =	vst.idx.add.f32.msk vm0, v7  }
0x351: {  	v6 =	vld [tilespmem:$0x13C0];
	_ =	sdelay $0x4  }
0x352: {  	(xrf1) =	vunique.msk.u32 $0xffff, v6;
	_ =	sdelay $0xd  }
0x353: {  	_, v7, vm0 =	vpop (xrf1);
	_ =	sdelay $0x3  }
0x354: {  	v7 =	vcvt.s32.f32 v7;
	_ =	sdelay $0x1  }
0x355: {  	[tilespmem:v6+s22+$0x0] =	vst.idx.add.f32.msk vm0, v7  }
0x356: {  	v6 =	vld [tilespmem:$0x13D0];
	_ =	sdelay $0x4  }
0x357: {  	(xrf1) =	vunique.msk.u32 $0xffff, v6;
	_ =	sdelay $0xd  }
0x358: {  	_, v7, vm0 =	vpop (xrf1);
	_ =	sdelay $0x3  }
0x359: {  	v7 =	vcvt.s32.f32 v7;
	_ =	sdelay $0x1  }
0x35a: {  	[tilespmem:v6+s22+$0x0] =	vst.idx.add.f32.msk vm0, v7  }
0x35b: {  	v6 =	vld [tilespmem:$0x13E0];
	_ =	sdelay $0x4  }
0x35c: {  	(xrf1) =	vunique.msk.u32 $0xffff, v6;
	_ =	sdelay $0xd  }
0x35d: {  	_, v7, vm0 =	vpop (xrf1);
	_ =	sdelay $0x3  }
0x35e: {  	v7 =	vcvt.s32.f32 v7;
	_ =	sdelay $0x1  }
0x35f: {  	[tilespmem:v6+s22+$0x0] =	vst.idx.add.f32.msk vm0, v7  }
0x360: {  	v6 =	vld [tilespmem:$0x13F0];
	_ =	sdelay $0x4  }
0x361: {  	(xrf1) =	vunique.msk.u32 $0xffff, v6;
	_ =	sdelay $0xd  }
0x362: {  	_, v7, vm0 =	vpop (xrf1);
	_ =	sdelay $0x3  }
0x363: {  	v7 =	vcvt.s32.f32 v7;
	_ =	sdelay $0x1  }
0x364: {  	[tilespmem:v6+s22+$0x0] =	vst.idx.add.f32.msk vm0, v7  }
0x365: {  	_ =	swait.ge [sflag:s25], $0x4000  }
0x366: {  	[sflag:s25] =	ssyncset.done $0x0  }
0x367: {  	[sflag:s25] =	ssyncadd.s32 $0xFFFFC000  }
0x368: {  	[tilespmem:s20], [sflag:$0x2] =	stream.indirect.gather [hbm4b:s1+s18], $0x80, s4, s18, $0xb8;
	[tilespmem:$0x1FF00] =	vst v63  }
0x369: {  	_ =	swait.ge [sflag:s21], $0x4000  }
0x36a: {  	[sflag:s21] =	ssyncset.done $0x0  }
0x36b: {  	[sflag:s21] =	ssyncadd.s32 $0xFFFFC000  }
0x36c: {  	[spmem:s3] =	stream.indirect.scatter.add.f32 [tilespmem:s19], [sflag:$0x3], $0x80, s7, s18, $0xb8;
	[tilespmem:$0x1FF00] =	vst v63  }
0x36d: {  	v6 =	vld [tilespmem:$0x1400];
	_ =	sdelay $0x4  }
0x36e: {  	(xrf1) =	vunique.msk.u32 $0xffff, v6;
	_ =	sdelay $0xd  }
0x36f: {  	_, v7, vm0 =	vpop (xrf1);
	_ =	sdelay $0x3  }
0x370: {  	v7 =	vcvt.s32.f32 v7;
	_ =	sdelay $0x1  }
0x371: {  	[tilespmem:v6+s22+$0x0] =	vst.idx.add.f32.msk vm0, v7  }
0x372: {  	v6 =	vld [tilespmem:$0x1410];
	_ =	sdelay $0x4  }
0x373: {  	(xrf1) =	vunique.msk.u32 $0xffff, v6;
	_ =	sdelay $0xd  }
0x374: {  	_, v7, vm0 =	vpop (xrf1);
	_ =	sdelay $0x3  }
0x375: {  	v7 =	vcvt.s32.f32 v7;
	_ =	sdelay $0x1  }
0x376: {  	[tilespmem:v6+s22+$0x0] =	vst.idx.add.f32.msk vm0, v7  }
0x377: {  	v6 =	vld [tilespmem:$0x1420];
	_ =	sdelay $0x4  }
0x378: {  	(xrf1) =	vunique.msk.u32 $0xffff, v6;
	_ =	sdelay $0xd  }
0x379: {  	_, v7, vm0 =	vpop (xrf1);
	_ =	sdelay $0x3  }
0x37a: {  	v7 =	vcvt.s32.f32 v7;
	_ =	sdelay $0x1  }
0x37b: {  	[tilespmem:v6+s22+$0x0] =	vst.idx.add.f32.msk vm0, v7  }
0x37c: {  	v6 =	vld [tilespmem:$0x1430];
	_ =	sdelay $0x4  }
0x37d: {  	(xrf1) =	vunique.msk.u32 $0xffff, v6;
	_ =	sdelay $0xd  }
0x37e: {  	_, v7, vm0 =	vpop (xrf1);
	_ =	sdelay $0x3  }
0x37f: {  	v7 =	vcvt.s32.f32 v7;
	_ =	sdelay $0x1  }
0x380: {  	[tilespmem:v6+s22+$0x0] =	vst.idx.add.f32.msk vm0, v7  }
0x381: {  	v6 =	vld [tilespmem:$0x1440];
	_ =	sdelay $0x4  }
0x382: {  	(xrf1) =	vunique.msk.u32 $0xffff, v6;
	_ =	sdelay $0xd  }
0x383: {  	_, v7, vm0 =	vpop (xrf1);
	_ =	sdelay $0x3  }
0x384: {  	v7 =	vcvt.s32.f32 v7;
	_ =	sdelay $0x1  }
0x385: {  	[tilespmem:v6+s22+$0x0] =	vst.idx.add.f32.msk vm0, v7  }
0x386: {  	v6 =	vld [tilespmem:$0x1450];
	_ =	sdelay $0x4  }
0x387: {  	(xrf1) =	vunique.msk.u32 $0xffff, v6;
	_ =	sdelay $0xd  }
0x388: {  	_, v7, vm0 =	vpop (xrf1);
	_ =	sdelay $0x3  }
0x389: {  	v7 =	vcvt.s32.f32 v7;
	_ =	sdelay $0x1  }
0x38a: {  	[tilespmem:v6+s22+$0x0] =	vst.idx.add.f32.msk vm0, v7  }
0x38b: {  	v6 =	vld [tilespmem:$0x1460];
	_ =	sdelay $0x4  }
0x38c: {  	(xrf1) =	vunique.msk.u32 $0xffff, v6;
	_ =	sdelay $0xd  }
0x38d: {  	_, v7, vm0 =	vpop (xrf1);
	_ =	sdelay $0x3  }
0x38e: {  	v7 =	vcvt.s32.f32 v7;
	_ =	sdelay $0x1  }
0x38f: {  	[tilespmem:v6+s22+$0x0] =	vst.idx.add.f32.msk vm0, v7  }
0x390: {  	v6 =	vld [tilespmem:$0x1470];
	_ =	sdelay $0x4  }
0x391: {  	(xrf1) =	vunique.msk.u32 $0xffff, v6;
	_ =	sdelay $0xd  }
0x392: {  	_, v7, vm0 =	vpop (xrf1);
	_ =	sdelay $0x3  }
0x393: {  	v7 =	vcvt.s32.f32 v7;
	_ =	sdelay $0x1  }
0x394: {  	[tilespmem:v6+s22+$0x0] =	vst.idx.add.f32.msk vm0, v7  }
0x395: {  	_ =	swait.ge [sflag:s23], $0x4000  }
0x396: {  	[sflag:s23] =	ssyncset.done $0x0  }
0x397: {  	[sflag:s23] =	ssyncadd.s32 $0xFFFFC000  }
0x398: {  	[tilespmem:s19], [sflag:$0x1] =	stream.indirect.gather [hbm4b:s1+s18], $0x80, s8, s18, $0xb8;
	[tilespmem:$0x1FF00] =	vst v63  }
0x399: {  	_ =	swait.ge [sflag:s24], $0x4000  }
0x39a: {  	[sflag:s24] =	ssyncset.done $0x0  }
0x39b: {  	[sflag:s24] =	ssyncadd.s32 $0xFFFFC000  }
0x39c: {  	[spmem:s3] =	stream.indirect.scatter.add.f32 [tilespmem:s20], [sflag:$0x4], $0x80, s11, s18, $0xb8;
	[tilespmem:$0x1FF00] =	vst v63  }
0x39d: {  	v6 =	vld [tilespmem:$0x1480];
	_ =	sdelay $0x4  }
0x39e: {  	(xrf1) =	vunique.msk.u32 $0xffff, v6;
	_ =	sdelay $0xd  }
0x39f: {  	_, v7, vm0 =	vpop (xrf1);
	_ =	sdelay $0x3  }
0x3a0: {  	v7 =	vcvt.s32.f32 v7;
	_ =	sdelay $0x1  }
0x3a1: {  	[tilespmem:v6+s22+$0x0] =	vst.idx.add.f32.msk vm0, v7  }
0x3a2: {  	v6 =	vld [tilespmem:$0x1490];
	_ =	sdelay $0x4  }
0x3a3: {  	(xrf1) =	vunique.msk.u32 $0xffff, v6;
	_ =	sdelay $0xd  }
0x3a4: {  	_, v7, vm0 =	vpop (xrf1);
	_ =	sdelay $0x3  }
0x3a5: {  	v7 =	vcvt.s32.f32 v7;
	_ =	sdelay $0x1  }
0x3a6: {  	[tilespmem:v6+s22+$0x0] =	vst.idx.add.f32.msk vm0, v7  }
0x3a7: {  	v6 =	vld [tilespmem:$0x14A0];
	_ =	sdelay $0x4  }
0x3a8: {  	(xrf1) =	vunique.msk.u32 $0xffff, v6;
	_ =	sdelay $0xd  }
0x3a9: {  	_, v7, vm0 =	vpop (xrf1);
	_ =	sdelay $0x3  }
0x3aa: {  	v7 =	vcvt.s32.f32 v7;
	_ =	sdelay $0x1  }
0x3ab: {  	[tilespmem:v6+s22+$0x0] =	vst.idx.add.f32.msk vm0, v7  }
0x3ac: {  	v6 =	vld [tilespmem:$0x14B0];
	_ =	sdelay $0x4  }
0x3ad: {  	(xrf1) =	vunique.msk.u32 $0xffff, v6;
	_ =	sdelay $0xd  }
0x3ae: {  	_, v7, vm0 =	vpop (xrf1);
	_ =	sdelay $0x3  }
0x3af: {  	v7 =	vcvt.s32.f32 v7;
	_ =	sdelay $0x1  }
0x3b0: {  	[tilespmem:v6+s22+$0x0] =	vst.idx.add.f32.msk vm0, v7  }
0x3b1: {  	v6 =	vld [tilespmem:$0x14C0];
	_ =	sdelay $0x4  }
0x3b2: {  	(xrf1) =	vunique.msk.u32 $0xffff, v6;
	_ =	sdelay $0xd  }
0x3b3: {  	_, v7, vm0 =	vpop (xrf1);
	_ =	sdelay $0x3  }
0x3b4: {  	v7 =	vcvt.s32.f32 v7;
	_ =	sdelay $0x1  }
0x3b5: {  	[tilespmem:v6+s22+$0x0] =	vst.idx.add.f32.msk vm0, v7  }
0x3b6: {  	v6 =	vld [tilespmem:$0x14D0];
	_ =	sdelay $0x4  }
0x3b7: {  	(xrf1) =	vunique.msk.u32 $0xffff, v6;
	_ =	sdelay $0xd  }
0x3b8: {  	_, v7, vm0 =	vpop (xrf1);
	_ =	sdelay $0x3  }
0x3b9: {  	v7 =	vcvt.s32.f32 v7;
	_ =	sdelay $0x1  }
0x3ba: {  	[tilespmem:v6+s22+$0x0] =	vst.idx.add.f32.msk vm0, v7  }
0x3bb: {  	v6 =	vld [tilespmem:$0x14E0];
	_ =	sdelay $0x4  }
0x3bc: {  	(xrf1) =	vunique.msk.u32 $0xffff, v6;
	_ =	sdelay $0xd  }
0x3bd: {  	_, v7, vm0 =	vpop (xrf1);
	_ =	sdelay $0x3  }
0x3be: {  	v7 =	vcvt.s32.f32 v7;
	_ =	sdelay $0x1  }
0x3bf: {  	[tilespmem:v6+s22+$0x0] =	vst.idx.add.f32.msk vm0, v7  }
0x3c0: {  	v6 =	vld [tilespmem:$0x14F0];
	_ =	sdelay $0x4  }
0x3c1: {  	(xrf1) =	vunique.msk.u32 $0xffff, v6;
	_ =	sdelay $0xd  }
0x3c2: {  	_, v7, vm0 =	vpop (xrf1);
	_ =	sdelay $0x3  }
0x3c3: {  	v7 =	vcvt.s32.f32 v7;
	_ =	sdelay $0x1  }
0x3c4: {  	[tilespmem:v6+s22+$0x0] =	vst.idx.add.f32.msk vm0, v7  }
0x3c5: {  	_ =	swait.ge [sflag:s25], $0x4000  }
0x3c6: {  	[sflag:s25] =	ssyncset.done $0x0  }
0x3c7: {  	[sflag:s25] =	ssyncadd.s32 $0xFFFFC000  }
0x3c8: {  	[tilespmem:s20], [sflag:$0x2] =	stream.indirect.gather [hbm4b:s1+s18], $0x80, s12, s18, $0xb8;
	[tilespmem:$0x1FF00] =	vst v63  }
0x3c9: {  	_ =	swait.ge [sflag:s21], $0x4000  }
0x3ca: {  	[sflag:s21] =	ssyncset.done $0x0  }
0x3cb: {  	[sflag:s21] =	ssyncadd.s32 $0xFFFFC000  }
0x3cc: {  	[spmem:s3] =	stream.indirect.scatter.add.f32 [tilespmem:s19], [sflag:$0x3], $0x80, s13, s18, $0xb8;
	[tilespmem:$0x1FF00] =	vst v63  }
0x3cd: {  	v6 =	vld [tilespmem:$0x1500];
	_ =	sdelay $0x4  }
0x3ce: {  	(xrf1) =	vunique.msk.u32 $0xffff, v6;
	_ =	sdelay $0xd  }
0x3cf: {  	_, v7, vm0 =	vpop (xrf1);
	_ =	sdelay $0x3  }
0x3d0: {  	v7 =	vcvt.s32.f32 v7;
	_ =	sdelay $0x1  }
0x3d1: {  	[tilespmem:v6+s22+$0x0] =	vst.idx.add.f32.msk vm0, v7  }
0x3d2: {  	v6 =	vld [tilespmem:$0x1510];
	_ =	sdelay $0x4  }
0x3d3: {  	(xrf1) =	vunique.msk.u32 $0xffff, v6;
	_ =	sdelay $0xd  }
0x3d4: {  	_, v7, vm0 =	vpop (xrf1);
	_ =	sdelay $0x3  }
0x3d5: {  	v7 =	vcvt.s32.f32 v7;
	_ =	sdelay $0x1  }
0x3d6: {  	[tilespmem:v6+s22+$0x0] =	vst.idx.add.f32.msk vm0, v7  }
0x3d7: {  	v6 =	vld [tilespmem:$0x1520];
	_ =	sdelay $0x4  }
0x3d8: {  	(xrf1) =	vunique.msk.u32 $0xffff, v6;
	_ =	sdelay $0xd  }
0x3d9: {  	_, v7, vm0 =	vpop (xrf1);
	_ =	sdelay $0x3  }
0x3da: {  	v7 =	vcvt.s32.f32 v7;
	_ =	sdelay $0x1  }
0x3db: {  	[tilespmem:v6+s22+$0x0] =	vst.idx.add.f32.msk vm0, v7  }
0x3dc: {  	v6 =	vld [tilespmem:$0x1530];
	_ =	sdelay $0x4  }
0x3dd: {  	(xrf1) =	vunique.msk.u32 $0xffff, v6;
	_ =	sdelay $0xd  }
0x3de: {  	_, v7, vm0 =	vpop (xrf1);
	_ =	sdelay $0x3  }
0x3df: {  	v7 =	vcvt.s32.f32 v7;
	_ =	sdelay $0x1  }
0x3e0: {  	[tilespmem:v6+s22+$0x0] =	vst.idx.add.f32.msk vm0, v7  }
0x3e1: {  	v6 =	vld [tilespmem:$0x1540];
	_ =	sdelay $0x4  }
0x3e2: {  	(xrf1) =	vunique.msk.u32 $0xffff, v6;
	_ =	sdelay $0xd  }
0x3e3: {  	_, v7, vm0 =	vpop (xrf1);
	_ =	sdelay $0x3  }
0x3e4: {  	v7 =	vcvt.s32.f32 v7;
	_ =	sdelay $0x1  }
0x3e5: {  	[tilespmem:v6+s22+$0x0] =	vst.idx.add.f32.msk vm0, v7  }
0x3e6: {  	v6 =	vld [tilespmem:$0x1550];
	_ =	sdelay $0x4  }
0x3e7: {  	(xrf1) =	vunique.msk.u32 $0xffff, v6;
	_ =	sdelay $0xd  }
0x3e8: {  	_, v7, vm0 =	vpop (xrf1);
	_ =	sdelay $0x3  }
0x3e9: {  	v7 =	vcvt.s32.f32 v7;
	_ =	sdelay $0x1  }
0x3ea: {  	[tilespmem:v6+s22+$0x0] =	vst.idx.add.f32.msk vm0, v7  }
0x3eb: {  	v6 =	vld [tilespmem:$0x1560];
	_ =	sdelay $0x4  }
0x3ec: {  	(xrf1) =	vunique.msk.u32 $0xffff, v6;
	_ =	sdelay $0xd  }
0x3ed: {  	_, v7, vm0 =	vpop (xrf1);
	_ =	sdelay $0x3  }
0x3ee: {  	v7 =	vcvt.s32.f32 v7;
	_ =	sdelay $0x1  }
0x3ef: {  	[tilespmem:v6+s22+$0x0] =	vst.idx.add.f32.msk vm0, v7  }
0x3f0: {  	v6 =	vld [tilespmem:$0x1570];
	_ =	sdelay $0x4  }
0x3f1: {  	(xrf1) =	vunique.msk.u32 $0xffff, v6;
	_ =	sdelay $0xd  }
0x3f2: {  	_, v7, vm0 =	vpop (xrf1);
	_ =	sdelay $0x3  }
0x3f3: {  	v7 =	vcvt.s32.f32 v7;
	_ =	sdelay $0x1  }
0x3f4: {  	[tilespmem:v6+s22+$0x0] =	vst.idx.add.f32.msk vm0, v7  }
0x3f5: {  	_ =	swait.ge [sflag:s24], $0x4000  }
0x3f6: {  	[sflag:s24] =	ssyncset.done $0x0  }
0x3f7: {  	[sflag:s24] =	ssyncadd.s32 $0xFFFFC000  }
0x3f8: {  	[spmem:s3] =	stream.indirect.scatter.add.f32 [tilespmem:s20], [sflag:$0x4], $0x80, s14, s18, $0xb8;
	[tilespmem:$0x1FF00] =	vst v63  }
0x3f9: {  	v6 =	vld [tilespmem:$0x1580];
	_ =	sdelay $0x4  }
0x3fa: {  	(xrf1) =	vunique.msk.u32 $0xffff, v6;
	_ =	sdelay $0xd  }
0x3fb: {  	_, v7, vm0 =	vpop (xrf1);
	_ =	sdelay $0x3  }
0x3fc: {  	v7 =	vcvt.s32.f32 v7;
	_ =	sdelay $0x1  }
0x3fd: {  	[tilespmem:v6+s22+$0x0] =	vst.idx.add.f32.msk vm0, v7  }
0x3fe: {  	v6 =	vld [tilespmem:$0x1590];
	_ =	sdelay $0x4  }
0x3ff: {  	(xrf1) =	vunique.msk.u32 $0xffff, v6;
	_ =	sdelay $0xd  }
0x400: {  	_, v7, vm0 =	vpop (xrf1);
	_ =	sdelay $0x3  }
0x401: {  	v7 =	vcvt.s32.f32 v7;
	_ =	sdelay $0x1  }
0x402: {  	[tilespmem:v6+s22+$0x0] =	vst.idx.add.f32.msk vm0, v7  }
0x403: {  	v6 =	vld [tilespmem:$0x15A0];
	_ =	sdelay $0x4  }
0x404: {  	(xrf1) =	vunique.msk.u32 $0xffff, v6;
	_ =	sdelay $0xd  }
0x405: {  	_, v7, vm0 =	vpop (xrf1);
	_ =	sdelay $0x3  }
0x406: {  	v7 =	vcvt.s32.f32 v7;
	_ =	sdelay $0x1  }
0x407: {  	[tilespmem:v6+s22+$0x0] =	vst.idx.add.f32.msk vm0, v7  }
0x408: {  	v6 =	vld [tilespmem:$0x15B0];
	_ =	sdelay $0x4  }
0x409: {  	(xrf1) =	vunique.msk.u32 $0xffff, v6;
	_ =	sdelay $0xd  }
0x40a: {  	_, v7, vm0 =	vpop (xrf1);
	_ =	sdelay $0x3  }
0x40b: {  	v7 =	vcvt.s32.f32 v7;
	_ =	sdelay $0x1  }
0x40c: {  	[tilespmem:v6+s22+$0x0] =	vst.idx.add.f32.msk vm0, v7  }
0x40d: {  	v6 =	vld [tilespmem:$0x15C0];
	_ =	sdelay $0x4  }
0x40e: {  	(xrf1) =	vunique.msk.u32 $0xffff, v6;
	_ =	sdelay $0xd  }
0x40f: {  	_, v7, vm0 =	vpop (xrf1);
	_ =	sdelay $0x3  }
0x410: {  	v7 =	vcvt.s32.f32 v7;
	_ =	sdelay $0x1  }
0x411: {  	[tilespmem:v6+s22+$0x0] =	vst.idx.add.f32.msk vm0, v7  }
0x412: {  	v6 =	vld [tilespmem:$0x15D0];
	_ =	sdelay $0x4  }
0x413: {  	(xrf1) =	vunique.msk.u32 $0xffff, v6;
	_ =	sdelay $0xd  }
0x414: {  	_, v7, vm0 =	vpop (xrf1);
	_ =	sdelay $0x3  }
0x415: {  	v7 =	vcvt.s32.f32 v7;
	_ =	sdelay $0x1  }
0x416: {  	[tilespmem:v6+s22+$0x0] =	vst.idx.add.f32.msk vm0, v7  }
0x417: {  	v6 =	vld [tilespmem:$0x15E0];
	_ =	sdelay $0x4  }
0x418: {  	(xrf1) =	vunique.msk.u32 $0xffff, v6;
	_ =	sdelay $0xd  }
0x419: {  	_, v7, vm0 =	vpop (xrf1);
	_ =	sdelay $0x3  }
0x41a: {  	v7 =	vcvt.s32.f32 v7;
	_ =	sdelay $0x1  }
0x41b: {  	[tilespmem:v6+s22+$0x0] =	vst.idx.add.f32.msk vm0, v7  }
0x41c: {  	v6 =	vld [tilespmem:$0x15F0];
	_ =	sdelay $0x4  }
0x41d: {  	(xrf1) =	vunique.msk.u32 $0xffff, v6;
	_ =	sdelay $0xd  }
0x41e: {  	_, v7, vm0 =	vpop (xrf1);
	_ =	sdelay $0x3  }
0x41f: {  	v7 =	vcvt.s32.f32 v7;
	_ =	sdelay $0x1  }
0x420: {  	[tilespmem:v6+s22+$0x0] =	vst.idx.add.f32.msk vm0, v7  }
0x421: {  	p3 =	sne.s32 s6, $0x480;
	_ =	swait.ge [sflag:s23], $0x4000  }
.Ltmp3:
0x422: {  	[sflag:s23] =	ssyncset.done $0x0;
	(pc) =	sbr.rel @p3 .LBB2_4-.Ltmp3, $4  }
0x423: {  	[sflag:s23] =	ssyncadd.s32 $0xFFFFC000  }
0x424: {  	_ =	swait.ge [sflag:s25], $0x4000  }
0x425: {  	[sflag:s25] =	ssyncset.done $0x0  }
0x426: {  	s6 =	sadd.s32 $0x180, s6;
	[sflag:s25] =	ssyncadd.s32 $0xFFFFC000  }
0x427: {  	s6 =	rddreg [dreg:$0x4];
	s15 =	simm.s32 $0x50;
	s9 =	simm.s32 $0xC000  }
0x428: {  	[spmem:s6] =	stream.indirect.scatter.add.f32 [tilespmem:s22], [sflag:$0x5], $0x80, s9, s15, $0xb8;
	[tilespmem:$0x1FF00] =	vst v63  }
.Ltmp4:
0x429: {  	_ =	swait.ge [sflag:s16], $0x2800;
	(pc) =	sbr.rel @!p0 .LBB2_6-.Ltmp4, $3  }
0x42a: {  	[sflag:s16] =	ssyncset.done $0x0  }
0x42b: {  	[sflag:s16] =	ssyncadd.s32 $0xFFFFD800  }
0x42c: {  	[bflag:$0x0] =	sbarrier.arrive $0xFFFF;
	_ =	sdelay $0x1  }
0x42d: {  	s6 =	sld [smem:$0x7FA]  }
0x42e: {  	s15 =	sld [smem:$0x7FC]  }
0x42f: {  	s9 =	sld [smem:$0x7FD];
	_ =	sdelay $0x2  }
0x430: {  	[hbm:s6], [sflag:s9] =	dma.local [spmem:s15], $0x2780  }
.Ltmp5:
0x431: {  	_ = 	snop;
	(pc) =	sbr.rel @p1 .LBB2_9-.Ltmp5, $4  }
.Ltmp6:
0x432: {  	_ = 	snop;
	(pc) =	sbr.rel @!p1 .LBB2_8-.Ltmp6, $4  }
0x433: {  	_ =	swait.ge [sflag:s16], $0x2780  }
0x434: {  	[sflag:s16] =	ssyncset.done $0x0  }
0x435: {  	s6 =	sld [smem:$0x7F6];
	[sflag:s16] =	ssyncadd.s32 $0xFFFFD880  }
0x436: {  	_ = 	snop  }
.LBB2_6:
0x437: {  	s6 =	sld [smem:$0x7F8]  }
0x438: {  	s15 =	sld [smem:$0x7FC]  }
0x439: {  	s9 =	sld [smem:$0x7FD];
	_ =	sdelay $0x2  }
0x43a: {  	[hbm:s6], [sflag:s9] =	dma.local [spmem:s15], $0x2780  }
.Ltmp7:
0x43b: {  	_ = 	snop;
	(pc) =	sbr.rel @p2 .LBB2_8-.Ltmp7, $4  }
.Ltmp8:
0x43c: {  	_ = 	snop;
	(pc) =	sbr.rel @!p2 .LBB2_9-.Ltmp8, $4  }
0x43d: {  	_ =	swait.ge [sflag:s16], $0x2780  }
0x43e: {  	[sflag:s16] =	ssyncset.done $0x0  }
0x43f: {  	s6 =	sld [smem:$0x7F5];
	[sflag:s16] =	ssyncadd.s32 $0xFFFFD880  }
0x440: {  	_ = 	snop  }
.LBB2_10:
0x441: {  	_ =	sfence.sel $0x180000  }
0x442: {  	[bflag:$0x0] =	sbarrier.arrive $0xFFFF  }
0x443: {  	_ =	strace $0x90000047  }
0x444: {  	s0 =	stileid.u32;
	[bflag:$0x2] =	sbarrier.arrive $0xFFFF  }
0x445: {  	p0 =	sne.s32 s0, $0x0;
	s0 =	rddreg [dreg:$0x5]  }
0x446: {  	s0 =	sadd.s32 @!p0 $0x100000, s0  }
0x447: {  	[sflag:s0] =	ssyncadd.tile.s32 @!p0 $0x1;
	_ =	shalt  }
.Lfunc_end2:
_tile_overlayer_lowered:
.L_overlay_start_2:
0x448: {  	(tag) =	ssettag $0x2  }
0x449: {  	s0 =	rddreg [dreg:$0x0];
	s2 =	stileid.u32  }
0x44a: {  	s1 =	rddreg [dreg:$0x1];
	p0 =	sne.s32 s2, $0x0  }
0x44b: {  	s3 =	rddreg [dreg:$0x2];
	[bflag:$0x3] =	sbarrier.arrive $0xFFFF;
	s2 =	simm.s32 @!p0 $0x1C05  }
0x44c: {  	[timem:s3], [sflag:s2] =	dma.local @!p0 [hbm:s0], s1  }
0x44d: {  	s0 =	simm.s32 @!p0 $0x5  }
0x44e: {  	_ =	swait.ge @!p0 [sflag:s0], s1  }
0x44f: {  	s1 =	ssub.s32 @!p0 $0x0, s1;
	[sflag:s0] =	ssyncset.done @!p0 $0x0  }
0x450: {  	[sflag:s0] =	ssyncadd.s32 @!p0 s1  }
0x451: {  	[bflag:$0x3] =	sbarrier.arrive $0xFFFF  }
0x452: {  	_ =	shalt  }

</sc_bundles>
